<compile_context>
chip_gen: v7x
topology: tpu7x:2x2x1
jax: 0.10.2.dev20260603
libtpu: 0.0.44.dev20260713+nightly
codegen_flags: <defaults>
</compile_context>

<pallas_src>
import functools
import math

import jax
import jax.numpy as jnp
from jax import lax
from jax.experimental import pallas as pl
from jax.experimental.pallas import tpu as pltpu
from jax.experimental.pallas import tpu_sc as plsc

S = 200
B = 1024
D = 100
PE_W = 128
CHUNK = 128
NCHUNKS = S * B // CHUNK
NWORKERS = 32
PER_W = NCHUNKS // NWORKERS
NTRIPLES = PER_W // 3
CHUNKS_PER_S = B // CHUNK
IDX_PER_W = PER_W * CHUNK


def _pe_kernel(out_ref):
    s, w = out_ref.shape
    pos = lax.broadcasted_iota(jnp.int32, (s, w), 0).astype(jnp.float32)
    j = lax.broadcasted_iota(jnp.int32, (s, w), 1)
    d = jnp.where(j < D, j, jnp.where(j >= 124, j - 28, 0))
    valid = (j < D) | (j >= 124)
    df = d.astype(jnp.float32)
    i = jnp.floor(df * 0.5) * 2.0
    div = jnp.exp((i / float(D)) * math.log(10000.0))
    p = pos / div
    val = jnp.where(d % 2 == 0, jnp.sin(p), jnp.cos(p))
    out_ref[...] = jnp.where(valid, val, 0.0)


def _make_pe():
    return pl.pallas_call(
        _pe_kernel,
        out_shape=jax.ShapeDtypeStruct((S, PE_W), jnp.float32),
    )()


@functools.partial(
    pl.kernel,
    out_type=jax.ShapeDtypeStruct((S * B, D), jnp.float32),
    mesh=plsc.VectorSubcoreMesh(core_axis_name="c", subcore_axis_name="s"),
    scratch_types=[
        pltpu.VMEM((IDX_PER_W,), jnp.int32),
        pltpu.VMEM((CHUNK, D), jnp.float32),
        pltpu.VMEM((CHUNK, D), jnp.float32),
        pltpu.VMEM((CHUNK, D), jnp.float32),
        pltpu.VMEM((S, PE_W), jnp.float32),
        pltpu.SemaphoreType.DMA,
        pltpu.SemaphoreType.DMA,
        pltpu.SemaphoreType.DMA,
        pltpu.SemaphoreType.DMA,
        pltpu.SemaphoreType.DMA,
        pltpu.SemaphoreType.DMA,
    ],
)
def _gather_pe(x_hbm, table_hbm, pe_hbm, out_hbm,
               idx_all, buf_a, buf_b, buf_c, pe_all,
               sem_a, sem_b, sem_c, osem_a, osem_b, osem_c):
    wid = lax.axis_index("s") * 2 + lax.axis_index("c")
    c0 = wid * PER_W

    pltpu.sync_copy(x_hbm.at[wid], idx_all)
    pltpu.sync_copy(pe_hbm, pe_all)

    def fire(t, buf, sem):
        def fj(j, fc):
            vec = idx_all[pl.ds(t * CHUNK + j * 16, 16)]
            for k in range(16):
                pltpu.async_copy(
                    table_hbm.at[pl.ds(vec[k], 1)],
                    buf.at[pl.ds(j * 16 + k, 1)],
                    sem,
                )
            return fc

        lax.fori_loop(0, CHUNK // 16, fj, 0)

    def drain(buf, sem):
        pltpu.make_async_copy(table_hbm.at[pl.ds(0, CHUNK)], buf, sem).wait()

    def adds(buf, t):
        srel = (c0 + t) // CHUNKS_PER_S
        pes = [pe_all[srel, pl.ds(k * 16, 16)] for k in range(6)]
        pe_tail = pe_all[srel, pl.ds(112, 16)]

        def row_body(h, rc):
            for r in (2 * h, 2 * h + 1):
                for k in range(6):
                    buf[r, pl.ds(k * 16, 16)] = (
                        buf[r, pl.ds(k * 16, 16)] + pes[k]
                    )
                buf[r, pl.ds(84, 16)] = buf[r, pl.ds(84, 16)] + pe_tail
            return rc

        lax.fori_loop(0, CHUNK // 2, row_body, 0)

    def out_copy(t, buf, osem):
        pltpu.async_copy(
            buf, out_hbm.at[pl.ds((c0 + t) * CHUNK, CHUNK)], osem
        )

    def process(t, buf, sem, osem):
        drain(buf, sem)
        adds(buf, t)
        out_copy(t, buf, osem)

    fire(0, buf_a, sem_a)
    fire(1, buf_b, sem_b)

    def triple_body(q, carry):
        t0 = 3 * q

        @pl.when(q > 0)
        def _():
            drain(buf_c, osem_c)

        fire(t0 + 2, buf_c, sem_c)
        process(t0, buf_a, sem_a, osem_a)

        @pl.when(q < NTRIPLES - 1)
        def _():
            drain(buf_a, osem_a)
            fire(t0 + 3, buf_a, sem_a)

        process(t0 + 1, buf_b, sem_b, osem_b)

        @pl.when(q < NTRIPLES - 1)
        def _():
            drain(buf_b, osem_b)
            fire(t0 + 4, buf_b, sem_b)

        process(t0 + 2, buf_c, sem_c, osem_c)
        return carry

    lax.fori_loop(0, NTRIPLES, triple_body, 0)

    drain(buf_a, osem_a)
    fire(PER_W - 2, buf_a, sem_a)
    drain(buf_b, osem_b)
    fire(PER_W - 1, buf_b, sem_b)
    process(PER_W - 2, buf_a, sem_a, osem_a)
    process(PER_W - 1, buf_b, sem_b, osem_b)
    drain(buf_a, osem_a)
    drain(buf_b, osem_b)
    drain(buf_c, osem_c)


def kernel(x, table):
    pe = _make_pe()
    x_flat = x.reshape(NWORKERS, IDX_PER_W).astype(jnp.int32)
    out = _gather_pe(x_flat, table, pe)
    return out.reshape(S, B, D)

# --- scband reference (transcript-rebuilt; emitter-appended) ---
"""Pipeline reference for scband-seq2seq-61065845014733 (READ-ONLY COPY).

The authoritative reference and input builder live on the scoring server;
editing this copy changes nothing except your own understanding.
"""

import jax, jax.numpy as jnp
import numpy as np

VOCAB_SIZE = 1000000
EMBED_DIM = 100
SEQ_LEN = 200
BATCH = 1024


def setup_inputs(seed: int = 0) -> dict:
    key = jax.random.key(seed)
    k1, k2 = jax.random.split(key)
    x = jax.random.randint(k1, (SEQ_LEN, BATCH), 0, VOCAB_SIZE, dtype=jnp.int64 if jax.config.jax_enable_x64 else jnp.int32)
    table = jax.random.normal(k2, (VOCAB_SIZE, EMBED_DIM), dtype=jnp.float32)
    return {"x": x, "table": table}


def _positional_encoding(seq_length, embedding_dim):
    positions = jnp.arange(0, seq_length, dtype=jnp.float32)[:, None]
    embedding_positions = jnp.arange(0, embedding_dim, dtype=jnp.float32)
    calculate_i = jnp.floor_divide(embedding_positions, 2.0) * 2.0
    divisor = 10000.0 ** (calculate_i / embedding_dim)
    p = positions / divisor  # [S, D]
    even_mask = (jnp.arange(embedding_dim) % 2) == 0
    pe = jnp.where(even_mask[None, :], jnp.sin(p), jnp.cos(p))
    return pe  # [S, D]


def reference(x, table):
    # embedding lookup (gather)
    embedded = jnp.take(table, x, axis=0)  # [S, B, D]
    S, B, D = embedded.shape
    pe = _positional_encoding(S, D)  # [S, D]
    out = embedded + pe[:, None, :]
    return out

if __name__ == "__main__":
    import jax
    _d = setup_inputs()
    print(jax.jit(kernel)(*tuple(_d.values())))

</pallas_src>

<mosaic_0001>
#map = affine_map<(d0, d1) -> (0, 0)>
module attributes {stable_mosaic.version = 14 : i64} {
  func.func @_gather_pe(%arg0: i32, %arg1: i32, %arg2: memref<32x6400xi32, #tpu.memory_space<hbm>>, %arg3: memref<1000000x100xf32, #tpu.memory_space<hbm>>, %arg4: memref<200x128xf32, #tpu.memory_space<hbm>>, %arg5: memref<204800x100xf32, #tpu.memory_space<hbm>>, %arg6: memref<6400xi32, #tpu.memory_space<vmem>>, %arg7: memref<128x100xf32, #tpu.memory_space<vmem>>, %arg8: memref<128x100xf32, #tpu.memory_space<vmem>>, %arg9: memref<128x100xf32, #tpu.memory_space<vmem>>, %arg10: memref<200x128xf32, #tpu.memory_space<vmem>>, %arg11: memref<!tpu.dma_semaphore, #tpu.memory_space<semaphore_mem>>, %arg12: memref<!tpu.dma_semaphore, #tpu.memory_space<semaphore_mem>>, %arg13: memref<!tpu.dma_semaphore, #tpu.memory_space<semaphore_mem>>, %arg14: memref<!tpu.dma_semaphore, #tpu.memory_space<semaphore_mem>>, %arg15: memref<!tpu.dma_semaphore, #tpu.memory_space<semaphore_mem>>, %arg16: memref<!tpu.dma_semaphore, #tpu.memory_space<semaphore_mem>>) attributes {dimension_semantics = [#tpu.dimension_semantics<core_parallel>, #tpu.dimension_semantics<subcore_parallel>], iteration_bounds = array<i64: 2, 16>, scalar_prefetch = 0 : i64, scratch_operands = 11 : i64, tpu.core_type = #tpu.core_type<sc_vector_subcore>, window_params = [{transform_indices = #map}, {transform_indices = #map}, {transform_indices = #map}, {transform_indices = #map}]} {
    %mul3A = arith.constant 2 : i32
    %mul3A_0 = arith.muli %arg1, %mul3A : i32
    %add3A = arith.addi %mul3A_0, %arg0 : i32
    %mul3A_1 = arith.constant 50 : i32
    %mul3A_2 = arith.muli %add3A, %mul3A_1 : i32
    "tpu.region"() ({
      %run_scoped3A = tpu.sem_alloc : memref<!tpu.dma_semaphore, #tpu.memory_space<semaphore_mem>>
      %dma_start3A_199 = arith.constant 0 : i32
      %dma_start3A_200 = tpu.memref_slice %arg2[%add3A, %dma_start3A_199] : memref<32x6400xi32, #tpu.memory_space<hbm>> -> memref<1x6400xi32, #tpu.memory_space<hbm>>
      %dma_start3A_201 = tpu.memref_squeeze %dma_start3A_200 : memref<1x6400xi32, #tpu.memory_space<hbm>> -> memref<6400xi32, #tpu.memory_space<hbm>>
      %dma_start3A_202 = arith.constant 0 : i32
      %dma_start3A_203 = tpu.memref_slice %arg2[%add3A, %dma_start3A_202] : memref<32x6400xi32, #tpu.memory_space<hbm>> -> memref<1x6400xi32, #tpu.memory_space<hbm>>
      %dma_start3A_204 = tpu.memref_squeeze %dma_start3A_203 : memref<1x6400xi32, #tpu.memory_space<hbm>> -> memref<6400xi32, #tpu.memory_space<hbm>>
      tpu.enqueue_dma source(%dma_start3A_204 : memref<6400xi32, #tpu.memory_space<hbm>>) target(%arg6 : memref<6400xi32, #tpu.memory_space<vmem>>) target_semaphore(%run_scoped3A : memref<!tpu.dma_semaphore, #tpu.memory_space<semaphore_mem>>)
      %dma_wait3A_205 = arith.constant 0 : i32
      %dma_wait3A_206 = tpu.memref_slice %arg2[%add3A, %dma_wait3A_205] : memref<32x6400xi32, #tpu.memory_space<hbm>> -> memref<1x6400xi32, #tpu.memory_space<hbm>>
      %dma_wait3A_207 = tpu.memref_squeeze %dma_wait3A_206 : memref<1x6400xi32, #tpu.memory_space<hbm>> -> memref<6400xi32, #tpu.memory_space<hbm>>
      %dma_wait3A_208 = arith.constant 0 : i32
      %dma_wait3A_209 = tpu.memref_slice %arg2[%add3A, %dma_wait3A_208] : memref<32x6400xi32, #tpu.memory_space<hbm>> -> memref<1x6400xi32, #tpu.memory_space<hbm>>
      %dma_wait3A_210 = tpu.memref_squeeze %dma_wait3A_209 : memref<1x6400xi32, #tpu.memory_space<hbm>> -> memref<6400xi32, #tpu.memory_space<hbm>>
      tpu.wait_dma2 semaphore(%run_scoped3A : memref<!tpu.dma_semaphore, #tpu.memory_space<semaphore_mem>>) src(%dma_wait3A_210 : memref<6400xi32, #tpu.memory_space<hbm>>) dst(%arg6 : memref<6400xi32, #tpu.memory_space<vmem>>)
      tpu.yield
    }) : () -> ()
    "tpu.region"() ({
      %run_scoped3A = tpu.sem_alloc : memref<!tpu.dma_semaphore, #tpu.memory_space<semaphore_mem>>
      tpu.enqueue_dma source(%arg4 : memref<200x128xf32, #tpu.memory_space<hbm>>) target(%arg10 : memref<200x128xf32, #tpu.memory_space<vmem>>) target_semaphore(%run_scoped3A : memref<!tpu.dma_semaphore, #tpu.memory_space<semaphore_mem>>)
      tpu.wait_dma2 semaphore(%run_scoped3A : memref<!tpu.dma_semaphore, #tpu.memory_space<semaphore_mem>>) src(%arg4 : memref<200x128xf32, #tpu.memory_space<hbm>>) dst(%arg10 : memref<200x128xf32, #tpu.memory_space<vmem>>)
      tpu.yield
    }) : () -> ()
    %scan3A = arith.constant 0 : i32
    %scan3A_3 = arith.constant 0 : i32
    %scan3A_4 = arith.constant 8 : i32
    %scan3A_5 = arith.addi %scan3A_3, %scan3A_4 : i32
    %scan3A_6 = arith.constant 1 : i32
    scf.for %scan3A_199 = %scan3A_3 to %scan3A_5 step %scan3A_6  : i32 {
      %mul3A_200 = arith.constant 16 : i32
      %mul3A_201 = arith.muli %scan3A_199, %mul3A_200 : i32
      %add3A_202 = arith.constant 0 : i32
      %add3A_203 = arith.addi %add3A_202, %mul3A_201 : i32
      %get3A_204 = arith.index_cast %add3A_203 : i32 to index
      %get3A_205 = tpu.vector_load %arg6[%get3A_204] {strides = array<i32>} : memref<6400xi32, #tpu.memory_space<vmem>>, vector<16xi32>,
      %get3A_206 = vector.shape_cast %get3A_205 : vector<16xi32> to vector<16xi32>
      %slice3A = vector.extract_strided_slice %get3A_206 {offsets = [0], sizes = [1], strides = [1]} : vector<16xi32> to vector<1xi32>
      %squeeze3A = vector.extract %slice3A[0] : i32 from vector<1xi32>
      %mul3A_207 = arith.constant 16 : i32
      %mul3A_208 = arith.muli %scan3A_199, %mul3A_207 : i32
      %add3A_209 = arith.constant 0 : i32
      %add3A_210 = arith.addi %mul3A_208, %add3A_209 : i32
      %dma_start3A_211 = arith.constant 0 : i32
      %dma_start3A_212 = tpu.memref_slice %arg7[%add3A_210, %dma_start3A_211] : memref<128x100xf32, #tpu.memory_space<vmem>> -> memref<1x100xf32, #tpu.memory_space<vmem>>
      %dma_start3A_213 = arith.constant 0 : i32
      %dma_start3A_214 = tpu.memref_slice %arg3[%squeeze3A, %dma_start3A_213] : memref<1000000x100xf32, #tpu.memory_space<hbm>> -> memref<1x100xf32, #tpu.memory_space<hbm>>
      %dma_start3A_215 = arith.constant 0 : i32
      %dma_start3A_216 = tpu.memref_slice %arg7[%add3A_210, %dma_start3A_215] : memref<128x100xf32, #tpu.memory_space<vmem>> -> memref<1x100xf32, #tpu.memory_space<vmem>>
      %dma_start3A_217 = arith.constant 0 : i32
      %dma_start3A_218 = tpu.memref_slice %arg3[%squeeze3A, %dma_start3A_217] : memref<1000000x100xf32, #tpu.memory_space<hbm>> -> memref<1x100xf32, #tpu.memory_space<hbm>>
      tpu.enqueue_dma source(%dma_start3A_218 : memref<1x100xf32, #tpu.memory_space<hbm>>) target(%dma_start3A_216 : memref<1x100xf32, #tpu.memory_space<vmem>>) target_semaphore(%arg11 : memref<!tpu.dma_semaphore, #tpu.memory_space<semaphore_mem>>)
      %slice3A_219 = vector.extract_strided_slice %get3A_206 {offsets = [1], sizes = [1], strides = [1]} : vector<16xi32> to vector<1xi32>
      %squeeze3A_220 = vector.extract %slice3A_219[0] : i32 from vector<1xi32>
      %mul3A_221 = arith.constant 16 : i32
      %mul3A_222 = arith.muli %scan3A_199, %mul3A_221 : i32
      %add3A_223 = arith.constant 1 : i32
      %add3A_224 = arith.addi %mul3A_222, %add3A_223 : i32
      %dma_start3A_225 = arith.constant 0 : i32
      %dma_start3A_226 = tpu.memref_slice %arg7[%add3A_224, %dma_start3A_225] : memref<128x100xf32, #tpu.memory_space<vmem>> -> memref<1x100xf32, #tpu.memory_space<vmem>>
      %dma_start3A_227 = arith.constant 0 : i32
      %dma_start3A_228 = tpu.memref_slice %arg3[%squeeze3A_220, %dma_start3A_227] : memref<1000000x100xf32, #tpu.memory_space<hbm>> -> memref<1x100xf32, #tpu.memory_space<hbm>>
      %dma_start3A_229 = arith.constant 0 : i32
      %dma_start3A_230 = tpu.memref_slice %arg7[%add3A_224, %dma_start3A_229] : memref<128x100xf32, #tpu.memory_space<vmem>> -> memref<1x100xf32, #tpu.memory_space<vmem>>
      %dma_start3A_231 = arith.constant 0 : i32
      %dma_start3A_232 = tpu.memref_slice %arg3[%squeeze3A_220, %dma_start3A_231] : memref<1000000x100xf32, #tpu.memory_space<hbm>> -> memref<1x100xf32, #tpu.memory_space<hbm>>
      tpu.enqueue_dma source(%dma_start3A_232 : memref<1x100xf32, #tpu.memory_space<hbm>>) target(%dma_start3A_230 : memref<1x100xf32, #tpu.memory_space<vmem>>) target_semaphore(%arg11 : memref<!tpu.dma_semaphore, #tpu.memory_space<semaphore_mem>>)
      %slice3A_233 = vector.extract_strided_slice %get3A_206 {offsets = [2], sizes = [1], strides = [1]} : vector<16xi32> to vector<1xi32>
      %squeeze3A_234 = vector.extract %slice3A_233[0] : i32 from vector<1xi32>
      %mul3A_235 = arith.constant 16 : i32
      %mul3A_236 = arith.muli %scan3A_199, %mul3A_235 : i32
      %add3A_237 = arith.constant 2 : i32
      %add3A_238 = arith.addi %mul3A_236, %add3A_237 : i32
      %dma_start3A_239 = arith.constant 0 : i32
      %dma_start3A_240 = tpu.memref_slice %arg7[%add3A_238, %dma_start3A_239] : memref<128x100xf32, #tpu.memory_space<vmem>> -> memref<1x100xf32, #tpu.memory_space<vmem>>
      %dma_start3A_241 = arith.constant 0 : i32
      %dma_start3A_242 = tpu.memref_slice %arg3[%squeeze3A_234, %dma_start3A_241] : memref<1000000x100xf32, #tpu.memory_space<hbm>> -> memref<1x100xf32, #tpu.memory_space<hbm>>
      %dma_start3A_243 = arith.constant 0 : i32
      %dma_start3A_244 = tpu.memref_slice %arg7[%add3A_238, %dma_start3A_243] : memref<128x100xf32, #tpu.memory_space<vmem>> -> memref<1x100xf32, #tpu.memory_space<vmem>>
      %dma_start3A_245 = arith.constant 0 : i32
      %dma_start3A_246 = tpu.memref_slice %arg3[%squeeze3A_234, %dma_start3A_245] : memref<1000000x100xf32, #tpu.memory_space<hbm>> -> memref<1x100xf32, #tpu.memory_space<hbm>>
      tpu.enqueue_dma source(%dma_start3A_246 : memref<1x100xf32, #tpu.memory_space<hbm>>) target(%dma_start3A_244 : memref<1x100xf32, #tpu.memory_space<vmem>>) target_semaphore(%arg11 : memref<!tpu.dma_semaphore, #tpu.memory_space<semaphore_mem>>)
      %slice3A_247 = vector.extract_strided_slice %get3A_206 {offsets = [3], sizes = [1], strides = [1]} : vector<16xi32> to vector<1xi32>
      %squeeze3A_248 = vector.extract %slice3A_247[0] : i32 from vector<1xi32>
      %mul3A_249 = arith.constant 16 : i32
      %mul3A_250 = arith.muli %scan3A_199, %mul3A_249 : i32
      %add3A_251 = arith.constant 3 : i32
      %add3A_252 = arith.addi %mul3A_250, %add3A_251 : i32
      %dma_start3A_253 = arith.constant 0 : i32
      %dma_start3A_254 = tpu.memref_slice %arg7[%add3A_252, %dma_start3A_253] : memref<128x100xf32, #tpu.memory_space<vmem>> -> memref<1x100xf32, #tpu.memory_space<vmem>>
      %dma_start3A_255 = arith.constant 0 : i32
      %dma_start3A_256 = tpu.memref_slice %arg3[%squeeze3A_248, %dma_start3A_255] : memref<1000000x100xf32, #tpu.memory_space<hbm>> -> memref<1x100xf32, #tpu.memory_space<hbm>>
      %dma_start3A_257 = arith.constant 0 : i32
      %dma_start3A_258 = tpu.memref_slice %arg7[%add3A_252, %dma_start3A_257] : memref<128x100xf32, #tpu.memory_space<vmem>> -> memref<1x100xf32, #tpu.memory_space<vmem>>
      %dma_start3A_259 = arith.constant 0 : i32
      %dma_start3A_260 = tpu.memref_slice %arg3[%squeeze3A_248, %dma_start3A_259] : memref<1000000x100xf32, #tpu.memory_space<hbm>> -> memref<1x100xf32, #tpu.memory_space<hbm>>
      tpu.enqueue_dma source(%dma_start3A_260 : memref<1x100xf32, #tpu.memory_space<hbm>>) target(%dma_start3A_258 : memref<1x100xf32, #tpu.memory_space<vmem>>) target_semaphore(%arg11 : memref<!tpu.dma_semaphore, #tpu.memory_space<semaphore_mem>>)
      %slice3A_261 = vector.extract_strided_slice %get3A_206 {offsets = [4], sizes = [1], strides = [1]} : vector<16xi32> to vector<1xi32>
      %squeeze3A_262 = vector.extract %slice3A_261[0] : i32 from vector<1xi32>
      %mul3A_263 = arith.constant 16 : i32
      %mul3A_264 = arith.muli %scan3A_199, %mul3A_263 : i32
      %add3A_265 = arith.constant 4 : i32
      %add3A_266 = arith.addi %mul3A_264, %add3A_265 : i32
      %dma_start3A_267 = arith.constant 0 : i32
      %dma_start3A_268 = tpu.memref_slice %arg7[%add3A_266, %dma_start3A_267] : memref<128x100xf32, #tpu.memory_space<vmem>> -> memref<1x100xf32, #tpu.memory_space<vmem>>
      %dma_start3A_269 = arith.constant 0 : i32
      %dma_start3A_270 = tpu.memref_slice %arg3[%squeeze3A_262, %dma_start3A_269] : memref<1000000x100xf32, #tpu.memory_space<hbm>> -> memref<1x100xf32, #tpu.memory_space<hbm>>
      %dma_start3A_271 = arith.constant 0 : i32
      %dma_start3A_272 = tpu.memref_slice %arg7[%add3A_266, %dma_start3A_271] : memref<128x100xf32, #tpu.memory_space<vmem>> -> memref<1x100xf32, #tpu.memory_space<vmem>>
      %dma_start3A_273 = arith.constant 0 : i32
      %dma_start3A_274 = tpu.memref_slice %arg3[%squeeze3A_262, %dma_start3A_273] : memref<1000000x100xf32, #tpu.memory_space<hbm>> -> memref<1x100xf32, #tpu.memory_space<hbm>>
      tpu.enqueue_dma source(%dma_start3A_274 : memref<1x100xf32, #tpu.memory_space<hbm>>) target(%dma_start3A_272 : memref<1x100xf32, #tpu.memory_space<vmem>>) target_semaphore(%arg11 : memref<!tpu.dma_semaphore, #tpu.memory_space<semaphore_mem>>)
      %slice3A_275 = vector.extract_strided_slice %get3A_206 {offsets = [5], sizes = [1], strides = [1]} : vector<16xi32> to vector<1xi32>
      %squeeze3A_276 = vector.extract %slice3A_275[0] : i32 from vector<1xi32>
      %mul3A_277 = arith.constant 16 : i32
      %mul3A_278 = arith.muli %scan3A_199, %mul3A_277 : i32
      %add3A_279 = arith.constant 5 : i32
      %add3A_280 = arith.addi %mul3A_278, %add3A_279 : i32
      %dma_start3A_281 = arith.constant 0 : i32
      %dma_start3A_282 = tpu.memref_slice %arg7[%add3A_280, %dma_start3A_281] : memref<128x100xf32, #tpu.memory_space<vmem>> -> memref<1x100xf32, #tpu.memory_space<vmem>>
      %dma_start3A_283 = arith.constant 0 : i32
      %dma_start3A_284 = tpu.memref_slice %arg3[%squeeze3A_276, %dma_start3A_283] : memref<1000000x100xf32, #tpu.memory_space<hbm>> -> memref<1x100xf32, #tpu.memory_space<hbm>>
      %dma_start3A_285 = arith.constant 0 : i32
      %dma_start3A_286 = tpu.memref_slice %arg7[%add3A_280, %dma_start3A_285] : memref<128x100xf32, #tpu.memory_space<vmem>> -> memref<1x100xf32, #tpu.memory_space<vmem>>
      %dma_start3A_287 = arith.constant 0 : i32
      %dma_start3A_288 = tpu.memref_slice %arg3[%squeeze3A_276, %dma_start3A_287] : memref<1000000x100xf32, #tpu.memory_space<hbm>> -> memref<1x100xf32, #tpu.memory_space<hbm>>
      tpu.enqueue_dma source(%dma_start3A_288 : memref<1x100xf32, #tpu.memory_space<hbm>>) target(%dma_start3A_286 : memref<1x100xf32, #tpu.memory_space<vmem>>) target_semaphore(%arg11 : memref<!tpu.dma_semaphore, #tpu.memory_space<semaphore_mem>>)
      %slice3A_289 = vector.extract_strided_slice %get3A_206 {offsets = [6], sizes = [1], strides = [1]} : vector<16xi32> to vector<1xi32>
      %squeeze3A_290 = vector.extract %slice3A_289[0] : i32 from vector<1xi32>
      %mul3A_291 = arith.constant 16 : i32
      %mul3A_292 = arith.muli %scan3A_199, %mul3A_291 : i32
      %add3A_293 = arith.constant 6 : i32
      %add3A_294 = arith.addi %mul3A_292, %add3A_293 : i32
      %dma_start3A_295 = arith.constant 0 : i32
      %dma_start3A_296 = tpu.memref_slice %arg7[%add3A_294, %dma_start3A_295] : memref<128x100xf32, #tpu.memory_space<vmem>> -> memref<1x100xf32, #tpu.memory_space<vmem>>
      %dma_start3A_297 = arith.constant 0 : i32
      %dma_start3A_298 = tpu.memref_slice %arg3[%squeeze3A_290, %dma_start3A_297] : memref<1000000x100xf32, #tpu.memory_space<hbm>> -> memref<1x100xf32, #tpu.memory_space<hbm>>
      %dma_start3A_299 = arith.constant 0 : i32
      %dma_start3A_300 = tpu.memref_slice %arg7[%add3A_294, %dma_start3A_299] : memref<128x100xf32, #tpu.memory_space<vmem>> -> memref<1x100xf32, #tpu.memory_space<vmem>>
      %dma_start3A_301 = arith.constant 0 : i32
      %dma_start3A_302 = tpu.memref_slice %arg3[%squeeze3A_290, %dma_start3A_301] : memref<1000000x100xf32, #tpu.memory_space<hbm>> -> memref<1x100xf32, #tpu.memory_space<hbm>>
      tpu.enqueue_dma source(%dma_start3A_302 : memref<1x100xf32, #tpu.memory_space<hbm>>) target(%dma_start3A_300 : memref<1x100xf32, #tpu.memory_space<vmem>>) target_semaphore(%arg11 : memref<!tpu.dma_semaphore, #tpu.memory_space<semaphore_mem>>)
      %slice3A_303 = vector.extract_strided_slice %get3A_206 {offsets = [7], sizes = [1], strides = [1]} : vector<16xi32> to vector<1xi32>
      %squeeze3A_304 = vector.extract %slice3A_303[0] : i32 from vector<1xi32>
      %mul3A_305 = arith.constant 16 : i32
      %mul3A_306 = arith.muli %scan3A_199, %mul3A_305 : i32
      %add3A_307 = arith.constant 7 : i32
      %add3A_308 = arith.addi %mul3A_306, %add3A_307 : i32
      %dma_start3A_309 = arith.constant 0 : i32
      %dma_start3A_310 = tpu.memref_slice %arg7[%add3A_308, %dma_start3A_309] : memref<128x100xf32, #tpu.memory_space<vmem>> -> memref<1x100xf32, #tpu.memory_space<vmem>>
      %dma_start3A_311 = arith.constant 0 : i32
      %dma_start3A_312 = tpu.memref_slice %arg3[%squeeze3A_304, %dma_start3A_311] : memref<1000000x100xf32, #tpu.memory_space<hbm>> -> memref<1x100xf32, #tpu.memory_space<hbm>>
      %dma_start3A_313 = arith.constant 0 : i32
      %dma_start3A_314 = tpu.memref_slice %arg7[%add3A_308, %dma_start3A_313] : memref<128x100xf32, #tpu.memory_space<vmem>> -> memref<1x100xf32, #tpu.memory_space<vmem>>
      %dma_start3A_315 = arith.constant 0 : i32
      %dma_start3A_316 = tpu.memref_slice %arg3[%squeeze3A_304, %dma_start3A_315] : memref<1000000x100xf32, #tpu.memory_space<hbm>> -> memref<1x100xf32, #tpu.memory_space<hbm>>
      tpu.enqueue_dma source(%dma_start3A_316 : memref<1x100xf32, #tpu.memory_space<hbm>>) target(%dma_start3A_314 : memref<1x100xf32, #tpu.memory_space<vmem>>) target_semaphore(%arg11 : memref<!tpu.dma_semaphore, #tpu.memory_space<semaphore_mem>>)
      %slice3A_317 = vector.extract_strided_slice %get3A_206 {offsets = [8], sizes = [1], strides = [1]} : vector<16xi32> to vector<1xi32>
      %squeeze3A_318 = vector.extract %slice3A_317[0] : i32 from vector<1xi32>
      %mul3A_319 = arith.constant 16 : i32
      %mul3A_320 = arith.muli %scan3A_199, %mul3A_319 : i32
      %add3A_321 = arith.constant 8 : i32
      %add3A_322 = arith.addi %mul3A_320, %add3A_321 : i32
      %dma_start3A_323 = arith.constant 0 : i32
      %dma_start3A_324 = tpu.memref_slice %arg7[%add3A_322, %dma_start3A_323] : memref<128x100xf32, #tpu.memory_space<vmem>> -> memref<1x100xf32, #tpu.memory_space<vmem>>
      %dma_start3A_325 = arith.constant 0 : i32
      %dma_start3A_326 = tpu.memref_slice %arg3[%squeeze3A_318, %dma_start3A_325] : memref<1000000x100xf32, #tpu.memory_space<hbm>> -> memref<1x100xf32, #tpu.memory_space<hbm>>
      %dma_start3A_327 = arith.constant 0 : i32
      %dma_start3A_328 = tpu.memref_slice %arg7[%add3A_322, %dma_start3A_327] : memref<128x100xf32, #tpu.memory_space<vmem>> -> memref<1x100xf32, #tpu.memory_space<vmem>>
      %dma_start3A_329 = arith.constant 0 : i32
      %dma_start3A_330 = tpu.memref_slice %arg3[%squeeze3A_318, %dma_start3A_329] : memref<1000000x100xf32, #tpu.memory_space<hbm>> -> memref<1x100xf32, #tpu.memory_space<hbm>>
      tpu.enqueue_dma source(%dma_start3A_330 : memref<1x100xf32, #tpu.memory_space<hbm>>) target(%dma_start3A_328 : memref<1x100xf32, #tpu.memory_space<vmem>>) target_semaphore(%arg11 : memref<!tpu.dma_semaphore, #tpu.memory_space<semaphore_mem>>)
      %slice3A_331 = vector.extract_strided_slice %get3A_206 {offsets = [9], sizes = [1], strides = [1]} : vector<16xi32> to vector<1xi32>
      %squeeze3A_332 = vector.extract %slice3A_331[0] : i32 from vector<1xi32>
      %mul3A_333 = arith.constant 16 : i32
      %mul3A_334 = arith.muli %scan3A_199, %mul3A_333 : i32
      %add3A_335 = arith.constant 9 : i32
      %add3A_336 = arith.addi %mul3A_334, %add3A_335 : i32
      %dma_start3A_337 = arith.constant 0 : i32
      %dma_start3A_338 = tpu.memref_slice %arg7[%add3A_336, %dma_start3A_337] : memref<128x100xf32, #tpu.memory_space<vmem>> -> memref<1x100xf32, #tpu.memory_space<vmem>>
      %dma_start3A_339 = arith.constant 0 : i32
      %dma_start3A_340 = tpu.memref_slice %arg3[%squeeze3A_332, %dma_start3A_339] : memref<1000000x100xf32, #tpu.memory_space<hbm>> -> memref<1x100xf32, #tpu.memory_space<hbm>>
      %dma_start3A_341 = arith.constant 0 : i32
      %dma_start3A_342 = tpu.memref_slice %arg7[%add3A_336, %dma_start3A_341] : memref<128x100xf32, #tpu.memory_space<vmem>> -> memref<1x100xf32, #tpu.memory_space<vmem>>
      %dma_start3A_343 = arith.constant 0 : i32
      %dma_start3A_344 = tpu.memref_slice %arg3[%squeeze3A_332, %dma_start3A_343] : memref<1000000x100xf32, #tpu.memory_space<hbm>> -> memref<1x100xf32, #tpu.memory_space<hbm>>
      tpu.enqueue_dma source(%dma_start3A_344 : memref<1x100xf32, #tpu.memory_space<hbm>>) target(%dma_start3A_342 : memref<1x100xf32, #tpu.memory_space<vmem>>) target_semaphore(%arg11 : memref<!tpu.dma_semaphore, #tpu.memory_space<semaphore_mem>>)
      %slice3A_345 = vector.extract_strided_slice %get3A_206 {offsets = [10], sizes = [1], strides = [1]} : vector<16xi32> to vector<1xi32>
      %squeeze3A_346 = vector.extract %slice3A_345[0] : i32 from vector<1xi32>
      %mul3A_347 = arith.constant 16 : i32
      %mul3A_348 = arith.muli %scan3A_199, %mul3A_347 : i32
      %add3A_349 = arith.constant 10 : i32
      %add3A_350 = arith.addi %mul3A_348, %add3A_349 : i32
      %dma_start3A_351 = arith.constant 0 : i32
      %dma_start3A_352 = tpu.memref_slice %arg7[%add3A_350, %dma_start3A_351] : memref<128x100xf32, #tpu.memory_space<vmem>> -> memref<1x100xf32, #tpu.memory_space<vmem>>
      %dma_start3A_353 = arith.constant 0 : i32
      %dma_start3A_354 = tpu.memref_slice %arg3[%squeeze3A_346, %dma_start3A_353] : memref<1000000x100xf32, #tpu.memory_space<hbm>> -> memref<1x100xf32, #tpu.memory_space<hbm>>
      %dma_start3A_355 = arith.constant 0 : i32
      %dma_start3A_356 = tpu.memref_slice %arg7[%add3A_350, %dma_start3A_355] : memref<128x100xf32, #tpu.memory_space<vmem>> -> memref<1x100xf32, #tpu.memory_space<vmem>>
      %dma_start3A_357 = arith.constant 0 : i32
      %dma_start3A_358 = tpu.memref_slice %arg3[%squeeze3A_346, %dma_start3A_357] : memref<1000000x100xf32, #tpu.memory_space<hbm>> -> memref<1x100xf32, #tpu.memory_space<hbm>>
      tpu.enqueue_dma source(%dma_start3A_358 : memref<1x100xf32, #tpu.memory_space<hbm>>) target(%dma_start3A_356 : memref<1x100xf32, #tpu.memory_space<vmem>>) target_semaphore(%arg11 : memref<!tpu.dma_semaphore, #tpu.memory_space<semaphore_mem>>)
      %slice3A_359 = vector.extract_strided_slice %get3A_206 {offsets = [11], sizes = [1], strides = [1]} : vector<16xi32> to vector<1xi32>
      %squeeze3A_360 = vector.extract %slice3A_359[0] : i32 from vector<1xi32>
      %mul3A_361 = arith.constant 16 : i32
      %mul3A_362 = arith.muli %scan3A_199, %mul3A_361 : i32
      %add3A_363 = arith.constant 11 : i32
      %add3A_364 = arith.addi %mul3A_362, %add3A_363 : i32
      %dma_start3A_365 = arith.constant 0 : i32
      %dma_start3A_366 = tpu.memref_slice %arg7[%add3A_364, %dma_start3A_365] : memref<128x100xf32, #tpu.memory_space<vmem>> -> memref<1x100xf32, #tpu.memory_space<vmem>>
      %dma_start3A_367 = arith.constant 0 : i32
      %dma_start3A_368 = tpu.memref_slice %arg3[%squeeze3A_360, %dma_start3A_367] : memref<1000000x100xf32, #tpu.memory_space<hbm>> -> memref<1x100xf32, #tpu.memory_space<hbm>>
      %dma_start3A_369 = arith.constant 0 : i32
      %dma_start3A_370 = tpu.memref_slice %arg7[%add3A_364, %dma_start3A_369] : memref<128x100xf32, #tpu.memory_space<vmem>> -> memref<1x100xf32, #tpu.memory_space<vmem>>
      %dma_start3A_371 = arith.constant 0 : i32
      %dma_start3A_372 = tpu.memref_slice %arg3[%squeeze3A_360, %dma_start3A_371] : memref<1000000x100xf32, #tpu.memory_space<hbm>> -> memref<1x100xf32, #tpu.memory_space<hbm>>
      tpu.enqueue_dma source(%dma_start3A_372 : memref<1x100xf32, #tpu.memory_space<hbm>>) target(%dma_start3A_370 : memref<1x100xf32, #tpu.memory_space<vmem>>) target_semaphore(%arg11 : memref<!tpu.dma_semaphore, #tpu.memory_space<semaphore_mem>>)
      %slice3A_373 = vector.extract_strided_slice %get3A_206 {offsets = [12], sizes = [1], strides = [1]} : vector<16xi32> to vector<1xi32>
      %squeeze3A_374 = vector.extract %slice3A_373[0] : i32 from vector<1xi32>
      %mul3A_375 = arith.constant 16 : i32
      %mul3A_376 = arith.muli %scan3A_199, %mul3A_375 : i32
      %add3A_377 = arith.constant 12 : i32
      %add3A_378 = arith.addi %mul3A_376, %add3A_377 : i32
      %dma_start3A_379 = arith.constant 0 : i32
      %dma_start3A_380 = tpu.memref_slice %arg7[%add3A_378, %dma_start3A_379] : memref<128x100xf32, #tpu.memory_space<vmem>> -> memref<1x100xf32, #tpu.memory_space<vmem>>
      %dma_start3A_381 = arith.constant 0 : i32
      %dma_start3A_382 = tpu.memref_slice %arg3[%squeeze3A_374, %dma_start3A_381] : memref<1000000x100xf32, #tpu.memory_space<hbm>> -> memref<1x100xf32, #tpu.memory_space<hbm>>
      %dma_start3A_383 = arith.constant 0 : i32
      %dma_start3A_384 = tpu.memref_slice %arg7[%add3A_378, %dma_start3A_383] : memref<128x100xf32, #tpu.memory_space<vmem>> -> memref<1x100xf32, #tpu.memory_space<vmem>>
      %dma_start3A_385 = arith.constant 0 : i32
      %dma_start3A_386 = tpu.memref_slice %arg3[%squeeze3A_374, %dma_start3A_385] : memref<1000000x100xf32, #tpu.memory_space<hbm>> -> memref<1x100xf32, #tpu.memory_space<hbm>>
      tpu.enqueue_dma source(%dma_start3A_386 : memref<1x100xf32, #tpu.memory_space<hbm>>) target(%dma_start3A_384 : memref<1x100xf32, #tpu.memory_space<vmem>>) target_semaphore(%arg11 : memref<!tpu.dma_semaphore, #tpu.memory_space<semaphore_mem>>)
      %slice3A_387 = vector.extract_strided_slice %get3A_206 {offsets = [13], sizes = [1], strides = [1]} : vector<16xi32> to vector<1xi32>
      %squeeze3A_388 = vector.extract %slice3A_387[0] : i32 from vector<1xi32>
      %mul3A_389 = arith.constant 16 : i32
      %mul3A_390 = arith.muli %scan3A_199, %mul3A_389 : i32
      %add3A_391 = arith.constant 13 : i32
      %add3A_392 = arith.addi %mul3A_390, %add3A_391 : i32
      %dma_start3A_393 = arith.constant 0 : i32
      %dma_start3A_394 = tpu.memref_slice %arg7[%add3A_392, %dma_start3A_393] : memref<128x100xf32, #tpu.memory_space<vmem>> -> memref<1x100xf32, #tpu.memory_space<vmem>>
      %dma_start3A_395 = arith.constant 0 : i32
      %dma_start3A_396 = tpu.memref_slice %arg3[%squeeze3A_388, %dma_start3A_395] : memref<1000000x100xf32, #tpu.memory_space<hbm>> -> memref<1x100xf32, #tpu.memory_space<hbm>>
      %dma_start3A_397 = arith.constant 0 : i32
      %dma_start3A_398 = tpu.memref_slice %arg7[%add3A_392, %dma_start3A_397] : memref<128x100xf32, #tpu.memory_space<vmem>> -> memref<1x100xf32, #tpu.memory_space<vmem>>
      %dma_start3A_399 = arith.constant 0 : i32
      %dma_start3A_400 = tpu.memref_slice %arg3[%squeeze3A_388, %dma_start3A_399] : memref<1000000x100xf32, #tpu.memory_space<hbm>> -> memref<1x100xf32, #tpu.memory_space<hbm>>
      tpu.enqueue_dma source(%dma_start3A_400 : memref<1x100xf32, #tpu.memory_space<hbm>>) target(%dma_start3A_398 : memref<1x100xf32, #tpu.memory_space<vmem>>) target_semaphore(%arg11 : memref<!tpu.dma_semaphore, #tpu.memory_space<semaphore_mem>>)
      %slice3A_401 = vector.extract_strided_slice %get3A_206 {offsets = [14], sizes = [1], strides = [1]} : vector<16xi32> to vector<1xi32>
      %squeeze3A_402 = vector.extract %slice3A_401[0] : i32 from vector<1xi32>
      %mul3A_403 = arith.constant 16 : i32
      %mul3A_404 = arith.muli %scan3A_199, %mul3A_403 : i32
      %add3A_405 = arith.constant 14 : i32
      %add3A_406 = arith.addi %mul3A_404, %add3A_405 : i32
      %dma_start3A_407 = arith.constant 0 : i32
      %dma_start3A_408 = tpu.memref_slice %arg7[%add3A_406, %dma_start3A_407] : memref<128x100xf32, #tpu.memory_space<vmem>> -> memref<1x100xf32, #tpu.memory_space<vmem>>
      %dma_start3A_409 = arith.constant 0 : i32
      %dma_start3A_410 = tpu.memref_slice %arg3[%squeeze3A_402, %dma_start3A_409] : memref<1000000x100xf32, #tpu.memory_space<hbm>> -> memref<1x100xf32, #tpu.memory_space<hbm>>
      %dma_start3A_411 = arith.constant 0 : i32
      %dma_start3A_412 = tpu.memref_slice %arg7[%add3A_406, %dma_start3A_411] : memref<128x100xf32, #tpu.memory_space<vmem>> -> memref<1x100xf32, #tpu.memory_space<vmem>>
      %dma_start3A_413 = arith.constant 0 : i32
      %dma_start3A_414 = tpu.memref_slice %arg3[%squeeze3A_402, %dma_start3A_413] : memref<1000000x100xf32, #tpu.memory_space<hbm>> -> memref<1x100xf32, #tpu.memory_space<hbm>>
      tpu.enqueue_dma source(%dma_start3A_414 : memref<1x100xf32, #tpu.memory_space<hbm>>) target(%dma_start3A_412 : memref<1x100xf32, #tpu.memory_space<vmem>>) target_semaphore(%arg11 : memref<!tpu.dma_semaphore, #tpu.memory_space<semaphore_mem>>)
      %slice3A_415 = vector.extract_strided_slice %get3A_206 {offsets = [15], sizes = [1], strides = [1]} : vector<16xi32> to vector<1xi32>
      %squeeze3A_416 = vector.extract %slice3A_415[0] : i32 from vector<1xi32>
      %mul3A_417 = arith.constant 16 : i32
      %mul3A_418 = arith.muli %scan3A_199, %mul3A_417 : i32
      %add3A_419 = arith.constant 15 : i32
      %add3A_420 = arith.addi %mul3A_418, %add3A_419 : i32
      %dma_start3A_421 = arith.constant 0 : i32
      %dma_start3A_422 = tpu.memref_slice %arg7[%add3A_420, %dma_start3A_421] : memref<128x100xf32, #tpu.memory_space<vmem>> -> memref<1x100xf32, #tpu.memory_space<vmem>>
      %dma_start3A_423 = arith.constant 0 : i32
      %dma_start3A_424 = tpu.memref_slice %arg3[%squeeze3A_416, %dma_start3A_423] : memref<1000000x100xf32, #tpu.memory_space<hbm>> -> memref<1x100xf32, #tpu.memory_space<hbm>>
      %dma_start3A_425 = arith.constant 0 : i32
      %dma_start3A_426 = tpu.memref_slice %arg7[%add3A_420, %dma_start3A_425] : memref<128x100xf32, #tpu.memory_space<vmem>> -> memref<1x100xf32, #tpu.memory_space<vmem>>
      %dma_start3A_427 = arith.constant 0 : i32
      %dma_start3A_428 = tpu.memref_slice %arg3[%squeeze3A_416, %dma_start3A_427] : memref<1000000x100xf32, #tpu.memory_space<hbm>> -> memref<1x100xf32, #tpu.memory_space<hbm>>
      tpu.enqueue_dma source(%dma_start3A_428 : memref<1x100xf32, #tpu.memory_space<hbm>>) target(%dma_start3A_426 : memref<1x100xf32, #tpu.memory_space<vmem>>) target_semaphore(%arg11 : memref<!tpu.dma_semaphore, #tpu.memory_space<semaphore_mem>>)
    }
    %scan3A_7 = arith.constant 8 : i32
    %scan3A_8 = arith.constant 0 : i32
    %scan3A_9 = arith.constant 0 : i32
    %scan3A_10 = arith.constant 8 : i32
    %scan3A_11 = arith.addi %scan3A_9, %scan3A_10 : i32
    %scan3A_12 = arith.constant 1 : i32
    scf.for %scan3A_199 = %scan3A_9 to %scan3A_11 step %scan3A_12  : i32 {
      %mul3A_200 = arith.constant 16 : i32
      %mul3A_201 = arith.muli %scan3A_199, %mul3A_200 : i32
      %add3A_202 = arith.constant 128 : i32
      %add3A_203 = arith.addi %add3A_202, %mul3A_201 : i32
      %get3A_204 = arith.index_cast %add3A_203 : i32 to index
      %get3A_205 = tpu.vector_load %arg6[%get3A_204] {strides = array<i32>} : memref<6400xi32, #tpu.memory_space<vmem>>, vector<16xi32>,
      %get3A_206 = vector.shape_cast %get3A_205 : vector<16xi32> to vector<16xi32>
      %slice3A = vector.extract_strided_slice %get3A_206 {offsets = [0], sizes = [1], strides = [1]} : vector<16xi32> to vector<1xi32>
      %squeeze3A = vector.extract %slice3A[0] : i32 from vector<1xi32>
      %mul3A_207 = arith.constant 16 : i32
      %mul3A_208 = arith.muli %scan3A_199, %mul3A_207 : i32
      %add3A_209 = arith.constant 0 : i32
      %add3A_210 = arith.addi %mul3A_208, %add3A_209 : i32
      %dma_start3A_211 = arith.constant 0 : i32
      %dma_start3A_212 = tpu.memref_slice %arg8[%add3A_210, %dma_start3A_211] : memref<128x100xf32, #tpu.memory_space<vmem>> -> memref<1x100xf32, #tpu.memory_space<vmem>>
      %dma_start3A_213 = arith.constant 0 : i32
      %dma_start3A_214 = tpu.memref_slice %arg3[%squeeze3A, %dma_start3A_213] : memref<1000000x100xf32, #tpu.memory_space<hbm>> -> memref<1x100xf32, #tpu.memory_space<hbm>>
      %dma_start3A_215 = arith.constant 0 : i32
      %dma_start3A_216 = tpu.memref_slice %arg8[%add3A_210, %dma_start3A_215] : memref<128x100xf32, #tpu.memory_space<vmem>> -> memref<1x100xf32, #tpu.memory_space<vmem>>
      %dma_start3A_217 = arith.constant 0 : i32
      %dma_start3A_218 = tpu.memref_slice %arg3[%squeeze3A, %dma_start3A_217] : memref<1000000x100xf32, #tpu.memory_space<hbm>> -> memref<1x100xf32, #tpu.memory_space<hbm>>
      tpu.enqueue_dma source(%dma_start3A_218 : memref<1x100xf32, #tpu.memory_space<hbm>>) target(%dma_start3A_216 : memref<1x100xf32, #tpu.memory_space<vmem>>) target_semaphore(%arg12 : memref<!tpu.dma_semaphore, #tpu.memory_space<semaphore_mem>>)
      %slice3A_219 = vector.extract_strided_slice %get3A_206 {offsets = [1], sizes = [1], strides = [1]} : vector<16xi32> to vector<1xi32>
      %squeeze3A_220 = vector.extract %slice3A_219[0] : i32 from vector<1xi32>
      %mul3A_221 = arith.constant 16 : i32
      %mul3A_222 = arith.muli %scan3A_199, %mul3A_221 : i32
      %add3A_223 = arith.constant 1 : i32
      %add3A_224 = arith.addi %mul3A_222, %add3A_223 : i32
      %dma_start3A_225 = arith.constant 0 : i32
      %dma_start3A_226 = tpu.memref_slice %arg8[%add3A_224, %dma_start3A_225] : memref<128x100xf32, #tpu.memory_space<vmem>> -> memref<1x100xf32, #tpu.memory_space<vmem>>
      %dma_start3A_227 = arith.constant 0 : i32
      %dma_start3A_228 = tpu.memref_slice %arg3[%squeeze3A_220, %dma_start3A_227] : memref<1000000x100xf32, #tpu.memory_space<hbm>> -> memref<1x100xf32, #tpu.memory_space<hbm>>
      %dma_start3A_229 = arith.constant 0 : i32
      %dma_start3A_230 = tpu.memref_slice %arg8[%add3A_224, %dma_start3A_229] : memref<128x100xf32, #tpu.memory_space<vmem>> -> memref<1x100xf32, #tpu.memory_space<vmem>>
      %dma_start3A_231 = arith.constant 0 : i32
      %dma_start3A_232 = tpu.memref_slice %arg3[%squeeze3A_220, %dma_start3A_231] : memref<1000000x100xf32, #tpu.memory_space<hbm>> -> memref<1x100xf32, #tpu.memory_space<hbm>>
      tpu.enqueue_dma source(%dma_start3A_232 : memref<1x100xf32, #tpu.memory_space<hbm>>) target(%dma_start3A_230 : memref<1x100xf32, #tpu.memory_space<vmem>>) target_semaphore(%arg12 : memref<!tpu.dma_semaphore, #tpu.memory_space<semaphore_mem>>)
      %slice3A_233 = vector.extract_strided_slice %get3A_206 {offsets = [2], sizes = [1], strides = [1]} : vector<16xi32> to vector<1xi32>
      %squeeze3A_234 = vector.extract %slice3A_233[0] : i32 from vector<1xi32>
      %mul3A_235 = arith.constant 16 : i32
      %mul3A_236 = arith.muli %scan3A_199, %mul3A_235 : i32
      %add3A_237 = arith.constant 2 : i32
      %add3A_238 = arith.addi %mul3A_236, %add3A_237 : i32
      %dma_start3A_239 = arith.constant 0 : i32
      %dma_start3A_240 = tpu.memref_slice %arg8[%add3A_238, %dma_start3A_239] : memref<128x100xf32, #tpu.memory_space<vmem>> -> memref<1x100xf32, #tpu.memory_space<vmem>>
      %dma_start3A_241 = arith.constant 0 : i32
      %dma_start3A_242 = tpu.memref_slice %arg3[%squeeze3A_234, %dma_start3A_241] : memref<1000000x100xf32, #tpu.memory_space<hbm>> -> memref<1x100xf32, #tpu.memory_space<hbm>>
      %dma_start3A_243 = arith.constant 0 : i32
      %dma_start3A_244 = tpu.memref_slice %arg8[%add3A_238, %dma_start3A_243] : memref<128x100xf32, #tpu.memory_space<vmem>> -> memref<1x100xf32, #tpu.memory_space<vmem>>
      %dma_start3A_245 = arith.constant 0 : i32
      %dma_start3A_246 = tpu.memref_slice %arg3[%squeeze3A_234, %dma_start3A_245] : memref<1000000x100xf32, #tpu.memory_space<hbm>> -> memref<1x100xf32, #tpu.memory_space<hbm>>
      tpu.enqueue_dma source(%dma_start3A_246 : memref<1x100xf32, #tpu.memory_space<hbm>>) target(%dma_start3A_244 : memref<1x100xf32, #tpu.memory_space<vmem>>) target_semaphore(%arg12 : memref<!tpu.dma_semaphore, #tpu.memory_space<semaphore_mem>>)
      %slice3A_247 = vector.extract_strided_slice %get3A_206 {offsets = [3], sizes = [1], strides = [1]} : vector<16xi32> to vector<1xi32>
      %squeeze3A_248 = vector.extract %slice3A_247[0] : i32 from vector<1xi32>
      %mul3A_249 = arith.constant 16 : i32
      %mul3A_250 = arith.muli %scan3A_199, %mul3A_249 : i32
      %add3A_251 = arith.constant 3 : i32
      %add3A_252 = arith.addi %mul3A_250, %add3A_251 : i32
      %dma_start3A_253 = arith.constant 0 : i32
      %dma_start3A_254 = tpu.memref_slice %arg8[%add3A_252, %dma_start3A_253] : memref<128x100xf32, #tpu.memory_space<vmem>> -> memref<1x100xf32, #tpu.memory_space<vmem>>
      %dma_start3A_255 = arith.constant 0 : i32
      %dma_start3A_256 = tpu.memref_slice %arg3[%squeeze3A_248, %dma_start3A_255] : memref<1000000x100xf32, #tpu.memory_space<hbm>> -> memref<1x100xf32, #tpu.memory_space<hbm>>
      %dma_start3A_257 = arith.constant 0 : i32
      %dma_start3A_258 = tpu.memref_slice %arg8[%add3A_252, %dma_start3A_257] : memref<128x100xf32, #tpu.memory_space<vmem>> -> memref<1x100xf32, #tpu.memory_space<vmem>>
      %dma_start3A_259 = arith.constant 0 : i32
      %dma_start3A_260 = tpu.memref_slice %arg3[%squeeze3A_248, %dma_start3A_259] : memref<1000000x100xf32, #tpu.memory_space<hbm>> -> memref<1x100xf32, #tpu.memory_space<hbm>>
      tpu.enqueue_dma source(%dma_start3A_260 : memref<1x100xf32, #tpu.memory_space<hbm>>) target(%dma_start3A_258 : memref<1x100xf32, #tpu.memory_space<vmem>>) target_semaphore(%arg12 : memref<!tpu.dma_semaphore, #tpu.memory_space<semaphore_mem>>)
      %slice3A_261 = vector.extract_strided_slice %get3A_206 {offsets = [4], sizes = [1], strides = [1]} : vector<16xi32> to vector<1xi32>
      %squeeze3A_262 = vector.extract %slice3A_261[0] : i32 from vector<1xi32>
      %mul3A_263 = arith.constant 16 : i32
      %mul3A_264 = arith.muli %scan3A_199, %mul3A_263 : i32
      %add3A_265 = arith.constant 4 : i32
      %add3A_266 = arith.addi %mul3A_264, %add3A_265 : i32
      %dma_start3A_267 = arith.constant 0 : i32
      %dma_start3A_268 = tpu.memref_slice %arg8[%add3A_266, %dma_start3A_267] : memref<128x100xf32, #tpu.memory_space<vmem>> -> memref<1x100xf32, #tpu.memory_space<vmem>>
      %dma_start3A_269 = arith.constant 0 : i32
      %dma_start3A_270 = tpu.memref_slice %arg3[%squeeze3A_262, %dma_start3A_269] : memref<1000000x100xf32, #tpu.memory_space<hbm>> -> memref<1x100xf32, #tpu.memory_space<hbm>>
      %dma_start3A_271 = arith.constant 0 : i32
      %dma_start3A_272 = tpu.memref_slice %arg8[%add3A_266, %dma_start3A_271] : memref<128x100xf32, #tpu.memory_space<vmem>> -> memref<1x100xf32, #tpu.memory_space<vmem>>
      %dma_start3A_273 = arith.constant 0 : i32
      %dma_start3A_274 = tpu.memref_slice %arg3[%squeeze3A_262, %dma_start3A_273] : memref<1000000x100xf32, #tpu.memory_space<hbm>> -> memref<1x100xf32, #tpu.memory_space<hbm>>
      tpu.enqueue_dma source(%dma_start3A_274 : memref<1x100xf32, #tpu.memory_space<hbm>>) target(%dma_start3A_272 : memref<1x100xf32, #tpu.memory_space<vmem>>) target_semaphore(%arg12 : memref<!tpu.dma_semaphore, #tpu.memory_space<semaphore_mem>>)
      %slice3A_275 = vector.extract_strided_slice %get3A_206 {offsets = [5], sizes = [1], strides = [1]} : vector<16xi32> to vector<1xi32>
      %squeeze3A_276 = vector.extract %slice3A_275[0] : i32 from vector<1xi32>
      %mul3A_277 = arith.constant 16 : i32
      %mul3A_278 = arith.muli %scan3A_199, %mul3A_277 : i32
      %add3A_279 = arith.constant 5 : i32
      %add3A_280 = arith.addi %mul3A_278, %add3A_279 : i32
      %dma_start3A_281 = arith.constant 0 : i32
      %dma_start3A_282 = tpu.memref_slice %arg8[%add3A_280, %dma_start3A_281] : memref<128x100xf32, #tpu.memory_space<vmem>> -> memref<1x100xf32, #tpu.memory_space<vmem>>
      %dma_start3A_283 = arith.constant 0 : i32
      %dma_start3A_284 = tpu.memref_slice %arg3[%squeeze3A_276, %dma_start3A_283] : memref<1000000x100xf32, #tpu.memory_space<hbm>> -> memref<1x100xf32, #tpu.memory_space<hbm>>
      %dma_start3A_285 = arith.constant 0 : i32
      %dma_start3A_286 = tpu.memref_slice %arg8[%add3A_280, %dma_start3A_285] : memref<128x100xf32, #tpu.memory_space<vmem>> -> memref<1x100xf32, #tpu.memory_space<vmem>>
      %dma_start3A_287 = arith.constant 0 : i32
      %dma_start3A_288 = tpu.memref_slice %arg3[%squeeze3A_276, %dma_start3A_287] : memref<1000000x100xf32, #tpu.memory_space<hbm>> -> memref<1x100xf32, #tpu.memory_space<hbm>>
      tpu.enqueue_dma source(%dma_start3A_288 : memref<1x100xf32, #tpu.memory_space<hbm>>) target(%dma_start3A_286 : memref<1x100xf32, #tpu.memory_space<vmem>>) target_semaphore(%arg12 : memref<!tpu.dma_semaphore, #tpu.memory_space<semaphore_mem>>)
      %slice3A_289 = vector.extract_strided_slice %get3A_206 {offsets = [6], sizes = [1], strides = [1]} : vector<16xi32> to vector<1xi32>
      %squeeze3A_290 = vector.extract %slice3A_289[0] : i32 from vector<1xi32>
      %mul3A_291 = arith.constant 16 : i32
      %mul3A_292 = arith.muli %scan3A_199, %mul3A_291 : i32
      %add3A_293 = arith.constant 6 : i32
      %add3A_294 = arith.addi %mul3A_292, %add3A_293 : i32
      %dma_start3A_295 = arith.constant 0 : i32
      %dma_start3A_296 = tpu.memref_slice %arg8[%add3A_294, %dma_start3A_295] : memref<128x100xf32, #tpu.memory_space<vmem>> -> memref<1x100xf32, #tpu.memory_space<vmem>>
      %dma_start3A_297 = arith.constant 0 : i32
      %dma_start3A_298 = tpu.memref_slice %arg3[%squeeze3A_290, %dma_start3A_297] : memref<1000000x100xf32, #tpu.memory_space<hbm>> -> memref<1x100xf32, #tpu.memory_space<hbm>>
      %dma_start3A_299 = arith.constant 0 : i32
      %dma_start3A_300 = tpu.memref_slice %arg8[%add3A_294, %dma_start3A_299] : memref<128x100xf32, #tpu.memory_space<vmem>> -> memref<1x100xf32, #tpu.memory_space<vmem>>
      %dma_start3A_301 = arith.constant 0 : i32
      %dma_start3A_302 = tpu.memref_slice %arg3[%squeeze3A_290, %dma_start3A_301] : memref<1000000x100xf32, #tpu.memory_space<hbm>> -> memref<1x100xf32, #tpu.memory_space<hbm>>
      tpu.enqueue_dma source(%dma_start3A_302 : memref<1x100xf32, #tpu.memory_space<hbm>>) target(%dma_start3A_300 : memref<1x100xf32, #tpu.memory_space<vmem>>) target_semaphore(%arg12 : memref<!tpu.dma_semaphore, #tpu.memory_space<semaphore_mem>>)
      %slice3A_303 = vector.extract_strided_slice %get3A_206 {offsets = [7], sizes = [1], strides = [1]} : vector<16xi32> to vector<1xi32>
      %squeeze3A_304 = vector.extract %slice3A_303[0] : i32 from vector<1xi32>
      %mul3A_305 = arith.constant 16 : i32
      %mul3A_306 = arith.muli %scan3A_199, %mul3A_305 : i32
      %add3A_307 = arith.constant 7 : i32
      %add3A_308 = arith.addi %mul3A_306, %add3A_307 : i32
      %dma_start3A_309 = arith.constant 0 : i32
      %dma_start3A_310 = tpu.memref_slice %arg8[%add3A_308, %dma_start3A_309] : memref<128x100xf32, #tpu.memory_space<vmem>> -> memref<1x100xf32, #tpu.memory_space<vmem>>
      %dma_start3A_311 = arith.constant 0 : i32
      %dma_start3A_312 = tpu.memref_slice %arg3[%squeeze3A_304, %dma_start3A_311] : memref<1000000x100xf32, #tpu.memory_space<hbm>> -> memref<1x100xf32, #tpu.memory_space<hbm>>
      %dma_start3A_313 = arith.constant 0 : i32
      %dma_start3A_314 = tpu.memref_slice %arg8[%add3A_308, %dma_start3A_313] : memref<128x100xf32, #tpu.memory_space<vmem>> -> memref<1x100xf32, #tpu.memory_space<vmem>>
      %dma_start3A_315 = arith.constant 0 : i32
      %dma_start3A_316 = tpu.memref_slice %arg3[%squeeze3A_304, %dma_start3A_315] : memref<1000000x100xf32, #tpu.memory_space<hbm>> -> memref<1x100xf32, #tpu.memory_space<hbm>>
      tpu.enqueue_dma source(%dma_start3A_316 : memref<1x100xf32, #tpu.memory_space<hbm>>) target(%dma_start3A_314 : memref<1x100xf32, #tpu.memory_space<vmem>>) target_semaphore(%arg12 : memref<!tpu.dma_semaphore, #tpu.memory_space<semaphore_mem>>)
      %slice3A_317 = vector.extract_strided_slice %get3A_206 {offsets = [8], sizes = [1], strides = [1]} : vector<16xi32> to vector<1xi32>
      %squeeze3A_318 = vector.extract %slice3A_317[0] : i32 from vector<1xi32>
      %mul3A_319 = arith.constant 16 : i32
      %mul3A_320 = arith.muli %scan3A_199, %mul3A_319 : i32
      %add3A_321 = arith.constant 8 : i32
      %add3A_322 = arith.addi %mul3A_320, %add3A_321 : i32
      %dma_start3A_323 = arith.constant 0 : i32
      %dma_start3A_324 = tpu.memref_slice %arg8[%add3A_322, %dma_start3A_323] : memref<128x100xf32, #tpu.memory_space<vmem>> -> memref<1x100xf32, #tpu.memory_space<vmem>>
      %dma_start3A_325 = arith.constant 0 : i32
      %dma_start3A_326 = tpu.memref_slice %arg3[%squeeze3A_318, %dma_start3A_325] : memref<1000000x100xf32, #tpu.memory_space<hbm>> -> memref<1x100xf32, #tpu.memory_space<hbm>>
      %dma_start3A_327 = arith.constant 0 : i32
      %dma_start3A_328 = tpu.memref_slice %arg8[%add3A_322, %dma_start3A_327] : memref<128x100xf32, #tpu.memory_space<vmem>> -> memref<1x100xf32, #tpu.memory_space<vmem>>
      %dma_start3A_329 = arith.constant 0 : i32
      %dma_start3A_330 = tpu.memref_slice %arg3[%squeeze3A_318, %dma_start3A_329] : memref<1000000x100xf32, #tpu.memory_space<hbm>> -> memref<1x100xf32, #tpu.memory_space<hbm>>
      tpu.enqueue_dma source(%dma_start3A_330 : memref<1x100xf32, #tpu.memory_space<hbm>>) target(%dma_start3A_328 : memref<1x100xf32, #tpu.memory_space<vmem>>) target_semaphore(%arg12 : memref<!tpu.dma_semaphore, #tpu.memory_space<semaphore_mem>>)
      %slice3A_331 = vector.extract_strided_slice %get3A_206 {offsets = [9], sizes = [1], strides = [1]} : vector<16xi32> to vector<1xi32>
      %squeeze3A_332 = vector.extract %slice3A_331[0] : i32 from vector<1xi32>
      %mul3A_333 = arith.constant 16 : i32
      %mul3A_334 = arith.muli %scan3A_199, %mul3A_333 : i32
      %add3A_335 = arith.constant 9 : i32
      %add3A_336 = arith.addi %mul3A_334, %add3A_335 : i32
      %dma_start3A_337 = arith.constant 0 : i32
      %dma_start3A_338 = tpu.memref_slice %arg8[%add3A_336, %dma_start3A_337] : memref<128x100xf32, #tpu.memory_space<vmem>> -> memref<1x100xf32, #tpu.memory_space<vmem>>
      %dma_start3A_339 = arith.constant 0 : i32
      %dma_start3A_340 = tpu.memref_slice %arg3[%squeeze3A_332, %dma_start3A_339] : memref<1000000x100xf32, #tpu.memory_space<hbm>> -> memref<1x100xf32, #tpu.memory_space<hbm>>
      %dma_start3A_341 = arith.constant 0 : i32
      %dma_start3A_342 = tpu.memref_slice %arg8[%add3A_336, %dma_start3A_341] : memref<128x100xf32, #tpu.memory_space<vmem>> -> memref<1x100xf32, #tpu.memory_space<vmem>>
      %dma_start3A_343 = arith.constant 0 : i32
      %dma_start3A_344 = tpu.memref_slice %arg3[%squeeze3A_332, %dma_start3A_343] : memref<1000000x100xf32, #tpu.memory_space<hbm>> -> memref<1x100xf32, #tpu.memory_space<hbm>>
      tpu.enqueue_dma source(%dma_start3A_344 : memref<1x100xf32, #tpu.memory_space<hbm>>) target(%dma_start3A_342 : memref<1x100xf32, #tpu.memory_space<vmem>>) target_semaphore(%arg12 : memref<!tpu.dma_semaphore, #tpu.memory_space<semaphore_mem>>)
      %slice3A_345 = vector.extract_strided_slice %get3A_206 {offsets = [10], sizes = [1], strides = [1]} : vector<16xi32> to vector<1xi32>
      %squeeze3A_346 = vector.extract %slice3A_345[0] : i32 from vector<1xi32>
      %mul3A_347 = arith.constant 16 : i32
      %mul3A_348 = arith.muli %scan3A_199, %mul3A_347 : i32
      %add3A_349 = arith.constant 10 : i32
      %add3A_350 = arith.addi %mul3A_348, %add3A_349 : i32
      %dma_start3A_351 = arith.constant 0 : i32
      %dma_start3A_352 = tpu.memref_slice %arg8[%add3A_350, %dma_start3A_351] : memref<128x100xf32, #tpu.memory_space<vmem>> -> memref<1x100xf32, #tpu.memory_space<vmem>>
      %dma_start3A_353 = arith.constant 0 : i32
      %dma_start3A_354 = tpu.memref_slice %arg3[%squeeze3A_346, %dma_start3A_353] : memref<1000000x100xf32, #tpu.memory_space<hbm>> -> memref<1x100xf32, #tpu.memory_space<hbm>>
      %dma_start3A_355 = arith.constant 0 : i32
      %dma_start3A_356 = tpu.memref_slice %arg8[%add3A_350, %dma_start3A_355] : memref<128x100xf32, #tpu.memory_space<vmem>> -> memref<1x100xf32, #tpu.memory_space<vmem>>
      %dma_start3A_357 = arith.constant 0 : i32
      %dma_start3A_358 = tpu.memref_slice %arg3[%squeeze3A_346, %dma_start3A_357] : memref<1000000x100xf32, #tpu.memory_space<hbm>> -> memref<1x100xf32, #tpu.memory_space<hbm>>
      tpu.enqueue_dma source(%dma_start3A_358 : memref<1x100xf32, #tpu.memory_space<hbm>>) target(%dma_start3A_356 : memref<1x100xf32, #tpu.memory_space<vmem>>) target_semaphore(%arg12 : memref<!tpu.dma_semaphore, #tpu.memory_space<semaphore_mem>>)
      %slice3A_359 = vector.extract_strided_slice %get3A_206 {offsets = [11], sizes = [1], strides = [1]} : vector<16xi32> to vector<1xi32>
      %squeeze3A_360 = vector.extract %slice3A_359[0] : i32 from vector<1xi32>
      %mul3A_361 = arith.constant 16 : i32
      %mul3A_362 = arith.muli %scan3A_199, %mul3A_361 : i32
      %add3A_363 = arith.constant 11 : i32
      %add3A_364 = arith.addi %mul3A_362, %add3A_363 : i32
      %dma_start3A_365 = arith.constant 0 : i32
      %dma_start3A_366 = tpu.memref_slice %arg8[%add3A_364, %dma_start3A_365] : memref<128x100xf32, #tpu.memory_space<vmem>> -> memref<1x100xf32, #tpu.memory_space<vmem>>
      %dma_start3A_367 = arith.constant 0 : i32
      %dma_start3A_368 = tpu.memref_slice %arg3[%squeeze3A_360, %dma_start3A_367] : memref<1000000x100xf32, #tpu.memory_space<hbm>> -> memref<1x100xf32, #tpu.memory_space<hbm>>
      %dma_start3A_369 = arith.constant 0 : i32
      %dma_start3A_370 = tpu.memref_slice %arg8[%add3A_364, %dma_start3A_369] : memref<128x100xf32, #tpu.memory_space<vmem>> -> memref<1x100xf32, #tpu.memory_space<vmem>>
      %dma_start3A_371 = arith.constant 0 : i32
      %dma_start3A_372 = tpu.memref_slice %arg3[%squeeze3A_360, %dma_start3A_371] : memref<1000000x100xf32, #tpu.memory_space<hbm>> -> memref<1x100xf32, #tpu.memory_space<hbm>>
      tpu.enqueue_dma source(%dma_start3A_372 : memref<1x100xf32, #tpu.memory_space<hbm>>) target(%dma_start3A_370 : memref<1x100xf32, #tpu.memory_space<vmem>>) target_semaphore(%arg12 : memref<!tpu.dma_semaphore, #tpu.memory_space<semaphore_mem>>)
      %slice3A_373 = vector.extract_strided_slice %get3A_206 {offsets = [12], sizes = [1], strides = [1]} : vector<16xi32> to vector<1xi32>
      %squeeze3A_374 = vector.extract %slice3A_373[0] : i32 from vector<1xi32>
      %mul3A_375 = arith.constant 16 : i32
      %mul3A_376 = arith.muli %scan3A_199, %mul3A_375 : i32
      %add3A_377 = arith.constant 12 : i32
      %add3A_378 = arith.addi %mul3A_376, %add3A_377 : i32
      %dma_start3A_379 = arith.constant 0 : i32
      %dma_start3A_380 = tpu.memref_slice %arg8[%add3A_378, %dma_start3A_379] : memref<128x100xf32, #tpu.memory_space<vmem>> -> memref<1x100xf32, #tpu.memory_space<vmem>>
      %dma_start3A_381 = arith.constant 0 : i32
      %dma_start3A_382 = tpu.memref_slice %arg3[%squeeze3A_374, %dma_start3A_381] : memref<1000000x100xf32, #tpu.memory_space<hbm>> -> memref<1x100xf32, #tpu.memory_space<hbm>>
      %dma_start3A_383 = arith.constant 0 : i32
      %dma_start3A_384 = tpu.memref_slice %arg8[%add3A_378, %dma_start3A_383] : memref<128x100xf32, #tpu.memory_space<vmem>> -> memref<1x100xf32, #tpu.memory_space<vmem>>
      %dma_start3A_385 = arith.constant 0 : i32
      %dma_start3A_386 = tpu.memref_slice %arg3[%squeeze3A_374, %dma_start3A_385] : memref<1000000x100xf32, #tpu.memory_space<hbm>> -> memref<1x100xf32, #tpu.memory_space<hbm>>
      tpu.enqueue_dma source(%dma_start3A_386 : memref<1x100xf32, #tpu.memory_space<hbm>>) target(%dma_start3A_384 : memref<1x100xf32, #tpu.memory_space<vmem>>) target_semaphore(%arg12 : memref<!tpu.dma_semaphore, #tpu.memory_space<semaphore_mem>>)
      %slice3A_387 = vector.extract_strided_slice %get3A_206 {offsets = [13], sizes = [1], strides = [1]} : vector<16xi32> to vector<1xi32>
      %squeeze3A_388 = vector.extract %slice3A_387[0] : i32 from vector<1xi32>
      %mul3A_389 = arith.constant 16 : i32
      %mul3A_390 = arith.muli %scan3A_199, %mul3A_389 : i32
      %add3A_391 = arith.constant 13 : i32
      %add3A_392 = arith.addi %mul3A_390, %add3A_391 : i32
      %dma_start3A_393 = arith.constant 0 : i32
      %dma_start3A_394 = tpu.memref_slice %arg8[%add3A_392, %dma_start3A_393] : memref<128x100xf32, #tpu.memory_space<vmem>> -> memref<1x100xf32, #tpu.memory_space<vmem>>
      %dma_start3A_395 = arith.constant 0 : i32
      %dma_start3A_396 = tpu.memref_slice %arg3[%squeeze3A_388, %dma_start3A_395] : memref<1000000x100xf32, #tpu.memory_space<hbm>> -> memref<1x100xf32, #tpu.memory_space<hbm>>
      %dma_start3A_397 = arith.constant 0 : i32
      %dma_start3A_398 = tpu.memref_slice %arg8[%add3A_392, %dma_start3A_397] : memref<128x100xf32, #tpu.memory_space<vmem>> -> memref<1x100xf32, #tpu.memory_space<vmem>>
      %dma_start3A_399 = arith.constant 0 : i32
      %dma_start3A_400 = tpu.memref_slice %arg3[%squeeze3A_388, %dma_start3A_399] : memref<1000000x100xf32, #tpu.memory_space<hbm>> -> memref<1x100xf32, #tpu.memory_space<hbm>>
      tpu.enqueue_dma source(%dma_start3A_400 : memref<1x100xf32, #tpu.memory_space<hbm>>) target(%dma_start3A_398 : memref<1x100xf32, #tpu.memory_space<vmem>>) target_semaphore(%arg12 : memref<!tpu.dma_semaphore, #tpu.memory_space<semaphore_mem>>)
      %slice3A_401 = vector.extract_strided_slice %get3A_206 {offsets = [14], sizes = [1], strides = [1]} : vector<16xi32> to vector<1xi32>
      %squeeze3A_402 = vector.extract %slice3A_401[0] : i32 from vector<1xi32>
      %mul3A_403 = arith.constant 16 : i32
      %mul3A_404 = arith.muli %scan3A_199, %mul3A_403 : i32
      %add3A_405 = arith.constant 14 : i32
      %add3A_406 = arith.addi %mul3A_404, %add3A_405 : i32
      %dma_start3A_407 = arith.constant 0 : i32
      %dma_start3A_408 = tpu.memref_slice %arg8[%add3A_406, %dma_start3A_407] : memref<128x100xf32, #tpu.memory_space<vmem>> -> memref<1x100xf32, #tpu.memory_space<vmem>>
      %dma_start3A_409 = arith.constant 0 : i32
      %dma_start3A_410 = tpu.memref_slice %arg3[%squeeze3A_402, %dma_start3A_409] : memref<1000000x100xf32, #tpu.memory_space<hbm>> -> memref<1x100xf32, #tpu.memory_space<hbm>>
      %dma_start3A_411 = arith.constant 0 : i32
      %dma_start3A_412 = tpu.memref_slice %arg8[%add3A_406, %dma_start3A_411] : memref<128x100xf32, #tpu.memory_space<vmem>> -> memref<1x100xf32, #tpu.memory_space<vmem>>
      %dma_start3A_413 = arith.constant 0 : i32
      %dma_start3A_414 = tpu.memref_slice %arg3[%squeeze3A_402, %dma_start3A_413] : memref<1000000x100xf32, #tpu.memory_space<hbm>> -> memref<1x100xf32, #tpu.memory_space<hbm>>
      tpu.enqueue_dma source(%dma_start3A_414 : memref<1x100xf32, #tpu.memory_space<hbm>>) target(%dma_start3A_412 : memref<1x100xf32, #tpu.memory_space<vmem>>) target_semaphore(%arg12 : memref<!tpu.dma_semaphore, #tpu.memory_space<semaphore_mem>>)
      %slice3A_415 = vector.extract_strided_slice %get3A_206 {offsets = [15], sizes = [1], strides = [1]} : vector<16xi32> to vector<1xi32>
      %squeeze3A_416 = vector.extract %slice3A_415[0] : i32 from vector<1xi32>
      %mul3A_417 = arith.constant 16 : i32
      %mul3A_418 = arith.muli %scan3A_199, %mul3A_417 : i32
      %add3A_419 = arith.constant 15 : i32
      %add3A_420 = arith.addi %mul3A_418, %add3A_419 : i32
      %dma_start3A_421 = arith.constant 0 : i32
      %dma_start3A_422 = tpu.memref_slice %arg8[%add3A_420, %dma_start3A_421] : memref<128x100xf32, #tpu.memory_space<vmem>> -> memref<1x100xf32, #tpu.memory_space<vmem>>
      %dma_start3A_423 = arith.constant 0 : i32
      %dma_start3A_424 = tpu.memref_slice %arg3[%squeeze3A_416, %dma_start3A_423] : memref<1000000x100xf32, #tpu.memory_space<hbm>> -> memref<1x100xf32, #tpu.memory_space<hbm>>
      %dma_start3A_425 = arith.constant 0 : i32
      %dma_start3A_426 = tpu.memref_slice %arg8[%add3A_420, %dma_start3A_425] : memref<128x100xf32, #tpu.memory_space<vmem>> -> memref<1x100xf32, #tpu.memory_space<vmem>>
      %dma_start3A_427 = arith.constant 0 : i32
      %dma_start3A_428 = tpu.memref_slice %arg3[%squeeze3A_416, %dma_start3A_427] : memref<1000000x100xf32, #tpu.memory_space<hbm>> -> memref<1x100xf32, #tpu.memory_space<hbm>>
      tpu.enqueue_dma source(%dma_start3A_428 : memref<1x100xf32, #tpu.memory_space<hbm>>) target(%dma_start3A_426 : memref<1x100xf32, #tpu.memory_space<vmem>>) target_semaphore(%arg12 : memref<!tpu.dma_semaphore, #tpu.memory_space<semaphore_mem>>)
    }
    %scan3A_13 = arith.constant 8 : i32
    %scan3A_14 = arith.constant 0 : i32
    %scan3A_15 = arith.constant 0 : i32
    %scan3A_16 = arith.constant 16 : i32
    %scan3A_17 = arith.addi %scan3A_15, %scan3A_16 : i32
    %scan3A_18 = arith.constant 1 : i32
    scf.for %scan3A_199 = %scan3A_15 to %scan3A_17 step %scan3A_18  : i32 {
      %mul3A_200 = arith.constant 3 : i32
      %mul3A_201 = arith.muli %mul3A_200, %scan3A_199 : i32
      %gt3A = arith.constant 0 : i32
      %gt3A_202 = arith.cmpi sgt, %scan3A_199, %gt3A : i32
      %convert_element_type3A = arith.extui %gt3A_202 : i1 to i32
      %cond3A = arith.constant 0 : i32
      %cond3A_203 = arith.cmpi ne, %convert_element_type3A, %cond3A : i32
      scf.if %cond3A_203 {
        %dma_wait3A_441 = arith.constant 0 : i32
        %dma_wait3A_442 = arith.constant 0 : i32
        %dma_wait3A_443 = tpu.memref_slice %arg3[%dma_wait3A_441, %dma_wait3A_442] : memref<1000000x100xf32, #tpu.memory_space<hbm>> -> memref<128x100xf32, #tpu.memory_space<hbm>>
        %dma_wait3A_444 = arith.constant 0 : i32
        %dma_wait3A_445 = arith.constant 0 : i32
        %dma_wait3A_446 = tpu.memref_slice %arg3[%dma_wait3A_444, %dma_wait3A_445] : memref<1000000x100xf32, #tpu.memory_space<hbm>> -> memref<128x100xf32, #tpu.memory_space<hbm>>
        tpu.wait_dma2 semaphore(%arg16 : memref<!tpu.dma_semaphore, #tpu.memory_space<semaphore_mem>>) src(%dma_wait3A_446 : memref<128x100xf32, #tpu.memory_space<hbm>>) dst(%arg9 : memref<128x100xf32, #tpu.memory_space<vmem>>)
      } else {
      }
      %add3A_204 = arith.constant 2 : i32
      %add3A_205 = arith.addi %mul3A_201, %add3A_204 : i32
      %scan3A_206 = arith.constant 0 : i32
      %scan3A_207 = arith.constant 0 : i32
      %scan3A_208 = arith.constant 8 : i32
      %scan3A_209 = arith.addi %scan3A_207, %scan3A_208 : i32
      %scan3A_210 = arith.constant 1 : i32
      scf.for %scan3A_441 = %scan3A_207 to %scan3A_209 step %scan3A_210  : i32 {
        %mul3A_442 = arith.constant 128 : i32
        %mul3A_443 = arith.muli %add3A_205, %mul3A_442 : i32
        %mul3A_444 = arith.constant 16 : i32
        %mul3A_445 = arith.muli %scan3A_441, %mul3A_444 : i32
        %add3A_446 = arith.addi %mul3A_443, %mul3A_445 : i32
        %get3A_447 = arith.index_cast %add3A_446 : i32 to index
        %get3A_448 = tpu.vector_load %arg6[%get3A_447] {strides = array<i32>} : memref<6400xi32, #tpu.memory_space<vmem>>, vector<16xi32>,
        %get3A_449 = vector.shape_cast %get3A_448 : vector<16xi32> to vector<16xi32>
        %slice3A = vector.extract_strided_slice %get3A_449 {offsets = [0], sizes = [1], strides = [1]} : vector<16xi32> to vector<1xi32>
        %squeeze3A = vector.extract %slice3A[0] : i32 from vector<1xi32>
        %mul3A_450 = arith.constant 16 : i32
        %mul3A_451 = arith.muli %scan3A_441, %mul3A_450 : i32
        %add3A_452 = arith.constant 0 : i32
        %add3A_453 = arith.addi %mul3A_451, %add3A_452 : i32
        %dma_start3A_454 = arith.constant 0 : i32
        %dma_start3A_455 = tpu.memref_slice %arg9[%add3A_453, %dma_start3A_454] : memref<128x100xf32, #tpu.memory_space<vmem>> -> memref<1x100xf32, #tpu.memory_space<vmem>>
        %dma_start3A_456 = arith.constant 0 : i32
        %dma_start3A_457 = tpu.memref_slice %arg3[%squeeze3A, %dma_start3A_456] : memref<1000000x100xf32, #tpu.memory_space<hbm>> -> memref<1x100xf32, #tpu.memory_space<hbm>>
        %dma_start3A_458 = arith.constant 0 : i32
        %dma_start3A_459 = tpu.memref_slice %arg9[%add3A_453, %dma_start3A_458] : memref<128x100xf32, #tpu.memory_space<vmem>> -> memref<1x100xf32, #tpu.memory_space<vmem>>
        %dma_start3A_460 = arith.constant 0 : i32
        %dma_start3A_461 = tpu.memref_slice %arg3[%squeeze3A, %dma_start3A_460] : memref<1000000x100xf32, #tpu.memory_space<hbm>> -> memref<1x100xf32, #tpu.memory_space<hbm>>
        tpu.enqueue_dma source(%dma_start3A_461 : memref<1x100xf32, #tpu.memory_space<hbm>>) target(%dma_start3A_459 : memref<1x100xf32, #tpu.memory_space<vmem>>) target_semaphore(%arg13 : memref<!tpu.dma_semaphore, #tpu.memory_space<semaphore_mem>>)
        %slice3A_462 = vector.extract_strided_slice %get3A_449 {offsets = [1], sizes = [1], strides = [1]} : vector<16xi32> to vector<1xi32>
        %squeeze3A_463 = vector.extract %slice3A_462[0] : i32 from vector<1xi32>
        %mul3A_464 = arith.constant 16 : i32
        %mul3A_465 = arith.muli %scan3A_441, %mul3A_464 : i32
        %add3A_466 = arith.constant 1 : i32
        %add3A_467 = arith.addi %mul3A_465, %add3A_466 : i32
        %dma_start3A_468 = arith.constant 0 : i32
        %dma_start3A_469 = tpu.memref_slice %arg9[%add3A_467, %dma_start3A_468] : memref<128x100xf32, #tpu.memory_space<vmem>> -> memref<1x100xf32, #tpu.memory_space<vmem>>
        %dma_start3A_470 = arith.constant 0 : i32
        %dma_start3A_471 = tpu.memref_slice %arg3[%squeeze3A_463, %dma_start3A_470] : memref<1000000x100xf32, #tpu.memory_space<hbm>> -> memref<1x100xf32, #tpu.memory_space<hbm>>
        %dma_start3A_472 = arith.constant 0 : i32
        %dma_start3A_473 = tpu.memref_slice %arg9[%add3A_467, %dma_start3A_472] : memref<128x100xf32, #tpu.memory_space<vmem>> -> memref<1x100xf32, #tpu.memory_space<vmem>>
        %dma_start3A_474 = arith.constant 0 : i32
        %dma_start3A_475 = tpu.memref_slice %arg3[%squeeze3A_463, %dma_start3A_474] : memref<1000000x100xf32, #tpu.memory_space<hbm>> -> memref<1x100xf32, #tpu.memory_space<hbm>>
        tpu.enqueue_dma source(%dma_start3A_475 : memref<1x100xf32, #tpu.memory_space<hbm>>) target(%dma_start3A_473 : memref<1x100xf32, #tpu.memory_space<vmem>>) target_semaphore(%arg13 : memref<!tpu.dma_semaphore, #tpu.memory_space<semaphore_mem>>)
        %slice3A_476 = vector.extract_strided_slice %get3A_449 {offsets = [2], sizes = [1], strides = [1]} : vector<16xi32> to vector<1xi32>
        %squeeze3A_477 = vector.extract %slice3A_476[0] : i32 from vector<1xi32>
        %mul3A_478 = arith.constant 16 : i32
        %mul3A_479 = arith.muli %scan3A_441, %mul3A_478 : i32
        %add3A_480 = arith.constant 2 : i32
        %add3A_481 = arith.addi %mul3A_479, %add3A_480 : i32
        %dma_start3A_482 = arith.constant 0 : i32
        %dma_start3A_483 = tpu.memref_slice %arg9[%add3A_481, %dma_start3A_482] : memref<128x100xf32, #tpu.memory_space<vmem>> -> memref<1x100xf32, #tpu.memory_space<vmem>>
        %dma_start3A_484 = arith.constant 0 : i32
        %dma_start3A_485 = tpu.memref_slice %arg3[%squeeze3A_477, %dma_start3A_484] : memref<1000000x100xf32, #tpu.memory_space<hbm>> -> memref<1x100xf32, #tpu.memory_space<hbm>>
        %dma_start3A_486 = arith.constant 0 : i32
        %dma_start3A_487 = tpu.memref_slice %arg9[%add3A_481, %dma_start3A_486] : memref<128x100xf32, #tpu.memory_space<vmem>> -> memref<1x100xf32, #tpu.memory_space<vmem>>
        %dma_start3A_488 = arith.constant 0 : i32
        %dma_start3A_489 = tpu.memref_slice %arg3[%squeeze3A_477, %dma_start3A_488] : memref<1000000x100xf32, #tpu.memory_space<hbm>> -> memref<1x100xf32, #tpu.memory_space<hbm>>
        tpu.enqueue_dma source(%dma_start3A_489 : memref<1x100xf32, #tpu.memory_space<hbm>>) target(%dma_start3A_487 : memref<1x100xf32, #tpu.memory_space<vmem>>) target_semaphore(%arg13 : memref<!tpu.dma_semaphore, #tpu.memory_space<semaphore_mem>>)
        %slice3A_490 = vector.extract_strided_slice %get3A_449 {offsets = [3], sizes = [1], strides = [1]} : vector<16xi32> to vector<1xi32>
        %squeeze3A_491 = vector.extract %slice3A_490[0] : i32 from vector<1xi32>
        %mul3A_492 = arith.constant 16 : i32
        %mul3A_493 = arith.muli %scan3A_441, %mul3A_492 : i32
        %add3A_494 = arith.constant 3 : i32
        %add3A_495 = arith.addi %mul3A_493, %add3A_494 : i32
        %dma_start3A_496 = arith.constant 0 : i32
        %dma_start3A_497 = tpu.memref_slice %arg9[%add3A_495, %dma_start3A_496] : memref<128x100xf32, #tpu.memory_space<vmem>> -> memref<1x100xf32, #tpu.memory_space<vmem>>
        %dma_start3A_498 = arith.constant 0 : i32
        %dma_start3A_499 = tpu.memref_slice %arg3[%squeeze3A_491, %dma_start3A_498] : memref<1000000x100xf32, #tpu.memory_space<hbm>> -> memref<1x100xf32, #tpu.memory_space<hbm>>
        %dma_start3A_500 = arith.constant 0 : i32
        %dma_start3A_501 = tpu.memref_slice %arg9[%add3A_495, %dma_start3A_500] : memref<128x100xf32, #tpu.memory_space<vmem>> -> memref<1x100xf32, #tpu.memory_space<vmem>>
        %dma_start3A_502 = arith.constant 0 : i32
        %dma_start3A_503 = tpu.memref_slice %arg3[%squeeze3A_491, %dma_start3A_502] : memref<1000000x100xf32, #tpu.memory_space<hbm>> -> memref<1x100xf32, #tpu.memory_space<hbm>>
        tpu.enqueue_dma source(%dma_start3A_503 : memref<1x100xf32, #tpu.memory_space<hbm>>) target(%dma_start3A_501 : memref<1x100xf32, #tpu.memory_space<vmem>>) target_semaphore(%arg13 : memref<!tpu.dma_semaphore, #tpu.memory_space<semaphore_mem>>)
        %slice3A_504 = vector.extract_strided_slice %get3A_449 {offsets = [4], sizes = [1], strides = [1]} : vector<16xi32> to vector<1xi32>
        %squeeze3A_505 = vector.extract %slice3A_504[0] : i32 from vector<1xi32>
        %mul3A_506 = arith.constant 16 : i32
        %mul3A_507 = arith.muli %scan3A_441, %mul3A_506 : i32
        %add3A_508 = arith.constant 4 : i32
        %add3A_509 = arith.addi %mul3A_507, %add3A_508 : i32
        %dma_start3A_510 = arith.constant 0 : i32
        %dma_start3A_511 = tpu.memref_slice %arg9[%add3A_509, %dma_start3A_510] : memref<128x100xf32, #tpu.memory_space<vmem>> -> memref<1x100xf32, #tpu.memory_space<vmem>>
        %dma_start3A_512 = arith.constant 0 : i32
        %dma_start3A_513 = tpu.memref_slice %arg3[%squeeze3A_505, %dma_start3A_512] : memref<1000000x100xf32, #tpu.memory_space<hbm>> -> memref<1x100xf32, #tpu.memory_space<hbm>>
        %dma_start3A_514 = arith.constant 0 : i32
        %dma_start3A_515 = tpu.memref_slice %arg9[%add3A_509, %dma_start3A_514] : memref<128x100xf32, #tpu.memory_space<vmem>> -> memref<1x100xf32, #tpu.memory_space<vmem>>
        %dma_start3A_516 = arith.constant 0 : i32
        %dma_start3A_517 = tpu.memref_slice %arg3[%squeeze3A_505, %dma_start3A_516] : memref<1000000x100xf32, #tpu.memory_space<hbm>> -> memref<1x100xf32, #tpu.memory_space<hbm>>
        tpu.enqueue_dma source(%dma_start3A_517 : memref<1x100xf32, #tpu.memory_space<hbm>>) target(%dma_start3A_515 : memref<1x100xf32, #tpu.memory_space<vmem>>) target_semaphore(%arg13 : memref<!tpu.dma_semaphore, #tpu.memory_space<semaphore_mem>>)
        %slice3A_518 = vector.extract_strided_slice %get3A_449 {offsets = [5], sizes = [1], strides = [1]} : vector<16xi32> to vector<1xi32>
        %squeeze3A_519 = vector.extract %slice3A_518[0] : i32 from vector<1xi32>
        %mul3A_520 = arith.constant 16 : i32
        %mul3A_521 = arith.muli %scan3A_441, %mul3A_520 : i32
        %add3A_522 = arith.constant 5 : i32
        %add3A_523 = arith.addi %mul3A_521, %add3A_522 : i32
        %dma_start3A_524 = arith.constant 0 : i32
        %dma_start3A_525 = tpu.memref_slice %arg9[%add3A_523, %dma_start3A_524] : memref<128x100xf32, #tpu.memory_space<vmem>> -> memref<1x100xf32, #tpu.memory_space<vmem>>
        %dma_start3A_526 = arith.constant 0 : i32
        %dma_start3A_527 = tpu.memref_slice %arg3[%squeeze3A_519, %dma_start3A_526] : memref<1000000x100xf32, #tpu.memory_space<hbm>> -> memref<1x100xf32, #tpu.memory_space<hbm>>
        %dma_start3A_528 = arith.constant 0 : i32
        %dma_start3A_529 = tpu.memref_slice %arg9[%add3A_523, %dma_start3A_528] : memref<128x100xf32, #tpu.memory_space<vmem>> -> memref<1x100xf32, #tpu.memory_space<vmem>>
        %dma_start3A_530 = arith.constant 0 : i32
        %dma_start3A_531 = tpu.memref_slice %arg3[%squeeze3A_519, %dma_start3A_530] : memref<1000000x100xf32, #tpu.memory_space<hbm>> -> memref<1x100xf32, #tpu.memory_space<hbm>>
        tpu.enqueue_dma source(%dma_start3A_531 : memref<1x100xf32, #tpu.memory_space<hbm>>) target(%dma_start3A_529 : memref<1x100xf32, #tpu.memory_space<vmem>>) target_semaphore(%arg13 : memref<!tpu.dma_semaphore, #tpu.memory_space<semaphore_mem>>)
        %slice3A_532 = vector.extract_strided_slice %get3A_449 {offsets = [6], sizes = [1], strides = [1]} : vector<16xi32> to vector<1xi32>
        %squeeze3A_533 = vector.extract %slice3A_532[0] : i32 from vector<1xi32>
        %mul3A_534 = arith.constant 16 : i32
        %mul3A_535 = arith.muli %scan3A_441, %mul3A_534 : i32
        %add3A_536 = arith.constant 6 : i32
        %add3A_537 = arith.addi %mul3A_535, %add3A_536 : i32
        %dma_start3A_538 = arith.constant 0 : i32
        %dma_start3A_539 = tpu.memref_slice %arg9[%add3A_537, %dma_start3A_538] : memref<128x100xf32, #tpu.memory_space<vmem>> -> memref<1x100xf32, #tpu.memory_space<vmem>>
        %dma_start3A_540 = arith.constant 0 : i32
        %dma_start3A_541 = tpu.memref_slice %arg3[%squeeze3A_533, %dma_start3A_540] : memref<1000000x100xf32, #tpu.memory_space<hbm>> -> memref<1x100xf32, #tpu.memory_space<hbm>>
        %dma_start3A_542 = arith.constant 0 : i32
        %dma_start3A_543 = tpu.memref_slice %arg9[%add3A_537, %dma_start3A_542] : memref<128x100xf32, #tpu.memory_space<vmem>> -> memref<1x100xf32, #tpu.memory_space<vmem>>
        %dma_start3A_544 = arith.constant 0 : i32
        %dma_start3A_545 = tpu.memref_slice %arg3[%squeeze3A_533, %dma_start3A_544] : memref<1000000x100xf32, #tpu.memory_space<hbm>> -> memref<1x100xf32, #tpu.memory_space<hbm>>
        tpu.enqueue_dma source(%dma_start3A_545 : memref<1x100xf32, #tpu.memory_space<hbm>>) target(%dma_start3A_543 : memref<1x100xf32, #tpu.memory_space<vmem>>) target_semaphore(%arg13 : memref<!tpu.dma_semaphore, #tpu.memory_space<semaphore_mem>>)
        %slice3A_546 = vector.extract_strided_slice %get3A_449 {offsets = [7], sizes = [1], strides = [1]} : vector<16xi32> to vector<1xi32>
        %squeeze3A_547 = vector.extract %slice3A_546[0] : i32 from vector<1xi32>
        %mul3A_548 = arith.constant 16 : i32
        %mul3A_549 = arith.muli %scan3A_441, %mul3A_548 : i32
        %add3A_550 = arith.constant 7 : i32
        %add3A_551 = arith.addi %mul3A_549, %add3A_550 : i32
        %dma_start3A_552 = arith.constant 0 : i32
        %dma_start3A_553 = tpu.memref_slice %arg9[%add3A_551, %dma_start3A_552] : memref<128x100xf32, #tpu.memory_space<vmem>> -> memref<1x100xf32, #tpu.memory_space<vmem>>
        %dma_start3A_554 = arith.constant 0 : i32
        %dma_start3A_555 = tpu.memref_slice %arg3[%squeeze3A_547, %dma_start3A_554] : memref<1000000x100xf32, #tpu.memory_space<hbm>> -> memref<1x100xf32, #tpu.memory_space<hbm>>
        %dma_start3A_556 = arith.constant 0 : i32
        %dma_start3A_557 = tpu.memref_slice %arg9[%add3A_551, %dma_start3A_556] : memref<128x100xf32, #tpu.memory_space<vmem>> -> memref<1x100xf32, #tpu.memory_space<vmem>>
        %dma_start3A_558 = arith.constant 0 : i32
        %dma_start3A_559 = tpu.memref_slice %arg3[%squeeze3A_547, %dma_start3A_558] : memref<1000000x100xf32, #tpu.memory_space<hbm>> -> memref<1x100xf32, #tpu.memory_space<hbm>>
        tpu.enqueue_dma source(%dma_start3A_559 : memref<1x100xf32, #tpu.memory_space<hbm>>) target(%dma_start3A_557 : memref<1x100xf32, #tpu.memory_space<vmem>>) target_semaphore(%arg13 : memref<!tpu.dma_semaphore, #tpu.memory_space<semaphore_mem>>)
        %slice3A_560 = vector.extract_strided_slice %get3A_449 {offsets = [8], sizes = [1], strides = [1]} : vector<16xi32> to vector<1xi32>
        %squeeze3A_561 = vector.extract %slice3A_560[0] : i32 from vector<1xi32>
        %mul3A_562 = arith.constant 16 : i32
        %mul3A_563 = arith.muli %scan3A_441, %mul3A_562 : i32
        %add3A_564 = arith.constant 8 : i32
        %add3A_565 = arith.addi %mul3A_563, %add3A_564 : i32
        %dma_start3A_566 = arith.constant 0 : i32
        %dma_start3A_567 = tpu.memref_slice %arg9[%add3A_565, %dma_start3A_566] : memref<128x100xf32, #tpu.memory_space<vmem>> -> memref<1x100xf32, #tpu.memory_space<vmem>>
        %dma_start3A_568 = arith.constant 0 : i32
        %dma_start3A_569 = tpu.memref_slice %arg3[%squeeze3A_561, %dma_start3A_568] : memref<1000000x100xf32, #tpu.memory_space<hbm>> -> memref<1x100xf32, #tpu.memory_space<hbm>>
        %dma_start3A_570 = arith.constant 0 : i32
        %dma_start3A_571 = tpu.memref_slice %arg9[%add3A_565, %dma_start3A_570] : memref<128x100xf32, #tpu.memory_space<vmem>> -> memref<1x100xf32, #tpu.memory_space<vmem>>
        %dma_start3A_572 = arith.constant 0 : i32
        %dma_start3A_573 = tpu.memref_slice %arg3[%squeeze3A_561, %dma_start3A_572] : memref<1000000x100xf32, #tpu.memory_space<hbm>> -> memref<1x100xf32, #tpu.memory_space<hbm>>
        tpu.enqueue_dma source(%dma_start3A_573 : memref<1x100xf32, #tpu.memory_space<hbm>>) target(%dma_start3A_571 : memref<1x100xf32, #tpu.memory_space<vmem>>) target_semaphore(%arg13 : memref<!tpu.dma_semaphore, #tpu.memory_space<semaphore_mem>>)
        %slice3A_574 = vector.extract_strided_slice %get3A_449 {offsets = [9], sizes = [1], strides = [1]} : vector<16xi32> to vector<1xi32>
        %squeeze3A_575 = vector.extract %slice3A_574[0] : i32 from vector<1xi32>
        %mul3A_576 = arith.constant 16 : i32
        %mul3A_577 = arith.muli %scan3A_441, %mul3A_576 : i32
        %add3A_578 = arith.constant 9 : i32
        %add3A_579 = arith.addi %mul3A_577, %add3A_578 : i32
        %dma_start3A_580 = arith.constant 0 : i32
        %dma_start3A_581 = tpu.memref_slice %arg9[%add3A_579, %dma_start3A_580] : memref<128x100xf32, #tpu.memory_space<vmem>> -> memref<1x100xf32, #tpu.memory_space<vmem>>
        %dma_start3A_582 = arith.constant 0 : i32
        %dma_start3A_583 = tpu.memref_slice %arg3[%squeeze3A_575, %dma_start3A_582] : memref<1000000x100xf32, #tpu.memory_space<hbm>> -> memref<1x100xf32, #tpu.memory_space<hbm>>
        %dma_start3A_584 = arith.constant 0 : i32
        %dma_start3A_585 = tpu.memref_slice %arg9[%add3A_579, %dma_start3A_584] : memref<128x100xf32, #tpu.memory_space<vmem>> -> memref<1x100xf32, #tpu.memory_space<vmem>>
        %dma_start3A_586 = arith.constant 0 : i32
        %dma_start3A_587 = tpu.memref_slice %arg3[%squeeze3A_575, %dma_start3A_586] : memref<1000000x100xf32, #tpu.memory_space<hbm>> -> memref<1x100xf32, #tpu.memory_space<hbm>>
        tpu.enqueue_dma source(%dma_start3A_587 : memref<1x100xf32, #tpu.memory_space<hbm>>) target(%dma_start3A_585 : memref<1x100xf32, #tpu.memory_space<vmem>>) target_semaphore(%arg13 : memref<!tpu.dma_semaphore, #tpu.memory_space<semaphore_mem>>)
        %slice3A_588 = vector.extract_strided_slice %get3A_449 {offsets = [10], sizes = [1], strides = [1]} : vector<16xi32> to vector<1xi32>
        %squeeze3A_589 = vector.extract %slice3A_588[0] : i32 from vector<1xi32>
        %mul3A_590 = arith.constant 16 : i32
        %mul3A_591 = arith.muli %scan3A_441, %mul3A_590 : i32
        %add3A_592 = arith.constant 10 : i32
        %add3A_593 = arith.addi %mul3A_591, %add3A_592 : i32
        %dma_start3A_594 = arith.constant 0 : i32
        %dma_start3A_595 = tpu.memref_slice %arg9[%add3A_593, %dma_start3A_594] : memref<128x100xf32, #tpu.memory_space<vmem>> -> memref<1x100xf32, #tpu.memory_space<vmem>>
        %dma_start3A_596 = arith.constant 0 : i32
        %dma_start3A_597 = tpu.memref_slice %arg3[%squeeze3A_589, %dma_start3A_596] : memref<1000000x100xf32, #tpu.memory_space<hbm>> -> memref<1x100xf32, #tpu.memory_space<hbm>>
        %dma_start3A_598 = arith.constant 0 : i32
        %dma_start3A_599 = tpu.memref_slice %arg9[%add3A_593, %dma_start3A_598] : memref<128x100xf32, #tpu.memory_space<vmem>> -> memref<1x100xf32, #tpu.memory_space<vmem>>
        %dma_start3A_600 = arith.constant 0 : i32
        %dma_start3A_601 = tpu.memref_slice %arg3[%squeeze3A_589, %dma_start3A_600] : memref<1000000x100xf32, #tpu.memory_space<hbm>> -> memref<1x100xf32, #tpu.memory_space<hbm>>
        tpu.enqueue_dma source(%dma_start3A_601 : memref<1x100xf32, #tpu.memory_space<hbm>>) target(%dma_start3A_599 : memref<1x100xf32, #tpu.memory_space<vmem>>) target_semaphore(%arg13 : memref<!tpu.dma_semaphore, #tpu.memory_space<semaphore_mem>>)
        %slice3A_602 = vector.extract_strided_slice %get3A_449 {offsets = [11], sizes = [1], strides = [1]} : vector<16xi32> to vector<1xi32>
        %squeeze3A_603 = vector.extract %slice3A_602[0] : i32 from vector<1xi32>
        %mul3A_604 = arith.constant 16 : i32
        %mul3A_605 = arith.muli %scan3A_441, %mul3A_604 : i32
        %add3A_606 = arith.constant 11 : i32
        %add3A_607 = arith.addi %mul3A_605, %add3A_606 : i32
        %dma_start3A_608 = arith.constant 0 : i32
        %dma_start3A_609 = tpu.memref_slice %arg9[%add3A_607, %dma_start3A_608] : memref<128x100xf32, #tpu.memory_space<vmem>> -> memref<1x100xf32, #tpu.memory_space<vmem>>
        %dma_start3A_610 = arith.constant 0 : i32
        %dma_start3A_611 = tpu.memref_slice %arg3[%squeeze3A_603, %dma_start3A_610] : memref<1000000x100xf32, #tpu.memory_space<hbm>> -> memref<1x100xf32, #tpu.memory_space<hbm>>
        %dma_start3A_612 = arith.constant 0 : i32
        %dma_start3A_613 = tpu.memref_slice %arg9[%add3A_607, %dma_start3A_612] : memref<128x100xf32, #tpu.memory_space<vmem>> -> memref<1x100xf32, #tpu.memory_space<vmem>>
        %dma_start3A_614 = arith.constant 0 : i32
        %dma_start3A_615 = tpu.memref_slice %arg3[%squeeze3A_603, %dma_start3A_614] : memref<1000000x100xf32, #tpu.memory_space<hbm>> -> memref<1x100xf32, #tpu.memory_space<hbm>>
        tpu.enqueue_dma source(%dma_start3A_615 : memref<1x100xf32, #tpu.memory_space<hbm>>) target(%dma_start3A_613 : memref<1x100xf32, #tpu.memory_space<vmem>>) target_semaphore(%arg13 : memref<!tpu.dma_semaphore, #tpu.memory_space<semaphore_mem>>)
        %slice3A_616 = vector.extract_strided_slice %get3A_449 {offsets = [12], sizes = [1], strides = [1]} : vector<16xi32> to vector<1xi32>
        %squeeze3A_617 = vector.extract %slice3A_616[0] : i32 from vector<1xi32>
        %mul3A_618 = arith.constant 16 : i32
        %mul3A_619 = arith.muli %scan3A_441, %mul3A_618 : i32
        %add3A_620 = arith.constant 12 : i32
        %add3A_621 = arith.addi %mul3A_619, %add3A_620 : i32
        %dma_start3A_622 = arith.constant 0 : i32
        %dma_start3A_623 = tpu.memref_slice %arg9[%add3A_621, %dma_start3A_622] : memref<128x100xf32, #tpu.memory_space<vmem>> -> memref<1x100xf32, #tpu.memory_space<vmem>>
        %dma_start3A_624 = arith.constant 0 : i32
        %dma_start3A_625 = tpu.memref_slice %arg3[%squeeze3A_617, %dma_start3A_624] : memref<1000000x100xf32, #tpu.memory_space<hbm>> -> memref<1x100xf32, #tpu.memory_space<hbm>>
        %dma_start3A_626 = arith.constant 0 : i32
        %dma_start3A_627 = tpu.memref_slice %arg9[%add3A_621, %dma_start3A_626] : memref<128x100xf32, #tpu.memory_space<vmem>> -> memref<1x100xf32, #tpu.memory_space<vmem>>
        %dma_start3A_628 = arith.constant 0 : i32
        %dma_start3A_629 = tpu.memref_slice %arg3[%squeeze3A_617, %dma_start3A_628] : memref<1000000x100xf32, #tpu.memory_space<hbm>> -> memref<1x100xf32, #tpu.memory_space<hbm>>
        tpu.enqueue_dma source(%dma_start3A_629 : memref<1x100xf32, #tpu.memory_space<hbm>>) target(%dma_start3A_627 : memref<1x100xf32, #tpu.memory_space<vmem>>) target_semaphore(%arg13 : memref<!tpu.dma_semaphore, #tpu.memory_space<semaphore_mem>>)
        %slice3A_630 = vector.extract_strided_slice %get3A_449 {offsets = [13], sizes = [1], strides = [1]} : vector<16xi32> to vector<1xi32>
        %squeeze3A_631 = vector.extract %slice3A_630[0] : i32 from vector<1xi32>
        %mul3A_632 = arith.constant 16 : i32
        %mul3A_633 = arith.muli %scan3A_441, %mul3A_632 : i32
        %add3A_634 = arith.constant 13 : i32
        %add3A_635 = arith.addi %mul3A_633, %add3A_634 : i32
        %dma_start3A_636 = arith.constant 0 : i32
        %dma_start3A_637 = tpu.memref_slice %arg9[%add3A_635, %dma_start3A_636] : memref<128x100xf32, #tpu.memory_space<vmem>> -> memref<1x100xf32, #tpu.memory_space<vmem>>
        %dma_start3A_638 = arith.constant 0 : i32
        %dma_start3A_639 = tpu.memref_slice %arg3[%squeeze3A_631, %dma_start3A_638] : memref<1000000x100xf32, #tpu.memory_space<hbm>> -> memref<1x100xf32, #tpu.memory_space<hbm>>
        %dma_start3A_640 = arith.constant 0 : i32
        %dma_start3A_641 = tpu.memref_slice %arg9[%add3A_635, %dma_start3A_640] : memref<128x100xf32, #tpu.memory_space<vmem>> -> memref<1x100xf32, #tpu.memory_space<vmem>>
        %dma_start3A_642 = arith.constant 0 : i32
        %dma_start3A_643 = tpu.memref_slice %arg3[%squeeze3A_631, %dma_start3A_642] : memref<1000000x100xf32, #tpu.memory_space<hbm>> -> memref<1x100xf32, #tpu.memory_space<hbm>>
        tpu.enqueue_dma source(%dma_start3A_643 : memref<1x100xf32, #tpu.memory_space<hbm>>) target(%dma_start3A_641 : memref<1x100xf32, #tpu.memory_space<vmem>>) target_semaphore(%arg13 : memref<!tpu.dma_semaphore, #tpu.memory_space<semaphore_mem>>)
        %slice3A_644 = vector.extract_strided_slice %get3A_449 {offsets = [14], sizes = [1], strides = [1]} : vector<16xi32> to vector<1xi32>
        %squeeze3A_645 = vector.extract %slice3A_644[0] : i32 from vector<1xi32>
        %mul3A_646 = arith.constant 16 : i32
        %mul3A_647 = arith.muli %scan3A_441, %mul3A_646 : i32
        %add3A_648 = arith.constant 14 : i32
        %add3A_649 = arith.addi %mul3A_647, %add3A_648 : i32
        %dma_start3A_650 = arith.constant 0 : i32
        %dma_start3A_651 = tpu.memref_slice %arg9[%add3A_649, %dma_start3A_650] : memref<128x100xf32, #tpu.memory_space<vmem>> -> memref<1x100xf32, #tpu.memory_space<vmem>>
        %dma_start3A_652 = arith.constant 0 : i32
        %dma_start3A_653 = tpu.memref_slice %arg3[%squeeze3A_645, %dma_start3A_652] : memref<1000000x100xf32, #tpu.memory_space<hbm>> -> memref<1x100xf32, #tpu.memory_space<hbm>>
        %dma_start3A_654 = arith.constant 0 : i32
        %dma_start3A_655 = tpu.memref_slice %arg9[%add3A_649, %dma_start3A_654] : memref<128x100xf32, #tpu.memory_space<vmem>> -> memref<1x100xf32, #tpu.memory_space<vmem>>
        %dma_start3A_656 = arith.constant 0 : i32
        %dma_start3A_657 = tpu.memref_slice %arg3[%squeeze3A_645, %dma_start3A_656] : memref<1000000x100xf32, #tpu.memory_space<hbm>> -> memref<1x100xf32, #tpu.memory_space<hbm>>
        tpu.enqueue_dma source(%dma_start3A_657 : memref<1x100xf32, #tpu.memory_space<hbm>>) target(%dma_start3A_655 : memref<1x100xf32, #tpu.memory_space<vmem>>) target_semaphore(%arg13 : memref<!tpu.dma_semaphore, #tpu.memory_space<semaphore_mem>>)
        %slice3A_658 = vector.extract_strided_slice %get3A_449 {offsets = [15], sizes = [1], strides = [1]} : vector<16xi32> to vector<1xi32>
        %squeeze3A_659 = vector.extract %slice3A_658[0] : i32 from vector<1xi32>
        %mul3A_660 = arith.constant 16 : i32
        %mul3A_661 = arith.muli %scan3A_441, %mul3A_660 : i32
        %add3A_662 = arith.constant 15 : i32
        %add3A_663 = arith.addi %mul3A_661, %add3A_662 : i32
        %dma_start3A_664 = arith.constant 0 : i32
        %dma_start3A_665 = tpu.memref_slice %arg9[%add3A_663, %dma_start3A_664] : memref<128x100xf32, #tpu.memory_space<vmem>> -> memref<1x100xf32, #tpu.memory_space<vmem>>
        %dma_start3A_666 = arith.constant 0 : i32
        %dma_start3A_667 = tpu.memref_slice %arg3[%squeeze3A_659, %dma_start3A_666] : memref<1000000x100xf32, #tpu.memory_space<hbm>> -> memref<1x100xf32, #tpu.memory_space<hbm>>
        %dma_start3A_668 = arith.constant 0 : i32
        %dma_start3A_669 = tpu.memref_slice %arg9[%add3A_663, %dma_start3A_668] : memref<128x100xf32, #tpu.memory_space<vmem>> -> memref<1x100xf32, #tpu.memory_space<vmem>>
        %dma_start3A_670 = arith.constant 0 : i32
        %dma_start3A_671 = tpu.memref_slice %arg3[%squeeze3A_659, %dma_start3A_670] : memref<1000000x100xf32, #tpu.memory_space<hbm>> -> memref<1x100xf32, #tpu.memory_space<hbm>>
        tpu.enqueue_dma source(%dma_start3A_671 : memref<1x100xf32, #tpu.memory_space<hbm>>) target(%dma_start3A_669 : memref<1x100xf32, #tpu.memory_space<vmem>>) target_semaphore(%arg13 : memref<!tpu.dma_semaphore, #tpu.memory_space<semaphore_mem>>)
      }
      %scan3A_211 = arith.constant 8 : i32
      %dma_wait3A_212 = arith.constant 0 : i32
      %dma_wait3A_213 = arith.constant 0 : i32
      %dma_wait3A_214 = tpu.memref_slice %arg3[%dma_wait3A_212, %dma_wait3A_213] : memref<1000000x100xf32, #tpu.memory_space<hbm>> -> memref<128x100xf32, #tpu.memory_space<hbm>>
      %dma_wait3A_215 = arith.constant 0 : i32
      %dma_wait3A_216 = arith.constant 0 : i32
      %dma_wait3A_217 = tpu.memref_slice %arg3[%dma_wait3A_215, %dma_wait3A_216] : memref<1000000x100xf32, #tpu.memory_space<hbm>> -> memref<128x100xf32, #tpu.memory_space<hbm>>
      tpu.wait_dma2 semaphore(%arg11 : memref<!tpu.dma_semaphore, #tpu.memory_space<semaphore_mem>>) src(%dma_wait3A_217 : memref<128x100xf32, #tpu.memory_space<hbm>>) dst(%arg7 : memref<128x100xf32, #tpu.memory_space<vmem>>)
      %add3A_218 = arith.addi %mul3A_2, %mul3A_201 : i32
      %jit3A_219 = arith.constant 8 : i32
      %div3A_220 = arith.divsi %add3A_218, %jit3A_219 : i32
      %sign3A_221 = arith.constant 0 : i32
      %sign3A_222 = arith.cmpi sgt, %add3A_218, %sign3A_221 : i32
      %sign3A_223 = arith.extui %sign3A_222 : i1 to i32
      %sign3A_224 = arith.constant 0 : i32
      %sign3A_225 = arith.cmpi slt, %add3A_218, %sign3A_224 : i32
      %sign3A_226 = arith.extui %sign3A_225 : i1 to i32
      %sign3A_227 = arith.subi %sign3A_223, %sign3A_226 : i32
      %sign3A_228 = arith.constant 0 : i32
      %sign3A_229 = arith.cmpi sgt, %jit3A_219, %sign3A_228 : i32
      %sign3A_230 = arith.extui %sign3A_229 : i1 to i32
      %sign3A_231 = arith.constant 0 : i32
      %sign3A_232 = arith.cmpi slt, %jit3A_219, %sign3A_231 : i32
      %sign3A_233 = arith.extui %sign3A_232 : i1 to i32
      %sign3A_234 = arith.subi %sign3A_230, %sign3A_233 : i32
      %ne3A_235 = arith.cmpi ne, %sign3A_227, %sign3A_234 : i32
      %rem3A_236 = arith.remsi %add3A_218, %jit3A_219 : i32
      %ne3A_237 = arith.constant 0 : i32
      %ne3A_238 = arith.cmpi ne, %rem3A_236, %ne3A_237 : i32
      %and3A_239 = arith.andi %ne3A_235, %ne3A_238 : i1
      %sub3A_240 = arith.constant 1 : i32
      %sub3A_241 = arith.subi %div3A_220, %sub3A_240 : i32
      %select_n3A_242 = arith.select %and3A_239, %sub3A_241, %div3A_220 : i32
      %get3A_243 = arith.index_cast %select_n3A_242 : i32 to index
      %get3A_244 = arith.constant 0 : index
      %get3A_245 = tpu.vector_load %arg10[%get3A_243, %get3A_244] {strides = array<i32>} : memref<200x128xf32, #tpu.memory_space<vmem>>, vector<1x16xf32>,
      %get3A_246 = vector.shape_cast %get3A_245 : vector<1x16xf32> to vector<16xf32>
      %get3A_247 = arith.index_cast %select_n3A_242 : i32 to index
      %get3A_248 = arith.constant 16 : index
      %get3A_249 = tpu.vector_load %arg10[%get3A_247, %get3A_248] {strides = array<i32>} : memref<200x128xf32, #tpu.memory_space<vmem>>, vector<1x16xf32>,
      %get3A_250 = vector.shape_cast %get3A_249 : vector<1x16xf32> to vector<16xf32>
      %get3A_251 = arith.index_cast %select_n3A_242 : i32 to index
      %get3A_252 = arith.constant 32 : index
      %get3A_253 = tpu.vector_load %arg10[%get3A_251, %get3A_252] {strides = array<i32>} : memref<200x128xf32, #tpu.memory_space<vmem>>, vector<1x16xf32>,
      %get3A_254 = vector.shape_cast %get3A_253 : vector<1x16xf32> to vector<16xf32>
      %get3A_255 = arith.index_cast %select_n3A_242 : i32 to index
      %get3A_256 = arith.constant 48 : index
      %get3A_257 = tpu.vector_load %arg10[%get3A_255, %get3A_256] {strides = array<i32>} : memref<200x128xf32, #tpu.memory_space<vmem>>, vector<1x16xf32>,
      %get3A_258 = vector.shape_cast %get3A_257 : vector<1x16xf32> to vector<16xf32>
      %get3A_259 = arith.index_cast %select_n3A_242 : i32 to index
      %get3A_260 = arith.constant 64 : index
      %get3A_261 = tpu.vector_load %arg10[%get3A_259, %get3A_260] {strides = array<i32>} : memref<200x128xf32, #tpu.memory_space<vmem>>, vector<1x16xf32>,
      %get3A_262 = vector.shape_cast %get3A_261 : vector<1x16xf32> to vector<16xf32>
      %get3A_263 = arith.index_cast %select_n3A_242 : i32 to index
      %get3A_264 = arith.constant 80 : index
      %get3A_265 = tpu.vector_load %arg10[%get3A_263, %get3A_264] {strides = array<i32>} : memref<200x128xf32, #tpu.memory_space<vmem>>, vector<1x16xf32>,
      %get3A_266 = vector.shape_cast %get3A_265 : vector<1x16xf32> to vector<16xf32>
      %get3A_267 = arith.index_cast %select_n3A_242 : i32 to index
      %get3A_268 = arith.constant 112 : index
      %get3A_269 = tpu.vector_load %arg10[%get3A_267, %get3A_268] {strides = array<i32>} : memref<200x128xf32, #tpu.memory_space<vmem>>, vector<1x16xf32>,
      %get3A_270 = vector.shape_cast %get3A_269 : vector<1x16xf32> to vector<16xf32>
      %scan3A_271 = arith.constant 0 : i32
      %scan3A_272 = arith.constant 0 : i32
      %scan3A_273 = arith.constant 64 : i32
      %scan3A_274 = arith.addi %scan3A_272, %scan3A_273 : i32
      %scan3A_275 = arith.constant 1 : i32
      scf.for %scan3A_441 = %scan3A_272 to %scan3A_274 step %scan3A_275  : i32 {
        %mul3A_442 = arith.constant 2 : i32
        %mul3A_443 = arith.muli %mul3A_442, %scan3A_441 : i32
        %mul3A_444 = arith.constant 2 : i32
        %mul3A_445 = arith.muli %mul3A_444, %scan3A_441 : i32
        %add3A_446 = arith.constant 1 : i32
        %add3A_447 = arith.addi %mul3A_445, %add3A_446 : i32
        %get3A_448 = arith.index_cast %mul3A_443 : i32 to index
        %get3A_449 = arith.constant 0 : index
        %get3A_450 = tpu.vector_load %arg7[%get3A_448, %get3A_449] {strides = array<i32>} : memref<128x100xf32, #tpu.memory_space<vmem>>, vector<1x16xf32>,
        %get3A_451 = vector.shape_cast %get3A_450 : vector<1x16xf32> to vector<16xf32>
        %add3A_452 = arith.addf %get3A_451, %get3A_246 : vector<16xf32>
        %swap3A = arith.index_cast %mul3A_443 : i32 to index
        %swap3A_453 = arith.constant 0 : index
        %swap3A_454 = tpu.vector_load %arg7[%swap3A, %swap3A_453] {strides = array<i32>} : memref<128x100xf32, #tpu.memory_space<vmem>>, vector<1x16xf32>,
        %swap3A_455 = vector.shape_cast %swap3A_454 : vector<1x16xf32> to vector<16xf32>
        %swap3A_456 = vector.shape_cast %add3A_452 : vector<16xf32> to vector<1x16xf32>
        tpu.vector_store %arg7[%swap3A, %swap3A_453], %swap3A_456 {strides = array<i32>} : memref<128x100xf32, #tpu.memory_space<vmem>>, vector<1x16xf32>,
        %get3A_457 = arith.index_cast %mul3A_443 : i32 to index
        %get3A_458 = arith.constant 16 : index
        %get3A_459 = tpu.vector_load %arg7[%get3A_457, %get3A_458] {strides = array<i32>} : memref<128x100xf32, #tpu.memory_space<vmem>>, vector<1x16xf32>,
        %get3A_460 = vector.shape_cast %get3A_459 : vector<1x16xf32> to vector<16xf32>
        %add3A_461 = arith.addf %get3A_460, %get3A_250 : vector<16xf32>
        %swap3A_462 = arith.index_cast %mul3A_443 : i32 to index
        %swap3A_463 = arith.constant 16 : index
        %swap3A_464 = tpu.vector_load %arg7[%swap3A_462, %swap3A_463] {strides = array<i32>} : memref<128x100xf32, #tpu.memory_space<vmem>>, vector<1x16xf32>,
        %swap3A_465 = vector.shape_cast %swap3A_464 : vector<1x16xf32> to vector<16xf32>
        %swap3A_466 = vector.shape_cast %add3A_461 : vector<16xf32> to vector<1x16xf32>
        tpu.vector_store %arg7[%swap3A_462, %swap3A_463], %swap3A_466 {strides = array<i32>} : memref<128x100xf32, #tpu.memory_space<vmem>>, vector<1x16xf32>,
        %get3A_467 = arith.index_cast %mul3A_443 : i32 to index
        %get3A_468 = arith.constant 32 : index
        %get3A_469 = tpu.vector_load %arg7[%get3A_467, %get3A_468] {strides = array<i32>} : memref<128x100xf32, #tpu.memory_space<vmem>>, vector<1x16xf32>,
        %get3A_470 = vector.shape_cast %get3A_469 : vector<1x16xf32> to vector<16xf32>
        %add3A_471 = arith.addf %get3A_470, %get3A_254 : vector<16xf32>
        %swap3A_472 = arith.index_cast %mul3A_443 : i32 to index
        %swap3A_473 = arith.constant 32 : index
        %swap3A_474 = tpu.vector_load %arg7[%swap3A_472, %swap3A_473] {strides = array<i32>} : memref<128x100xf32, #tpu.memory_space<vmem>>, vector<1x16xf32>,
        %swap3A_475 = vector.shape_cast %swap3A_474 : vector<1x16xf32> to vector<16xf32>
        %swap3A_476 = vector.shape_cast %add3A_471 : vector<16xf32> to vector<1x16xf32>
        tpu.vector_store %arg7[%swap3A_472, %swap3A_473], %swap3A_476 {strides = array<i32>} : memref<128x100xf32, #tpu.memory_space<vmem>>, vector<1x16xf32>,
        %get3A_477 = arith.index_cast %mul3A_443 : i32 to index
        %get3A_478 = arith.constant 48 : index
        %get3A_479 = tpu.vector_load %arg7[%get3A_477, %get3A_478] {strides = array<i32>} : memref<128x100xf32, #tpu.memory_space<vmem>>, vector<1x16xf32>,
        %get3A_480 = vector.shape_cast %get3A_479 : vector<1x16xf32> to vector<16xf32>
        %add3A_481 = arith.addf %get3A_480, %get3A_258 : vector<16xf32>
        %swap3A_482 = arith.index_cast %mul3A_443 : i32 to index
        %swap3A_483 = arith.constant 48 : index
        %swap3A_484 = tpu.vector_load %arg7[%swap3A_482, %swap3A_483] {strides = array<i32>} : memref<128x100xf32, #tpu.memory_space<vmem>>, vector<1x16xf32>,
        %swap3A_485 = vector.shape_cast %swap3A_484 : vector<1x16xf32> to vector<16xf32>
        %swap3A_486 = vector.shape_cast %add3A_481 : vector<16xf32> to vector<1x16xf32>
        tpu.vector_store %arg7[%swap3A_482, %swap3A_483], %swap3A_486 {strides = array<i32>} : memref<128x100xf32, #tpu.memory_space<vmem>>, vector<1x16xf32>,
        %get3A_487 = arith.index_cast %mul3A_443 : i32 to index
        %get3A_488 = arith.constant 64 : index
        %get3A_489 = tpu.vector_load %arg7[%get3A_487, %get3A_488] {strides = array<i32>} : memref<128x100xf32, #tpu.memory_space<vmem>>, vector<1x16xf32>,
        %get3A_490 = vector.shape_cast %get3A_489 : vector<1x16xf32> to vector<16xf32>
        %add3A_491 = arith.addf %get3A_490, %get3A_262 : vector<16xf32>
        %swap3A_492 = arith.index_cast %mul3A_443 : i32 to index
        %swap3A_493 = arith.constant 64 : index
        %swap3A_494 = tpu.vector_load %arg7[%swap3A_492, %swap3A_493] {strides = array<i32>} : memref<128x100xf32, #tpu.memory_space<vmem>>, vector<1x16xf32>,
        %swap3A_495 = vector.shape_cast %swap3A_494 : vector<1x16xf32> to vector<16xf32>
        %swap3A_496 = vector.shape_cast %add3A_491 : vector<16xf32> to vector<1x16xf32>
        tpu.vector_store %arg7[%swap3A_492, %swap3A_493], %swap3A_496 {strides = array<i32>} : memref<128x100xf32, #tpu.memory_space<vmem>>, vector<1x16xf32>,
        %get3A_497 = arith.index_cast %mul3A_443 : i32 to index
        %get3A_498 = arith.constant 80 : index
        %get3A_499 = tpu.vector_load %arg7[%get3A_497, %get3A_498] {strides = array<i32>} : memref<128x100xf32, #tpu.memory_space<vmem>>, vector<1x16xf32>,
        %get3A_500 = vector.shape_cast %get3A_499 : vector<1x16xf32> to vector<16xf32>
        %add3A_501 = arith.addf %get3A_500, %get3A_266 : vector<16xf32>
        %swap3A_502 = arith.index_cast %mul3A_443 : i32 to index
        %swap3A_503 = arith.constant 80 : index
        %swap3A_504 = tpu.vector_load %arg7[%swap3A_502, %swap3A_503] {strides = array<i32>} : memref<128x100xf32, #tpu.memory_space<vmem>>, vector<1x16xf32>,
        %swap3A_505 = vector.shape_cast %swap3A_504 : vector<1x16xf32> to vector<16xf32>
        %swap3A_506 = vector.shape_cast %add3A_501 : vector<16xf32> to vector<1x16xf32>
        tpu.vector_store %arg7[%swap3A_502, %swap3A_503], %swap3A_506 {strides = array<i32>} : memref<128x100xf32, #tpu.memory_space<vmem>>, vector<1x16xf32>,
        %get3A_507 = arith.index_cast %mul3A_443 : i32 to index
        %get3A_508 = arith.constant 84 : index
        %get3A_509 = tpu.vector_load %arg7[%get3A_507, %get3A_508] {strides = array<i32>} : memref<128x100xf32, #tpu.memory_space<vmem>>, vector<1x16xf32>,
        %get3A_510 = vector.shape_cast %get3A_509 : vector<1x16xf32> to vector<16xf32>
        %add3A_511 = arith.addf %get3A_510, %get3A_270 : vector<16xf32>
        %swap3A_512 = arith.index_cast %mul3A_443 : i32 to index
        %swap3A_513 = arith.constant 84 : index
        %swap3A_514 = tpu.vector_load %arg7[%swap3A_512, %swap3A_513] {strides = array<i32>} : memref<128x100xf32, #tpu.memory_space<vmem>>, vector<1x16xf32>,
        %swap3A_515 = vector.shape_cast %swap3A_514 : vector<1x16xf32> to vector<16xf32>
        %swap3A_516 = vector.shape_cast %add3A_511 : vector<16xf32> to vector<1x16xf32>
        tpu.vector_store %arg7[%swap3A_512, %swap3A_513], %swap3A_516 {strides = array<i32>} : memref<128x100xf32, #tpu.memory_space<vmem>>, vector<1x16xf32>,
        %get3A_517 = arith.index_cast %add3A_447 : i32 to index
        %get3A_518 = arith.constant 0 : index
        %get3A_519 = tpu.vector_load %arg7[%get3A_517, %get3A_518] {strides = array<i32>} : memref<128x100xf32, #tpu.memory_space<vmem>>, vector<1x16xf32>,
        %get3A_520 = vector.shape_cast %get3A_519 : vector<1x16xf32> to vector<16xf32>
        %add3A_521 = arith.addf %get3A_520, %get3A_246 : vector<16xf32>
        %swap3A_522 = arith.index_cast %add3A_447 : i32 to index
        %swap3A_523 = arith.constant 0 : index
        %swap3A_524 = tpu.vector_load %arg7[%swap3A_522, %swap3A_523] {strides = array<i32>} : memref<128x100xf32, #tpu.memory_space<vmem>>, vector<1x16xf32>,
        %swap3A_525 = vector.shape_cast %swap3A_524 : vector<1x16xf32> to vector<16xf32>
        %swap3A_526 = vector.shape_cast %add3A_521 : vector<16xf32> to vector<1x16xf32>
        tpu.vector_store %arg7[%swap3A_522, %swap3A_523], %swap3A_526 {strides = array<i32>} : memref<128x100xf32, #tpu.memory_space<vmem>>, vector<1x16xf32>,
        %get3A_527 = arith.index_cast %add3A_447 : i32 to index
        %get3A_528 = arith.constant 16 : index
        %get3A_529 = tpu.vector_load %arg7[%get3A_527, %get3A_528] {strides = array<i32>} : memref<128x100xf32, #tpu.memory_space<vmem>>, vector<1x16xf32>,
        %get3A_530 = vector.shape_cast %get3A_529 : vector<1x16xf32> to vector<16xf32>
        %add3A_531 = arith.addf %get3A_530, %get3A_250 : vector<16xf32>
        %swap3A_532 = arith.index_cast %add3A_447 : i32 to index
        %swap3A_533 = arith.constant 16 : index
        %swap3A_534 = tpu.vector_load %arg7[%swap3A_532, %swap3A_533] {strides = array<i32>} : memref<128x100xf32, #tpu.memory_space<vmem>>, vector<1x16xf32>,
        %swap3A_535 = vector.shape_cast %swap3A_534 : vector<1x16xf32> to vector<16xf32>
        %swap3A_536 = vector.shape_cast %add3A_531 : vector<16xf32> to vector<1x16xf32>
        tpu.vector_store %arg7[%swap3A_532, %swap3A_533], %swap3A_536 {strides = array<i32>} : memref<128x100xf32, #tpu.memory_space<vmem>>, vector<1x16xf32>,
        %get3A_537 = arith.index_cast %add3A_447 : i32 to index
        %get3A_538 = arith.constant 32 : index
        %get3A_539 = tpu.vector_load %arg7[%get3A_537, %get3A_538] {strides = array<i32>} : memref<128x100xf32, #tpu.memory_space<vmem>>, vector<1x16xf32>,
        %get3A_540 = vector.shape_cast %get3A_539 : vector<1x16xf32> to vector<16xf32>
        %add3A_541 = arith.addf %get3A_540, %get3A_254 : vector<16xf32>
        %swap3A_542 = arith.index_cast %add3A_447 : i32 to index
        %swap3A_543 = arith.constant 32 : index
        %swap3A_544 = tpu.vector_load %arg7[%swap3A_542, %swap3A_543] {strides = array<i32>} : memref<128x100xf32, #tpu.memory_space<vmem>>, vector<1x16xf32>,
        %swap3A_545 = vector.shape_cast %swap3A_544 : vector<1x16xf32> to vector<16xf32>
        %swap3A_546 = vector.shape_cast %add3A_541 : vector<16xf32> to vector<1x16xf32>
        tpu.vector_store %arg7[%swap3A_542, %swap3A_543], %swap3A_546 {strides = array<i32>} : memref<128x100xf32, #tpu.memory_space<vmem>>, vector<1x16xf32>,
        %get3A_547 = arith.index_cast %add3A_447 : i32 to index
        %get3A_548 = arith.constant 48 : index
        %get3A_549 = tpu.vector_load %arg7[%get3A_547, %get3A_548] {strides = array<i32>} : memref<128x100xf32, #tpu.memory_space<vmem>>, vector<1x16xf32>,
        %get3A_550 = vector.shape_cast %get3A_549 : vector<1x16xf32> to vector<16xf32>
        %add3A_551 = arith.addf %get3A_550, %get3A_258 : vector<16xf32>
        %swap3A_552 = arith.index_cast %add3A_447 : i32 to index
        %swap3A_553 = arith.constant 48 : index
        %swap3A_554 = tpu.vector_load %arg7[%swap3A_552, %swap3A_553] {strides = array<i32>} : memref<128x100xf32, #tpu.memory_space<vmem>>, vector<1x16xf32>,
        %swap3A_555 = vector.shape_cast %swap3A_554 : vector<1x16xf32> to vector<16xf32>
        %swap3A_556 = vector.shape_cast %add3A_551 : vector<16xf32> to vector<1x16xf32>
        tpu.vector_store %arg7[%swap3A_552, %swap3A_553], %swap3A_556 {strides = array<i32>} : memref<128x100xf32, #tpu.memory_space<vmem>>, vector<1x16xf32>,
        %get3A_557 = arith.index_cast %add3A_447 : i32 to index
        %get3A_558 = arith.constant 64 : index
        %get3A_559 = tpu.vector_load %arg7[%get3A_557, %get3A_558] {strides = array<i32>} : memref<128x100xf32, #tpu.memory_space<vmem>>, vector<1x16xf32>,
        %get3A_560 = vector.shape_cast %get3A_559 : vector<1x16xf32> to vector<16xf32>
        %add3A_561 = arith.addf %get3A_560, %get3A_262 : vector<16xf32>
        %swap3A_562 = arith.index_cast %add3A_447 : i32 to index
        %swap3A_563 = arith.constant 64 : index
        %swap3A_564 = tpu.vector_load %arg7[%swap3A_562, %swap3A_563] {strides = array<i32>} : memref<128x100xf32, #tpu.memory_space<vmem>>, vector<1x16xf32>,
        %swap3A_565 = vector.shape_cast %swap3A_564 : vector<1x16xf32> to vector<16xf32>
        %swap3A_566 = vector.shape_cast %add3A_561 : vector<16xf32> to vector<1x16xf32>
        tpu.vector_store %arg7[%swap3A_562, %swap3A_563], %swap3A_566 {strides = array<i32>} : memref<128x100xf32, #tpu.memory_space<vmem>>, vector<1x16xf32>,
        %get3A_567 = arith.index_cast %add3A_447 : i32 to index
        %get3A_568 = arith.constant 80 : index
        %get3A_569 = tpu.vector_load %arg7[%get3A_567, %get3A_568] {strides = array<i32>} : memref<128x100xf32, #tpu.memory_space<vmem>>, vector<1x16xf32>,
        %get3A_570 = vector.shape_cast %get3A_569 : vector<1x16xf32> to vector<16xf32>
        %add3A_571 = arith.addf %get3A_570, %get3A_266 : vector<16xf32>
        %swap3A_572 = arith.index_cast %add3A_447 : i32 to index
        %swap3A_573 = arith.constant 80 : index
        %swap3A_574 = tpu.vector_load %arg7[%swap3A_572, %swap3A_573] {strides = array<i32>} : memref<128x100xf32, #tpu.memory_space<vmem>>, vector<1x16xf32>,
        %swap3A_575 = vector.shape_cast %swap3A_574 : vector<1x16xf32> to vector<16xf32>
        %swap3A_576 = vector.shape_cast %add3A_571 : vector<16xf32> to vector<1x16xf32>
        tpu.vector_store %arg7[%swap3A_572, %swap3A_573], %swap3A_576 {strides = array<i32>} : memref<128x100xf32, #tpu.memory_space<vmem>>, vector<1x16xf32>,
        %get3A_577 = arith.index_cast %add3A_447 : i32 to index
        %get3A_578 = arith.constant 84 : index
        %get3A_579 = tpu.vector_load %arg7[%get3A_577, %get3A_578] {strides = array<i32>} : memref<128x100xf32, #tpu.memory_space<vmem>>, vector<1x16xf32>,
        %get3A_580 = vector.shape_cast %get3A_579 : vector<1x16xf32> to vector<16xf32>
        %add3A_581 = arith.addf %get3A_580, %get3A_270 : vector<16xf32>
        %swap3A_582 = arith.index_cast %add3A_447 : i32 to index
        %swap3A_583 = arith.constant 84 : index
        %swap3A_584 = tpu.vector_load %arg7[%swap3A_582, %swap3A_583] {strides = array<i32>} : memref<128x100xf32, #tpu.memory_space<vmem>>, vector<1x16xf32>,
        %swap3A_585 = vector.shape_cast %swap3A_584 : vector<1x16xf32> to vector<16xf32>
        %swap3A_586 = vector.shape_cast %add3A_581 : vector<16xf32> to vector<1x16xf32>
        tpu.vector_store %arg7[%swap3A_582, %swap3A_583], %swap3A_586 {strides = array<i32>} : memref<128x100xf32, #tpu.memory_space<vmem>>, vector<1x16xf32>,
      }
      %scan3A_276 = arith.constant 64 : i32
      %add3A_277 = arith.addi %mul3A_2, %mul3A_201 : i32
      %mul3A_278 = arith.constant 128 : i32
      %mul3A_279 = arith.muli %add3A_277, %mul3A_278 : i32
      %dma_start3A_280 = arith.constant 0 : i32
      %dma_start3A_281 = tpu.memref_slice %arg5[%mul3A_279, %dma_start3A_280] : memref<204800x100xf32, #tpu.memory_space<hbm>> -> memref<128x100xf32, #tpu.memory_space<hbm>>
      %dma_start3A_282 = arith.constant 0 : i32
      %dma_start3A_283 = tpu.memref_slice %arg5[%mul3A_279, %dma_start3A_282] : memref<204800x100xf32, #tpu.memory_space<hbm>> -> memref<128x100xf32, #tpu.memory_space<hbm>>
      tpu.enqueue_dma source(%arg7 : memref<128x100xf32, #tpu.memory_space<vmem>>) target(%dma_start3A_283 : memref<128x100xf32, #tpu.memory_space<hbm>>) target_semaphore(%arg14 : memref<!tpu.dma_semaphore, #tpu.memory_space<semaphore_mem>>)
      %lt3A = arith.constant 15 : i32
      %lt3A_284 = arith.cmpi slt, %scan3A_199, %lt3A : i32
      %convert_element_type3A_285 = arith.extui %lt3A_284 : i1 to i32
      %cond3A_286 = arith.constant 0 : i32
      %cond3A_287 = arith.cmpi ne, %convert_element_type3A_285, %cond3A_286 : i32
      scf.if %cond3A_287 {
        %dma_wait3A_441 = arith.constant 0 : i32
        %dma_wait3A_442 = arith.constant 0 : i32
        %dma_wait3A_443 = tpu.memref_slice %arg3[%dma_wait3A_441, %dma_wait3A_442] : memref<1000000x100xf32, #tpu.memory_space<hbm>> -> memref<128x100xf32, #tpu.memory_space<hbm>>
        %dma_wait3A_444 = arith.constant 0 : i32
        %dma_wait3A_445 = arith.constant 0 : i32
        %dma_wait3A_446 = tpu.memref_slice %arg3[%dma_wait3A_444, %dma_wait3A_445] : memref<1000000x100xf32, #tpu.memory_space<hbm>> -> memref<128x100xf32, #tpu.memory_space<hbm>>
        tpu.wait_dma2 semaphore(%arg14 : memref<!tpu.dma_semaphore, #tpu.memory_space<semaphore_mem>>) src(%dma_wait3A_446 : memref<128x100xf32, #tpu.memory_space<hbm>>) dst(%arg7 : memref<128x100xf32, #tpu.memory_space<vmem>>)
        %add3A_447 = arith.constant 3 : i32
        %add3A_448 = arith.addi %mul3A_201, %add3A_447 : i32
        %scan3A_449 = arith.constant 0 : i32
        %scan3A_450 = arith.constant 0 : i32
        %scan3A_451 = arith.constant 8 : i32
        %scan3A_452 = arith.addi %scan3A_450, %scan3A_451 : i32
        %scan3A_453 = arith.constant 1 : i32
        scf.for %scan3A_455 = %scan3A_450 to %scan3A_452 step %scan3A_453  : i32 {
          %mul3A_456 = arith.constant 128 : i32
          %mul3A_457 = arith.muli %add3A_448, %mul3A_456 : i32
          %mul3A_458 = arith.constant 16 : i32
          %mul3A_459 = arith.muli %scan3A_455, %mul3A_458 : i32
          %add3A_460 = arith.addi %mul3A_457, %mul3A_459 : i32
          %get3A_461 = arith.index_cast %add3A_460 : i32 to index
          %get3A_462 = tpu.vector_load %arg6[%get3A_461] {strides = array<i32>} : memref<6400xi32, #tpu.memory_space<vmem>>, vector<16xi32>,
          %get3A_463 = vector.shape_cast %get3A_462 : vector<16xi32> to vector<16xi32>
          %slice3A = vector.extract_strided_slice %get3A_463 {offsets = [0], sizes = [1], strides = [1]} : vector<16xi32> to vector<1xi32>
          %squeeze3A = vector.extract %slice3A[0] : i32 from vector<1xi32>
          %mul3A_464 = arith.constant 16 : i32
          %mul3A_465 = arith.muli %scan3A_455, %mul3A_464 : i32
          %add3A_466 = arith.constant 0 : i32
          %add3A_467 = arith.addi %mul3A_465, %add3A_466 : i32
          %dma_start3A_468 = arith.constant 0 : i32
          %dma_start3A_469 = tpu.memref_slice %arg7[%add3A_467, %dma_start3A_468] : memref<128x100xf32, #tpu.memory_space<vmem>> -> memref<1x100xf32, #tpu.memory_space<vmem>>
          %dma_start3A_470 = arith.constant 0 : i32
          %dma_start3A_471 = tpu.memref_slice %arg3[%squeeze3A, %dma_start3A_470] : memref<1000000x100xf32, #tpu.memory_space<hbm>> -> memref<1x100xf32, #tpu.memory_space<hbm>>
          %dma_start3A_472 = arith.constant 0 : i32
          %dma_start3A_473 = tpu.memref_slice %arg7[%add3A_467, %dma_start3A_472] : memref<128x100xf32, #tpu.memory_space<vmem>> -> memref<1x100xf32, #tpu.memory_space<vmem>>
          %dma_start3A_474 = arith.constant 0 : i32
          %dma_start3A_475 = tpu.memref_slice %arg3[%squeeze3A, %dma_start3A_474] : memref<1000000x100xf32, #tpu.memory_space<hbm>> -> memref<1x100xf32, #tpu.memory_space<hbm>>
          tpu.enqueue_dma source(%dma_start3A_475 : memref<1x100xf32, #tpu.memory_space<hbm>>) target(%dma_start3A_473 : memref<1x100xf32, #tpu.memory_space<vmem>>) target_semaphore(%arg11 : memref<!tpu.dma_semaphore, #tpu.memory_space<semaphore_mem>>)
          %slice3A_476 = vector.extract_strided_slice %get3A_463 {offsets = [1], sizes = [1], strides = [1]} : vector<16xi32> to vector<1xi32>
          %squeeze3A_477 = vector.extract %slice3A_476[0] : i32 from vector<1xi32>
          %mul3A_478 = arith.constant 16 : i32
          %mul3A_479 = arith.muli %scan3A_455, %mul3A_478 : i32
          %add3A_480 = arith.constant 1 : i32
          %add3A_481 = arith.addi %mul3A_479, %add3A_480 : i32
          %dma_start3A_482 = arith.constant 0 : i32
          %dma_start3A_483 = tpu.memref_slice %arg7[%add3A_481, %dma_start3A_482] : memref<128x100xf32, #tpu.memory_space<vmem>> -> memref<1x100xf32, #tpu.memory_space<vmem>>
          %dma_start3A_484 = arith.constant 0 : i32
          %dma_start3A_485 = tpu.memref_slice %arg3[%squeeze3A_477, %dma_start3A_484] : memref<1000000x100xf32, #tpu.memory_space<hbm>> -> memref<1x100xf32, #tpu.memory_space<hbm>>
          %dma_start3A_486 = arith.constant 0 : i32
          %dma_start3A_487 = tpu.memref_slice %arg7[%add3A_481, %dma_start3A_486] : memref<128x100xf32, #tpu.memory_space<vmem>> -> memref<1x100xf32, #tpu.memory_space<vmem>>
          %dma_start3A_488 = arith.constant 0 : i32
          %dma_start3A_489 = tpu.memref_slice %arg3[%squeeze3A_477, %dma_start3A_488] : memref<1000000x100xf32, #tpu.memory_space<hbm>> -> memref<1x100xf32, #tpu.memory_space<hbm>>
          tpu.enqueue_dma source(%dma_start3A_489 : memref<1x100xf32, #tpu.memory_space<hbm>>) target(%dma_start3A_487 : memref<1x100xf32, #tpu.memory_space<vmem>>) target_semaphore(%arg11 : memref<!tpu.dma_semaphore, #tpu.memory_space<semaphore_mem>>)
          %slice3A_490 = vector.extract_strided_slice %get3A_463 {offsets = [2], sizes = [1], strides = [1]} : vector<16xi32> to vector<1xi32>
          %squeeze3A_491 = vector.extract %slice3A_490[0] : i32 from vector<1xi32>
          %mul3A_492 = arith.constant 16 : i32
          %mul3A_493 = arith.muli %scan3A_455, %mul3A_492 : i32
          %add3A_494 = arith.constant 2 : i32
          %add3A_495 = arith.addi %mul3A_493, %add3A_494 : i32
          %dma_start3A_496 = arith.constant 0 : i32
          %dma_start3A_497 = tpu.memref_slice %arg7[%add3A_495, %dma_start3A_496] : memref<128x100xf32, #tpu.memory_space<vmem>> -> memref<1x100xf32, #tpu.memory_space<vmem>>
          %dma_start3A_498 = arith.constant 0 : i32
          %dma_start3A_499 = tpu.memref_slice %arg3[%squeeze3A_491, %dma_start3A_498] : memref<1000000x100xf32, #tpu.memory_space<hbm>> -> memref<1x100xf32, #tpu.memory_space<hbm>>
          %dma_start3A_500 = arith.constant 0 : i32
          %dma_start3A_501 = tpu.memref_slice %arg7[%add3A_495, %dma_start3A_500] : memref<128x100xf32, #tpu.memory_space<vmem>> -> memref<1x100xf32, #tpu.memory_space<vmem>>
          %dma_start3A_502 = arith.constant 0 : i32
          %dma_start3A_503 = tpu.memref_slice %arg3[%squeeze3A_491, %dma_start3A_502] : memref<1000000x100xf32, #tpu.memory_space<hbm>> -> memref<1x100xf32, #tpu.memory_space<hbm>>
          tpu.enqueue_dma source(%dma_start3A_503 : memref<1x100xf32, #tpu.memory_space<hbm>>) target(%dma_start3A_501 : memref<1x100xf32, #tpu.memory_space<vmem>>) target_semaphore(%arg11 : memref<!tpu.dma_semaphore, #tpu.memory_space<semaphore_mem>>)
          %slice3A_504 = vector.extract_strided_slice %get3A_463 {offsets = [3], sizes = [1], strides = [1]} : vector<16xi32> to vector<1xi32>
          %squeeze3A_505 = vector.extract %slice3A_504[0] : i32 from vector<1xi32>
          %mul3A_506 = arith.constant 16 : i32
          %mul3A_507 = arith.muli %scan3A_455, %mul3A_506 : i32
          %add3A_508 = arith.constant 3 : i32
          %add3A_509 = arith.addi %mul3A_507, %add3A_508 : i32
          %dma_start3A_510 = arith.constant 0 : i32
          %dma_start3A_511 = tpu.memref_slice %arg7[%add3A_509, %dma_start3A_510] : memref<128x100xf32, #tpu.memory_space<vmem>> -> memref<1x100xf32, #tpu.memory_space<vmem>>
          %dma_start3A_512 = arith.constant 0 : i32
          %dma_start3A_513 = tpu.memref_slice %arg3[%squeeze3A_505, %dma_start3A_512] : memref<1000000x100xf32, #tpu.memory_space<hbm>> -> memref<1x100xf32, #tpu.memory_space<hbm>>
          %dma_start3A_514 = arith.constant 0 : i32
          %dma_start3A_515 = tpu.memref_slice %arg7[%add3A_509, %dma_start3A_514] : memref<128x100xf32, #tpu.memory_space<vmem>> -> memref<1x100xf32, #tpu.memory_space<vmem>>
          %dma_start3A_516 = arith.constant 0 : i32
          %dma_start3A_517 = tpu.memref_slice %arg3[%squeeze3A_505, %dma_start3A_516] : memref<1000000x100xf32, #tpu.memory_space<hbm>> -> memref<1x100xf32, #tpu.memory_space<hbm>>
          tpu.enqueue_dma source(%dma_start3A_517 : memref<1x100xf32, #tpu.memory_space<hbm>>) target(%dma_start3A_515 : memref<1x100xf32, #tpu.memory_space<vmem>>) target_semaphore(%arg11 : memref<!tpu.dma_semaphore, #tpu.memory_space<semaphore_mem>>)
          %slice3A_518 = vector.extract_strided_slice %get3A_463 {offsets = [4], sizes = [1], strides = [1]} : vector<16xi32> to vector<1xi32>
          %squeeze3A_519 = vector.extract %slice3A_518[0] : i32 from vector<1xi32>
          %mul3A_520 = arith.constant 16 : i32
          %mul3A_521 = arith.muli %scan3A_455, %mul3A_520 : i32
          %add3A_522 = arith.constant 4 : i32
          %add3A_523 = arith.addi %mul3A_521, %add3A_522 : i32
          %dma_start3A_524 = arith.constant 0 : i32
          %dma_start3A_525 = tpu.memref_slice %arg7[%add3A_523, %dma_start3A_524] : memref<128x100xf32, #tpu.memory_space<vmem>> -> memref<1x100xf32, #tpu.memory_space<vmem>>
          %dma_start3A_526 = arith.constant 0 : i32
          %dma_start3A_527 = tpu.memref_slice %arg3[%squeeze3A_519, %dma_start3A_526] : memref<1000000x100xf32, #tpu.memory_space<hbm>> -> memref<1x100xf32, #tpu.memory_space<hbm>>
          %dma_start3A_528 = arith.constant 0 : i32
          %dma_start3A_529 = tpu.memref_slice %arg7[%add3A_523, %dma_start3A_528] : memref<128x100xf32, #tpu.memory_space<vmem>> -> memref<1x100xf32, #tpu.memory_space<vmem>>
          %dma_start3A_530 = arith.constant 0 : i32
          %dma_start3A_531 = tpu.memref_slice %arg3[%squeeze3A_519, %dma_start3A_530] : memref<1000000x100xf32, #tpu.memory_space<hbm>> -> memref<1x100xf32, #tpu.memory_space<hbm>>
          tpu.enqueue_dma source(%dma_start3A_531 : memref<1x100xf32, #tpu.memory_space<hbm>>) target(%dma_start3A_529 : memref<1x100xf32, #tpu.memory_space<vmem>>) target_semaphore(%arg11 : memref<!tpu.dma_semaphore, #tpu.memory_space<semaphore_mem>>)
          %slice3A_532 = vector.extract_strided_slice %get3A_463 {offsets = [5], sizes = [1], strides = [1]} : vector<16xi32> to vector<1xi32>
          %squeeze3A_533 = vector.extract %slice3A_532[0] : i32 from vector<1xi32>
          %mul3A_534 = arith.constant 16 : i32
          %mul3A_535 = arith.muli %scan3A_455, %mul3A_534 : i32
          %add3A_536 = arith.constant 5 : i32
          %add3A_537 = arith.addi %mul3A_535, %add3A_536 : i32
          %dma_start3A_538 = arith.constant 0 : i32
          %dma_start3A_539 = tpu.memref_slice %arg7[%add3A_537, %dma_start3A_538] : memref<128x100xf32, #tpu.memory_space<vmem>> -> memref<1x100xf32, #tpu.memory_space<vmem>>
          %dma_start3A_540 = arith.constant 0 : i32
          %dma_start3A_541 = tpu.memref_slice %arg3[%squeeze3A_533, %dma_start3A_540] : memref<1000000x100xf32, #tpu.memory_space<hbm>> -> memref<1x100xf32, #tpu.memory_space<hbm>>
          %dma_start3A_542 = arith.constant 0 : i32
          %dma_start3A_543 = tpu.memref_slice %arg7[%add3A_537, %dma_start3A_542] : memref<128x100xf32, #tpu.memory_space<vmem>> -> memref<1x100xf32, #tpu.memory_space<vmem>>
          %dma_start3A_544 = arith.constant 0 : i32
          %dma_start3A_545 = tpu.memref_slice %arg3[%squeeze3A_533, %dma_start3A_544] : memref<1000000x100xf32, #tpu.memory_space<hbm>> -> memref<1x100xf32, #tpu.memory_space<hbm>>
          tpu.enqueue_dma source(%dma_start3A_545 : memref<1x100xf32, #tpu.memory_space<hbm>>) target(%dma_start3A_543 : memref<1x100xf32, #tpu.memory_space<vmem>>) target_semaphore(%arg11 : memref<!tpu.dma_semaphore, #tpu.memory_space<semaphore_mem>>)
          %slice3A_546 = vector.extract_strided_slice %get3A_463 {offsets = [6], sizes = [1], strides = [1]} : vector<16xi32> to vector<1xi32>
          %squeeze3A_547 = vector.extract %slice3A_546[0] : i32 from vector<1xi32>
          %mul3A_548 = arith.constant 16 : i32
          %mul3A_549 = arith.muli %scan3A_455, %mul3A_548 : i32
          %add3A_550 = arith.constant 6 : i32
          %add3A_551 = arith.addi %mul3A_549, %add3A_550 : i32
          %dma_start3A_552 = arith.constant 0 : i32
          %dma_start3A_553 = tpu.memref_slice %arg7[%add3A_551, %dma_start3A_552] : memref<128x100xf32, #tpu.memory_space<vmem>> -> memref<1x100xf32, #tpu.memory_space<vmem>>
          %dma_start3A_554 = arith.constant 0 : i32
          %dma_start3A_555 = tpu.memref_slice %arg3[%squeeze3A_547, %dma_start3A_554] : memref<1000000x100xf32, #tpu.memory_space<hbm>> -> memref<1x100xf32, #tpu.memory_space<hbm>>
          %dma_start3A_556 = arith.constant 0 : i32
          %dma_start3A_557 = tpu.memref_slice %arg7[%add3A_551, %dma_start3A_556] : memref<128x100xf32, #tpu.memory_space<vmem>> -> memref<1x100xf32, #tpu.memory_space<vmem>>
          %dma_start3A_558 = arith.constant 0 : i32
          %dma_start3A_559 = tpu.memref_slice %arg3[%squeeze3A_547, %dma_start3A_558] : memref<1000000x100xf32, #tpu.memory_space<hbm>> -> memref<1x100xf32, #tpu.memory_space<hbm>>
          tpu.enqueue_dma source(%dma_start3A_559 : memref<1x100xf32, #tpu.memory_space<hbm>>) target(%dma_start3A_557 : memref<1x100xf32, #tpu.memory_space<vmem>>) target_semaphore(%arg11 : memref<!tpu.dma_semaphore, #tpu.memory_space<semaphore_mem>>)
          %slice3A_560 = vector.extract_strided_slice %get3A_463 {offsets = [7], sizes = [1], strides = [1]} : vector<16xi32> to vector<1xi32>
          %squeeze3A_561 = vector.extract %slice3A_560[0] : i32 from vector<1xi32>
          %mul3A_562 = arith.constant 16 : i32
          %mul3A_563 = arith.muli %scan3A_455, %mul3A_562 : i32
          %add3A_564 = arith.constant 7 : i32
          %add3A_565 = arith.addi %mul3A_563, %add3A_564 : i32
          %dma_start3A_566 = arith.constant 0 : i32
          %dma_start3A_567 = tpu.memref_slice %arg7[%add3A_565, %dma_start3A_566] : memref<128x100xf32, #tpu.memory_space<vmem>> -> memref<1x100xf32, #tpu.memory_space<vmem>>
          %dma_start3A_568 = arith.constant 0 : i32
          %dma_start3A_569 = tpu.memref_slice %arg3[%squeeze3A_561, %dma_start3A_568] : memref<1000000x100xf32, #tpu.memory_space<hbm>> -> memref<1x100xf32, #tpu.memory_space<hbm>>
          %dma_start3A_570 = arith.constant 0 : i32
          %dma_start3A_571 = tpu.memref_slice %arg7[%add3A_565, %dma_start3A_570] : memref<128x100xf32, #tpu.memory_space<vmem>> -> memref<1x100xf32, #tpu.memory_space<vmem>>
          %dma_start3A_572 = arith.constant 0 : i32
          %dma_start3A_573 = tpu.memref_slice %arg3[%squeeze3A_561, %dma_start3A_572] : memref<1000000x100xf32, #tpu.memory_space<hbm>> -> memref<1x100xf32, #tpu.memory_space<hbm>>
          tpu.enqueue_dma source(%dma_start3A_573 : memref<1x100xf32, #tpu.memory_space<hbm>>) target(%dma_start3A_571 : memref<1x100xf32, #tpu.memory_space<vmem>>) target_semaphore(%arg11 : memref<!tpu.dma_semaphore, #tpu.memory_space<semaphore_mem>>)
          %slice3A_574 = vector.extract_strided_slice %get3A_463 {offsets = [8], sizes = [1], strides = [1]} : vector<16xi32> to vector<1xi32>
          %squeeze3A_575 = vector.extract %slice3A_574[0] : i32 from vector<1xi32>
          %mul3A_576 = arith.constant 16 : i32
          %mul3A_577 = arith.muli %scan3A_455, %mul3A_576 : i32
          %add3A_578 = arith.constant 8 : i32
          %add3A_579 = arith.addi %mul3A_577, %add3A_578 : i32
          %dma_start3A_580 = arith.constant 0 : i32
          %dma_start3A_581 = tpu.memref_slice %arg7[%add3A_579, %dma_start3A_580] : memref<128x100xf32, #tpu.memory_space<vmem>> -> memref<1x100xf32, #tpu.memory_space<vmem>>
          %dma_start3A_582 = arith.constant 0 : i32
          %dma_start3A_583 = tpu.memref_slice %arg3[%squeeze3A_575, %dma_start3A_582] : memref<1000000x100xf32, #tpu.memory_space<hbm>> -> memref<1x100xf32, #tpu.memory_space<hbm>>
          %dma_start3A_584 = arith.constant 0 : i32
          %dma_start3A_585 = tpu.memref_slice %arg7[%add3A_579, %dma_start3A_584] : memref<128x100xf32, #tpu.memory_space<vmem>> -> memref<1x100xf32, #tpu.memory_space<vmem>>
          %dma_start3A_586 = arith.constant 0 : i32
          %dma_start3A_587 = tpu.memref_slice %arg3[%squeeze3A_575, %dma_start3A_586] : memref<1000000x100xf32, #tpu.memory_space<hbm>> -> memref<1x100xf32, #tpu.memory_space<hbm>>
          tpu.enqueue_dma source(%dma_start3A_587 : memref<1x100xf32, #tpu.memory_space<hbm>>) target(%dma_start3A_585 : memref<1x100xf32, #tpu.memory_space<vmem>>) target_semaphore(%arg11 : memref<!tpu.dma_semaphore, #tpu.memory_space<semaphore_mem>>)
          %slice3A_588 = vector.extract_strided_slice %get3A_463 {offsets = [9], sizes = [1], strides = [1]} : vector<16xi32> to vector<1xi32>
          %squeeze3A_589 = vector.extract %slice3A_588[0] : i32 from vector<1xi32>
          %mul3A_590 = arith.constant 16 : i32
          %mul3A_591 = arith.muli %scan3A_455, %mul3A_590 : i32
          %add3A_592 = arith.constant 9 : i32
          %add3A_593 = arith.addi %mul3A_591, %add3A_592 : i32
          %dma_start3A_594 = arith.constant 0 : i32
          %dma_start3A_595 = tpu.memref_slice %arg7[%add3A_593, %dma_start3A_594] : memref<128x100xf32, #tpu.memory_space<vmem>> -> memref<1x100xf32, #tpu.memory_space<vmem>>
          %dma_start3A_596 = arith.constant 0 : i32
          %dma_start3A_597 = tpu.memref_slice %arg3[%squeeze3A_589, %dma_start3A_596] : memref<1000000x100xf32, #tpu.memory_space<hbm>> -> memref<1x100xf32, #tpu.memory_space<hbm>>
          %dma_start3A_598 = arith.constant 0 : i32
          %dma_start3A_599 = tpu.memref_slice %arg7[%add3A_593, %dma_start3A_598] : memref<128x100xf32, #tpu.memory_space<vmem>> -> memref<1x100xf32, #tpu.memory_space<vmem>>
          %dma_start3A_600 = arith.constant 0 : i32
          %dma_start3A_601 = tpu.memref_slice %arg3[%squeeze3A_589, %dma_start3A_600] : memref<1000000x100xf32, #tpu.memory_space<hbm>> -> memref<1x100xf32, #tpu.memory_space<hbm>>
          tpu.enqueue_dma source(%dma_start3A_601 : memref<1x100xf32, #tpu.memory_space<hbm>>) target(%dma_start3A_599 : memref<1x100xf32, #tpu.memory_space<vmem>>) target_semaphore(%arg11 : memref<!tpu.dma_semaphore, #tpu.memory_space<semaphore_mem>>)
          %slice3A_602 = vector.extract_strided_slice %get3A_463 {offsets = [10], sizes = [1], strides = [1]} : vector<16xi32> to vector<1xi32>
          %squeeze3A_603 = vector.extract %slice3A_602[0] : i32 from vector<1xi32>
          %mul3A_604 = arith.constant 16 : i32
          %mul3A_605 = arith.muli %scan3A_455, %mul3A_604 : i32
          %add3A_606 = arith.constant 10 : i32
          %add3A_607 = arith.addi %mul3A_605, %add3A_606 : i32
          %dma_start3A_608 = arith.constant 0 : i32
          %dma_start3A_609 = tpu.memref_slice %arg7[%add3A_607, %dma_start3A_608] : memref<128x100xf32, #tpu.memory_space<vmem>> -> memref<1x100xf32, #tpu.memory_space<vmem>>
          %dma_start3A_610 = arith.constant 0 : i32
          %dma_start3A_611 = tpu.memref_slice %arg3[%squeeze3A_603, %dma_start3A_610] : memref<1000000x100xf32, #tpu.memory_space<hbm>> -> memref<1x100xf32, #tpu.memory_space<hbm>>
          %dma_start3A_612 = arith.constant 0 : i32
          %dma_start3A_613 = tpu.memref_slice %arg7[%add3A_607, %dma_start3A_612] : memref<128x100xf32, #tpu.memory_space<vmem>> -> memref<1x100xf32, #tpu.memory_space<vmem>>
          %dma_start3A_614 = arith.constant 0 : i32
          %dma_start3A_615 = tpu.memref_slice %arg3[%squeeze3A_603, %dma_start3A_614] : memref<1000000x100xf32, #tpu.memory_space<hbm>> -> memref<1x100xf32, #tpu.memory_space<hbm>>
          tpu.enqueue_dma source(%dma_start3A_615 : memref<1x100xf32, #tpu.memory_space<hbm>>) target(%dma_start3A_613 : memref<1x100xf32, #tpu.memory_space<vmem>>) target_semaphore(%arg11 : memref<!tpu.dma_semaphore, #tpu.memory_space<semaphore_mem>>)
          %slice3A_616 = vector.extract_strided_slice %get3A_463 {offsets = [11], sizes = [1], strides = [1]} : vector<16xi32> to vector<1xi32>
          %squeeze3A_617 = vector.extract %slice3A_616[0] : i32 from vector<1xi32>
          %mul3A_618 = arith.constant 16 : i32
          %mul3A_619 = arith.muli %scan3A_455, %mul3A_618 : i32
          %add3A_620 = arith.constant 11 : i32
          %add3A_621 = arith.addi %mul3A_619, %add3A_620 : i32
          %dma_start3A_622 = arith.constant 0 : i32
          %dma_start3A_623 = tpu.memref_slice %arg7[%add3A_621, %dma_start3A_622] : memref<128x100xf32, #tpu.memory_space<vmem>> -> memref<1x100xf32, #tpu.memory_space<vmem>>
          %dma_start3A_624 = arith.constant 0 : i32
          %dma_start3A_625 = tpu.memref_slice %arg3[%squeeze3A_617, %dma_start3A_624] : memref<1000000x100xf32, #tpu.memory_space<hbm>> -> memref<1x100xf32, #tpu.memory_space<hbm>>
          %dma_start3A_626 = arith.constant 0 : i32
          %dma_start3A_627 = tpu.memref_slice %arg7[%add3A_621, %dma_start3A_626] : memref<128x100xf32, #tpu.memory_space<vmem>> -> memref<1x100xf32, #tpu.memory_space<vmem>>
          %dma_start3A_628 = arith.constant 0 : i32
          %dma_start3A_629 = tpu.memref_slice %arg3[%squeeze3A_617, %dma_start3A_628] : memref<1000000x100xf32, #tpu.memory_space<hbm>> -> memref<1x100xf32, #tpu.memory_space<hbm>>
          tpu.enqueue_dma source(%dma_start3A_629 : memref<1x100xf32, #tpu.memory_space<hbm>>) target(%dma_start3A_627 : memref<1x100xf32, #tpu.memory_space<vmem>>) target_semaphore(%arg11 : memref<!tpu.dma_semaphore, #tpu.memory_space<semaphore_mem>>)
          %slice3A_630 = vector.extract_strided_slice %get3A_463 {offsets = [12], sizes = [1], strides = [1]} : vector<16xi32> to vector<1xi32>
          %squeeze3A_631 = vector.extract %slice3A_630[0] : i32 from vector<1xi32>
          %mul3A_632 = arith.constant 16 : i32
          %mul3A_633 = arith.muli %scan3A_455, %mul3A_632 : i32
          %add3A_634 = arith.constant 12 : i32
          %add3A_635 = arith.addi %mul3A_633, %add3A_634 : i32
          %dma_start3A_636 = arith.constant 0 : i32
          %dma_start3A_637 = tpu.memref_slice %arg7[%add3A_635, %dma_start3A_636] : memref<128x100xf32, #tpu.memory_space<vmem>> -> memref<1x100xf32, #tpu.memory_space<vmem>>
          %dma_start3A_638 = arith.constant 0 : i32
          %dma_start3A_639 = tpu.memref_slice %arg3[%squeeze3A_631, %dma_start3A_638] : memref<1000000x100xf32, #tpu.memory_space<hbm>> -> memref<1x100xf32, #tpu.memory_space<hbm>>
          %dma_start3A_640 = arith.constant 0 : i32
          %dma_start3A_641 = tpu.memref_slice %arg7[%add3A_635, %dma_start3A_640] : memref<128x100xf32, #tpu.memory_space<vmem>> -> memref<1x100xf32, #tpu.memory_space<vmem>>
          %dma_start3A_642 = arith.constant 0 : i32
          %dma_start3A_643 = tpu.memref_slice %arg3[%squeeze3A_631, %dma_start3A_642] : memref<1000000x100xf32, #tpu.memory_space<hbm>> -> memref<1x100xf32, #tpu.memory_space<hbm>>
          tpu.enqueue_dma source(%dma_start3A_643 : memref<1x100xf32, #tpu.memory_space<hbm>>) target(%dma_start3A_641 : memref<1x100xf32, #tpu.memory_space<vmem>>) target_semaphore(%arg11 : memref<!tpu.dma_semaphore, #tpu.memory_space<semaphore_mem>>)
          %slice3A_644 = vector.extract_strided_slice %get3A_463 {offsets = [13], sizes = [1], strides = [1]} : vector<16xi32> to vector<1xi32>
          %squeeze3A_645 = vector.extract %slice3A_644[0] : i32 from vector<1xi32>
          %mul3A_646 = arith.constant 16 : i32
          %mul3A_647 = arith.muli %scan3A_455, %mul3A_646 : i32
          %add3A_648 = arith.constant 13 : i32
          %add3A_649 = arith.addi %mul3A_647, %add3A_648 : i32
          %dma_start3A_650 = arith.constant 0 : i32
          %dma_start3A_651 = tpu.memref_slice %arg7[%add3A_649, %dma_start3A_650] : memref<128x100xf32, #tpu.memory_space<vmem>> -> memref<1x100xf32, #tpu.memory_space<vmem>>
          %dma_start3A_652 = arith.constant 0 : i32
          %dma_start3A_653 = tpu.memref_slice %arg3[%squeeze3A_645, %dma_start3A_652] : memref<1000000x100xf32, #tpu.memory_space<hbm>> -> memref<1x100xf32, #tpu.memory_space<hbm>>
          %dma_start3A_654 = arith.constant 0 : i32
          %dma_start3A_655 = tpu.memref_slice %arg7[%add3A_649, %dma_start3A_654] : memref<128x100xf32, #tpu.memory_space<vmem>> -> memref<1x100xf32, #tpu.memory_space<vmem>>
          %dma_start3A_656 = arith.constant 0 : i32
          %dma_start3A_657 = tpu.memref_slice %arg3[%squeeze3A_645, %dma_start3A_656] : memref<1000000x100xf32, #tpu.memory_space<hbm>> -> memref<1x100xf32, #tpu.memory_space<hbm>>
          tpu.enqueue_dma source(%dma_start3A_657 : memref<1x100xf32, #tpu.memory_space<hbm>>) target(%dma_start3A_655 : memref<1x100xf32, #tpu.memory_space<vmem>>) target_semaphore(%arg11 : memref<!tpu.dma_semaphore, #tpu.memory_space<semaphore_mem>>)
          %slice3A_658 = vector.extract_strided_slice %get3A_463 {offsets = [14], sizes = [1], strides = [1]} : vector<16xi32> to vector<1xi32>
          %squeeze3A_659 = vector.extract %slice3A_658[0] : i32 from vector<1xi32>
          %mul3A_660 = arith.constant 16 : i32
          %mul3A_661 = arith.muli %scan3A_455, %mul3A_660 : i32
          %add3A_662 = arith.constant 14 : i32
          %add3A_663 = arith.addi %mul3A_661, %add3A_662 : i32
          %dma_start3A_664 = arith.constant 0 : i32
          %dma_start3A_665 = tpu.memref_slice %arg7[%add3A_663, %dma_start3A_664] : memref<128x100xf32, #tpu.memory_space<vmem>> -> memref<1x100xf32, #tpu.memory_space<vmem>>
          %dma_start3A_666 = arith.constant 0 : i32
          %dma_start3A_667 = tpu.memref_slice %arg3[%squeeze3A_659, %dma_start3A_666] : memref<1000000x100xf32, #tpu.memory_space<hbm>> -> memref<1x100xf32, #tpu.memory_space<hbm>>
          %dma_start3A_668 = arith.constant 0 : i32
          %dma_start3A_669 = tpu.memref_slice %arg7[%add3A_663, %dma_start3A_668] : memref<128x100xf32, #tpu.memory_space<vmem>> -> memref<1x100xf32, #tpu.memory_space<vmem>>
          %dma_start3A_670 = arith.constant 0 : i32
          %dma_start3A_671 = tpu.memref_slice %arg3[%squeeze3A_659, %dma_start3A_670] : memref<1000000x100xf32, #tpu.memory_space<hbm>> -> memref<1x100xf32, #tpu.memory_space<hbm>>
          tpu.enqueue_dma source(%dma_start3A_671 : memref<1x100xf32, #tpu.memory_space<hbm>>) target(%dma_start3A_669 : memref<1x100xf32, #tpu.memory_space<vmem>>) target_semaphore(%arg11 : memref<!tpu.dma_semaphore, #tpu.memory_space<semaphore_mem>>)
          %slice3A_672 = vector.extract_strided_slice %get3A_463 {offsets = [15], sizes = [1], strides = [1]} : vector<16xi32> to vector<1xi32>
          %squeeze3A_673 = vector.extract %slice3A_672[0] : i32 from vector<1xi32>
          %mul3A_674 = arith.constant 16 : i32
          %mul3A_675 = arith.muli %scan3A_455, %mul3A_674 : i32
          %add3A_676 = arith.constant 15 : i32
          %add3A_677 = arith.addi %mul3A_675, %add3A_676 : i32
          %dma_start3A_678 = arith.constant 0 : i32
          %dma_start3A_679 = tpu.memref_slice %arg7[%add3A_677, %dma_start3A_678] : memref<128x100xf32, #tpu.memory_space<vmem>> -> memref<1x100xf32, #tpu.memory_space<vmem>>
          %dma_start3A_680 = arith.constant 0 : i32
          %dma_start3A_681 = tpu.memref_slice %arg3[%squeeze3A_673, %dma_start3A_680] : memref<1000000x100xf32, #tpu.memory_space<hbm>> -> memref<1x100xf32, #tpu.memory_space<hbm>>
          %dma_start3A_682 = arith.constant 0 : i32
          %dma_start3A_683 = tpu.memref_slice %arg7[%add3A_677, %dma_start3A_682] : memref<128x100xf32, #tpu.memory_space<vmem>> -> memref<1x100xf32, #tpu.memory_space<vmem>>
          %dma_start3A_684 = arith.constant 0 : i32
          %dma_start3A_685 = tpu.memref_slice %arg3[%squeeze3A_673, %dma_start3A_684] : memref<1000000x100xf32, #tpu.memory_space<hbm>> -> memref<1x100xf32, #tpu.memory_space<hbm>>
          tpu.enqueue_dma source(%dma_start3A_685 : memref<1x100xf32, #tpu.memory_space<hbm>>) target(%dma_start3A_683 : memref<1x100xf32, #tpu.memory_space<vmem>>) target_semaphore(%arg11 : memref<!tpu.dma_semaphore, #tpu.memory_space<semaphore_mem>>)
        }
        %scan3A_454 = arith.constant 8 : i32
      } else {
      }
      %add3A_288 = arith.constant 1 : i32
      %add3A_289 = arith.addi %mul3A_201, %add3A_288 : i32
      %dma_wait3A_290 = arith.constant 0 : i32
      %dma_wait3A_291 = arith.constant 0 : i32
      %dma_wait3A_292 = tpu.memref_slice %arg3[%dma_wait3A_290, %dma_wait3A_291] : memref<1000000x100xf32, #tpu.memory_space<hbm>> -> memref<128x100xf32, #tpu.memory_space<hbm>>
      %dma_wait3A_293 = arith.constant 0 : i32
      %dma_wait3A_294 = arith.constant 0 : i32
      %dma_wait3A_295 = tpu.memref_slice %arg3[%dma_wait3A_293, %dma_wait3A_294] : memref<1000000x100xf32, #tpu.memory_space<hbm>> -> memref<128x100xf32, #tpu.memory_space<hbm>>
      tpu.wait_dma2 semaphore(%arg12 : memref<!tpu.dma_semaphore, #tpu.memory_space<semaphore_mem>>) src(%dma_wait3A_295 : memref<128x100xf32, #tpu.memory_space<hbm>>) dst(%arg8 : memref<128x100xf32, #tpu.memory_space<vmem>>)
      %add3A_296 = arith.addi %mul3A_2, %add3A_289 : i32
      %jit3A_297 = arith.constant 8 : i32
      %div3A_298 = arith.divsi %add3A_296, %jit3A_297 : i32
      %sign3A_299 = arith.constant 0 : i32
      %sign3A_300 = arith.cmpi sgt, %add3A_296, %sign3A_299 : i32
      %sign3A_301 = arith.extui %sign3A_300 : i1 to i32
      %sign3A_302 = arith.constant 0 : i32
      %sign3A_303 = arith.cmpi slt, %add3A_296, %sign3A_302 : i32
      %sign3A_304 = arith.extui %sign3A_303 : i1 to i32
      %sign3A_305 = arith.subi %sign3A_301, %sign3A_304 : i32
      %sign3A_306 = arith.constant 0 : i32
      %sign3A_307 = arith.cmpi sgt, %jit3A_297, %sign3A_306 : i32
      %sign3A_308 = arith.extui %sign3A_307 : i1 to i32
      %sign3A_309 = arith.constant 0 : i32
      %sign3A_310 = arith.cmpi slt, %jit3A_297, %sign3A_309 : i32
      %sign3A_311 = arith.extui %sign3A_310 : i1 to i32
      %sign3A_312 = arith.subi %sign3A_308, %sign3A_311 : i32
      %ne3A_313 = arith.cmpi ne, %sign3A_305, %sign3A_312 : i32
      %rem3A_314 = arith.remsi %add3A_296, %jit3A_297 : i32
      %ne3A_315 = arith.constant 0 : i32
      %ne3A_316 = arith.cmpi ne, %rem3A_314, %ne3A_315 : i32
      %and3A_317 = arith.andi %ne3A_313, %ne3A_316 : i1
      %sub3A_318 = arith.constant 1 : i32
      %sub3A_319 = arith.subi %div3A_298, %sub3A_318 : i32
      %select_n3A_320 = arith.select %and3A_317, %sub3A_319, %div3A_298 : i32
      %get3A_321 = arith.index_cast %select_n3A_320 : i32 to index
      %get3A_322 = arith.constant 0 : index
      %get3A_323 = tpu.vector_load %arg10[%get3A_321, %get3A_322] {strides = array<i32>} : memref<200x128xf32, #tpu.memory_space<vmem>>, vector<1x16xf32>,
      %get3A_324 = vector.shape_cast %get3A_323 : vector<1x16xf32> to vector<16xf32>
      %get3A_325 = arith.index_cast %select_n3A_320 : i32 to index
      %get3A_326 = arith.constant 16 : index
      %get3A_327 = tpu.vector_load %arg10[%get3A_325, %get3A_326] {strides = array<i32>} : memref<200x128xf32, #tpu.memory_space<vmem>>, vector<1x16xf32>,
      %get3A_328 = vector.shape_cast %get3A_327 : vector<1x16xf32> to vector<16xf32>
      %get3A_329 = arith.index_cast %select_n3A_320 : i32 to index
      %get3A_330 = arith.constant 32 : index
      %get3A_331 = tpu.vector_load %arg10[%get3A_329, %get3A_330] {strides = array<i32>} : memref<200x128xf32, #tpu.memory_space<vmem>>, vector<1x16xf32>,
      %get3A_332 = vector.shape_cast %get3A_331 : vector<1x16xf32> to vector<16xf32>
      %get3A_333 = arith.index_cast %select_n3A_320 : i32 to index
      %get3A_334 = arith.constant 48 : index
      %get3A_335 = tpu.vector_load %arg10[%get3A_333, %get3A_334] {strides = array<i32>} : memref<200x128xf32, #tpu.memory_space<vmem>>, vector<1x16xf32>,
      %get3A_336 = vector.shape_cast %get3A_335 : vector<1x16xf32> to vector<16xf32>
      %get3A_337 = arith.index_cast %select_n3A_320 : i32 to index
      %get3A_338 = arith.constant 64 : index
      %get3A_339 = tpu.vector_load %arg10[%get3A_337, %get3A_338] {strides = array<i32>} : memref<200x128xf32, #tpu.memory_space<vmem>>, vector<1x16xf32>,
      %get3A_340 = vector.shape_cast %get3A_339 : vector<1x16xf32> to vector<16xf32>
      %get3A_341 = arith.index_cast %select_n3A_320 : i32 to index
      %get3A_342 = arith.constant 80 : index
      %get3A_343 = tpu.vector_load %arg10[%get3A_341, %get3A_342] {strides = array<i32>} : memref<200x128xf32, #tpu.memory_space<vmem>>, vector<1x16xf32>,
      %get3A_344 = vector.shape_cast %get3A_343 : vector<1x16xf32> to vector<16xf32>
      %get3A_345 = arith.index_cast %select_n3A_320 : i32 to index
      %get3A_346 = arith.constant 112 : index
      %get3A_347 = tpu.vector_load %arg10[%get3A_345, %get3A_346] {strides = array<i32>} : memref<200x128xf32, #tpu.memory_space<vmem>>, vector<1x16xf32>,
      %get3A_348 = vector.shape_cast %get3A_347 : vector<1x16xf32> to vector<16xf32>
      %scan3A_349 = arith.constant 0 : i32
      %scan3A_350 = arith.constant 0 : i32
      %scan3A_351 = arith.constant 64 : i32
      %scan3A_352 = arith.addi %scan3A_350, %scan3A_351 : i32
      %scan3A_353 = arith.constant 1 : i32
      scf.for %scan3A_441 = %scan3A_350 to %scan3A_352 step %scan3A_353  : i32 {
        %mul3A_442 = arith.constant 2 : i32
        %mul3A_443 = arith.muli %mul3A_442, %scan3A_441 : i32
        %mul3A_444 = arith.constant 2 : i32
        %mul3A_445 = arith.muli %mul3A_444, %scan3A_441 : i32
        %add3A_446 = arith.constant 1 : i32
        %add3A_447 = arith.addi %mul3A_445, %add3A_446 : i32
        %get3A_448 = arith.index_cast %mul3A_443 : i32 to index
        %get3A_449 = arith.constant 0 : index
        %get3A_450 = tpu.vector_load %arg8[%get3A_448, %get3A_449] {strides = array<i32>} : memref<128x100xf32, #tpu.memory_space<vmem>>, vector<1x16xf32>,
        %get3A_451 = vector.shape_cast %get3A_450 : vector<1x16xf32> to vector<16xf32>
        %add3A_452 = arith.addf %get3A_451, %get3A_324 : vector<16xf32>
        %swap3A = arith.index_cast %mul3A_443 : i32 to index
        %swap3A_453 = arith.constant 0 : index
        %swap3A_454 = tpu.vector_load %arg8[%swap3A, %swap3A_453] {strides = array<i32>} : memref<128x100xf32, #tpu.memory_space<vmem>>, vector<1x16xf32>,
        %swap3A_455 = vector.shape_cast %swap3A_454 : vector<1x16xf32> to vector<16xf32>
        %swap3A_456 = vector.shape_cast %add3A_452 : vector<16xf32> to vector<1x16xf32>
        tpu.vector_store %arg8[%swap3A, %swap3A_453], %swap3A_456 {strides = array<i32>} : memref<128x100xf32, #tpu.memory_space<vmem>>, vector<1x16xf32>,
        %get3A_457 = arith.index_cast %mul3A_443 : i32 to index
        %get3A_458 = arith.constant 16 : index
        %get3A_459 = tpu.vector_load %arg8[%get3A_457, %get3A_458] {strides = array<i32>} : memref<128x100xf32, #tpu.memory_space<vmem>>, vector<1x16xf32>,
        %get3A_460 = vector.shape_cast %get3A_459 : vector<1x16xf32> to vector<16xf32>
        %add3A_461 = arith.addf %get3A_460, %get3A_328 : vector<16xf32>
        %swap3A_462 = arith.index_cast %mul3A_443 : i32 to index
        %swap3A_463 = arith.constant 16 : index
        %swap3A_464 = tpu.vector_load %arg8[%swap3A_462, %swap3A_463] {strides = array<i32>} : memref<128x100xf32, #tpu.memory_space<vmem>>, vector<1x16xf32>,
        %swap3A_465 = vector.shape_cast %swap3A_464 : vector<1x16xf32> to vector<16xf32>
        %swap3A_466 = vector.shape_cast %add3A_461 : vector<16xf32> to vector<1x16xf32>
        tpu.vector_store %arg8[%swap3A_462, %swap3A_463], %swap3A_466 {strides = array<i32>} : memref<128x100xf32, #tpu.memory_space<vmem>>, vector<1x16xf32>,
        %get3A_467 = arith.index_cast %mul3A_443 : i32 to index
        %get3A_468 = arith.constant 32 : index
        %get3A_469 = tpu.vector_load %arg8[%get3A_467, %get3A_468] {strides = array<i32>} : memref<128x100xf32, #tpu.memory_space<vmem>>, vector<1x16xf32>,
        %get3A_470 = vector.shape_cast %get3A_469 : vector<1x16xf32> to vector<16xf32>
        %add3A_471 = arith.addf %get3A_470, %get3A_332 : vector<16xf32>
        %swap3A_472 = arith.index_cast %mul3A_443 : i32 to index
        %swap3A_473 = arith.constant 32 : index
        %swap3A_474 = tpu.vector_load %arg8[%swap3A_472, %swap3A_473] {strides = array<i32>} : memref<128x100xf32, #tpu.memory_space<vmem>>, vector<1x16xf32>,
        %swap3A_475 = vector.shape_cast %swap3A_474 : vector<1x16xf32> to vector<16xf32>
        %swap3A_476 = vector.shape_cast %add3A_471 : vector<16xf32> to vector<1x16xf32>
        tpu.vector_store %arg8[%swap3A_472, %swap3A_473], %swap3A_476 {strides = array<i32>} : memref<128x100xf32, #tpu.memory_space<vmem>>, vector<1x16xf32>,
        %get3A_477 = arith.index_cast %mul3A_443 : i32 to index
        %get3A_478 = arith.constant 48 : index
        %get3A_479 = tpu.vector_load %arg8[%get3A_477, %get3A_478] {strides = array<i32>} : memref<128x100xf32, #tpu.memory_space<vmem>>, vector<1x16xf32>,
        %get3A_480 = vector.shape_cast %get3A_479 : vector<1x16xf32> to vector<16xf32>
        %add3A_481 = arith.addf %get3A_480, %get3A_336 : vector<16xf32>
        %swap3A_482 = arith.index_cast %mul3A_443 : i32 to index
        %swap3A_483 = arith.constant 48 : index
        %swap3A_484 = tpu.vector_load %arg8[%swap3A_482, %swap3A_483] {strides = array<i32>} : memref<128x100xf32, #tpu.memory_space<vmem>>, vector<1x16xf32>,
        %swap3A_485 = vector.shape_cast %swap3A_484 : vector<1x16xf32> to vector<16xf32>
        %swap3A_486 = vector.shape_cast %add3A_481 : vector<16xf32> to vector<1x16xf32>
        tpu.vector_store %arg8[%swap3A_482, %swap3A_483], %swap3A_486 {strides = array<i32>} : memref<128x100xf32, #tpu.memory_space<vmem>>, vector<1x16xf32>,
        %get3A_487 = arith.index_cast %mul3A_443 : i32 to index
        %get3A_488 = arith.constant 64 : index
        %get3A_489 = tpu.vector_load %arg8[%get3A_487, %get3A_488] {strides = array<i32>} : memref<128x100xf32, #tpu.memory_space<vmem>>, vector<1x16xf32>,
        %get3A_490 = vector.shape_cast %get3A_489 : vector<1x16xf32> to vector<16xf32>
        %add3A_491 = arith.addf %get3A_490, %get3A_340 : vector<16xf32>
        %swap3A_492 = arith.index_cast %mul3A_443 : i32 to index
        %swap3A_493 = arith.constant 64 : index
        %swap3A_494 = tpu.vector_load %arg8[%swap3A_492, %swap3A_493] {strides = array<i32>} : memref<128x100xf32, #tpu.memory_space<vmem>>, vector<1x16xf32>,
        %swap3A_495 = vector.shape_cast %swap3A_494 : vector<1x16xf32> to vector<16xf32>
        %swap3A_496 = vector.shape_cast %add3A_491 : vector<16xf32> to vector<1x16xf32>
        tpu.vector_store %arg8[%swap3A_492, %swap3A_493], %swap3A_496 {strides = array<i32>} : memref<128x100xf32, #tpu.memory_space<vmem>>, vector<1x16xf32>,
        %get3A_497 = arith.index_cast %mul3A_443 : i32 to index
        %get3A_498 = arith.constant 80 : index
        %get3A_499 = tpu.vector_load %arg8[%get3A_497, %get3A_498] {strides = array<i32>} : memref<128x100xf32, #tpu.memory_space<vmem>>, vector<1x16xf32>,
        %get3A_500 = vector.shape_cast %get3A_499 : vector<1x16xf32> to vector<16xf32>
        %add3A_501 = arith.addf %get3A_500, %get3A_344 : vector<16xf32>
        %swap3A_502 = arith.index_cast %mul3A_443 : i32 to index
        %swap3A_503 = arith.constant 80 : index
        %swap3A_504 = tpu.vector_load %arg8[%swap3A_502, %swap3A_503] {strides = array<i32>} : memref<128x100xf32, #tpu.memory_space<vmem>>, vector<1x16xf32>,
        %swap3A_505 = vector.shape_cast %swap3A_504 : vector<1x16xf32> to vector<16xf32>
        %swap3A_506 = vector.shape_cast %add3A_501 : vector<16xf32> to vector<1x16xf32>
        tpu.vector_store %arg8[%swap3A_502, %swap3A_503], %swap3A_506 {strides = array<i32>} : memref<128x100xf32, #tpu.memory_space<vmem>>, vector<1x16xf32>,
        %get3A_507 = arith.index_cast %mul3A_443 : i32 to index
        %get3A_508 = arith.constant 84 : index
        %get3A_509 = tpu.vector_load %arg8[%get3A_507, %get3A_508] {strides = array<i32>} : memref<128x100xf32, #tpu.memory_space<vmem>>, vector<1x16xf32>,
        %get3A_510 = vector.shape_cast %get3A_509 : vector<1x16xf32> to vector<16xf32>
        %add3A_511 = arith.addf %get3A_510, %get3A_348 : vector<16xf32>
        %swap3A_512 = arith.index_cast %mul3A_443 : i32 to index
        %swap3A_513 = arith.constant 84 : index
        %swap3A_514 = tpu.vector_load %arg8[%swap3A_512, %swap3A_513] {strides = array<i32>} : memref<128x100xf32, #tpu.memory_space<vmem>>, vector<1x16xf32>,
        %swap3A_515 = vector.shape_cast %swap3A_514 : vector<1x16xf32> to vector<16xf32>
        %swap3A_516 = vector.shape_cast %add3A_511 : vector<16xf32> to vector<1x16xf32>
        tpu.vector_store %arg8[%swap3A_512, %swap3A_513], %swap3A_516 {strides = array<i32>} : memref<128x100xf32, #tpu.memory_space<vmem>>, vector<1x16xf32>,
        %get3A_517 = arith.index_cast %add3A_447 : i32 to index
        %get3A_518 = arith.constant 0 : index
        %get3A_519 = tpu.vector_load %arg8[%get3A_517, %get3A_518] {strides = array<i32>} : memref<128x100xf32, #tpu.memory_space<vmem>>, vector<1x16xf32>,
        %get3A_520 = vector.shape_cast %get3A_519 : vector<1x16xf32> to vector<16xf32>
        %add3A_521 = arith.addf %get3A_520, %get3A_324 : vector<16xf32>
        %swap3A_522 = arith.index_cast %add3A_447 : i32 to index
        %swap3A_523 = arith.constant 0 : index
        %swap3A_524 = tpu.vector_load %arg8[%swap3A_522, %swap3A_523] {strides = array<i32>} : memref<128x100xf32, #tpu.memory_space<vmem>>, vector<1x16xf32>,
        %swap3A_525 = vector.shape_cast %swap3A_524 : vector<1x16xf32> to vector<16xf32>
        %swap3A_526 = vector.shape_cast %add3A_521 : vector<16xf32> to vector<1x16xf32>
        tpu.vector_store %arg8[%swap3A_522, %swap3A_523], %swap3A_526 {strides = array<i32>} : memref<128x100xf32, #tpu.memory_space<vmem>>, vector<1x16xf32>,
        %get3A_527 = arith.index_cast %add3A_447 : i32 to index
        %get3A_528 = arith.constant 16 : index
        %get3A_529 = tpu.vector_load %arg8[%get3A_527, %get3A_528] {strides = array<i32>} : memref<128x100xf32, #tpu.memory_space<vmem>>, vector<1x16xf32>,
        %get3A_530 = vector.shape_cast %get3A_529 : vector<1x16xf32> to vector<16xf32>
        %add3A_531 = arith.addf %get3A_530, %get3A_328 : vector<16xf32>
        %swap3A_532 = arith.index_cast %add3A_447 : i32 to index
        %swap3A_533 = arith.constant 16 : index
        %swap3A_534 = tpu.vector_load %arg8[%swap3A_532, %swap3A_533] {strides = array<i32>} : memref<128x100xf32, #tpu.memory_space<vmem>>, vector<1x16xf32>,
        %swap3A_535 = vector.shape_cast %swap3A_534 : vector<1x16xf32> to vector<16xf32>
        %swap3A_536 = vector.shape_cast %add3A_531 : vector<16xf32> to vector<1x16xf32>
        tpu.vector_store %arg8[%swap3A_532, %swap3A_533], %swap3A_536 {strides = array<i32>} : memref<128x100xf32, #tpu.memory_space<vmem>>, vector<1x16xf32>,
        %get3A_537 = arith.index_cast %add3A_447 : i32 to index
        %get3A_538 = arith.constant 32 : index
        %get3A_539 = tpu.vector_load %arg8[%get3A_537, %get3A_538] {strides = array<i32>} : memref<128x100xf32, #tpu.memory_space<vmem>>, vector<1x16xf32>,
        %get3A_540 = vector.shape_cast %get3A_539 : vector<1x16xf32> to vector<16xf32>
        %add3A_541 = arith.addf %get3A_540, %get3A_332 : vector<16xf32>
        %swap3A_542 = arith.index_cast %add3A_447 : i32 to index
        %swap3A_543 = arith.constant 32 : index
        %swap3A_544 = tpu.vector_load %arg8[%swap3A_542, %swap3A_543] {strides = array<i32>} : memref<128x100xf32, #tpu.memory_space<vmem>>, vector<1x16xf32>,
        %swap3A_545 = vector.shape_cast %swap3A_544 : vector<1x16xf32> to vector<16xf32>
        %swap3A_546 = vector.shape_cast %add3A_541 : vector<16xf32> to vector<1x16xf32>
        tpu.vector_store %arg8[%swap3A_542, %swap3A_543], %swap3A_546 {strides = array<i32>} : memref<128x100xf32, #tpu.memory_space<vmem>>, vector<1x16xf32>,
        %get3A_547 = arith.index_cast %add3A_447 : i32 to index
        %get3A_548 = arith.constant 48 : index
        %get3A_549 = tpu.vector_load %arg8[%get3A_547, %get3A_548] {strides = array<i32>} : memref<128x100xf32, #tpu.memory_space<vmem>>, vector<1x16xf32>,
        %get3A_550 = vector.shape_cast %get3A_549 : vector<1x16xf32> to vector<16xf32>
        %add3A_551 = arith.addf %get3A_550, %get3A_336 : vector<16xf32>
        %swap3A_552 = arith.index_cast %add3A_447 : i32 to index
        %swap3A_553 = arith.constant 48 : index
        %swap3A_554 = tpu.vector_load %arg8[%swap3A_552, %swap3A_553] {strides = array<i32>} : memref<128x100xf32, #tpu.memory_space<vmem>>, vector<1x16xf32>,
        %swap3A_555 = vector.shape_cast %swap3A_554 : vector<1x16xf32> to vector<16xf32>
        %swap3A_556 = vector.shape_cast %add3A_551 : vector<16xf32> to vector<1x16xf32>
        tpu.vector_store %arg8[%swap3A_552, %swap3A_553], %swap3A_556 {strides = array<i32>} : memref<128x100xf32, #tpu.memory_space<vmem>>, vector<1x16xf32>,
        %get3A_557 = arith.index_cast %add3A_447 : i32 to index
        %get3A_558 = arith.constant 64 : index
        %get3A_559 = tpu.vector_load %arg8[%get3A_557, %get3A_558] {strides = array<i32>} : memref<128x100xf32, #tpu.memory_space<vmem>>, vector<1x16xf32>,
        %get3A_560 = vector.shape_cast %get3A_559 : vector<1x16xf32> to vector<16xf32>
        %add3A_561 = arith.addf %get3A_560, %get3A_340 : vector<16xf32>
        %swap3A_562 = arith.index_cast %add3A_447 : i32 to index
        %swap3A_563 = arith.constant 64 : index
        %swap3A_564 = tpu.vector_load %arg8[%swap3A_562, %swap3A_563] {strides = array<i32>} : memref<128x100xf32, #tpu.memory_space<vmem>>, vector<1x16xf32>,
        %swap3A_565 = vector.shape_cast %swap3A_564 : vector<1x16xf32> to vector<16xf32>
        %swap3A_566 = vector.shape_cast %add3A_561 : vector<16xf32> to vector<1x16xf32>
        tpu.vector_store %arg8[%swap3A_562, %swap3A_563], %swap3A_566 {strides = array<i32>} : memref<128x100xf32, #tpu.memory_space<vmem>>, vector<1x16xf32>,
        %get3A_567 = arith.index_cast %add3A_447 : i32 to index
        %get3A_568 = arith.constant 80 : index
        %get3A_569 = tpu.vector_load %arg8[%get3A_567, %get3A_568] {strides = array<i32>} : memref<128x100xf32, #tpu.memory_space<vmem>>, vector<1x16xf32>,
        %get3A_570 = vector.shape_cast %get3A_569 : vector<1x16xf32> to vector<16xf32>
        %add3A_571 = arith.addf %get3A_570, %get3A_344 : vector<16xf32>
        %swap3A_572 = arith.index_cast %add3A_447 : i32 to index
        %swap3A_573 = arith.constant 80 : index
        %swap3A_574 = tpu.vector_load %arg8[%swap3A_572, %swap3A_573] {strides = array<i32>} : memref<128x100xf32, #tpu.memory_space<vmem>>, vector<1x16xf32>,
        %swap3A_575 = vector.shape_cast %swap3A_574 : vector<1x16xf32> to vector<16xf32>
        %swap3A_576 = vector.shape_cast %add3A_571 : vector<16xf32> to vector<1x16xf32>
        tpu.vector_store %arg8[%swap3A_572, %swap3A_573], %swap3A_576 {strides = array<i32>} : memref<128x100xf32, #tpu.memory_space<vmem>>, vector<1x16xf32>,
        %get3A_577 = arith.index_cast %add3A_447 : i32 to index
        %get3A_578 = arith.constant 84 : index
        %get3A_579 = tpu.vector_load %arg8[%get3A_577, %get3A_578] {strides = array<i32>} : memref<128x100xf32, #tpu.memory_space<vmem>>, vector<1x16xf32>,
        %get3A_580 = vector.shape_cast %get3A_579 : vector<1x16xf32> to vector<16xf32>
        %add3A_581 = arith.addf %get3A_580, %get3A_348 : vector<16xf32>
        %swap3A_582 = arith.index_cast %add3A_447 : i32 to index
        %swap3A_583 = arith.constant 84 : index
        %swap3A_584 = tpu.vector_load %arg8[%swap3A_582, %swap3A_583] {strides = array<i32>} : memref<128x100xf32, #tpu.memory_space<vmem>>, vector<1x16xf32>,
        %swap3A_585 = vector.shape_cast %swap3A_584 : vector<1x16xf32> to vector<16xf32>
        %swap3A_586 = vector.shape_cast %add3A_581 : vector<16xf32> to vector<1x16xf32>
        tpu.vector_store %arg8[%swap3A_582, %swap3A_583], %swap3A_586 {strides = array<i32>} : memref<128x100xf32, #tpu.memory_space<vmem>>, vector<1x16xf32>,
      }
      %scan3A_354 = arith.constant 64 : i32
      %add3A_355 = arith.addi %mul3A_2, %add3A_289 : i32
      %mul3A_356 = arith.constant 128 : i32
      %mul3A_357 = arith.muli %add3A_355, %mul3A_356 : i32
      %dma_start3A_358 = arith.constant 0 : i32
      %dma_start3A_359 = tpu.memref_slice %arg5[%mul3A_357, %dma_start3A_358] : memref<204800x100xf32, #tpu.memory_space<hbm>> -> memref<128x100xf32, #tpu.memory_space<hbm>>
      %dma_start3A_360 = arith.constant 0 : i32
      %dma_start3A_361 = tpu.memref_slice %arg5[%mul3A_357, %dma_start3A_360] : memref<204800x100xf32, #tpu.memory_space<hbm>> -> memref<128x100xf32, #tpu.memory_space<hbm>>
      tpu.enqueue_dma source(%arg8 : memref<128x100xf32, #tpu.memory_space<vmem>>) target(%dma_start3A_361 : memref<128x100xf32, #tpu.memory_space<hbm>>) target_semaphore(%arg15 : memref<!tpu.dma_semaphore, #tpu.memory_space<semaphore_mem>>)
      %lt3A_362 = arith.constant 15 : i32
      %lt3A_363 = arith.cmpi slt, %scan3A_199, %lt3A_362 : i32
      %convert_element_type3A_364 = arith.extui %lt3A_363 : i1 to i32
      %cond3A_365 = arith.constant 0 : i32
      %cond3A_366 = arith.cmpi ne, %convert_element_type3A_364, %cond3A_365 : i32
      scf.if %cond3A_366 {
        %dma_wait3A_441 = arith.constant 0 : i32
        %dma_wait3A_442 = arith.constant 0 : i32
        %dma_wait3A_443 = tpu.memref_slice %arg3[%dma_wait3A_441, %dma_wait3A_442] : memref<1000000x100xf32, #tpu.memory_space<hbm>> -> memref<128x100xf32, #tpu.memory_space<hbm>>
        %dma_wait3A_444 = arith.constant 0 : i32
        %dma_wait3A_445 = arith.constant 0 : i32
        %dma_wait3A_446 = tpu.memref_slice %arg3[%dma_wait3A_444, %dma_wait3A_445] : memref<1000000x100xf32, #tpu.memory_space<hbm>> -> memref<128x100xf32, #tpu.memory_space<hbm>>
        tpu.wait_dma2 semaphore(%arg15 : memref<!tpu.dma_semaphore, #tpu.memory_space<semaphore_mem>>) src(%dma_wait3A_446 : memref<128x100xf32, #tpu.memory_space<hbm>>) dst(%arg8 : memref<128x100xf32, #tpu.memory_space<vmem>>)
        %add3A_447 = arith.constant 4 : i32
        %add3A_448 = arith.addi %mul3A_201, %add3A_447 : i32
        %scan3A_449 = arith.constant 0 : i32
        %scan3A_450 = arith.constant 0 : i32
        %scan3A_451 = arith.constant 8 : i32
        %scan3A_452 = arith.addi %scan3A_450, %scan3A_451 : i32
        %scan3A_453 = arith.constant 1 : i32
        scf.for %scan3A_455 = %scan3A_450 to %scan3A_452 step %scan3A_453  : i32 {
          %mul3A_456 = arith.constant 128 : i32
          %mul3A_457 = arith.muli %add3A_448, %mul3A_456 : i32
          %mul3A_458 = arith.constant 16 : i32
          %mul3A_459 = arith.muli %scan3A_455, %mul3A_458 : i32
          %add3A_460 = arith.addi %mul3A_457, %mul3A_459 : i32
          %get3A_461 = arith.index_cast %add3A_460 : i32 to index
          %get3A_462 = tpu.vector_load %arg6[%get3A_461] {strides = array<i32>} : memref<6400xi32, #tpu.memory_space<vmem>>, vector<16xi32>,
          %get3A_463 = vector.shape_cast %get3A_462 : vector<16xi32> to vector<16xi32>
          %slice3A = vector.extract_strided_slice %get3A_463 {offsets = [0], sizes = [1], strides = [1]} : vector<16xi32> to vector<1xi32>
          %squeeze3A = vector.extract %slice3A[0] : i32 from vector<1xi32>
          %mul3A_464 = arith.constant 16 : i32
          %mul3A_465 = arith.muli %scan3A_455, %mul3A_464 : i32
          %add3A_466 = arith.constant 0 : i32
          %add3A_467 = arith.addi %mul3A_465, %add3A_466 : i32
          %dma_start3A_468 = arith.constant 0 : i32
          %dma_start3A_469 = tpu.memref_slice %arg8[%add3A_467, %dma_start3A_468] : memref<128x100xf32, #tpu.memory_space<vmem>> -> memref<1x100xf32, #tpu.memory_space<vmem>>
          %dma_start3A_470 = arith.constant 0 : i32
          %dma_start3A_471 = tpu.memref_slice %arg3[%squeeze3A, %dma_start3A_470] : memref<1000000x100xf32, #tpu.memory_space<hbm>> -> memref<1x100xf32, #tpu.memory_space<hbm>>
          %dma_start3A_472 = arith.constant 0 : i32
          %dma_start3A_473 = tpu.memref_slice %arg8[%add3A_467, %dma_start3A_472] : memref<128x100xf32, #tpu.memory_space<vmem>> -> memref<1x100xf32, #tpu.memory_space<vmem>>
          %dma_start3A_474 = arith.constant 0 : i32
          %dma_start3A_475 = tpu.memref_slice %arg3[%squeeze3A, %dma_start3A_474] : memref<1000000x100xf32, #tpu.memory_space<hbm>> -> memref<1x100xf32, #tpu.memory_space<hbm>>
          tpu.enqueue_dma source(%dma_start3A_475 : memref<1x100xf32, #tpu.memory_space<hbm>>) target(%dma_start3A_473 : memref<1x100xf32, #tpu.memory_space<vmem>>) target_semaphore(%arg12 : memref<!tpu.dma_semaphore, #tpu.memory_space<semaphore_mem>>)
          %slice3A_476 = vector.extract_strided_slice %get3A_463 {offsets = [1], sizes = [1], strides = [1]} : vector<16xi32> to vector<1xi32>
          %squeeze3A_477 = vector.extract %slice3A_476[0] : i32 from vector<1xi32>
          %mul3A_478 = arith.constant 16 : i32
          %mul3A_479 = arith.muli %scan3A_455, %mul3A_478 : i32
          %add3A_480 = arith.constant 1 : i32
          %add3A_481 = arith.addi %mul3A_479, %add3A_480 : i32
          %dma_start3A_482 = arith.constant 0 : i32
          %dma_start3A_483 = tpu.memref_slice %arg8[%add3A_481, %dma_start3A_482] : memref<128x100xf32, #tpu.memory_space<vmem>> -> memref<1x100xf32, #tpu.memory_space<vmem>>
          %dma_start3A_484 = arith.constant 0 : i32
          %dma_start3A_485 = tpu.memref_slice %arg3[%squeeze3A_477, %dma_start3A_484] : memref<1000000x100xf32, #tpu.memory_space<hbm>> -> memref<1x100xf32, #tpu.memory_space<hbm>>
          %dma_start3A_486 = arith.constant 0 : i32
          %dma_start3A_487 = tpu.memref_slice %arg8[%add3A_481, %dma_start3A_486] : memref<128x100xf32, #tpu.memory_space<vmem>> -> memref<1x100xf32, #tpu.memory_space<vmem>>
          %dma_start3A_488 = arith.constant 0 : i32
          %dma_start3A_489 = tpu.memref_slice %arg3[%squeeze3A_477, %dma_start3A_488] : memref<1000000x100xf32, #tpu.memory_space<hbm>> -> memref<1x100xf32, #tpu.memory_space<hbm>>
          tpu.enqueue_dma source(%dma_start3A_489 : memref<1x100xf32, #tpu.memory_space<hbm>>) target(%dma_start3A_487 : memref<1x100xf32, #tpu.memory_space<vmem>>) target_semaphore(%arg12 : memref<!tpu.dma_semaphore, #tpu.memory_space<semaphore_mem>>)
          %slice3A_490 = vector.extract_strided_slice %get3A_463 {offsets = [2], sizes = [1], strides = [1]} : vector<16xi32> to vector<1xi32>
          %squeeze3A_491 = vector.extract %slice3A_490[0] : i32 from vector<1xi32>
          %mul3A_492 = arith.constant 16 : i32
          %mul3A_493 = arith.muli %scan3A_455, %mul3A_492 : i32
          %add3A_494 = arith.constant 2 : i32
          %add3A_495 = arith.addi %mul3A_493, %add3A_494 : i32
          %dma_start3A_496 = arith.constant 0 : i32
          %dma_start3A_497 = tpu.memref_slice %arg8[%add3A_495, %dma_start3A_496] : memref<128x100xf32, #tpu.memory_space<vmem>> -> memref<1x100xf32, #tpu.memory_space<vmem>>
          %dma_start3A_498 = arith.constant 0 : i32
          %dma_start3A_499 = tpu.memref_slice %arg3[%squeeze3A_491, %dma_start3A_498] : memref<1000000x100xf32, #tpu.memory_space<hbm>> -> memref<1x100xf32, #tpu.memory_space<hbm>>
          %dma_start3A_500 = arith.constant 0 : i32
          %dma_start3A_501 = tpu.memref_slice %arg8[%add3A_495, %dma_start3A_500] : memref<128x100xf32, #tpu.memory_space<vmem>> -> memref<1x100xf32, #tpu.memory_space<vmem>>
          %dma_start3A_502 = arith.constant 0 : i32
          %dma_start3A_503 = tpu.memref_slice %arg3[%squeeze3A_491, %dma_start3A_502] : memref<1000000x100xf32, #tpu.memory_space<hbm>> -> memref<1x100xf32, #tpu.memory_space<hbm>>
          tpu.enqueue_dma source(%dma_start3A_503 : memref<1x100xf32, #tpu.memory_space<hbm>>) target(%dma_start3A_501 : memref<1x100xf32, #tpu.memory_space<vmem>>) target_semaphore(%arg12 : memref<!tpu.dma_semaphore, #tpu.memory_space<semaphore_mem>>)
          %slice3A_504 = vector.extract_strided_slice %get3A_463 {offsets = [3], sizes = [1], strides = [1]} : vector<16xi32> to vector<1xi32>
          %squeeze3A_505 = vector.extract %slice3A_504[0] : i32 from vector<1xi32>
          %mul3A_506 = arith.constant 16 : i32
          %mul3A_507 = arith.muli %scan3A_455, %mul3A_506 : i32
          %add3A_508 = arith.constant 3 : i32
          %add3A_509 = arith.addi %mul3A_507, %add3A_508 : i32
          %dma_start3A_510 = arith.constant 0 : i32
          %dma_start3A_511 = tpu.memref_slice %arg8[%add3A_509, %dma_start3A_510] : memref<128x100xf32, #tpu.memory_space<vmem>> -> memref<1x100xf32, #tpu.memory_space<vmem>>
          %dma_start3A_512 = arith.constant 0 : i32
          %dma_start3A_513 = tpu.memref_slice %arg3[%squeeze3A_505, %dma_start3A_512] : memref<1000000x100xf32, #tpu.memory_space<hbm>> -> memref<1x100xf32, #tpu.memory_space<hbm>>
          %dma_start3A_514 = arith.constant 0 : i32
          %dma_start3A_515 = tpu.memref_slice %arg8[%add3A_509, %dma_start3A_514] : memref<128x100xf32, #tpu.memory_space<vmem>> -> memref<1x100xf32, #tpu.memory_space<vmem>>
          %dma_start3A_516 = arith.constant 0 : i32
          %dma_start3A_517 = tpu.memref_slice %arg3[%squeeze3A_505, %dma_start3A_516] : memref<1000000x100xf32, #tpu.memory_space<hbm>> -> memref<1x100xf32, #tpu.memory_space<hbm>>
          tpu.enqueue_dma source(%dma_start3A_517 : memref<1x100xf32, #tpu.memory_space<hbm>>) target(%dma_start3A_515 : memref<1x100xf32, #tpu.memory_space<vmem>>) target_semaphore(%arg12 : memref<!tpu.dma_semaphore, #tpu.memory_space<semaphore_mem>>)
          %slice3A_518 = vector.extract_strided_slice %get3A_463 {offsets = [4], sizes = [1], strides = [1]} : vector<16xi32> to vector<1xi32>
          %squeeze3A_519 = vector.extract %slice3A_518[0] : i32 from vector<1xi32>
          %mul3A_520 = arith.constant 16 : i32
          %mul3A_521 = arith.muli %scan3A_455, %mul3A_520 : i32
          %add3A_522 = arith.constant 4 : i32
          %add3A_523 = arith.addi %mul3A_521, %add3A_522 : i32
          %dma_start3A_524 = arith.constant 0 : i32
          %dma_start3A_525 = tpu.memref_slice %arg8[%add3A_523, %dma_start3A_524] : memref<128x100xf32, #tpu.memory_space<vmem>> -> memref<1x100xf32, #tpu.memory_space<vmem>>
          %dma_start3A_526 = arith.constant 0 : i32
          %dma_start3A_527 = tpu.memref_slice %arg3[%squeeze3A_519, %dma_start3A_526] : memref<1000000x100xf32, #tpu.memory_space<hbm>> -> memref<1x100xf32, #tpu.memory_space<hbm>>
          %dma_start3A_528 = arith.constant 0 : i32
          %dma_start3A_529 = tpu.memref_slice %arg8[%add3A_523, %dma_start3A_528] : memref<128x100xf32, #tpu.memory_space<vmem>> -> memref<1x100xf32, #tpu.memory_space<vmem>>
          %dma_start3A_530 = arith.constant 0 : i32
          %dma_start3A_531 = tpu.memref_slice %arg3[%squeeze3A_519, %dma_start3A_530] : memref<1000000x100xf32, #tpu.memory_space<hbm>> -> memref<1x100xf32, #tpu.memory_space<hbm>>
          tpu.enqueue_dma source(%dma_start3A_531 : memref<1x100xf32, #tpu.memory_space<hbm>>) target(%dma_start3A_529 : memref<1x100xf32, #tpu.memory_space<vmem>>) target_semaphore(%arg12 : memref<!tpu.dma_semaphore, #tpu.memory_space<semaphore_mem>>)
          %slice3A_532 = vector.extract_strided_slice %get3A_463 {offsets = [5], sizes = [1], strides = [1]} : vector<16xi32> to vector<1xi32>
          %squeeze3A_533 = vector.extract %slice3A_532[0] : i32 from vector<1xi32>
          %mul3A_534 = arith.constant 16 : i32
          %mul3A_535 = arith.muli %scan3A_455, %mul3A_534 : i32
          %add3A_536 = arith.constant 5 : i32
          %add3A_537 = arith.addi %mul3A_535, %add3A_536 : i32
          %dma_start3A_538 = arith.constant 0 : i32
          %dma_start3A_539 = tpu.memref_slice %arg8[%add3A_537, %dma_start3A_538] : memref<128x100xf32, #tpu.memory_space<vmem>> -> memref<1x100xf32, #tpu.memory_space<vmem>>
          %dma_start3A_540 = arith.constant 0 : i32
          %dma_start3A_541 = tpu.memref_slice %arg3[%squeeze3A_533, %dma_start3A_540] : memref<1000000x100xf32, #tpu.memory_space<hbm>> -> memref<1x100xf32, #tpu.memory_space<hbm>>
          %dma_start3A_542 = arith.constant 0 : i32
          %dma_start3A_543 = tpu.memref_slice %arg8[%add3A_537, %dma_start3A_542] : memref<128x100xf32, #tpu.memory_space<vmem>> -> memref<1x100xf32, #tpu.memory_space<vmem>>
          %dma_start3A_544 = arith.constant 0 : i32
          %dma_start3A_545 = tpu.memref_slice %arg3[%squeeze3A_533, %dma_start3A_544] : memref<1000000x100xf32, #tpu.memory_space<hbm>> -> memref<1x100xf32, #tpu.memory_space<hbm>>
          tpu.enqueue_dma source(%dma_start3A_545 : memref<1x100xf32, #tpu.memory_space<hbm>>) target(%dma_start3A_543 : memref<1x100xf32, #tpu.memory_space<vmem>>) target_semaphore(%arg12 : memref<!tpu.dma_semaphore, #tpu.memory_space<semaphore_mem>>)
          %slice3A_546 = vector.extract_strided_slice %get3A_463 {offsets = [6], sizes = [1], strides = [1]} : vector<16xi32> to vector<1xi32>
          %squeeze3A_547 = vector.extract %slice3A_546[0] : i32 from vector<1xi32>
          %mul3A_548 = arith.constant 16 : i32
          %mul3A_549 = arith.muli %scan3A_455, %mul3A_548 : i32
          %add3A_550 = arith.constant 6 : i32
          %add3A_551 = arith.addi %mul3A_549, %add3A_550 : i32
          %dma_start3A_552 = arith.constant 0 : i32
          %dma_start3A_553 = tpu.memref_slice %arg8[%add3A_551, %dma_start3A_552] : memref<128x100xf32, #tpu.memory_space<vmem>> -> memref<1x100xf32, #tpu.memory_space<vmem>>
          %dma_start3A_554 = arith.constant 0 : i32
          %dma_start3A_555 = tpu.memref_slice %arg3[%squeeze3A_547, %dma_start3A_554] : memref<1000000x100xf32, #tpu.memory_space<hbm>> -> memref<1x100xf32, #tpu.memory_space<hbm>>
          %dma_start3A_556 = arith.constant 0 : i32
          %dma_start3A_557 = tpu.memref_slice %arg8[%add3A_551, %dma_start3A_556] : memref<128x100xf32, #tpu.memory_space<vmem>> -> memref<1x100xf32, #tpu.memory_space<vmem>>
          %dma_start3A_558 = arith.constant 0 : i32
          %dma_start3A_559 = tpu.memref_slice %arg3[%squeeze3A_547, %dma_start3A_558] : memref<1000000x100xf32, #tpu.memory_space<hbm>> -> memref<1x100xf32, #tpu.memory_space<hbm>>
          tpu.enqueue_dma source(%dma_start3A_559 : memref<1x100xf32, #tpu.memory_space<hbm>>) target(%dma_start3A_557 : memref<1x100xf32, #tpu.memory_space<vmem>>) target_semaphore(%arg12 : memref<!tpu.dma_semaphore, #tpu.memory_space<semaphore_mem>>)
          %slice3A_560 = vector.extract_strided_slice %get3A_463 {offsets = [7], sizes = [1], strides = [1]} : vector<16xi32> to vector<1xi32>
          %squeeze3A_561 = vector.extract %slice3A_560[0] : i32 from vector<1xi32>
          %mul3A_562 = arith.constant 16 : i32
          %mul3A_563 = arith.muli %scan3A_455, %mul3A_562 : i32
          %add3A_564 = arith.constant 7 : i32
          %add3A_565 = arith.addi %mul3A_563, %add3A_564 : i32
          %dma_start3A_566 = arith.constant 0 : i32
          %dma_start3A_567 = tpu.memref_slice %arg8[%add3A_565, %dma_start3A_566] : memref<128x100xf32, #tpu.memory_space<vmem>> -> memref<1x100xf32, #tpu.memory_space<vmem>>
          %dma_start3A_568 = arith.constant 0 : i32
          %dma_start3A_569 = tpu.memref_slice %arg3[%squeeze3A_561, %dma_start3A_568] : memref<1000000x100xf32, #tpu.memory_space<hbm>> -> memref<1x100xf32, #tpu.memory_space<hbm>>
          %dma_start3A_570 = arith.constant 0 : i32
          %dma_start3A_571 = tpu.memref_slice %arg8[%add3A_565, %dma_start3A_570] : memref<128x100xf32, #tpu.memory_space<vmem>> -> memref<1x100xf32, #tpu.memory_space<vmem>>
          %dma_start3A_572 = arith.constant 0 : i32
          %dma_start3A_573 = tpu.memref_slice %arg3[%squeeze3A_561, %dma_start3A_572] : memref<1000000x100xf32, #tpu.memory_space<hbm>> -> memref<1x100xf32, #tpu.memory_space<hbm>>
          tpu.enqueue_dma source(%dma_start3A_573 : memref<1x100xf32, #tpu.memory_space<hbm>>) target(%dma_start3A_571 : memref<1x100xf32, #tpu.memory_space<vmem>>) target_semaphore(%arg12 : memref<!tpu.dma_semaphore, #tpu.memory_space<semaphore_mem>>)
          %slice3A_574 = vector.extract_strided_slice %get3A_463 {offsets = [8], sizes = [1], strides = [1]} : vector<16xi32> to vector<1xi32>
          %squeeze3A_575 = vector.extract %slice3A_574[0] : i32 from vector<1xi32>
          %mul3A_576 = arith.constant 16 : i32
          %mul3A_577 = arith.muli %scan3A_455, %mul3A_576 : i32
          %add3A_578 = arith.constant 8 : i32
          %add3A_579 = arith.addi %mul3A_577, %add3A_578 : i32
          %dma_start3A_580 = arith.constant 0 : i32
          %dma_start3A_581 = tpu.memref_slice %arg8[%add3A_579, %dma_start3A_580] : memref<128x100xf32, #tpu.memory_space<vmem>> -> memref<1x100xf32, #tpu.memory_space<vmem>>
          %dma_start3A_582 = arith.constant 0 : i32
          %dma_start3A_583 = tpu.memref_slice %arg3[%squeeze3A_575, %dma_start3A_582] : memref<1000000x100xf32, #tpu.memory_space<hbm>> -> memref<1x100xf32, #tpu.memory_space<hbm>>
          %dma_start3A_584 = arith.constant 0 : i32
          %dma_start3A_585 = tpu.memref_slice %arg8[%add3A_579, %dma_start3A_584] : memref<128x100xf32, #tpu.memory_space<vmem>> -> memref<1x100xf32, #tpu.memory_space<vmem>>
          %dma_start3A_586 = arith.constant 0 : i32
          %dma_start3A_587 = tpu.memref_slice %arg3[%squeeze3A_575, %dma_start3A_586] : memref<1000000x100xf32, #tpu.memory_space<hbm>> -> memref<1x100xf32, #tpu.memory_space<hbm>>
          tpu.enqueue_dma source(%dma_start3A_587 : memref<1x100xf32, #tpu.memory_space<hbm>>) target(%dma_start3A_585 : memref<1x100xf32, #tpu.memory_space<vmem>>) target_semaphore(%arg12 : memref<!tpu.dma_semaphore, #tpu.memory_space<semaphore_mem>>)
          %slice3A_588 = vector.extract_strided_slice %get3A_463 {offsets = [9], sizes = [1], strides = [1]} : vector<16xi32> to vector<1xi32>
          %squeeze3A_589 = vector.extract %slice3A_588[0] : i32 from vector<1xi32>
          %mul3A_590 = arith.constant 16 : i32
          %mul3A_591 = arith.muli %scan3A_455, %mul3A_590 : i32
          %add3A_592 = arith.constant 9 : i32
          %add3A_593 = arith.addi %mul3A_591, %add3A_592 : i32
          %dma_start3A_594 = arith.constant 0 : i32
          %dma_start3A_595 = tpu.memref_slice %arg8[%add3A_593, %dma_start3A_594] : memref<128x100xf32, #tpu.memory_space<vmem>> -> memref<1x100xf32, #tpu.memory_space<vmem>>
          %dma_start3A_596 = arith.constant 0 : i32
          %dma_start3A_597 = tpu.memref_slice %arg3[%squeeze3A_589, %dma_start3A_596] : memref<1000000x100xf32, #tpu.memory_space<hbm>> -> memref<1x100xf32, #tpu.memory_space<hbm>>
          %dma_start3A_598 = arith.constant 0 : i32
          %dma_start3A_599 = tpu.memref_slice %arg8[%add3A_593, %dma_start3A_598] : memref<128x100xf32, #tpu.memory_space<vmem>> -> memref<1x100xf32, #tpu.memory_space<vmem>>
          %dma_start3A_600 = arith.constant 0 : i32
          %dma_start3A_601 = tpu.memref_slice %arg3[%squeeze3A_589, %dma_start3A_600] : memref<1000000x100xf32, #tpu.memory_space<hbm>> -> memref<1x100xf32, #tpu.memory_space<hbm>>
          tpu.enqueue_dma source(%dma_start3A_601 : memref<1x100xf32, #tpu.memory_space<hbm>>) target(%dma_start3A_599 : memref<1x100xf32, #tpu.memory_space<vmem>>) target_semaphore(%arg12 : memref<!tpu.dma_semaphore, #tpu.memory_space<semaphore_mem>>)
          %slice3A_602 = vector.extract_strided_slice %get3A_463 {offsets = [10], sizes = [1], strides = [1]} : vector<16xi32> to vector<1xi32>
          %squeeze3A_603 = vector.extract %slice3A_602[0] : i32 from vector<1xi32>
          %mul3A_604 = arith.constant 16 : i32
          %mul3A_605 = arith.muli %scan3A_455, %mul3A_604 : i32
          %add3A_606 = arith.constant 10 : i32
          %add3A_607 = arith.addi %mul3A_605, %add3A_606 : i32
          %dma_start3A_608 = arith.constant 0 : i32
          %dma_start3A_609 = tpu.memref_slice %arg8[%add3A_607, %dma_start3A_608] : memref<128x100xf32, #tpu.memory_space<vmem>> -> memref<1x100xf32, #tpu.memory_space<vmem>>
          %dma_start3A_610 = arith.constant 0 : i32
          %dma_start3A_611 = tpu.memref_slice %arg3[%squeeze3A_603, %dma_start3A_610] : memref<1000000x100xf32, #tpu.memory_space<hbm>> -> memref<1x100xf32, #tpu.memory_space<hbm>>
          %dma_start3A_612 = arith.constant 0 : i32
          %dma_start3A_613 = tpu.memref_slice %arg8[%add3A_607, %dma_start3A_612] : memref<128x100xf32, #tpu.memory_space<vmem>> -> memref<1x100xf32, #tpu.memory_space<vmem>>
          %dma_start3A_614 = arith.constant 0 : i32
          %dma_start3A_615 = tpu.memref_slice %arg3[%squeeze3A_603, %dma_start3A_614] : memref<1000000x100xf32, #tpu.memory_space<hbm>> -> memref<1x100xf32, #tpu.memory_space<hbm>>
          tpu.enqueue_dma source(%dma_start3A_615 : memref<1x100xf32, #tpu.memory_space<hbm>>) target(%dma_start3A_613 : memref<1x100xf32, #tpu.memory_space<vmem>>) target_semaphore(%arg12 : memref<!tpu.dma_semaphore, #tpu.memory_space<semaphore_mem>>)
          %slice3A_616 = vector.extract_strided_slice %get3A_463 {offsets = [11], sizes = [1], strides = [1]} : vector<16xi32> to vector<1xi32>
          %squeeze3A_617 = vector.extract %slice3A_616[0] : i32 from vector<1xi32>
          %mul3A_618 = arith.constant 16 : i32
          %mul3A_619 = arith.muli %scan3A_455, %mul3A_618 : i32
          %add3A_620 = arith.constant 11 : i32
          %add3A_621 = arith.addi %mul3A_619, %add3A_620 : i32
          %dma_start3A_622 = arith.constant 0 : i32
          %dma_start3A_623 = tpu.memref_slice %arg8[%add3A_621, %dma_start3A_622] : memref<128x100xf32, #tpu.memory_space<vmem>> -> memref<1x100xf32, #tpu.memory_space<vmem>>
          %dma_start3A_624 = arith.constant 0 : i32
          %dma_start3A_625 = tpu.memref_slice %arg3[%squeeze3A_617, %dma_start3A_624] : memref<1000000x100xf32, #tpu.memory_space<hbm>> -> memref<1x100xf32, #tpu.memory_space<hbm>>
          %dma_start3A_626 = arith.constant 0 : i32
          %dma_start3A_627 = tpu.memref_slice %arg8[%add3A_621, %dma_start3A_626] : memref<128x100xf32, #tpu.memory_space<vmem>> -> memref<1x100xf32, #tpu.memory_space<vmem>>
          %dma_start3A_628 = arith.constant 0 : i32
          %dma_start3A_629 = tpu.memref_slice %arg3[%squeeze3A_617, %dma_start3A_628] : memref<1000000x100xf32, #tpu.memory_space<hbm>> -> memref<1x100xf32, #tpu.memory_space<hbm>>
          tpu.enqueue_dma source(%dma_start3A_629 : memref<1x100xf32, #tpu.memory_space<hbm>>) target(%dma_start3A_627 : memref<1x100xf32, #tpu.memory_space<vmem>>) target_semaphore(%arg12 : memref<!tpu.dma_semaphore, #tpu.memory_space<semaphore_mem>>)
          %slice3A_630 = vector.extract_strided_slice %get3A_463 {offsets = [12], sizes = [1], strides = [1]} : vector<16xi32> to vector<1xi32>
          %squeeze3A_631 = vector.extract %slice3A_630[0] : i32 from vector<1xi32>
          %mul3A_632 = arith.constant 16 : i32
          %mul3A_633 = arith.muli %scan3A_455, %mul3A_632 : i32
          %add3A_634 = arith.constant 12 : i32
          %add3A_635 = arith.addi %mul3A_633, %add3A_634 : i32
          %dma_start3A_636 = arith.constant 0 : i32
          %dma_start3A_637 = tpu.memref_slice %arg8[%add3A_635, %dma_start3A_636] : memref<128x100xf32, #tpu.memory_space<vmem>> -> memref<1x100xf32, #tpu.memory_space<vmem>>
          %dma_start3A_638 = arith.constant 0 : i32
          %dma_start3A_639 = tpu.memref_slice %arg3[%squeeze3A_631, %dma_start3A_638] : memref<1000000x100xf32, #tpu.memory_space<hbm>> -> memref<1x100xf32, #tpu.memory_space<hbm>>
          %dma_start3A_640 = arith.constant 0 : i32
          %dma_start3A_641 = tpu.memref_slice %arg8[%add3A_635, %dma_start3A_640] : memref<128x100xf32, #tpu.memory_space<vmem>> -> memref<1x100xf32, #tpu.memory_space<vmem>>
          %dma_start3A_642 = arith.constant 0 : i32
          %dma_start3A_643 = tpu.memref_slice %arg3[%squeeze3A_631, %dma_start3A_642] : memref<1000000x100xf32, #tpu.memory_space<hbm>> -> memref<1x100xf32, #tpu.memory_space<hbm>>
          tpu.enqueue_dma source(%dma_start3A_643 : memref<1x100xf32, #tpu.memory_space<hbm>>) target(%dma_start3A_641 : memref<1x100xf32, #tpu.memory_space<vmem>>) target_semaphore(%arg12 : memref<!tpu.dma_semaphore, #tpu.memory_space<semaphore_mem>>)
          %slice3A_644 = vector.extract_strided_slice %get3A_463 {offsets = [13], sizes = [1], strides = [1]} : vector<16xi32> to vector<1xi32>
          %squeeze3A_645 = vector.extract %slice3A_644[0] : i32 from vector<1xi32>
          %mul3A_646 = arith.constant 16 : i32
          %mul3A_647 = arith.muli %scan3A_455, %mul3A_646 : i32
          %add3A_648 = arith.constant 13 : i32
          %add3A_649 = arith.addi %mul3A_647, %add3A_648 : i32
          %dma_start3A_650 = arith.constant 0 : i32
          %dma_start3A_651 = tpu.memref_slice %arg8[%add3A_649, %dma_start3A_650] : memref<128x100xf32, #tpu.memory_space<vmem>> -> memref<1x100xf32, #tpu.memory_space<vmem>>
          %dma_start3A_652 = arith.constant 0 : i32
          %dma_start3A_653 = tpu.memref_slice %arg3[%squeeze3A_645, %dma_start3A_652] : memref<1000000x100xf32, #tpu.memory_space<hbm>> -> memref<1x100xf32, #tpu.memory_space<hbm>>
          %dma_start3A_654 = arith.constant 0 : i32
          %dma_start3A_655 = tpu.memref_slice %arg8[%add3A_649, %dma_start3A_654] : memref<128x100xf32, #tpu.memory_space<vmem>> -> memref<1x100xf32, #tpu.memory_space<vmem>>
          %dma_start3A_656 = arith.constant 0 : i32
          %dma_start3A_657 = tpu.memref_slice %arg3[%squeeze3A_645, %dma_start3A_656] : memref<1000000x100xf32, #tpu.memory_space<hbm>> -> memref<1x100xf32, #tpu.memory_space<hbm>>
          tpu.enqueue_dma source(%dma_start3A_657 : memref<1x100xf32, #tpu.memory_space<hbm>>) target(%dma_start3A_655 : memref<1x100xf32, #tpu.memory_space<vmem>>) target_semaphore(%arg12 : memref<!tpu.dma_semaphore, #tpu.memory_space<semaphore_mem>>)
          %slice3A_658 = vector.extract_strided_slice %get3A_463 {offsets = [14], sizes = [1], strides = [1]} : vector<16xi32> to vector<1xi32>
          %squeeze3A_659 = vector.extract %slice3A_658[0] : i32 from vector<1xi32>
          %mul3A_660 = arith.constant 16 : i32
          %mul3A_661 = arith.muli %scan3A_455, %mul3A_660 : i32
          %add3A_662 = arith.constant 14 : i32
          %add3A_663 = arith.addi %mul3A_661, %add3A_662 : i32
          %dma_start3A_664 = arith.constant 0 : i32
          %dma_start3A_665 = tpu.memref_slice %arg8[%add3A_663, %dma_start3A_664] : memref<128x100xf32, #tpu.memory_space<vmem>> -> memref<1x100xf32, #tpu.memory_space<vmem>>
          %dma_start3A_666 = arith.constant 0 : i32
          %dma_start3A_667 = tpu.memref_slice %arg3[%squeeze3A_659, %dma_start3A_666] : memref<1000000x100xf32, #tpu.memory_space<hbm>> -> memref<1x100xf32, #tpu.memory_space<hbm>>
          %dma_start3A_668 = arith.constant 0 : i32
          %dma_start3A_669 = tpu.memref_slice %arg8[%add3A_663, %dma_start3A_668] : memref<128x100xf32, #tpu.memory_space<vmem>> -> memref<1x100xf32, #tpu.memory_space<vmem>>
          %dma_start3A_670 = arith.constant 0 : i32
          %dma_start3A_671 = tpu.memref_slice %arg3[%squeeze3A_659, %dma_start3A_670] : memref<1000000x100xf32, #tpu.memory_space<hbm>> -> memref<1x100xf32, #tpu.memory_space<hbm>>
          tpu.enqueue_dma source(%dma_start3A_671 : memref<1x100xf32, #tpu.memory_space<hbm>>) target(%dma_start3A_669 : memref<1x100xf32, #tpu.memory_space<vmem>>) target_semaphore(%arg12 : memref<!tpu.dma_semaphore, #tpu.memory_space<semaphore_mem>>)
          %slice3A_672 = vector.extract_strided_slice %get3A_463 {offsets = [15], sizes = [1], strides = [1]} : vector<16xi32> to vector<1xi32>
          %squeeze3A_673 = vector.extract %slice3A_672[0] : i32 from vector<1xi32>
          %mul3A_674 = arith.constant 16 : i32
          %mul3A_675 = arith.muli %scan3A_455, %mul3A_674 : i32
          %add3A_676 = arith.constant 15 : i32
          %add3A_677 = arith.addi %mul3A_675, %add3A_676 : i32
          %dma_start3A_678 = arith.constant 0 : i32
          %dma_start3A_679 = tpu.memref_slice %arg8[%add3A_677, %dma_start3A_678] : memref<128x100xf32, #tpu.memory_space<vmem>> -> memref<1x100xf32, #tpu.memory_space<vmem>>
          %dma_start3A_680 = arith.constant 0 : i32
          %dma_start3A_681 = tpu.memref_slice %arg3[%squeeze3A_673, %dma_start3A_680] : memref<1000000x100xf32, #tpu.memory_space<hbm>> -> memref<1x100xf32, #tpu.memory_space<hbm>>
          %dma_start3A_682 = arith.constant 0 : i32
          %dma_start3A_683 = tpu.memref_slice %arg8[%add3A_677, %dma_start3A_682] : memref<128x100xf32, #tpu.memory_space<vmem>> -> memref<1x100xf32, #tpu.memory_space<vmem>>
          %dma_start3A_684 = arith.constant 0 : i32
          %dma_start3A_685 = tpu.memref_slice %arg3[%squeeze3A_673, %dma_start3A_684] : memref<1000000x100xf32, #tpu.memory_space<hbm>> -> memref<1x100xf32, #tpu.memory_space<hbm>>
          tpu.enqueue_dma source(%dma_start3A_685 : memref<1x100xf32, #tpu.memory_space<hbm>>) target(%dma_start3A_683 : memref<1x100xf32, #tpu.memory_space<vmem>>) target_semaphore(%arg12 : memref<!tpu.dma_semaphore, #tpu.memory_space<semaphore_mem>>)
        }
        %scan3A_454 = arith.constant 8 : i32
      } else {
      }
      %add3A_367 = arith.constant 2 : i32
      %add3A_368 = arith.addi %mul3A_201, %add3A_367 : i32
      %dma_wait3A_369 = arith.constant 0 : i32
      %dma_wait3A_370 = arith.constant 0 : i32
      %dma_wait3A_371 = tpu.memref_slice %arg3[%dma_wait3A_369, %dma_wait3A_370] : memref<1000000x100xf32, #tpu.memory_space<hbm>> -> memref<128x100xf32, #tpu.memory_space<hbm>>
      %dma_wait3A_372 = arith.constant 0 : i32
      %dma_wait3A_373 = arith.constant 0 : i32
      %dma_wait3A_374 = tpu.memref_slice %arg3[%dma_wait3A_372, %dma_wait3A_373] : memref<1000000x100xf32, #tpu.memory_space<hbm>> -> memref<128x100xf32, #tpu.memory_space<hbm>>
      tpu.wait_dma2 semaphore(%arg13 : memref<!tpu.dma_semaphore, #tpu.memory_space<semaphore_mem>>) src(%dma_wait3A_374 : memref<128x100xf32, #tpu.memory_space<hbm>>) dst(%arg9 : memref<128x100xf32, #tpu.memory_space<vmem>>)
      %add3A_375 = arith.addi %mul3A_2, %add3A_368 : i32
      %jit3A_376 = arith.constant 8 : i32
      %div3A_377 = arith.divsi %add3A_375, %jit3A_376 : i32
      %sign3A_378 = arith.constant 0 : i32
      %sign3A_379 = arith.cmpi sgt, %add3A_375, %sign3A_378 : i32
      %sign3A_380 = arith.extui %sign3A_379 : i1 to i32
      %sign3A_381 = arith.constant 0 : i32
      %sign3A_382 = arith.cmpi slt, %add3A_375, %sign3A_381 : i32
      %sign3A_383 = arith.extui %sign3A_382 : i1 to i32
      %sign3A_384 = arith.subi %sign3A_380, %sign3A_383 : i32
      %sign3A_385 = arith.constant 0 : i32
      %sign3A_386 = arith.cmpi sgt, %jit3A_376, %sign3A_385 : i32
      %sign3A_387 = arith.extui %sign3A_386 : i1 to i32
      %sign3A_388 = arith.constant 0 : i32
      %sign3A_389 = arith.cmpi slt, %jit3A_376, %sign3A_388 : i32
      %sign3A_390 = arith.extui %sign3A_389 : i1 to i32
      %sign3A_391 = arith.subi %sign3A_387, %sign3A_390 : i32
      %ne3A_392 = arith.cmpi ne, %sign3A_384, %sign3A_391 : i32
      %rem3A_393 = arith.remsi %add3A_375, %jit3A_376 : i32
      %ne3A_394 = arith.constant 0 : i32
      %ne3A_395 = arith.cmpi ne, %rem3A_393, %ne3A_394 : i32
      %and3A_396 = arith.andi %ne3A_392, %ne3A_395 : i1
      %sub3A_397 = arith.constant 1 : i32
      %sub3A_398 = arith.subi %div3A_377, %sub3A_397 : i32
      %select_n3A_399 = arith.select %and3A_396, %sub3A_398, %div3A_377 : i32
      %get3A_400 = arith.index_cast %select_n3A_399 : i32 to index
      %get3A_401 = arith.constant 0 : index
      %get3A_402 = tpu.vector_load %arg10[%get3A_400, %get3A_401] {strides = array<i32>} : memref<200x128xf32, #tpu.memory_space<vmem>>, vector<1x16xf32>,
      %get3A_403 = vector.shape_cast %get3A_402 : vector<1x16xf32> to vector<16xf32>
      %get3A_404 = arith.index_cast %select_n3A_399 : i32 to index
      %get3A_405 = arith.constant 16 : index
      %get3A_406 = tpu.vector_load %arg10[%get3A_404, %get3A_405] {strides = array<i32>} : memref<200x128xf32, #tpu.memory_space<vmem>>, vector<1x16xf32>,
      %get3A_407 = vector.shape_cast %get3A_406 : vector<1x16xf32> to vector<16xf32>
      %get3A_408 = arith.index_cast %select_n3A_399 : i32 to index
      %get3A_409 = arith.constant 32 : index
      %get3A_410 = tpu.vector_load %arg10[%get3A_408, %get3A_409] {strides = array<i32>} : memref<200x128xf32, #tpu.memory_space<vmem>>, vector<1x16xf32>,
      %get3A_411 = vector.shape_cast %get3A_410 : vector<1x16xf32> to vector<16xf32>
      %get3A_412 = arith.index_cast %select_n3A_399 : i32 to index
      %get3A_413 = arith.constant 48 : index
      %get3A_414 = tpu.vector_load %arg10[%get3A_412, %get3A_413] {strides = array<i32>} : memref<200x128xf32, #tpu.memory_space<vmem>>, vector<1x16xf32>,
      %get3A_415 = vector.shape_cast %get3A_414 : vector<1x16xf32> to vector<16xf32>
      %get3A_416 = arith.index_cast %select_n3A_399 : i32 to index
      %get3A_417 = arith.constant 64 : index
      %get3A_418 = tpu.vector_load %arg10[%get3A_416, %get3A_417] {strides = array<i32>} : memref<200x128xf32, #tpu.memory_space<vmem>>, vector<1x16xf32>,
      %get3A_419 = vector.shape_cast %get3A_418 : vector<1x16xf32> to vector<16xf32>
      %get3A_420 = arith.index_cast %select_n3A_399 : i32 to index
      %get3A_421 = arith.constant 80 : index
      %get3A_422 = tpu.vector_load %arg10[%get3A_420, %get3A_421] {strides = array<i32>} : memref<200x128xf32, #tpu.memory_space<vmem>>, vector<1x16xf32>,
      %get3A_423 = vector.shape_cast %get3A_422 : vector<1x16xf32> to vector<16xf32>
      %get3A_424 = arith.index_cast %select_n3A_399 : i32 to index
      %get3A_425 = arith.constant 112 : index
      %get3A_426 = tpu.vector_load %arg10[%get3A_424, %get3A_425] {strides = array<i32>} : memref<200x128xf32, #tpu.memory_space<vmem>>, vector<1x16xf32>,
      %get3A_427 = vector.shape_cast %get3A_426 : vector<1x16xf32> to vector<16xf32>
      %scan3A_428 = arith.constant 0 : i32
      %scan3A_429 = arith.constant 0 : i32
      %scan3A_430 = arith.constant 64 : i32
      %scan3A_431 = arith.addi %scan3A_429, %scan3A_430 : i32
      %scan3A_432 = arith.constant 1 : i32
      scf.for %scan3A_441 = %scan3A_429 to %scan3A_431 step %scan3A_432  : i32 {
        %mul3A_442 = arith.constant 2 : i32
        %mul3A_443 = arith.muli %mul3A_442, %scan3A_441 : i32
        %mul3A_444 = arith.constant 2 : i32
        %mul3A_445 = arith.muli %mul3A_444, %scan3A_441 : i32
        %add3A_446 = arith.constant 1 : i32
        %add3A_447 = arith.addi %mul3A_445, %add3A_446 : i32
        %get3A_448 = arith.index_cast %mul3A_443 : i32 to index
        %get3A_449 = arith.constant 0 : index
        %get3A_450 = tpu.vector_load %arg9[%get3A_448, %get3A_449] {strides = array<i32>} : memref<128x100xf32, #tpu.memory_space<vmem>>, vector<1x16xf32>,
        %get3A_451 = vector.shape_cast %get3A_450 : vector<1x16xf32> to vector<16xf32>
        %add3A_452 = arith.addf %get3A_451, %get3A_403 : vector<16xf32>
        %swap3A = arith.index_cast %mul3A_443 : i32 to index
        %swap3A_453 = arith.constant 0 : index
        %swap3A_454 = tpu.vector_load %arg9[%swap3A, %swap3A_453] {strides = array<i32>} : memref<128x100xf32, #tpu.memory_space<vmem>>, vector<1x16xf32>,
        %swap3A_455 = vector.shape_cast %swap3A_454 : vector<1x16xf32> to vector<16xf32>
        %swap3A_456 = vector.shape_cast %add3A_452 : vector<16xf32> to vector<1x16xf32>
        tpu.vector_store %arg9[%swap3A, %swap3A_453], %swap3A_456 {strides = array<i32>} : memref<128x100xf32, #tpu.memory_space<vmem>>, vector<1x16xf32>,
        %get3A_457 = arith.index_cast %mul3A_443 : i32 to index
        %get3A_458 = arith.constant 16 : index
        %get3A_459 = tpu.vector_load %arg9[%get3A_457, %get3A_458] {strides = array<i32>} : memref<128x100xf32, #tpu.memory_space<vmem>>, vector<1x16xf32>,
        %get3A_460 = vector.shape_cast %get3A_459 : vector<1x16xf32> to vector<16xf32>
        %add3A_461 = arith.addf %get3A_460, %get3A_407 : vector<16xf32>
        %swap3A_462 = arith.index_cast %mul3A_443 : i32 to index
        %swap3A_463 = arith.constant 16 : index
        %swap3A_464 = tpu.vector_load %arg9[%swap3A_462, %swap3A_463] {strides = array<i32>} : memref<128x100xf32, #tpu.memory_space<vmem>>, vector<1x16xf32>,
        %swap3A_465 = vector.shape_cast %swap3A_464 : vector<1x16xf32> to vector<16xf32>
        %swap3A_466 = vector.shape_cast %add3A_461 : vector<16xf32> to vector<1x16xf32>
        tpu.vector_store %arg9[%swap3A_462, %swap3A_463], %swap3A_466 {strides = array<i32>} : memref<128x100xf32, #tpu.memory_space<vmem>>, vector<1x16xf32>,
        %get3A_467 = arith.index_cast %mul3A_443 : i32 to index
        %get3A_468 = arith.constant 32 : index
        %get3A_469 = tpu.vector_load %arg9[%get3A_467, %get3A_468] {strides = array<i32>} : memref<128x100xf32, #tpu.memory_space<vmem>>, vector<1x16xf32>,
        %get3A_470 = vector.shape_cast %get3A_469 : vector<1x16xf32> to vector<16xf32>
        %add3A_471 = arith.addf %get3A_470, %get3A_411 : vector<16xf32>
        %swap3A_472 = arith.index_cast %mul3A_443 : i32 to index
        %swap3A_473 = arith.constant 32 : index
        %swap3A_474 = tpu.vector_load %arg9[%swap3A_472, %swap3A_473] {strides = array<i32>} : memref<128x100xf32, #tpu.memory_space<vmem>>, vector<1x16xf32>,
        %swap3A_475 = vector.shape_cast %swap3A_474 : vector<1x16xf32> to vector<16xf32>
        %swap3A_476 = vector.shape_cast %add3A_471 : vector<16xf32> to vector<1x16xf32>
        tpu.vector_store %arg9[%swap3A_472, %swap3A_473], %swap3A_476 {strides = array<i32>} : memref<128x100xf32, #tpu.memory_space<vmem>>, vector<1x16xf32>,
        %get3A_477 = arith.index_cast %mul3A_443 : i32 to index
        %get3A_478 = arith.constant 48 : index
        %get3A_479 = tpu.vector_load %arg9[%get3A_477, %get3A_478] {strides = array<i32>} : memref<128x100xf32, #tpu.memory_space<vmem>>, vector<1x16xf32>,
        %get3A_480 = vector.shape_cast %get3A_479 : vector<1x16xf32> to vector<16xf32>
        %add3A_481 = arith.addf %get3A_480, %get3A_415 : vector<16xf32>
        %swap3A_482 = arith.index_cast %mul3A_443 : i32 to index
        %swap3A_483 = arith.constant 48 : index
        %swap3A_484 = tpu.vector_load %arg9[%swap3A_482, %swap3A_483] {strides = array<i32>} : memref<128x100xf32, #tpu.memory_space<vmem>>, vector<1x16xf32>,
        %swap3A_485 = vector.shape_cast %swap3A_484 : vector<1x16xf32> to vector<16xf32>
        %swap3A_486 = vector.shape_cast %add3A_481 : vector<16xf32> to vector<1x16xf32>
        tpu.vector_store %arg9[%swap3A_482, %swap3A_483], %swap3A_486 {strides = array<i32>} : memref<128x100xf32, #tpu.memory_space<vmem>>, vector<1x16xf32>,
        %get3A_487 = arith.index_cast %mul3A_443 : i32 to index
        %get3A_488 = arith.constant 64 : index
        %get3A_489 = tpu.vector_load %arg9[%get3A_487, %get3A_488] {strides = array<i32>} : memref<128x100xf32, #tpu.memory_space<vmem>>, vector<1x16xf32>,
        %get3A_490 = vector.shape_cast %get3A_489 : vector<1x16xf32> to vector<16xf32>
        %add3A_491 = arith.addf %get3A_490, %get3A_419 : vector<16xf32>
        %swap3A_492 = arith.index_cast %mul3A_443 : i32 to index
        %swap3A_493 = arith.constant 64 : index
        %swap3A_494 = tpu.vector_load %arg9[%swap3A_492, %swap3A_493] {strides = array<i32>} : memref<128x100xf32, #tpu.memory_space<vmem>>, vector<1x16xf32>,
        %swap3A_495 = vector.shape_cast %swap3A_494 : vector<1x16xf32> to vector<16xf32>
        %swap3A_496 = vector.shape_cast %add3A_491 : vector<16xf32> to vector<1x16xf32>
        tpu.vector_store %arg9[%swap3A_492, %swap3A_493], %swap3A_496 {strides = array<i32>} : memref<128x100xf32, #tpu.memory_space<vmem>>, vector<1x16xf32>,
        %get3A_497 = arith.index_cast %mul3A_443 : i32 to index
        %get3A_498 = arith.constant 80 : index
        %get3A_499 = tpu.vector_load %arg9[%get3A_497, %get3A_498] {strides = array<i32>} : memref<128x100xf32, #tpu.memory_space<vmem>>, vector<1x16xf32>,
        %get3A_500 = vector.shape_cast %get3A_499 : vector<1x16xf32> to vector<16xf32>
        %add3A_501 = arith.addf %get3A_500, %get3A_423 : vector<16xf32>
        %swap3A_502 = arith.index_cast %mul3A_443 : i32 to index
        %swap3A_503 = arith.constant 80 : index
        %swap3A_504 = tpu.vector_load %arg9[%swap3A_502, %swap3A_503] {strides = array<i32>} : memref<128x100xf32, #tpu.memory_space<vmem>>, vector<1x16xf32>,
        %swap3A_505 = vector.shape_cast %swap3A_504 : vector<1x16xf32> to vector<16xf32>
        %swap3A_506 = vector.shape_cast %add3A_501 : vector<16xf32> to vector<1x16xf32>
        tpu.vector_store %arg9[%swap3A_502, %swap3A_503], %swap3A_506 {strides = array<i32>} : memref<128x100xf32, #tpu.memory_space<vmem>>, vector<1x16xf32>,
        %get3A_507 = arith.index_cast %mul3A_443 : i32 to index
        %get3A_508 = arith.constant 84 : index
        %get3A_509 = tpu.vector_load %arg9[%get3A_507, %get3A_508] {strides = array<i32>} : memref<128x100xf32, #tpu.memory_space<vmem>>, vector<1x16xf32>,
        %get3A_510 = vector.shape_cast %get3A_509 : vector<1x16xf32> to vector<16xf32>
        %add3A_511 = arith.addf %get3A_510, %get3A_427 : vector<16xf32>
        %swap3A_512 = arith.index_cast %mul3A_443 : i32 to index
        %swap3A_513 = arith.constant 84 : index
        %swap3A_514 = tpu.vector_load %arg9[%swap3A_512, %swap3A_513] {strides = array<i32>} : memref<128x100xf32, #tpu.memory_space<vmem>>, vector<1x16xf32>,
        %swap3A_515 = vector.shape_cast %swap3A_514 : vector<1x16xf32> to vector<16xf32>
        %swap3A_516 = vector.shape_cast %add3A_511 : vector<16xf32> to vector<1x16xf32>
        tpu.vector_store %arg9[%swap3A_512, %swap3A_513], %swap3A_516 {strides = array<i32>} : memref<128x100xf32, #tpu.memory_space<vmem>>, vector<1x16xf32>,
        %get3A_517 = arith.index_cast %add3A_447 : i32 to index
        %get3A_518 = arith.constant 0 : index
        %get3A_519 = tpu.vector_load %arg9[%get3A_517, %get3A_518] {strides = array<i32>} : memref<128x100xf32, #tpu.memory_space<vmem>>, vector<1x16xf32>,
        %get3A_520 = vector.shape_cast %get3A_519 : vector<1x16xf32> to vector<16xf32>
        %add3A_521 = arith.addf %get3A_520, %get3A_403 : vector<16xf32>
        %swap3A_522 = arith.index_cast %add3A_447 : i32 to index
        %swap3A_523 = arith.constant 0 : index
        %swap3A_524 = tpu.vector_load %arg9[%swap3A_522, %swap3A_523] {strides = array<i32>} : memref<128x100xf32, #tpu.memory_space<vmem>>, vector<1x16xf32>,
        %swap3A_525 = vector.shape_cast %swap3A_524 : vector<1x16xf32> to vector<16xf32>
        %swap3A_526 = vector.shape_cast %add3A_521 : vector<16xf32> to vector<1x16xf32>
        tpu.vector_store %arg9[%swap3A_522, %swap3A_523], %swap3A_526 {strides = array<i32>} : memref<128x100xf32, #tpu.memory_space<vmem>>, vector<1x16xf32>,
        %get3A_527 = arith.index_cast %add3A_447 : i32 to index
        %get3A_528 = arith.constant 16 : index
        %get3A_529 = tpu.vector_load %arg9[%get3A_527, %get3A_528] {strides = array<i32>} : memref<128x100xf32, #tpu.memory_space<vmem>>, vector<1x16xf32>,
        %get3A_530 = vector.shape_cast %get3A_529 : vector<1x16xf32> to vector<16xf32>
        %add3A_531 = arith.addf %get3A_530, %get3A_407 : vector<16xf32>
        %swap3A_532 = arith.index_cast %add3A_447 : i32 to index
        %swap3A_533 = arith.constant 16 : index
        %swap3A_534 = tpu.vector_load %arg9[%swap3A_532, %swap3A_533] {strides = array<i32>} : memref<128x100xf32, #tpu.memory_space<vmem>>, vector<1x16xf32>,
        %swap3A_535 = vector.shape_cast %swap3A_534 : vector<1x16xf32> to vector<16xf32>
        %swap3A_536 = vector.shape_cast %add3A_531 : vector<16xf32> to vector<1x16xf32>
        tpu.vector_store %arg9[%swap3A_532, %swap3A_533], %swap3A_536 {strides = array<i32>} : memref<128x100xf32, #tpu.memory_space<vmem>>, vector<1x16xf32>,
        %get3A_537 = arith.index_cast %add3A_447 : i32 to index
        %get3A_538 = arith.constant 32 : index
        %get3A_539 = tpu.vector_load %arg9[%get3A_537, %get3A_538] {strides = array<i32>} : memref<128x100xf32, #tpu.memory_space<vmem>>, vector<1x16xf32>,
        %get3A_540 = vector.shape_cast %get3A_539 : vector<1x16xf32> to vector<16xf32>
        %add3A_541 = arith.addf %get3A_540, %get3A_411 : vector<16xf32>
        %swap3A_542 = arith.index_cast %add3A_447 : i32 to index
        %swap3A_543 = arith.constant 32 : index
        %swap3A_544 = tpu.vector_load %arg9[%swap3A_542, %swap3A_543] {strides = array<i32>} : memref<128x100xf32, #tpu.memory_space<vmem>>, vector<1x16xf32>,
        %swap3A_545 = vector.shape_cast %swap3A_544 : vector<1x16xf32> to vector<16xf32>
        %swap3A_546 = vector.shape_cast %add3A_541 : vector<16xf32> to vector<1x16xf32>
        tpu.vector_store %arg9[%swap3A_542, %swap3A_543], %swap3A_546 {strides = array<i32>} : memref<128x100xf32, #tpu.memory_space<vmem>>, vector<1x16xf32>,
        %get3A_547 = arith.index_cast %add3A_447 : i32 to index
        %get3A_548 = arith.constant 48 : index
        %get3A_549 = tpu.vector_load %arg9[%get3A_547, %get3A_548] {strides = array<i32>} : memref<128x100xf32, #tpu.memory_space<vmem>>, vector<1x16xf32>,
        %get3A_550 = vector.shape_cast %get3A_549 : vector<1x16xf32> to vector<16xf32>
        %add3A_551 = arith.addf %get3A_550, %get3A_415 : vector<16xf32>
        %swap3A_552 = arith.index_cast %add3A_447 : i32 to index
        %swap3A_553 = arith.constant 48 : index
        %swap3A_554 = tpu.vector_load %arg9[%swap3A_552, %swap3A_553] {strides = array<i32>} : memref<128x100xf32, #tpu.memory_space<vmem>>, vector<1x16xf32>,
        %swap3A_555 = vector.shape_cast %swap3A_554 : vector<1x16xf32> to vector<16xf32>
        %swap3A_556 = vector.shape_cast %add3A_551 : vector<16xf32> to vector<1x16xf32>
        tpu.vector_store %arg9[%swap3A_552, %swap3A_553], %swap3A_556 {strides = array<i32>} : memref<128x100xf32, #tpu.memory_space<vmem>>, vector<1x16xf32>,
        %get3A_557 = arith.index_cast %add3A_447 : i32 to index
        %get3A_558 = arith.constant 64 : index
        %get3A_559 = tpu.vector_load %arg9[%get3A_557, %get3A_558] {strides = array<i32>} : memref<128x100xf32, #tpu.memory_space<vmem>>, vector<1x16xf32>,
        %get3A_560 = vector.shape_cast %get3A_559 : vector<1x16xf32> to vector<16xf32>
        %add3A_561 = arith.addf %get3A_560, %get3A_419 : vector<16xf32>
        %swap3A_562 = arith.index_cast %add3A_447 : i32 to index
        %swap3A_563 = arith.constant 64 : index
        %swap3A_564 = tpu.vector_load %arg9[%swap3A_562, %swap3A_563] {strides = array<i32>} : memref<128x100xf32, #tpu.memory_space<vmem>>, vector<1x16xf32>,
        %swap3A_565 = vector.shape_cast %swap3A_564 : vector<1x16xf32> to vector<16xf32>
        %swap3A_566 = vector.shape_cast %add3A_561 : vector<16xf32> to vector<1x16xf32>
        tpu.vector_store %arg9[%swap3A_562, %swap3A_563], %swap3A_566 {strides = array<i32>} : memref<128x100xf32, #tpu.memory_space<vmem>>, vector<1x16xf32>,
        %get3A_567 = arith.index_cast %add3A_447 : i32 to index
        %get3A_568 = arith.constant 80 : index
        %get3A_569 = tpu.vector_load %arg9[%get3A_567, %get3A_568] {strides = array<i32>} : memref<128x100xf32, #tpu.memory_space<vmem>>, vector<1x16xf32>,
        %get3A_570 = vector.shape_cast %get3A_569 : vector<1x16xf32> to vector<16xf32>
        %add3A_571 = arith.addf %get3A_570, %get3A_423 : vector<16xf32>
        %swap3A_572 = arith.index_cast %add3A_447 : i32 to index
        %swap3A_573 = arith.constant 80 : index
        %swap3A_574 = tpu.vector_load %arg9[%swap3A_572, %swap3A_573] {strides = array<i32>} : memref<128x100xf32, #tpu.memory_space<vmem>>, vector<1x16xf32>,
        %swap3A_575 = vector.shape_cast %swap3A_574 : vector<1x16xf32> to vector<16xf32>
        %swap3A_576 = vector.shape_cast %add3A_571 : vector<16xf32> to vector<1x16xf32>
        tpu.vector_store %arg9[%swap3A_572, %swap3A_573], %swap3A_576 {strides = array<i32>} : memref<128x100xf32, #tpu.memory_space<vmem>>, vector<1x16xf32>,
        %get3A_577 = arith.index_cast %add3A_447 : i32 to index
        %get3A_578 = arith.constant 84 : index
        %get3A_579 = tpu.vector_load %arg9[%get3A_577, %get3A_578] {strides = array<i32>} : memref<128x100xf32, #tpu.memory_space<vmem>>, vector<1x16xf32>,
        %get3A_580 = vector.shape_cast %get3A_579 : vector<1x16xf32> to vector<16xf32>
        %add3A_581 = arith.addf %get3A_580, %get3A_427 : vector<16xf32>
        %swap3A_582 = arith.index_cast %add3A_447 : i32 to index
        %swap3A_583 = arith.constant 84 : index
        %swap3A_584 = tpu.vector_load %arg9[%swap3A_582, %swap3A_583] {strides = array<i32>} : memref<128x100xf32, #tpu.memory_space<vmem>>, vector<1x16xf32>,
        %swap3A_585 = vector.shape_cast %swap3A_584 : vector<1x16xf32> to vector<16xf32>
        %swap3A_586 = vector.shape_cast %add3A_581 : vector<16xf32> to vector<1x16xf32>
        tpu.vector_store %arg9[%swap3A_582, %swap3A_583], %swap3A_586 {strides = array<i32>} : memref<128x100xf32, #tpu.memory_space<vmem>>, vector<1x16xf32>,
      }
      %scan3A_433 = arith.constant 64 : i32
      %add3A_434 = arith.addi %mul3A_2, %add3A_368 : i32
      %mul3A_435 = arith.constant 128 : i32
      %mul3A_436 = arith.muli %add3A_434, %mul3A_435 : i32
      %dma_start3A_437 = arith.constant 0 : i32
      %dma_start3A_438 = tpu.memref_slice %arg5[%mul3A_436, %dma_start3A_437] : memref<204800x100xf32, #tpu.memory_space<hbm>> -> memref<128x100xf32, #tpu.memory_space<hbm>>
      %dma_start3A_439 = arith.constant 0 : i32
      %dma_start3A_440 = tpu.memref_slice %arg5[%mul3A_436, %dma_start3A_439] : memref<204800x100xf32, #tpu.memory_space<hbm>> -> memref<128x100xf32, #tpu.memory_space<hbm>>
      tpu.enqueue_dma source(%arg9 : memref<128x100xf32, #tpu.memory_space<vmem>>) target(%dma_start3A_440 : memref<128x100xf32, #tpu.memory_space<hbm>>) target_semaphore(%arg16 : memref<!tpu.dma_semaphore, #tpu.memory_space<semaphore_mem>>)
    }
    %scan3A_19 = arith.constant 16 : i32
    %dma_wait3A = arith.constant 0 : i32
    %dma_wait3A_20 = arith.constant 0 : i32
    %dma_wait3A_21 = tpu.memref_slice %arg3[%dma_wait3A, %dma_wait3A_20] : memref<1000000x100xf32, #tpu.memory_space<hbm>> -> memref<128x100xf32, #tpu.memory_space<hbm>>
    %dma_wait3A_22 = arith.constant 0 : i32
    %dma_wait3A_23 = arith.constant 0 : i32
    %dma_wait3A_24 = tpu.memref_slice %arg3[%dma_wait3A_22, %dma_wait3A_23] : memref<1000000x100xf32, #tpu.memory_space<hbm>> -> memref<128x100xf32, #tpu.memory_space<hbm>>
    tpu.wait_dma2 semaphore(%arg14 : memref<!tpu.dma_semaphore, #tpu.memory_space<semaphore_mem>>) src(%dma_wait3A_24 : memref<128x100xf32, #tpu.memory_space<hbm>>) dst(%arg7 : memref<128x100xf32, #tpu.memory_space<vmem>>)
    %scan3A_25 = arith.constant 0 : i32
    %scan3A_26 = arith.constant 0 : i32
    %scan3A_27 = arith.constant 8 : i32
    %scan3A_28 = arith.addi %scan3A_26, %scan3A_27 : i32
    %scan3A_29 = arith.constant 1 : i32
    scf.for %scan3A_199 = %scan3A_26 to %scan3A_28 step %scan3A_29  : i32 {
      %mul3A_200 = arith.constant 16 : i32
      %mul3A_201 = arith.muli %scan3A_199, %mul3A_200 : i32
      %add3A_202 = arith.constant 6144 : i32
      %add3A_203 = arith.addi %add3A_202, %mul3A_201 : i32
      %get3A_204 = arith.index_cast %add3A_203 : i32 to index
      %get3A_205 = tpu.vector_load %arg6[%get3A_204] {strides = array<i32>} : memref<6400xi32, #tpu.memory_space<vmem>>, vector<16xi32>,
      %get3A_206 = vector.shape_cast %get3A_205 : vector<16xi32> to vector<16xi32>
      %slice3A = vector.extract_strided_slice %get3A_206 {offsets = [0], sizes = [1], strides = [1]} : vector<16xi32> to vector<1xi32>
      %squeeze3A = vector.extract %slice3A[0] : i32 from vector<1xi32>
      %mul3A_207 = arith.constant 16 : i32
      %mul3A_208 = arith.muli %scan3A_199, %mul3A_207 : i32
      %add3A_209 = arith.constant 0 : i32
      %add3A_210 = arith.addi %mul3A_208, %add3A_209 : i32
      %dma_start3A_211 = arith.constant 0 : i32
      %dma_start3A_212 = tpu.memref_slice %arg7[%add3A_210, %dma_start3A_211] : memref<128x100xf32, #tpu.memory_space<vmem>> -> memref<1x100xf32, #tpu.memory_space<vmem>>
      %dma_start3A_213 = arith.constant 0 : i32
      %dma_start3A_214 = tpu.memref_slice %arg3[%squeeze3A, %dma_start3A_213] : memref<1000000x100xf32, #tpu.memory_space<hbm>> -> memref<1x100xf32, #tpu.memory_space<hbm>>
      %dma_start3A_215 = arith.constant 0 : i32
      %dma_start3A_216 = tpu.memref_slice %arg7[%add3A_210, %dma_start3A_215] : memref<128x100xf32, #tpu.memory_space<vmem>> -> memref<1x100xf32, #tpu.memory_space<vmem>>
      %dma_start3A_217 = arith.constant 0 : i32
      %dma_start3A_218 = tpu.memref_slice %arg3[%squeeze3A, %dma_start3A_217] : memref<1000000x100xf32, #tpu.memory_space<hbm>> -> memref<1x100xf32, #tpu.memory_space<hbm>>
      tpu.enqueue_dma source(%dma_start3A_218 : memref<1x100xf32, #tpu.memory_space<hbm>>) target(%dma_start3A_216 : memref<1x100xf32, #tpu.memory_space<vmem>>) target_semaphore(%arg11 : memref<!tpu.dma_semaphore, #tpu.memory_space<semaphore_mem>>)
      %slice3A_219 = vector.extract_strided_slice %get3A_206 {offsets = [1], sizes = [1], strides = [1]} : vector<16xi32> to vector<1xi32>
      %squeeze3A_220 = vector.extract %slice3A_219[0] : i32 from vector<1xi32>
      %mul3A_221 = arith.constant 16 : i32
      %mul3A_222 = arith.muli %scan3A_199, %mul3A_221 : i32
      %add3A_223 = arith.constant 1 : i32
      %add3A_224 = arith.addi %mul3A_222, %add3A_223 : i32
      %dma_start3A_225 = arith.constant 0 : i32
      %dma_start3A_226 = tpu.memref_slice %arg7[%add3A_224, %dma_start3A_225] : memref<128x100xf32, #tpu.memory_space<vmem>> -> memref<1x100xf32, #tpu.memory_space<vmem>>
      %dma_start3A_227 = arith.constant 0 : i32
      %dma_start3A_228 = tpu.memref_slice %arg3[%squeeze3A_220, %dma_start3A_227] : memref<1000000x100xf32, #tpu.memory_space<hbm>> -> memref<1x100xf32, #tpu.memory_space<hbm>>
      %dma_start3A_229 = arith.constant 0 : i32
      %dma_start3A_230 = tpu.memref_slice %arg7[%add3A_224, %dma_start3A_229] : memref<128x100xf32, #tpu.memory_space<vmem>> -> memref<1x100xf32, #tpu.memory_space<vmem>>
      %dma_start3A_231 = arith.constant 0 : i32
      %dma_start3A_232 = tpu.memref_slice %arg3[%squeeze3A_220, %dma_start3A_231] : memref<1000000x100xf32, #tpu.memory_space<hbm>> -> memref<1x100xf32, #tpu.memory_space<hbm>>
      tpu.enqueue_dma source(%dma_start3A_232 : memref<1x100xf32, #tpu.memory_space<hbm>>) target(%dma_start3A_230 : memref<1x100xf32, #tpu.memory_space<vmem>>) target_semaphore(%arg11 : memref<!tpu.dma_semaphore, #tpu.memory_space<semaphore_mem>>)
      %slice3A_233 = vector.extract_strided_slice %get3A_206 {offsets = [2], sizes = [1], strides = [1]} : vector<16xi32> to vector<1xi32>
      %squeeze3A_234 = vector.extract %slice3A_233[0] : i32 from vector<1xi32>
      %mul3A_235 = arith.constant 16 : i32
      %mul3A_236 = arith.muli %scan3A_199, %mul3A_235 : i32
      %add3A_237 = arith.constant 2 : i32
      %add3A_238 = arith.addi %mul3A_236, %add3A_237 : i32
      %dma_start3A_239 = arith.constant 0 : i32
      %dma_start3A_240 = tpu.memref_slice %arg7[%add3A_238, %dma_start3A_239] : memref<128x100xf32, #tpu.memory_space<vmem>> -> memref<1x100xf32, #tpu.memory_space<vmem>>
      %dma_start3A_241 = arith.constant 0 : i32
      %dma_start3A_242 = tpu.memref_slice %arg3[%squeeze3A_234, %dma_start3A_241] : memref<1000000x100xf32, #tpu.memory_space<hbm>> -> memref<1x100xf32, #tpu.memory_space<hbm>>
      %dma_start3A_243 = arith.constant 0 : i32
      %dma_start3A_244 = tpu.memref_slice %arg7[%add3A_238, %dma_start3A_243] : memref<128x100xf32, #tpu.memory_space<vmem>> -> memref<1x100xf32, #tpu.memory_space<vmem>>
      %dma_start3A_245 = arith.constant 0 : i32
      %dma_start3A_246 = tpu.memref_slice %arg3[%squeeze3A_234, %dma_start3A_245] : memref<1000000x100xf32, #tpu.memory_space<hbm>> -> memref<1x100xf32, #tpu.memory_space<hbm>>
      tpu.enqueue_dma source(%dma_start3A_246 : memref<1x100xf32, #tpu.memory_space<hbm>>) target(%dma_start3A_244 : memref<1x100xf32, #tpu.memory_space<vmem>>) target_semaphore(%arg11 : memref<!tpu.dma_semaphore, #tpu.memory_space<semaphore_mem>>)
      %slice3A_247 = vector.extract_strided_slice %get3A_206 {offsets = [3], sizes = [1], strides = [1]} : vector<16xi32> to vector<1xi32>
      %squeeze3A_248 = vector.extract %slice3A_247[0] : i32 from vector<1xi32>
      %mul3A_249 = arith.constant 16 : i32
      %mul3A_250 = arith.muli %scan3A_199, %mul3A_249 : i32
      %add3A_251 = arith.constant 3 : i32
      %add3A_252 = arith.addi %mul3A_250, %add3A_251 : i32
      %dma_start3A_253 = arith.constant 0 : i32
      %dma_start3A_254 = tpu.memref_slice %arg7[%add3A_252, %dma_start3A_253] : memref<128x100xf32, #tpu.memory_space<vmem>> -> memref<1x100xf32, #tpu.memory_space<vmem>>
      %dma_start3A_255 = arith.constant 0 : i32
      %dma_start3A_256 = tpu.memref_slice %arg3[%squeeze3A_248, %dma_start3A_255] : memref<1000000x100xf32, #tpu.memory_space<hbm>> -> memref<1x100xf32, #tpu.memory_space<hbm>>
      %dma_start3A_257 = arith.constant 0 : i32
      %dma_start3A_258 = tpu.memref_slice %arg7[%add3A_252, %dma_start3A_257] : memref<128x100xf32, #tpu.memory_space<vmem>> -> memref<1x100xf32, #tpu.memory_space<vmem>>
      %dma_start3A_259 = arith.constant 0 : i32
      %dma_start3A_260 = tpu.memref_slice %arg3[%squeeze3A_248, %dma_start3A_259] : memref<1000000x100xf32, #tpu.memory_space<hbm>> -> memref<1x100xf32, #tpu.memory_space<hbm>>
      tpu.enqueue_dma source(%dma_start3A_260 : memref<1x100xf32, #tpu.memory_space<hbm>>) target(%dma_start3A_258 : memref<1x100xf32, #tpu.memory_space<vmem>>) target_semaphore(%arg11 : memref<!tpu.dma_semaphore, #tpu.memory_space<semaphore_mem>>)
      %slice3A_261 = vector.extract_strided_slice %get3A_206 {offsets = [4], sizes = [1], strides = [1]} : vector<16xi32> to vector<1xi32>
      %squeeze3A_262 = vector.extract %slice3A_261[0] : i32 from vector<1xi32>
      %mul3A_263 = arith.constant 16 : i32
      %mul3A_264 = arith.muli %scan3A_199, %mul3A_263 : i32
      %add3A_265 = arith.constant 4 : i32
      %add3A_266 = arith.addi %mul3A_264, %add3A_265 : i32
      %dma_start3A_267 = arith.constant 0 : i32
      %dma_start3A_268 = tpu.memref_slice %arg7[%add3A_266, %dma_start3A_267] : memref<128x100xf32, #tpu.memory_space<vmem>> -> memref<1x100xf32, #tpu.memory_space<vmem>>
      %dma_start3A_269 = arith.constant 0 : i32
      %dma_start3A_270 = tpu.memref_slice %arg3[%squeeze3A_262, %dma_start3A_269] : memref<1000000x100xf32, #tpu.memory_space<hbm>> -> memref<1x100xf32, #tpu.memory_space<hbm>>
      %dma_start3A_271 = arith.constant 0 : i32
      %dma_start3A_272 = tpu.memref_slice %arg7[%add3A_266, %dma_start3A_271] : memref<128x100xf32, #tpu.memory_space<vmem>> -> memref<1x100xf32, #tpu.memory_space<vmem>>
      %dma_start3A_273 = arith.constant 0 : i32
      %dma_start3A_274 = tpu.memref_slice %arg3[%squeeze3A_262, %dma_start3A_273] : memref<1000000x100xf32, #tpu.memory_space<hbm>> -> memref<1x100xf32, #tpu.memory_space<hbm>>
      tpu.enqueue_dma source(%dma_start3A_274 : memref<1x100xf32, #tpu.memory_space<hbm>>) target(%dma_start3A_272 : memref<1x100xf32, #tpu.memory_space<vmem>>) target_semaphore(%arg11 : memref<!tpu.dma_semaphore, #tpu.memory_space<semaphore_mem>>)
      %slice3A_275 = vector.extract_strided_slice %get3A_206 {offsets = [5], sizes = [1], strides = [1]} : vector<16xi32> to vector<1xi32>
      %squeeze3A_276 = vector.extract %slice3A_275[0] : i32 from vector<1xi32>
      %mul3A_277 = arith.constant 16 : i32
      %mul3A_278 = arith.muli %scan3A_199, %mul3A_277 : i32
      %add3A_279 = arith.constant 5 : i32
      %add3A_280 = arith.addi %mul3A_278, %add3A_279 : i32
      %dma_start3A_281 = arith.constant 0 : i32
      %dma_start3A_282 = tpu.memref_slice %arg7[%add3A_280, %dma_start3A_281] : memref<128x100xf32, #tpu.memory_space<vmem>> -> memref<1x100xf32, #tpu.memory_space<vmem>>
      %dma_start3A_283 = arith.constant 0 : i32
      %dma_start3A_284 = tpu.memref_slice %arg3[%squeeze3A_276, %dma_start3A_283] : memref<1000000x100xf32, #tpu.memory_space<hbm>> -> memref<1x100xf32, #tpu.memory_space<hbm>>
      %dma_start3A_285 = arith.constant 0 : i32
      %dma_start3A_286 = tpu.memref_slice %arg7[%add3A_280, %dma_start3A_285] : memref<128x100xf32, #tpu.memory_space<vmem>> -> memref<1x100xf32, #tpu.memory_space<vmem>>
      %dma_start3A_287 = arith.constant 0 : i32
      %dma_start3A_288 = tpu.memref_slice %arg3[%squeeze3A_276, %dma_start3A_287] : memref<1000000x100xf32, #tpu.memory_space<hbm>> -> memref<1x100xf32, #tpu.memory_space<hbm>>
      tpu.enqueue_dma source(%dma_start3A_288 : memref<1x100xf32, #tpu.memory_space<hbm>>) target(%dma_start3A_286 : memref<1x100xf32, #tpu.memory_space<vmem>>) target_semaphore(%arg11 : memref<!tpu.dma_semaphore, #tpu.memory_space<semaphore_mem>>)
      %slice3A_289 = vector.extract_strided_slice %get3A_206 {offsets = [6], sizes = [1], strides = [1]} : vector<16xi32> to vector<1xi32>
      %squeeze3A_290 = vector.extract %slice3A_289[0] : i32 from vector<1xi32>
      %mul3A_291 = arith.constant 16 : i32
      %mul3A_292 = arith.muli %scan3A_199, %mul3A_291 : i32
      %add3A_293 = arith.constant 6 : i32
      %add3A_294 = arith.addi %mul3A_292, %add3A_293 : i32
      %dma_start3A_295 = arith.constant 0 : i32
      %dma_start3A_296 = tpu.memref_slice %arg7[%add3A_294, %dma_start3A_295] : memref<128x100xf32, #tpu.memory_space<vmem>> -> memref<1x100xf32, #tpu.memory_space<vmem>>
      %dma_start3A_297 = arith.constant 0 : i32
      %dma_start3A_298 = tpu.memref_slice %arg3[%squeeze3A_290, %dma_start3A_297] : memref<1000000x100xf32, #tpu.memory_space<hbm>> -> memref<1x100xf32, #tpu.memory_space<hbm>>
      %dma_start3A_299 = arith.constant 0 : i32
      %dma_start3A_300 = tpu.memref_slice %arg7[%add3A_294, %dma_start3A_299] : memref<128x100xf32, #tpu.memory_space<vmem>> -> memref<1x100xf32, #tpu.memory_space<vmem>>
      %dma_start3A_301 = arith.constant 0 : i32
      %dma_start3A_302 = tpu.memref_slice %arg3[%squeeze3A_290, %dma_start3A_301] : memref<1000000x100xf32, #tpu.memory_space<hbm>> -> memref<1x100xf32, #tpu.memory_space<hbm>>
      tpu.enqueue_dma source(%dma_start3A_302 : memref<1x100xf32, #tpu.memory_space<hbm>>) target(%dma_start3A_300 : memref<1x100xf32, #tpu.memory_space<vmem>>) target_semaphore(%arg11 : memref<!tpu.dma_semaphore, #tpu.memory_space<semaphore_mem>>)
      %slice3A_303 = vector.extract_strided_slice %get3A_206 {offsets = [7], sizes = [1], strides = [1]} : vector<16xi32> to vector<1xi32>
      %squeeze3A_304 = vector.extract %slice3A_303[0] : i32 from vector<1xi32>
      %mul3A_305 = arith.constant 16 : i32
      %mul3A_306 = arith.muli %scan3A_199, %mul3A_305 : i32
      %add3A_307 = arith.constant 7 : i32
      %add3A_308 = arith.addi %mul3A_306, %add3A_307 : i32
      %dma_start3A_309 = arith.constant 0 : i32
      %dma_start3A_310 = tpu.memref_slice %arg7[%add3A_308, %dma_start3A_309] : memref<128x100xf32, #tpu.memory_space<vmem>> -> memref<1x100xf32, #tpu.memory_space<vmem>>
      %dma_start3A_311 = arith.constant 0 : i32
      %dma_start3A_312 = tpu.memref_slice %arg3[%squeeze3A_304, %dma_start3A_311] : memref<1000000x100xf32, #tpu.memory_space<hbm>> -> memref<1x100xf32, #tpu.memory_space<hbm>>
      %dma_start3A_313 = arith.constant 0 : i32
      %dma_start3A_314 = tpu.memref_slice %arg7[%add3A_308, %dma_start3A_313] : memref<128x100xf32, #tpu.memory_space<vmem>> -> memref<1x100xf32, #tpu.memory_space<vmem>>
      %dma_start3A_315 = arith.constant 0 : i32
      %dma_start3A_316 = tpu.memref_slice %arg3[%squeeze3A_304, %dma_start3A_315] : memref<1000000x100xf32, #tpu.memory_space<hbm>> -> memref<1x100xf32, #tpu.memory_space<hbm>>
      tpu.enqueue_dma source(%dma_start3A_316 : memref<1x100xf32, #tpu.memory_space<hbm>>) target(%dma_start3A_314 : memref<1x100xf32, #tpu.memory_space<vmem>>) target_semaphore(%arg11 : memref<!tpu.dma_semaphore, #tpu.memory_space<semaphore_mem>>)
      %slice3A_317 = vector.extract_strided_slice %get3A_206 {offsets = [8], sizes = [1], strides = [1]} : vector<16xi32> to vector<1xi32>
      %squeeze3A_318 = vector.extract %slice3A_317[0] : i32 from vector<1xi32>
      %mul3A_319 = arith.constant 16 : i32
      %mul3A_320 = arith.muli %scan3A_199, %mul3A_319 : i32
      %add3A_321 = arith.constant 8 : i32
      %add3A_322 = arith.addi %mul3A_320, %add3A_321 : i32
      %dma_start3A_323 = arith.constant 0 : i32
      %dma_start3A_324 = tpu.memref_slice %arg7[%add3A_322, %dma_start3A_323] : memref<128x100xf32, #tpu.memory_space<vmem>> -> memref<1x100xf32, #tpu.memory_space<vmem>>
      %dma_start3A_325 = arith.constant 0 : i32
      %dma_start3A_326 = tpu.memref_slice %arg3[%squeeze3A_318, %dma_start3A_325] : memref<1000000x100xf32, #tpu.memory_space<hbm>> -> memref<1x100xf32, #tpu.memory_space<hbm>>
      %dma_start3A_327 = arith.constant 0 : i32
      %dma_start3A_328 = tpu.memref_slice %arg7[%add3A_322, %dma_start3A_327] : memref<128x100xf32, #tpu.memory_space<vmem>> -> memref<1x100xf32, #tpu.memory_space<vmem>>
      %dma_start3A_329 = arith.constant 0 : i32
      %dma_start3A_330 = tpu.memref_slice %arg3[%squeeze3A_318, %dma_start3A_329] : memref<1000000x100xf32, #tpu.memory_space<hbm>> -> memref<1x100xf32, #tpu.memory_space<hbm>>
      tpu.enqueue_dma source(%dma_start3A_330 : memref<1x100xf32, #tpu.memory_space<hbm>>) target(%dma_start3A_328 : memref<1x100xf32, #tpu.memory_space<vmem>>) target_semaphore(%arg11 : memref<!tpu.dma_semaphore, #tpu.memory_space<semaphore_mem>>)
      %slice3A_331 = vector.extract_strided_slice %get3A_206 {offsets = [9], sizes = [1], strides = [1]} : vector<16xi32> to vector<1xi32>
      %squeeze3A_332 = vector.extract %slice3A_331[0] : i32 from vector<1xi32>
      %mul3A_333 = arith.constant 16 : i32
      %mul3A_334 = arith.muli %scan3A_199, %mul3A_333 : i32
      %add3A_335 = arith.constant 9 : i32
      %add3A_336 = arith.addi %mul3A_334, %add3A_335 : i32
      %dma_start3A_337 = arith.constant 0 : i32
      %dma_start3A_338 = tpu.memref_slice %arg7[%add3A_336, %dma_start3A_337] : memref<128x100xf32, #tpu.memory_space<vmem>> -> memref<1x100xf32, #tpu.memory_space<vmem>>
      %dma_start3A_339 = arith.constant 0 : i32
      %dma_start3A_340 = tpu.memref_slice %arg3[%squeeze3A_332, %dma_start3A_339] : memref<1000000x100xf32, #tpu.memory_space<hbm>> -> memref<1x100xf32, #tpu.memory_space<hbm>>
      %dma_start3A_341 = arith.constant 0 : i32
      %dma_start3A_342 = tpu.memref_slice %arg7[%add3A_336, %dma_start3A_341] : memref<128x100xf32, #tpu.memory_space<vmem>> -> memref<1x100xf32, #tpu.memory_space<vmem>>
      %dma_start3A_343 = arith.constant 0 : i32
      %dma_start3A_344 = tpu.memref_slice %arg3[%squeeze3A_332, %dma_start3A_343] : memref<1000000x100xf32, #tpu.memory_space<hbm>> -> memref<1x100xf32, #tpu.memory_space<hbm>>
      tpu.enqueue_dma source(%dma_start3A_344 : memref<1x100xf32, #tpu.memory_space<hbm>>) target(%dma_start3A_342 : memref<1x100xf32, #tpu.memory_space<vmem>>) target_semaphore(%arg11 : memref<!tpu.dma_semaphore, #tpu.memory_space<semaphore_mem>>)
      %slice3A_345 = vector.extract_strided_slice %get3A_206 {offsets = [10], sizes = [1], strides = [1]} : vector<16xi32> to vector<1xi32>
      %squeeze3A_346 = vector.extract %slice3A_345[0] : i32 from vector<1xi32>
      %mul3A_347 = arith.constant 16 : i32
      %mul3A_348 = arith.muli %scan3A_199, %mul3A_347 : i32
      %add3A_349 = arith.constant 10 : i32
      %add3A_350 = arith.addi %mul3A_348, %add3A_349 : i32
      %dma_start3A_351 = arith.constant 0 : i32
      %dma_start3A_352 = tpu.memref_slice %arg7[%add3A_350, %dma_start3A_351] : memref<128x100xf32, #tpu.memory_space<vmem>> -> memref<1x100xf32, #tpu.memory_space<vmem>>
      %dma_start3A_353 = arith.constant 0 : i32
      %dma_start3A_354 = tpu.memref_slice %arg3[%squeeze3A_346, %dma_start3A_353] : memref<1000000x100xf32, #tpu.memory_space<hbm>> -> memref<1x100xf32, #tpu.memory_space<hbm>>
      %dma_start3A_355 = arith.constant 0 : i32
      %dma_start3A_356 = tpu.memref_slice %arg7[%add3A_350, %dma_start3A_355] : memref<128x100xf32, #tpu.memory_space<vmem>> -> memref<1x100xf32, #tpu.memory_space<vmem>>
      %dma_start3A_357 = arith.constant 0 : i32
      %dma_start3A_358 = tpu.memref_slice %arg3[%squeeze3A_346, %dma_start3A_357] : memref<1000000x100xf32, #tpu.memory_space<hbm>> -> memref<1x100xf32, #tpu.memory_space<hbm>>
      tpu.enqueue_dma source(%dma_start3A_358 : memref<1x100xf32, #tpu.memory_space<hbm>>) target(%dma_start3A_356 : memref<1x100xf32, #tpu.memory_space<vmem>>) target_semaphore(%arg11 : memref<!tpu.dma_semaphore, #tpu.memory_space<semaphore_mem>>)
      %slice3A_359 = vector.extract_strided_slice %get3A_206 {offsets = [11], sizes = [1], strides = [1]} : vector<16xi32> to vector<1xi32>
      %squeeze3A_360 = vector.extract %slice3A_359[0] : i32 from vector<1xi32>
      %mul3A_361 = arith.constant 16 : i32
      %mul3A_362 = arith.muli %scan3A_199, %mul3A_361 : i32
      %add3A_363 = arith.constant 11 : i32
      %add3A_364 = arith.addi %mul3A_362, %add3A_363 : i32
      %dma_start3A_365 = arith.constant 0 : i32
      %dma_start3A_366 = tpu.memref_slice %arg7[%add3A_364, %dma_start3A_365] : memref<128x100xf32, #tpu.memory_space<vmem>> -> memref<1x100xf32, #tpu.memory_space<vmem>>
      %dma_start3A_367 = arith.constant 0 : i32
      %dma_start3A_368 = tpu.memref_slice %arg3[%squeeze3A_360, %dma_start3A_367] : memref<1000000x100xf32, #tpu.memory_space<hbm>> -> memref<1x100xf32, #tpu.memory_space<hbm>>
      %dma_start3A_369 = arith.constant 0 : i32
      %dma_start3A_370 = tpu.memref_slice %arg7[%add3A_364, %dma_start3A_369] : memref<128x100xf32, #tpu.memory_space<vmem>> -> memref<1x100xf32, #tpu.memory_space<vmem>>
      %dma_start3A_371 = arith.constant 0 : i32
      %dma_start3A_372 = tpu.memref_slice %arg3[%squeeze3A_360, %dma_start3A_371] : memref<1000000x100xf32, #tpu.memory_space<hbm>> -> memref<1x100xf32, #tpu.memory_space<hbm>>
      tpu.enqueue_dma source(%dma_start3A_372 : memref<1x100xf32, #tpu.memory_space<hbm>>) target(%dma_start3A_370 : memref<1x100xf32, #tpu.memory_space<vmem>>) target_semaphore(%arg11 : memref<!tpu.dma_semaphore, #tpu.memory_space<semaphore_mem>>)
      %slice3A_373 = vector.extract_strided_slice %get3A_206 {offsets = [12], sizes = [1], strides = [1]} : vector<16xi32> to vector<1xi32>
      %squeeze3A_374 = vector.extract %slice3A_373[0] : i32 from vector<1xi32>
      %mul3A_375 = arith.constant 16 : i32
      %mul3A_376 = arith.muli %scan3A_199, %mul3A_375 : i32
      %add3A_377 = arith.constant 12 : i32
      %add3A_378 = arith.addi %mul3A_376, %add3A_377 : i32
      %dma_start3A_379 = arith.constant 0 : i32
      %dma_start3A_380 = tpu.memref_slice %arg7[%add3A_378, %dma_start3A_379] : memref<128x100xf32, #tpu.memory_space<vmem>> -> memref<1x100xf32, #tpu.memory_space<vmem>>
      %dma_start3A_381 = arith.constant 0 : i32
      %dma_start3A_382 = tpu.memref_slice %arg3[%squeeze3A_374, %dma_start3A_381] : memref<1000000x100xf32, #tpu.memory_space<hbm>> -> memref<1x100xf32, #tpu.memory_space<hbm>>
      %dma_start3A_383 = arith.constant 0 : i32
      %dma_start3A_384 = tpu.memref_slice %arg7[%add3A_378, %dma_start3A_383] : memref<128x100xf32, #tpu.memory_space<vmem>> -> memref<1x100xf32, #tpu.memory_space<vmem>>
      %dma_start3A_385 = arith.constant 0 : i32
      %dma_start3A_386 = tpu.memref_slice %arg3[%squeeze3A_374, %dma_start3A_385] : memref<1000000x100xf32, #tpu.memory_space<hbm>> -> memref<1x100xf32, #tpu.memory_space<hbm>>
      tpu.enqueue_dma source(%dma_start3A_386 : memref<1x100xf32, #tpu.memory_space<hbm>>) target(%dma_start3A_384 : memref<1x100xf32, #tpu.memory_space<vmem>>) target_semaphore(%arg11 : memref<!tpu.dma_semaphore, #tpu.memory_space<semaphore_mem>>)
      %slice3A_387 = vector.extract_strided_slice %get3A_206 {offsets = [13], sizes = [1], strides = [1]} : vector<16xi32> to vector<1xi32>
      %squeeze3A_388 = vector.extract %slice3A_387[0] : i32 from vector<1xi32>
      %mul3A_389 = arith.constant 16 : i32
      %mul3A_390 = arith.muli %scan3A_199, %mul3A_389 : i32
      %add3A_391 = arith.constant 13 : i32
      %add3A_392 = arith.addi %mul3A_390, %add3A_391 : i32
      %dma_start3A_393 = arith.constant 0 : i32
      %dma_start3A_394 = tpu.memref_slice %arg7[%add3A_392, %dma_start3A_393] : memref<128x100xf32, #tpu.memory_space<vmem>> -> memref<1x100xf32, #tpu.memory_space<vmem>>
      %dma_start3A_395 = arith.constant 0 : i32
      %dma_start3A_396 = tpu.memref_slice %arg3[%squeeze3A_388, %dma_start3A_395] : memref<1000000x100xf32, #tpu.memory_space<hbm>> -> memref<1x100xf32, #tpu.memory_space<hbm>>
      %dma_start3A_397 = arith.constant 0 : i32
      %dma_start3A_398 = tpu.memref_slice %arg7[%add3A_392, %dma_start3A_397] : memref<128x100xf32, #tpu.memory_space<vmem>> -> memref<1x100xf32, #tpu.memory_space<vmem>>
      %dma_start3A_399 = arith.constant 0 : i32
      %dma_start3A_400 = tpu.memref_slice %arg3[%squeeze3A_388, %dma_start3A_399] : memref<1000000x100xf32, #tpu.memory_space<hbm>> -> memref<1x100xf32, #tpu.memory_space<hbm>>
      tpu.enqueue_dma source(%dma_start3A_400 : memref<1x100xf32, #tpu.memory_space<hbm>>) target(%dma_start3A_398 : memref<1x100xf32, #tpu.memory_space<vmem>>) target_semaphore(%arg11 : memref<!tpu.dma_semaphore, #tpu.memory_space<semaphore_mem>>)
      %slice3A_401 = vector.extract_strided_slice %get3A_206 {offsets = [14], sizes = [1], strides = [1]} : vector<16xi32> to vector<1xi32>
      %squeeze3A_402 = vector.extract %slice3A_401[0] : i32 from vector<1xi32>
      %mul3A_403 = arith.constant 16 : i32
      %mul3A_404 = arith.muli %scan3A_199, %mul3A_403 : i32
      %add3A_405 = arith.constant 14 : i32
      %add3A_406 = arith.addi %mul3A_404, %add3A_405 : i32
      %dma_start3A_407 = arith.constant 0 : i32
      %dma_start3A_408 = tpu.memref_slice %arg7[%add3A_406, %dma_start3A_407] : memref<128x100xf32, #tpu.memory_space<vmem>> -> memref<1x100xf32, #tpu.memory_space<vmem>>
      %dma_start3A_409 = arith.constant 0 : i32
      %dma_start3A_410 = tpu.memref_slice %arg3[%squeeze3A_402, %dma_start3A_409] : memref<1000000x100xf32, #tpu.memory_space<hbm>> -> memref<1x100xf32, #tpu.memory_space<hbm>>
      %dma_start3A_411 = arith.constant 0 : i32
      %dma_start3A_412 = tpu.memref_slice %arg7[%add3A_406, %dma_start3A_411] : memref<128x100xf32, #tpu.memory_space<vmem>> -> memref<1x100xf32, #tpu.memory_space<vmem>>
      %dma_start3A_413 = arith.constant 0 : i32
      %dma_start3A_414 = tpu.memref_slice %arg3[%squeeze3A_402, %dma_start3A_413] : memref<1000000x100xf32, #tpu.memory_space<hbm>> -> memref<1x100xf32, #tpu.memory_space<hbm>>
      tpu.enqueue_dma source(%dma_start3A_414 : memref<1x100xf32, #tpu.memory_space<hbm>>) target(%dma_start3A_412 : memref<1x100xf32, #tpu.memory_space<vmem>>) target_semaphore(%arg11 : memref<!tpu.dma_semaphore, #tpu.memory_space<semaphore_mem>>)
      %slice3A_415 = vector.extract_strided_slice %get3A_206 {offsets = [15], sizes = [1], strides = [1]} : vector<16xi32> to vector<1xi32>
      %squeeze3A_416 = vector.extract %slice3A_415[0] : i32 from vector<1xi32>
      %mul3A_417 = arith.constant 16 : i32
      %mul3A_418 = arith.muli %scan3A_199, %mul3A_417 : i32
      %add3A_419 = arith.constant 15 : i32
      %add3A_420 = arith.addi %mul3A_418, %add3A_419 : i32
      %dma_start3A_421 = arith.constant 0 : i32
      %dma_start3A_422 = tpu.memref_slice %arg7[%add3A_420, %dma_start3A_421] : memref<128x100xf32, #tpu.memory_space<vmem>> -> memref<1x100xf32, #tpu.memory_space<vmem>>
      %dma_start3A_423 = arith.constant 0 : i32
      %dma_start3A_424 = tpu.memref_slice %arg3[%squeeze3A_416, %dma_start3A_423] : memref<1000000x100xf32, #tpu.memory_space<hbm>> -> memref<1x100xf32, #tpu.memory_space<hbm>>
      %dma_start3A_425 = arith.constant 0 : i32
      %dma_start3A_426 = tpu.memref_slice %arg7[%add3A_420, %dma_start3A_425] : memref<128x100xf32, #tpu.memory_space<vmem>> -> memref<1x100xf32, #tpu.memory_space<vmem>>
      %dma_start3A_427 = arith.constant 0 : i32
      %dma_start3A_428 = tpu.memref_slice %arg3[%squeeze3A_416, %dma_start3A_427] : memref<1000000x100xf32, #tpu.memory_space<hbm>> -> memref<1x100xf32, #tpu.memory_space<hbm>>
      tpu.enqueue_dma source(%dma_start3A_428 : memref<1x100xf32, #tpu.memory_space<hbm>>) target(%dma_start3A_426 : memref<1x100xf32, #tpu.memory_space<vmem>>) target_semaphore(%arg11 : memref<!tpu.dma_semaphore, #tpu.memory_space<semaphore_mem>>)
    }
    %scan3A_30 = arith.constant 8 : i32
    %dma_wait3A_31 = arith.constant 0 : i32
    %dma_wait3A_32 = arith.constant 0 : i32
    %dma_wait3A_33 = tpu.memref_slice %arg3[%dma_wait3A_31, %dma_wait3A_32] : memref<1000000x100xf32, #tpu.memory_space<hbm>> -> memref<128x100xf32, #tpu.memory_space<hbm>>
    %dma_wait3A_34 = arith.constant 0 : i32
    %dma_wait3A_35 = arith.constant 0 : i32
    %dma_wait3A_36 = tpu.memref_slice %arg3[%dma_wait3A_34, %dma_wait3A_35] : memref<1000000x100xf32, #tpu.memory_space<hbm>> -> memref<128x100xf32, #tpu.memory_space<hbm>>
    tpu.wait_dma2 semaphore(%arg15 : memref<!tpu.dma_semaphore, #tpu.memory_space<semaphore_mem>>) src(%dma_wait3A_36 : memref<128x100xf32, #tpu.memory_space<hbm>>) dst(%arg8 : memref<128x100xf32, #tpu.memory_space<vmem>>)
    %scan3A_37 = arith.constant 0 : i32
    %scan3A_38 = arith.constant 0 : i32
    %scan3A_39 = arith.constant 8 : i32
    %scan3A_40 = arith.addi %scan3A_38, %scan3A_39 : i32
    %scan3A_41 = arith.constant 1 : i32
    scf.for %scan3A_199 = %scan3A_38 to %scan3A_40 step %scan3A_41  : i32 {
      %mul3A_200 = arith.constant 16 : i32
      %mul3A_201 = arith.muli %scan3A_199, %mul3A_200 : i32
      %add3A_202 = arith.constant 6272 : i32
      %add3A_203 = arith.addi %add3A_202, %mul3A_201 : i32
      %get3A_204 = arith.index_cast %add3A_203 : i32 to index
      %get3A_205 = tpu.vector_load %arg6[%get3A_204] {strides = array<i32>} : memref<6400xi32, #tpu.memory_space<vmem>>, vector<16xi32>,
      %get3A_206 = vector.shape_cast %get3A_205 : vector<16xi32> to vector<16xi32>
      %slice3A = vector.extract_strided_slice %get3A_206 {offsets = [0], sizes = [1], strides = [1]} : vector<16xi32> to vector<1xi32>
      %squeeze3A = vector.extract %slice3A[0] : i32 from vector<1xi32>
      %mul3A_207 = arith.constant 16 : i32
      %mul3A_208 = arith.muli %scan3A_199, %mul3A_207 : i32
      %add3A_209 = arith.constant 0 : i32
      %add3A_210 = arith.addi %mul3A_208, %add3A_209 : i32
      %dma_start3A_211 = arith.constant 0 : i32
      %dma_start3A_212 = tpu.memref_slice %arg8[%add3A_210, %dma_start3A_211] : memref<128x100xf32, #tpu.memory_space<vmem>> -> memref<1x100xf32, #tpu.memory_space<vmem>>
      %dma_start3A_213 = arith.constant 0 : i32
      %dma_start3A_214 = tpu.memref_slice %arg3[%squeeze3A, %dma_start3A_213] : memref<1000000x100xf32, #tpu.memory_space<hbm>> -> memref<1x100xf32, #tpu.memory_space<hbm>>
      %dma_start3A_215 = arith.constant 0 : i32
      %dma_start3A_216 = tpu.memref_slice %arg8[%add3A_210, %dma_start3A_215] : memref<128x100xf32, #tpu.memory_space<vmem>> -> memref<1x100xf32, #tpu.memory_space<vmem>>
      %dma_start3A_217 = arith.constant 0 : i32
      %dma_start3A_218 = tpu.memref_slice %arg3[%squeeze3A, %dma_start3A_217] : memref<1000000x100xf32, #tpu.memory_space<hbm>> -> memref<1x100xf32, #tpu.memory_space<hbm>>
      tpu.enqueue_dma source(%dma_start3A_218 : memref<1x100xf32, #tpu.memory_space<hbm>>) target(%dma_start3A_216 : memref<1x100xf32, #tpu.memory_space<vmem>>) target_semaphore(%arg12 : memref<!tpu.dma_semaphore, #tpu.memory_space<semaphore_mem>>)
      %slice3A_219 = vector.extract_strided_slice %get3A_206 {offsets = [1], sizes = [1], strides = [1]} : vector<16xi32> to vector<1xi32>
      %squeeze3A_220 = vector.extract %slice3A_219[0] : i32 from vector<1xi32>
      %mul3A_221 = arith.constant 16 : i32
      %mul3A_222 = arith.muli %scan3A_199, %mul3A_221 : i32
      %add3A_223 = arith.constant 1 : i32
      %add3A_224 = arith.addi %mul3A_222, %add3A_223 : i32
      %dma_start3A_225 = arith.constant 0 : i32
      %dma_start3A_226 = tpu.memref_slice %arg8[%add3A_224, %dma_start3A_225] : memref<128x100xf32, #tpu.memory_space<vmem>> -> memref<1x100xf32, #tpu.memory_space<vmem>>
      %dma_start3A_227 = arith.constant 0 : i32
      %dma_start3A_228 = tpu.memref_slice %arg3[%squeeze3A_220, %dma_start3A_227] : memref<1000000x100xf32, #tpu.memory_space<hbm>> -> memref<1x100xf32, #tpu.memory_space<hbm>>
      %dma_start3A_229 = arith.constant 0 : i32
      %dma_start3A_230 = tpu.memref_slice %arg8[%add3A_224, %dma_start3A_229] : memref<128x100xf32, #tpu.memory_space<vmem>> -> memref<1x100xf32, #tpu.memory_space<vmem>>
      %dma_start3A_231 = arith.constant 0 : i32
      %dma_start3A_232 = tpu.memref_slice %arg3[%squeeze3A_220, %dma_start3A_231] : memref<1000000x100xf32, #tpu.memory_space<hbm>> -> memref<1x100xf32, #tpu.memory_space<hbm>>
      tpu.enqueue_dma source(%dma_start3A_232 : memref<1x100xf32, #tpu.memory_space<hbm>>) target(%dma_start3A_230 : memref<1x100xf32, #tpu.memory_space<vmem>>) target_semaphore(%arg12 : memref<!tpu.dma_semaphore, #tpu.memory_space<semaphore_mem>>)
      %slice3A_233 = vector.extract_strided_slice %get3A_206 {offsets = [2], sizes = [1], strides = [1]} : vector<16xi32> to vector<1xi32>
      %squeeze3A_234 = vector.extract %slice3A_233[0] : i32 from vector<1xi32>
      %mul3A_235 = arith.constant 16 : i32
      %mul3A_236 = arith.muli %scan3A_199, %mul3A_235 : i32
      %add3A_237 = arith.constant 2 : i32
      %add3A_238 = arith.addi %mul3A_236, %add3A_237 : i32
      %dma_start3A_239 = arith.constant 0 : i32
      %dma_start3A_240 = tpu.memref_slice %arg8[%add3A_238, %dma_start3A_239] : memref<128x100xf32, #tpu.memory_space<vmem>> -> memref<1x100xf32, #tpu.memory_space<vmem>>
      %dma_start3A_241 = arith.constant 0 : i32
      %dma_start3A_242 = tpu.memref_slice %arg3[%squeeze3A_234, %dma_start3A_241] : memref<1000000x100xf32, #tpu.memory_space<hbm>> -> memref<1x100xf32, #tpu.memory_space<hbm>>
      %dma_start3A_243 = arith.constant 0 : i32
      %dma_start3A_244 = tpu.memref_slice %arg8[%add3A_238, %dma_start3A_243] : memref<128x100xf32, #tpu.memory_space<vmem>> -> memref<1x100xf32, #tpu.memory_space<vmem>>
      %dma_start3A_245 = arith.constant 0 : i32
      %dma_start3A_246 = tpu.memref_slice %arg3[%squeeze3A_234, %dma_start3A_245] : memref<1000000x100xf32, #tpu.memory_space<hbm>> -> memref<1x100xf32, #tpu.memory_space<hbm>>
      tpu.enqueue_dma source(%dma_start3A_246 : memref<1x100xf32, #tpu.memory_space<hbm>>) target(%dma_start3A_244 : memref<1x100xf32, #tpu.memory_space<vmem>>) target_semaphore(%arg12 : memref<!tpu.dma_semaphore, #tpu.memory_space<semaphore_mem>>)
      %slice3A_247 = vector.extract_strided_slice %get3A_206 {offsets = [3], sizes = [1], strides = [1]} : vector<16xi32> to vector<1xi32>
      %squeeze3A_248 = vector.extract %slice3A_247[0] : i32 from vector<1xi32>
      %mul3A_249 = arith.constant 16 : i32
      %mul3A_250 = arith.muli %scan3A_199, %mul3A_249 : i32
      %add3A_251 = arith.constant 3 : i32
      %add3A_252 = arith.addi %mul3A_250, %add3A_251 : i32
      %dma_start3A_253 = arith.constant 0 : i32
      %dma_start3A_254 = tpu.memref_slice %arg8[%add3A_252, %dma_start3A_253] : memref<128x100xf32, #tpu.memory_space<vmem>> -> memref<1x100xf32, #tpu.memory_space<vmem>>
      %dma_start3A_255 = arith.constant 0 : i32
      %dma_start3A_256 = tpu.memref_slice %arg3[%squeeze3A_248, %dma_start3A_255] : memref<1000000x100xf32, #tpu.memory_space<hbm>> -> memref<1x100xf32, #tpu.memory_space<hbm>>
      %dma_start3A_257 = arith.constant 0 : i32
      %dma_start3A_258 = tpu.memref_slice %arg8[%add3A_252, %dma_start3A_257] : memref<128x100xf32, #tpu.memory_space<vmem>> -> memref<1x100xf32, #tpu.memory_space<vmem>>
      %dma_start3A_259 = arith.constant 0 : i32
      %dma_start3A_260 = tpu.memref_slice %arg3[%squeeze3A_248, %dma_start3A_259] : memref<1000000x100xf32, #tpu.memory_space<hbm>> -> memref<1x100xf32, #tpu.memory_space<hbm>>
      tpu.enqueue_dma source(%dma_start3A_260 : memref<1x100xf32, #tpu.memory_space<hbm>>) target(%dma_start3A_258 : memref<1x100xf32, #tpu.memory_space<vmem>>) target_semaphore(%arg12 : memref<!tpu.dma_semaphore, #tpu.memory_space<semaphore_mem>>)
      %slice3A_261 = vector.extract_strided_slice %get3A_206 {offsets = [4], sizes = [1], strides = [1]} : vector<16xi32> to vector<1xi32>
      %squeeze3A_262 = vector.extract %slice3A_261[0] : i32 from vector<1xi32>
      %mul3A_263 = arith.constant 16 : i32
      %mul3A_264 = arith.muli %scan3A_199, %mul3A_263 : i32
      %add3A_265 = arith.constant 4 : i32
      %add3A_266 = arith.addi %mul3A_264, %add3A_265 : i32
      %dma_start3A_267 = arith.constant 0 : i32
      %dma_start3A_268 = tpu.memref_slice %arg8[%add3A_266, %dma_start3A_267] : memref<128x100xf32, #tpu.memory_space<vmem>> -> memref<1x100xf32, #tpu.memory_space<vmem>>
      %dma_start3A_269 = arith.constant 0 : i32
      %dma_start3A_270 = tpu.memref_slice %arg3[%squeeze3A_262, %dma_start3A_269] : memref<1000000x100xf32, #tpu.memory_space<hbm>> -> memref<1x100xf32, #tpu.memory_space<hbm>>
      %dma_start3A_271 = arith.constant 0 : i32
      %dma_start3A_272 = tpu.memref_slice %arg8[%add3A_266, %dma_start3A_271] : memref<128x100xf32, #tpu.memory_space<vmem>> -> memref<1x100xf32, #tpu.memory_space<vmem>>
      %dma_start3A_273 = arith.constant 0 : i32
      %dma_start3A_274 = tpu.memref_slice %arg3[%squeeze3A_262, %dma_start3A_273] : memref<1000000x100xf32, #tpu.memory_space<hbm>> -> memref<1x100xf32, #tpu.memory_space<hbm>>
      tpu.enqueue_dma source(%dma_start3A_274 : memref<1x100xf32, #tpu.memory_space<hbm>>) target(%dma_start3A_272 : memref<1x100xf32, #tpu.memory_space<vmem>>) target_semaphore(%arg12 : memref<!tpu.dma_semaphore, #tpu.memory_space<semaphore_mem>>)
      %slice3A_275 = vector.extract_strided_slice %get3A_206 {offsets = [5], sizes = [1], strides = [1]} : vector<16xi32> to vector<1xi32>
      %squeeze3A_276 = vector.extract %slice3A_275[0] : i32 from vector<1xi32>
      %mul3A_277 = arith.constant 16 : i32
      %mul3A_278 = arith.muli %scan3A_199, %mul3A_277 : i32
      %add3A_279 = arith.constant 5 : i32
      %add3A_280 = arith.addi %mul3A_278, %add3A_279 : i32
      %dma_start3A_281 = arith.constant 0 : i32
      %dma_start3A_282 = tpu.memref_slice %arg8[%add3A_280, %dma_start3A_281] : memref<128x100xf32, #tpu.memory_space<vmem>> -> memref<1x100xf32, #tpu.memory_space<vmem>>
      %dma_start3A_283 = arith.constant 0 : i32
      %dma_start3A_284 = tpu.memref_slice %arg3[%squeeze3A_276, %dma_start3A_283] : memref<1000000x100xf32, #tpu.memory_space<hbm>> -> memref<1x100xf32, #tpu.memory_space<hbm>>
      %dma_start3A_285 = arith.constant 0 : i32
      %dma_start3A_286 = tpu.memref_slice %arg8[%add3A_280, %dma_start3A_285] : memref<128x100xf32, #tpu.memory_space<vmem>> -> memref<1x100xf32, #tpu.memory_space<vmem>>
      %dma_start3A_287 = arith.constant 0 : i32
      %dma_start3A_288 = tpu.memref_slice %arg3[%squeeze3A_276, %dma_start3A_287] : memref<1000000x100xf32, #tpu.memory_space<hbm>> -> memref<1x100xf32, #tpu.memory_space<hbm>>
      tpu.enqueue_dma source(%dma_start3A_288 : memref<1x100xf32, #tpu.memory_space<hbm>>) target(%dma_start3A_286 : memref<1x100xf32, #tpu.memory_space<vmem>>) target_semaphore(%arg12 : memref<!tpu.dma_semaphore, #tpu.memory_space<semaphore_mem>>)
      %slice3A_289 = vector.extract_strided_slice %get3A_206 {offsets = [6], sizes = [1], strides = [1]} : vector<16xi32> to vector<1xi32>
      %squeeze3A_290 = vector.extract %slice3A_289[0] : i32 from vector<1xi32>
      %mul3A_291 = arith.constant 16 : i32
      %mul3A_292 = arith.muli %scan3A_199, %mul3A_291 : i32
      %add3A_293 = arith.constant 6 : i32
      %add3A_294 = arith.addi %mul3A_292, %add3A_293 : i32
      %dma_start3A_295 = arith.constant 0 : i32
      %dma_start3A_296 = tpu.memref_slice %arg8[%add3A_294, %dma_start3A_295] : memref<128x100xf32, #tpu.memory_space<vmem>> -> memref<1x100xf32, #tpu.memory_space<vmem>>
      %dma_start3A_297 = arith.constant 0 : i32
      %dma_start3A_298 = tpu.memref_slice %arg3[%squeeze3A_290, %dma_start3A_297] : memref<1000000x100xf32, #tpu.memory_space<hbm>> -> memref<1x100xf32, #tpu.memory_space<hbm>>
      %dma_start3A_299 = arith.constant 0 : i32
      %dma_start3A_300 = tpu.memref_slice %arg8[%add3A_294, %dma_start3A_299] : memref<128x100xf32, #tpu.memory_space<vmem>> -> memref<1x100xf32, #tpu.memory_space<vmem>>
      %dma_start3A_301 = arith.constant 0 : i32
      %dma_start3A_302 = tpu.memref_slice %arg3[%squeeze3A_290, %dma_start3A_301] : memref<1000000x100xf32, #tpu.memory_space<hbm>> -> memref<1x100xf32, #tpu.memory_space<hbm>>
      tpu.enqueue_dma source(%dma_start3A_302 : memref<1x100xf32, #tpu.memory_space<hbm>>) target(%dma_start3A_300 : memref<1x100xf32, #tpu.memory_space<vmem>>) target_semaphore(%arg12 : memref<!tpu.dma_semaphore, #tpu.memory_space<semaphore_mem>>)
      %slice3A_303 = vector.extract_strided_slice %get3A_206 {offsets = [7], sizes = [1], strides = [1]} : vector<16xi32> to vector<1xi32>
      %squeeze3A_304 = vector.extract %slice3A_303[0] : i32 from vector<1xi32>
      %mul3A_305 = arith.constant 16 : i32
      %mul3A_306 = arith.muli %scan3A_199, %mul3A_305 : i32
      %add3A_307 = arith.constant 7 : i32
      %add3A_308 = arith.addi %mul3A_306, %add3A_307 : i32
      %dma_start3A_309 = arith.constant 0 : i32
      %dma_start3A_310 = tpu.memref_slice %arg8[%add3A_308, %dma_start3A_309] : memref<128x100xf32, #tpu.memory_space<vmem>> -> memref<1x100xf32, #tpu.memory_space<vmem>>
      %dma_start3A_311 = arith.constant 0 : i32
      %dma_start3A_312 = tpu.memref_slice %arg3[%squeeze3A_304, %dma_start3A_311] : memref<1000000x100xf32, #tpu.memory_space<hbm>> -> memref<1x100xf32, #tpu.memory_space<hbm>>
      %dma_start3A_313 = arith.constant 0 : i32
      %dma_start3A_314 = tpu.memref_slice %arg8[%add3A_308, %dma_start3A_313] : memref<128x100xf32, #tpu.memory_space<vmem>> -> memref<1x100xf32, #tpu.memory_space<vmem>>
      %dma_start3A_315 = arith.constant 0 : i32
      %dma_start3A_316 = tpu.memref_slice %arg3[%squeeze3A_304, %dma_start3A_315] : memref<1000000x100xf32, #tpu.memory_space<hbm>> -> memref<1x100xf32, #tpu.memory_space<hbm>>
      tpu.enqueue_dma source(%dma_start3A_316 : memref<1x100xf32, #tpu.memory_space<hbm>>) target(%dma_start3A_314 : memref<1x100xf32, #tpu.memory_space<vmem>>) target_semaphore(%arg12 : memref<!tpu.dma_semaphore, #tpu.memory_space<semaphore_mem>>)
      %slice3A_317 = vector.extract_strided_slice %get3A_206 {offsets = [8], sizes = [1], strides = [1]} : vector<16xi32> to vector<1xi32>
      %squeeze3A_318 = vector.extract %slice3A_317[0] : i32 from vector<1xi32>
      %mul3A_319 = arith.constant 16 : i32
      %mul3A_320 = arith.muli %scan3A_199, %mul3A_319 : i32
      %add3A_321 = arith.constant 8 : i32
      %add3A_322 = arith.addi %mul3A_320, %add3A_321 : i32
      %dma_start3A_323 = arith.constant 0 : i32
      %dma_start3A_324 = tpu.memref_slice %arg8[%add3A_322, %dma_start3A_323] : memref<128x100xf32, #tpu.memory_space<vmem>> -> memref<1x100xf32, #tpu.memory_space<vmem>>
      %dma_start3A_325 = arith.constant 0 : i32
      %dma_start3A_326 = tpu.memref_slice %arg3[%squeeze3A_318, %dma_start3A_325] : memref<1000000x100xf32, #tpu.memory_space<hbm>> -> memref<1x100xf32, #tpu.memory_space<hbm>>
      %dma_start3A_327 = arith.constant 0 : i32
      %dma_start3A_328 = tpu.memref_slice %arg8[%add3A_322, %dma_start3A_327] : memref<128x100xf32, #tpu.memory_space<vmem>> -> memref<1x100xf32, #tpu.memory_space<vmem>>
      %dma_start3A_329 = arith.constant 0 : i32
      %dma_start3A_330 = tpu.memref_slice %arg3[%squeeze3A_318, %dma_start3A_329] : memref<1000000x100xf32, #tpu.memory_space<hbm>> -> memref<1x100xf32, #tpu.memory_space<hbm>>
      tpu.enqueue_dma source(%dma_start3A_330 : memref<1x100xf32, #tpu.memory_space<hbm>>) target(%dma_start3A_328 : memref<1x100xf32, #tpu.memory_space<vmem>>) target_semaphore(%arg12 : memref<!tpu.dma_semaphore, #tpu.memory_space<semaphore_mem>>)
      %slice3A_331 = vector.extract_strided_slice %get3A_206 {offsets = [9], sizes = [1], strides = [1]} : vector<16xi32> to vector<1xi32>
      %squeeze3A_332 = vector.extract %slice3A_331[0] : i32 from vector<1xi32>
      %mul3A_333 = arith.constant 16 : i32
      %mul3A_334 = arith.muli %scan3A_199, %mul3A_333 : i32
      %add3A_335 = arith.constant 9 : i32
      %add3A_336 = arith.addi %mul3A_334, %add3A_335 : i32
      %dma_start3A_337 = arith.constant 0 : i32
      %dma_start3A_338 = tpu.memref_slice %arg8[%add3A_336, %dma_start3A_337] : memref<128x100xf32, #tpu.memory_space<vmem>> -> memref<1x100xf32, #tpu.memory_space<vmem>>
      %dma_start3A_339 = arith.constant 0 : i32
      %dma_start3A_340 = tpu.memref_slice %arg3[%squeeze3A_332, %dma_start3A_339] : memref<1000000x100xf32, #tpu.memory_space<hbm>> -> memref<1x100xf32, #tpu.memory_space<hbm>>
      %dma_start3A_341 = arith.constant 0 : i32
      %dma_start3A_342 = tpu.memref_slice %arg8[%add3A_336, %dma_start3A_341] : memref<128x100xf32, #tpu.memory_space<vmem>> -> memref<1x100xf32, #tpu.memory_space<vmem>>
      %dma_start3A_343 = arith.constant 0 : i32
      %dma_start3A_344 = tpu.memref_slice %arg3[%squeeze3A_332, %dma_start3A_343] : memref<1000000x100xf32, #tpu.memory_space<hbm>> -> memref<1x100xf32, #tpu.memory_space<hbm>>
      tpu.enqueue_dma source(%dma_start3A_344 : memref<1x100xf32, #tpu.memory_space<hbm>>) target(%dma_start3A_342 : memref<1x100xf32, #tpu.memory_space<vmem>>) target_semaphore(%arg12 : memref<!tpu.dma_semaphore, #tpu.memory_space<semaphore_mem>>)
      %slice3A_345 = vector.extract_strided_slice %get3A_206 {offsets = [10], sizes = [1], strides = [1]} : vector<16xi32> to vector<1xi32>
      %squeeze3A_346 = vector.extract %slice3A_345[0] : i32 from vector<1xi32>
      %mul3A_347 = arith.constant 16 : i32
      %mul3A_348 = arith.muli %scan3A_199, %mul3A_347 : i32
      %add3A_349 = arith.constant 10 : i32
      %add3A_350 = arith.addi %mul3A_348, %add3A_349 : i32
      %dma_start3A_351 = arith.constant 0 : i32
      %dma_start3A_352 = tpu.memref_slice %arg8[%add3A_350, %dma_start3A_351] : memref<128x100xf32, #tpu.memory_space<vmem>> -> memref<1x100xf32, #tpu.memory_space<vmem>>
      %dma_start3A_353 = arith.constant 0 : i32
      %dma_start3A_354 = tpu.memref_slice %arg3[%squeeze3A_346, %dma_start3A_353] : memref<1000000x100xf32, #tpu.memory_space<hbm>> -> memref<1x100xf32, #tpu.memory_space<hbm>>
      %dma_start3A_355 = arith.constant 0 : i32
      %dma_start3A_356 = tpu.memref_slice %arg8[%add3A_350, %dma_start3A_355] : memref<128x100xf32, #tpu.memory_space<vmem>> -> memref<1x100xf32, #tpu.memory_space<vmem>>
      %dma_start3A_357 = arith.constant 0 : i32
      %dma_start3A_358 = tpu.memref_slice %arg3[%squeeze3A_346, %dma_start3A_357] : memref<1000000x100xf32, #tpu.memory_space<hbm>> -> memref<1x100xf32, #tpu.memory_space<hbm>>
      tpu.enqueue_dma source(%dma_start3A_358 : memref<1x100xf32, #tpu.memory_space<hbm>>) target(%dma_start3A_356 : memref<1x100xf32, #tpu.memory_space<vmem>>) target_semaphore(%arg12 : memref<!tpu.dma_semaphore, #tpu.memory_space<semaphore_mem>>)
      %slice3A_359 = vector.extract_strided_slice %get3A_206 {offsets = [11], sizes = [1], strides = [1]} : vector<16xi32> to vector<1xi32>
      %squeeze3A_360 = vector.extract %slice3A_359[0] : i32 from vector<1xi32>
      %mul3A_361 = arith.constant 16 : i32
      %mul3A_362 = arith.muli %scan3A_199, %mul3A_361 : i32
      %add3A_363 = arith.constant 11 : i32
      %add3A_364 = arith.addi %mul3A_362, %add3A_363 : i32
      %dma_start3A_365 = arith.constant 0 : i32
      %dma_start3A_366 = tpu.memref_slice %arg8[%add3A_364, %dma_start3A_365] : memref<128x100xf32, #tpu.memory_space<vmem>> -> memref<1x100xf32, #tpu.memory_space<vmem>>
      %dma_start3A_367 = arith.constant 0 : i32
      %dma_start3A_368 = tpu.memref_slice %arg3[%squeeze3A_360, %dma_start3A_367] : memref<1000000x100xf32, #tpu.memory_space<hbm>> -> memref<1x100xf32, #tpu.memory_space<hbm>>
      %dma_start3A_369 = arith.constant 0 : i32
      %dma_start3A_370 = tpu.memref_slice %arg8[%add3A_364, %dma_start3A_369] : memref<128x100xf32, #tpu.memory_space<vmem>> -> memref<1x100xf32, #tpu.memory_space<vmem>>
      %dma_start3A_371 = arith.constant 0 : i32
      %dma_start3A_372 = tpu.memref_slice %arg3[%squeeze3A_360, %dma_start3A_371] : memref<1000000x100xf32, #tpu.memory_space<hbm>> -> memref<1x100xf32, #tpu.memory_space<hbm>>
      tpu.enqueue_dma source(%dma_start3A_372 : memref<1x100xf32, #tpu.memory_space<hbm>>) target(%dma_start3A_370 : memref<1x100xf32, #tpu.memory_space<vmem>>) target_semaphore(%arg12 : memref<!tpu.dma_semaphore, #tpu.memory_space<semaphore_mem>>)
      %slice3A_373 = vector.extract_strided_slice %get3A_206 {offsets = [12], sizes = [1], strides = [1]} : vector<16xi32> to vector<1xi32>
      %squeeze3A_374 = vector.extract %slice3A_373[0] : i32 from vector<1xi32>
      %mul3A_375 = arith.constant 16 : i32
      %mul3A_376 = arith.muli %scan3A_199, %mul3A_375 : i32
      %add3A_377 = arith.constant 12 : i32
      %add3A_378 = arith.addi %mul3A_376, %add3A_377 : i32
      %dma_start3A_379 = arith.constant 0 : i32
      %dma_start3A_380 = tpu.memref_slice %arg8[%add3A_378, %dma_start3A_379] : memref<128x100xf32, #tpu.memory_space<vmem>> -> memref<1x100xf32, #tpu.memory_space<vmem>>
      %dma_start3A_381 = arith.constant 0 : i32
      %dma_start3A_382 = tpu.memref_slice %arg3[%squeeze3A_374, %dma_start3A_381] : memref<1000000x100xf32, #tpu.memory_space<hbm>> -> memref<1x100xf32, #tpu.memory_space<hbm>>
      %dma_start3A_383 = arith.constant 0 : i32
      %dma_start3A_384 = tpu.memref_slice %arg8[%add3A_378, %dma_start3A_383] : memref<128x100xf32, #tpu.memory_space<vmem>> -> memref<1x100xf32, #tpu.memory_space<vmem>>
      %dma_start3A_385 = arith.constant 0 : i32
      %dma_start3A_386 = tpu.memref_slice %arg3[%squeeze3A_374, %dma_start3A_385] : memref<1000000x100xf32, #tpu.memory_space<hbm>> -> memref<1x100xf32, #tpu.memory_space<hbm>>
      tpu.enqueue_dma source(%dma_start3A_386 : memref<1x100xf32, #tpu.memory_space<hbm>>) target(%dma_start3A_384 : memref<1x100xf32, #tpu.memory_space<vmem>>) target_semaphore(%arg12 : memref<!tpu.dma_semaphore, #tpu.memory_space<semaphore_mem>>)
      %slice3A_387 = vector.extract_strided_slice %get3A_206 {offsets = [13], sizes = [1], strides = [1]} : vector<16xi32> to vector<1xi32>
      %squeeze3A_388 = vector.extract %slice3A_387[0] : i32 from vector<1xi32>
      %mul3A_389 = arith.constant 16 : i32
      %mul3A_390 = arith.muli %scan3A_199, %mul3A_389 : i32
      %add3A_391 = arith.constant 13 : i32
      %add3A_392 = arith.addi %mul3A_390, %add3A_391 : i32
      %dma_start3A_393 = arith.constant 0 : i32
      %dma_start3A_394 = tpu.memref_slice %arg8[%add3A_392, %dma_start3A_393] : memref<128x100xf32, #tpu.memory_space<vmem>> -> memref<1x100xf32, #tpu.memory_space<vmem>>
      %dma_start3A_395 = arith.constant 0 : i32
      %dma_start3A_396 = tpu.memref_slice %arg3[%squeeze3A_388, %dma_start3A_395] : memref<1000000x100xf32, #tpu.memory_space<hbm>> -> memref<1x100xf32, #tpu.memory_space<hbm>>
      %dma_start3A_397 = arith.constant 0 : i32
      %dma_start3A_398 = tpu.memref_slice %arg8[%add3A_392, %dma_start3A_397] : memref<128x100xf32, #tpu.memory_space<vmem>> -> memref<1x100xf32, #tpu.memory_space<vmem>>
      %dma_start3A_399 = arith.constant 0 : i32
      %dma_start3A_400 = tpu.memref_slice %arg3[%squeeze3A_388, %dma_start3A_399] : memref<1000000x100xf32, #tpu.memory_space<hbm>> -> memref<1x100xf32, #tpu.memory_space<hbm>>
      tpu.enqueue_dma source(%dma_start3A_400 : memref<1x100xf32, #tpu.memory_space<hbm>>) target(%dma_start3A_398 : memref<1x100xf32, #tpu.memory_space<vmem>>) target_semaphore(%arg12 : memref<!tpu.dma_semaphore, #tpu.memory_space<semaphore_mem>>)
      %slice3A_401 = vector.extract_strided_slice %get3A_206 {offsets = [14], sizes = [1], strides = [1]} : vector<16xi32> to vector<1xi32>
      %squeeze3A_402 = vector.extract %slice3A_401[0] : i32 from vector<1xi32>
      %mul3A_403 = arith.constant 16 : i32
      %mul3A_404 = arith.muli %scan3A_199, %mul3A_403 : i32
      %add3A_405 = arith.constant 14 : i32
      %add3A_406 = arith.addi %mul3A_404, %add3A_405 : i32
      %dma_start3A_407 = arith.constant 0 : i32
      %dma_start3A_408 = tpu.memref_slice %arg8[%add3A_406, %dma_start3A_407] : memref<128x100xf32, #tpu.memory_space<vmem>> -> memref<1x100xf32, #tpu.memory_space<vmem>>
      %dma_start3A_409 = arith.constant 0 : i32
      %dma_start3A_410 = tpu.memref_slice %arg3[%squeeze3A_402, %dma_start3A_409] : memref<1000000x100xf32, #tpu.memory_space<hbm>> -> memref<1x100xf32, #tpu.memory_space<hbm>>
      %dma_start3A_411 = arith.constant 0 : i32
      %dma_start3A_412 = tpu.memref_slice %arg8[%add3A_406, %dma_start3A_411] : memref<128x100xf32, #tpu.memory_space<vmem>> -> memref<1x100xf32, #tpu.memory_space<vmem>>
      %dma_start3A_413 = arith.constant 0 : i32
      %dma_start3A_414 = tpu.memref_slice %arg3[%squeeze3A_402, %dma_start3A_413] : memref<1000000x100xf32, #tpu.memory_space<hbm>> -> memref<1x100xf32, #tpu.memory_space<hbm>>
      tpu.enqueue_dma source(%dma_start3A_414 : memref<1x100xf32, #tpu.memory_space<hbm>>) target(%dma_start3A_412 : memref<1x100xf32, #tpu.memory_space<vmem>>) target_semaphore(%arg12 : memref<!tpu.dma_semaphore, #tpu.memory_space<semaphore_mem>>)
      %slice3A_415 = vector.extract_strided_slice %get3A_206 {offsets = [15], sizes = [1], strides = [1]} : vector<16xi32> to vector<1xi32>
      %squeeze3A_416 = vector.extract %slice3A_415[0] : i32 from vector<1xi32>
      %mul3A_417 = arith.constant 16 : i32
      %mul3A_418 = arith.muli %scan3A_199, %mul3A_417 : i32
      %add3A_419 = arith.constant 15 : i32
      %add3A_420 = arith.addi %mul3A_418, %add3A_419 : i32
      %dma_start3A_421 = arith.constant 0 : i32
      %dma_start3A_422 = tpu.memref_slice %arg8[%add3A_420, %dma_start3A_421] : memref<128x100xf32, #tpu.memory_space<vmem>> -> memref<1x100xf32, #tpu.memory_space<vmem>>
      %dma_start3A_423 = arith.constant 0 : i32
      %dma_start3A_424 = tpu.memref_slice %arg3[%squeeze3A_416, %dma_start3A_423] : memref<1000000x100xf32, #tpu.memory_space<hbm>> -> memref<1x100xf32, #tpu.memory_space<hbm>>
      %dma_start3A_425 = arith.constant 0 : i32
      %dma_start3A_426 = tpu.memref_slice %arg8[%add3A_420, %dma_start3A_425] : memref<128x100xf32, #tpu.memory_space<vmem>> -> memref<1x100xf32, #tpu.memory_space<vmem>>
      %dma_start3A_427 = arith.constant 0 : i32
      %dma_start3A_428 = tpu.memref_slice %arg3[%squeeze3A_416, %dma_start3A_427] : memref<1000000x100xf32, #tpu.memory_space<hbm>> -> memref<1x100xf32, #tpu.memory_space<hbm>>
      tpu.enqueue_dma source(%dma_start3A_428 : memref<1x100xf32, #tpu.memory_space<hbm>>) target(%dma_start3A_426 : memref<1x100xf32, #tpu.memory_space<vmem>>) target_semaphore(%arg12 : memref<!tpu.dma_semaphore, #tpu.memory_space<semaphore_mem>>)
    }
    %scan3A_42 = arith.constant 8 : i32
    %dma_wait3A_43 = arith.constant 0 : i32
    %dma_wait3A_44 = arith.constant 0 : i32
    %dma_wait3A_45 = tpu.memref_slice %arg3[%dma_wait3A_43, %dma_wait3A_44] : memref<1000000x100xf32, #tpu.memory_space<hbm>> -> memref<128x100xf32, #tpu.memory_space<hbm>>
    %dma_wait3A_46 = arith.constant 0 : i32
    %dma_wait3A_47 = arith.constant 0 : i32
    %dma_wait3A_48 = tpu.memref_slice %arg3[%dma_wait3A_46, %dma_wait3A_47] : memref<1000000x100xf32, #tpu.memory_space<hbm>> -> memref<128x100xf32, #tpu.memory_space<hbm>>
    tpu.wait_dma2 semaphore(%arg11 : memref<!tpu.dma_semaphore, #tpu.memory_space<semaphore_mem>>) src(%dma_wait3A_48 : memref<128x100xf32, #tpu.memory_space<hbm>>) dst(%arg7 : memref<128x100xf32, #tpu.memory_space<vmem>>)
    %add3A_49 = arith.constant 48 : i32
    %add3A_50 = arith.addi %mul3A_2, %add3A_49 : i32
    %jit3A = arith.constant 8 : i32
    %div3A = arith.divsi %add3A_50, %jit3A : i32
    %sign3A = arith.constant 0 : i32
    %sign3A_51 = arith.cmpi sgt, %add3A_50, %sign3A : i32
    %sign3A_52 = arith.extui %sign3A_51 : i1 to i32
    %sign3A_53 = arith.constant 0 : i32
    %sign3A_54 = arith.cmpi slt, %add3A_50, %sign3A_53 : i32
    %sign3A_55 = arith.extui %sign3A_54 : i1 to i32
    %sign3A_56 = arith.subi %sign3A_52, %sign3A_55 : i32
    %sign3A_57 = arith.constant 0 : i32
    %sign3A_58 = arith.cmpi sgt, %jit3A, %sign3A_57 : i32
    %sign3A_59 = arith.extui %sign3A_58 : i1 to i32
    %sign3A_60 = arith.constant 0 : i32
    %sign3A_61 = arith.cmpi slt, %jit3A, %sign3A_60 : i32
    %sign3A_62 = arith.extui %sign3A_61 : i1 to i32
    %sign3A_63 = arith.subi %sign3A_59, %sign3A_62 : i32
    %ne3A = arith.cmpi ne, %sign3A_56, %sign3A_63 : i32
    %rem3A = arith.remsi %add3A_50, %jit3A : i32
    %ne3A_64 = arith.constant 0 : i32
    %ne3A_65 = arith.cmpi ne, %rem3A, %ne3A_64 : i32
    %and3A = arith.andi %ne3A, %ne3A_65 : i1
    %sub3A = arith.constant 1 : i32
    %sub3A_66 = arith.subi %div3A, %sub3A : i32
    %select_n3A = arith.select %and3A, %sub3A_66, %div3A : i32
    %get3A = arith.index_cast %select_n3A : i32 to index
    %get3A_67 = arith.constant 0 : index
    %get3A_68 = tpu.vector_load %arg10[%get3A, %get3A_67] {strides = array<i32>} : memref<200x128xf32, #tpu.memory_space<vmem>>, vector<1x16xf32>,
    %get3A_69 = vector.shape_cast %get3A_68 : vector<1x16xf32> to vector<16xf32>
    %get3A_70 = arith.index_cast %select_n3A : i32 to index
    %get3A_71 = arith.constant 16 : index
    %get3A_72 = tpu.vector_load %arg10[%get3A_70, %get3A_71] {strides = array<i32>} : memref<200x128xf32, #tpu.memory_space<vmem>>, vector<1x16xf32>,
    %get3A_73 = vector.shape_cast %get3A_72 : vector<1x16xf32> to vector<16xf32>
    %get3A_74 = arith.index_cast %select_n3A : i32 to index
    %get3A_75 = arith.constant 32 : index
    %get3A_76 = tpu.vector_load %arg10[%get3A_74, %get3A_75] {strides = array<i32>} : memref<200x128xf32, #tpu.memory_space<vmem>>, vector<1x16xf32>,
    %get3A_77 = vector.shape_cast %get3A_76 : vector<1x16xf32> to vector<16xf32>
    %get3A_78 = arith.index_cast %select_n3A : i32 to index
    %get3A_79 = arith.constant 48 : index
    %get3A_80 = tpu.vector_load %arg10[%get3A_78, %get3A_79] {strides = array<i32>} : memref<200x128xf32, #tpu.memory_space<vmem>>, vector<1x16xf32>,
    %get3A_81 = vector.shape_cast %get3A_80 : vector<1x16xf32> to vector<16xf32>
    %get3A_82 = arith.index_cast %select_n3A : i32 to index
    %get3A_83 = arith.constant 64 : index
    %get3A_84 = tpu.vector_load %arg10[%get3A_82, %get3A_83] {strides = array<i32>} : memref<200x128xf32, #tpu.memory_space<vmem>>, vector<1x16xf32>,
    %get3A_85 = vector.shape_cast %get3A_84 : vector<1x16xf32> to vector<16xf32>
    %get3A_86 = arith.index_cast %select_n3A : i32 to index
    %get3A_87 = arith.constant 80 : index
    %get3A_88 = tpu.vector_load %arg10[%get3A_86, %get3A_87] {strides = array<i32>} : memref<200x128xf32, #tpu.memory_space<vmem>>, vector<1x16xf32>,
    %get3A_89 = vector.shape_cast %get3A_88 : vector<1x16xf32> to vector<16xf32>
    %get3A_90 = arith.index_cast %select_n3A : i32 to index
    %get3A_91 = arith.constant 112 : index
    %get3A_92 = tpu.vector_load %arg10[%get3A_90, %get3A_91] {strides = array<i32>} : memref<200x128xf32, #tpu.memory_space<vmem>>, vector<1x16xf32>,
    %get3A_93 = vector.shape_cast %get3A_92 : vector<1x16xf32> to vector<16xf32>
    %scan3A_94 = arith.constant 0 : i32
    %scan3A_95 = arith.constant 0 : i32
    %scan3A_96 = arith.constant 64 : i32
    %scan3A_97 = arith.addi %scan3A_95, %scan3A_96 : i32
    %scan3A_98 = arith.constant 1 : i32
    scf.for %scan3A_199 = %scan3A_95 to %scan3A_97 step %scan3A_98  : i32 {
      %mul3A_200 = arith.constant 2 : i32
      %mul3A_201 = arith.muli %mul3A_200, %scan3A_199 : i32
      %mul3A_202 = arith.constant 2 : i32
      %mul3A_203 = arith.muli %mul3A_202, %scan3A_199 : i32
      %add3A_204 = arith.constant 1 : i32
      %add3A_205 = arith.addi %mul3A_203, %add3A_204 : i32
      %get3A_206 = arith.index_cast %mul3A_201 : i32 to index
      %get3A_207 = arith.constant 0 : index
      %get3A_208 = tpu.vector_load %arg7[%get3A_206, %get3A_207] {strides = array<i32>} : memref<128x100xf32, #tpu.memory_space<vmem>>, vector<1x16xf32>,
      %get3A_209 = vector.shape_cast %get3A_208 : vector<1x16xf32> to vector<16xf32>
      %add3A_210 = arith.addf %get3A_209, %get3A_69 : vector<16xf32>
      %swap3A = arith.index_cast %mul3A_201 : i32 to index
      %swap3A_211 = arith.constant 0 : index
      %swap3A_212 = tpu.vector_load %arg7[%swap3A, %swap3A_211] {strides = array<i32>} : memref<128x100xf32, #tpu.memory_space<vmem>>, vector<1x16xf32>,
      %swap3A_213 = vector.shape_cast %swap3A_212 : vector<1x16xf32> to vector<16xf32>
      %swap3A_214 = vector.shape_cast %add3A_210 : vector<16xf32> to vector<1x16xf32>
      tpu.vector_store %arg7[%swap3A, %swap3A_211], %swap3A_214 {strides = array<i32>} : memref<128x100xf32, #tpu.memory_space<vmem>>, vector<1x16xf32>,
      %get3A_215 = arith.index_cast %mul3A_201 : i32 to index
      %get3A_216 = arith.constant 16 : index
      %get3A_217 = tpu.vector_load %arg7[%get3A_215, %get3A_216] {strides = array<i32>} : memref<128x100xf32, #tpu.memory_space<vmem>>, vector<1x16xf32>,
      %get3A_218 = vector.shape_cast %get3A_217 : vector<1x16xf32> to vector<16xf32>
      %add3A_219 = arith.addf %get3A_218, %get3A_73 : vector<16xf32>
      %swap3A_220 = arith.index_cast %mul3A_201 : i32 to index
      %swap3A_221 = arith.constant 16 : index
      %swap3A_222 = tpu.vector_load %arg7[%swap3A_220, %swap3A_221] {strides = array<i32>} : memref<128x100xf32, #tpu.memory_space<vmem>>, vector<1x16xf32>,
      %swap3A_223 = vector.shape_cast %swap3A_222 : vector<1x16xf32> to vector<16xf32>
      %swap3A_224 = vector.shape_cast %add3A_219 : vector<16xf32> to vector<1x16xf32>
      tpu.vector_store %arg7[%swap3A_220, %swap3A_221], %swap3A_224 {strides = array<i32>} : memref<128x100xf32, #tpu.memory_space<vmem>>, vector<1x16xf32>,
      %get3A_225 = arith.index_cast %mul3A_201 : i32 to index
      %get3A_226 = arith.constant 32 : index
      %get3A_227 = tpu.vector_load %arg7[%get3A_225, %get3A_226] {strides = array<i32>} : memref<128x100xf32, #tpu.memory_space<vmem>>, vector<1x16xf32>,
      %get3A_228 = vector.shape_cast %get3A_227 : vector<1x16xf32> to vector<16xf32>
      %add3A_229 = arith.addf %get3A_228, %get3A_77 : vector<16xf32>
      %swap3A_230 = arith.index_cast %mul3A_201 : i32 to index
      %swap3A_231 = arith.constant 32 : index
      %swap3A_232 = tpu.vector_load %arg7[%swap3A_230, %swap3A_231] {strides = array<i32>} : memref<128x100xf32, #tpu.memory_space<vmem>>, vector<1x16xf32>,
      %swap3A_233 = vector.shape_cast %swap3A_232 : vector<1x16xf32> to vector<16xf32>
      %swap3A_234 = vector.shape_cast %add3A_229 : vector<16xf32> to vector<1x16xf32>
      tpu.vector_store %arg7[%swap3A_230, %swap3A_231], %swap3A_234 {strides = array<i32>} : memref<128x100xf32, #tpu.memory_space<vmem>>, vector<1x16xf32>,
      %get3A_235 = arith.index_cast %mul3A_201 : i32 to index
      %get3A_236 = arith.constant 48 : index
      %get3A_237 = tpu.vector_load %arg7[%get3A_235, %get3A_236] {strides = array<i32>} : memref<128x100xf32, #tpu.memory_space<vmem>>, vector<1x16xf32>,
      %get3A_238 = vector.shape_cast %get3A_237 : vector<1x16xf32> to vector<16xf32>
      %add3A_239 = arith.addf %get3A_238, %get3A_81 : vector<16xf32>
      %swap3A_240 = arith.index_cast %mul3A_201 : i32 to index
      %swap3A_241 = arith.constant 48 : index
      %swap3A_242 = tpu.vector_load %arg7[%swap3A_240, %swap3A_241] {strides = array<i32>} : memref<128x100xf32, #tpu.memory_space<vmem>>, vector<1x16xf32>,
      %swap3A_243 = vector.shape_cast %swap3A_242 : vector<1x16xf32> to vector<16xf32>
      %swap3A_244 = vector.shape_cast %add3A_239 : vector<16xf32> to vector<1x16xf32>
      tpu.vector_store %arg7[%swap3A_240, %swap3A_241], %swap3A_244 {strides = array<i32>} : memref<128x100xf32, #tpu.memory_space<vmem>>, vector<1x16xf32>,
      %get3A_245 = arith.index_cast %mul3A_201 : i32 to index
      %get3A_246 = arith.constant 64 : index
      %get3A_247 = tpu.vector_load %arg7[%get3A_245, %get3A_246] {strides = array<i32>} : memref<128x100xf32, #tpu.memory_space<vmem>>, vector<1x16xf32>,
      %get3A_248 = vector.shape_cast %get3A_247 : vector<1x16xf32> to vector<16xf32>
      %add3A_249 = arith.addf %get3A_248, %get3A_85 : vector<16xf32>
      %swap3A_250 = arith.index_cast %mul3A_201 : i32 to index
      %swap3A_251 = arith.constant 64 : index
      %swap3A_252 = tpu.vector_load %arg7[%swap3A_250, %swap3A_251] {strides = array<i32>} : memref<128x100xf32, #tpu.memory_space<vmem>>, vector<1x16xf32>,
      %swap3A_253 = vector.shape_cast %swap3A_252 : vector<1x16xf32> to vector<16xf32>
      %swap3A_254 = vector.shape_cast %add3A_249 : vector<16xf32> to vector<1x16xf32>
      tpu.vector_store %arg7[%swap3A_250, %swap3A_251], %swap3A_254 {strides = array<i32>} : memref<128x100xf32, #tpu.memory_space<vmem>>, vector<1x16xf32>,
      %get3A_255 = arith.index_cast %mul3A_201 : i32 to index
      %get3A_256 = arith.constant 80 : index
      %get3A_257 = tpu.vector_load %arg7[%get3A_255, %get3A_256] {strides = array<i32>} : memref<128x100xf32, #tpu.memory_space<vmem>>, vector<1x16xf32>,
      %get3A_258 = vector.shape_cast %get3A_257 : vector<1x16xf32> to vector<16xf32>
      %add3A_259 = arith.addf %get3A_258, %get3A_89 : vector<16xf32>
      %swap3A_260 = arith.index_cast %mul3A_201 : i32 to index
      %swap3A_261 = arith.constant 80 : index
      %swap3A_262 = tpu.vector_load %arg7[%swap3A_260, %swap3A_261] {strides = array<i32>} : memref<128x100xf32, #tpu.memory_space<vmem>>, vector<1x16xf32>,
      %swap3A_263 = vector.shape_cast %swap3A_262 : vector<1x16xf32> to vector<16xf32>
      %swap3A_264 = vector.shape_cast %add3A_259 : vector<16xf32> to vector<1x16xf32>
      tpu.vector_store %arg7[%swap3A_260, %swap3A_261], %swap3A_264 {strides = array<i32>} : memref<128x100xf32, #tpu.memory_space<vmem>>, vector<1x16xf32>,
      %get3A_265 = arith.index_cast %mul3A_201 : i32 to index
      %get3A_266 = arith.constant 84 : index
      %get3A_267 = tpu.vector_load %arg7[%get3A_265, %get3A_266] {strides = array<i32>} : memref<128x100xf32, #tpu.memory_space<vmem>>, vector<1x16xf32>,
      %get3A_268 = vector.shape_cast %get3A_267 : vector<1x16xf32> to vector<16xf32>
      %add3A_269 = arith.addf %get3A_268, %get3A_93 : vector<16xf32>
      %swap3A_270 = arith.index_cast %mul3A_201 : i32 to index
      %swap3A_271 = arith.constant 84 : index
      %swap3A_272 = tpu.vector_load %arg7[%swap3A_270, %swap3A_271] {strides = array<i32>} : memref<128x100xf32, #tpu.memory_space<vmem>>, vector<1x16xf32>,
      %swap3A_273 = vector.shape_cast %swap3A_272 : vector<1x16xf32> to vector<16xf32>
      %swap3A_274 = vector.shape_cast %add3A_269 : vector<16xf32> to vector<1x16xf32>
      tpu.vector_store %arg7[%swap3A_270, %swap3A_271], %swap3A_274 {strides = array<i32>} : memref<128x100xf32, #tpu.memory_space<vmem>>, vector<1x16xf32>,
      %get3A_275 = arith.index_cast %add3A_205 : i32 to index
      %get3A_276 = arith.constant 0 : index
      %get3A_277 = tpu.vector_load %arg7[%get3A_275, %get3A_276] {strides = array<i32>} : memref<128x100xf32, #tpu.memory_space<vmem>>, vector<1x16xf32>,
      %get3A_278 = vector.shape_cast %get3A_277 : vector<1x16xf32> to vector<16xf32>
      %add3A_279 = arith.addf %get3A_278, %get3A_69 : vector<16xf32>
      %swap3A_280 = arith.index_cast %add3A_205 : i32 to index
      %swap3A_281 = arith.constant 0 : index
      %swap3A_282 = tpu.vector_load %arg7[%swap3A_280, %swap3A_281] {strides = array<i32>} : memref<128x100xf32, #tpu.memory_space<vmem>>, vector<1x16xf32>,
      %swap3A_283 = vector.shape_cast %swap3A_282 : vector<1x16xf32> to vector<16xf32>
      %swap3A_284 = vector.shape_cast %add3A_279 : vector<16xf32> to vector<1x16xf32>
      tpu.vector_store %arg7[%swap3A_280, %swap3A_281], %swap3A_284 {strides = array<i32>} : memref<128x100xf32, #tpu.memory_space<vmem>>, vector<1x16xf32>,
      %get3A_285 = arith.index_cast %add3A_205 : i32 to index
      %get3A_286 = arith.constant 16 : index
      %get3A_287 = tpu.vector_load %arg7[%get3A_285, %get3A_286] {strides = array<i32>} : memref<128x100xf32, #tpu.memory_space<vmem>>, vector<1x16xf32>,
      %get3A_288 = vector.shape_cast %get3A_287 : vector<1x16xf32> to vector<16xf32>
      %add3A_289 = arith.addf %get3A_288, %get3A_73 : vector<16xf32>
      %swap3A_290 = arith.index_cast %add3A_205 : i32 to index
      %swap3A_291 = arith.constant 16 : index
      %swap3A_292 = tpu.vector_load %arg7[%swap3A_290, %swap3A_291] {strides = array<i32>} : memref<128x100xf32, #tpu.memory_space<vmem>>, vector<1x16xf32>,
      %swap3A_293 = vector.shape_cast %swap3A_292 : vector<1x16xf32> to vector<16xf32>
      %swap3A_294 = vector.shape_cast %add3A_289 : vector<16xf32> to vector<1x16xf32>
      tpu.vector_store %arg7[%swap3A_290, %swap3A_291], %swap3A_294 {strides = array<i32>} : memref<128x100xf32, #tpu.memory_space<vmem>>, vector<1x16xf32>,
      %get3A_295 = arith.index_cast %add3A_205 : i32 to index
      %get3A_296 = arith.constant 32 : index
      %get3A_297 = tpu.vector_load %arg7[%get3A_295, %get3A_296] {strides = array<i32>} : memref<128x100xf32, #tpu.memory_space<vmem>>, vector<1x16xf32>,
      %get3A_298 = vector.shape_cast %get3A_297 : vector<1x16xf32> to vector<16xf32>
      %add3A_299 = arith.addf %get3A_298, %get3A_77 : vector<16xf32>
      %swap3A_300 = arith.index_cast %add3A_205 : i32 to index
      %swap3A_301 = arith.constant 32 : index
      %swap3A_302 = tpu.vector_load %arg7[%swap3A_300, %swap3A_301] {strides = array<i32>} : memref<128x100xf32, #tpu.memory_space<vmem>>, vector<1x16xf32>,
      %swap3A_303 = vector.shape_cast %swap3A_302 : vector<1x16xf32> to vector<16xf32>
      %swap3A_304 = vector.shape_cast %add3A_299 : vector<16xf32> to vector<1x16xf32>
      tpu.vector_store %arg7[%swap3A_300, %swap3A_301], %swap3A_304 {strides = array<i32>} : memref<128x100xf32, #tpu.memory_space<vmem>>, vector<1x16xf32>,
      %get3A_305 = arith.index_cast %add3A_205 : i32 to index
      %get3A_306 = arith.constant 48 : index
      %get3A_307 = tpu.vector_load %arg7[%get3A_305, %get3A_306] {strides = array<i32>} : memref<128x100xf32, #tpu.memory_space<vmem>>, vector<1x16xf32>,
      %get3A_308 = vector.shape_cast %get3A_307 : vector<1x16xf32> to vector<16xf32>
      %add3A_309 = arith.addf %get3A_308, %get3A_81 : vector<16xf32>
      %swap3A_310 = arith.index_cast %add3A_205 : i32 to index
      %swap3A_311 = arith.constant 48 : index
      %swap3A_312 = tpu.vector_load %arg7[%swap3A_310, %swap3A_311] {strides = array<i32>} : memref<128x100xf32, #tpu.memory_space<vmem>>, vector<1x16xf32>,
      %swap3A_313 = vector.shape_cast %swap3A_312 : vector<1x16xf32> to vector<16xf32>
      %swap3A_314 = vector.shape_cast %add3A_309 : vector<16xf32> to vector<1x16xf32>
      tpu.vector_store %arg7[%swap3A_310, %swap3A_311], %swap3A_314 {strides = array<i32>} : memref<128x100xf32, #tpu.memory_space<vmem>>, vector<1x16xf32>,
      %get3A_315 = arith.index_cast %add3A_205 : i32 to index
      %get3A_316 = arith.constant 64 : index
      %get3A_317 = tpu.vector_load %arg7[%get3A_315, %get3A_316] {strides = array<i32>} : memref<128x100xf32, #tpu.memory_space<vmem>>, vector<1x16xf32>,
      %get3A_318 = vector.shape_cast %get3A_317 : vector<1x16xf32> to vector<16xf32>
      %add3A_319 = arith.addf %get3A_318, %get3A_85 : vector<16xf32>
      %swap3A_320 = arith.index_cast %add3A_205 : i32 to index
      %swap3A_321 = arith.constant 64 : index
      %swap3A_322 = tpu.vector_load %arg7[%swap3A_320, %swap3A_321] {strides = array<i32>} : memref<128x100xf32, #tpu.memory_space<vmem>>, vector<1x16xf32>,
      %swap3A_323 = vector.shape_cast %swap3A_322 : vector<1x16xf32> to vector<16xf32>
      %swap3A_324 = vector.shape_cast %add3A_319 : vector<16xf32> to vector<1x16xf32>
      tpu.vector_store %arg7[%swap3A_320, %swap3A_321], %swap3A_324 {strides = array<i32>} : memref<128x100xf32, #tpu.memory_space<vmem>>, vector<1x16xf32>,
      %get3A_325 = arith.index_cast %add3A_205 : i32 to index
      %get3A_326 = arith.constant 80 : index
      %get3A_327 = tpu.vector_load %arg7[%get3A_325, %get3A_326] {strides = array<i32>} : memref<128x100xf32, #tpu.memory_space<vmem>>, vector<1x16xf32>,
      %get3A_328 = vector.shape_cast %get3A_327 : vector<1x16xf32> to vector<16xf32>
      %add3A_329 = arith.addf %get3A_328, %get3A_89 : vector<16xf32>
      %swap3A_330 = arith.index_cast %add3A_205 : i32 to index
      %swap3A_331 = arith.constant 80 : index
      %swap3A_332 = tpu.vector_load %arg7[%swap3A_330, %swap3A_331] {strides = array<i32>} : memref<128x100xf32, #tpu.memory_space<vmem>>, vector<1x16xf32>,
      %swap3A_333 = vector.shape_cast %swap3A_332 : vector<1x16xf32> to vector<16xf32>
      %swap3A_334 = vector.shape_cast %add3A_329 : vector<16xf32> to vector<1x16xf32>
      tpu.vector_store %arg7[%swap3A_330, %swap3A_331], %swap3A_334 {strides = array<i32>} : memref<128x100xf32, #tpu.memory_space<vmem>>, vector<1x16xf32>,
      %get3A_335 = arith.index_cast %add3A_205 : i32 to index
      %get3A_336 = arith.constant 84 : index
      %get3A_337 = tpu.vector_load %arg7[%get3A_335, %get3A_336] {strides = array<i32>} : memref<128x100xf32, #tpu.memory_space<vmem>>, vector<1x16xf32>,
      %get3A_338 = vector.shape_cast %get3A_337 : vector<1x16xf32> to vector<16xf32>
      %add3A_339 = arith.addf %get3A_338, %get3A_93 : vector<16xf32>
      %swap3A_340 = arith.index_cast %add3A_205 : i32 to index
      %swap3A_341 = arith.constant 84 : index
      %swap3A_342 = tpu.vector_load %arg7[%swap3A_340, %swap3A_341] {strides = array<i32>} : memref<128x100xf32, #tpu.memory_space<vmem>>, vector<1x16xf32>,
      %swap3A_343 = vector.shape_cast %swap3A_342 : vector<1x16xf32> to vector<16xf32>
      %swap3A_344 = vector.shape_cast %add3A_339 : vector<16xf32> to vector<1x16xf32>
      tpu.vector_store %arg7[%swap3A_340, %swap3A_341], %swap3A_344 {strides = array<i32>} : memref<128x100xf32, #tpu.memory_space<vmem>>, vector<1x16xf32>,
    }
    %scan3A_99 = arith.constant 64 : i32
    %add3A_100 = arith.constant 48 : i32
    %add3A_101 = arith.addi %mul3A_2, %add3A_100 : i32
    %mul3A_102 = arith.constant 128 : i32
    %mul3A_103 = arith.muli %add3A_101, %mul3A_102 : i32
    %dma_start3A = arith.constant 0 : i32
    %dma_start3A_104 = tpu.memref_slice %arg5[%mul3A_103, %dma_start3A] : memref<204800x100xf32, #tpu.memory_space<hbm>> -> memref<128x100xf32, #tpu.memory_space<hbm>>
    %dma_start3A_105 = arith.constant 0 : i32
    %dma_start3A_106 = tpu.memref_slice %arg5[%mul3A_103, %dma_start3A_105] : memref<204800x100xf32, #tpu.memory_space<hbm>> -> memref<128x100xf32, #tpu.memory_space<hbm>>
    tpu.enqueue_dma source(%arg7 : memref<128x100xf32, #tpu.memory_space<vmem>>) target(%dma_start3A_106 : memref<128x100xf32, #tpu.memory_space<hbm>>) target_semaphore(%arg14 : memref<!tpu.dma_semaphore, #tpu.memory_space<semaphore_mem>>)
    %dma_wait3A_107 = arith.constant 0 : i32
    %dma_wait3A_108 = arith.constant 0 : i32
    %dma_wait3A_109 = tpu.memref_slice %arg3[%dma_wait3A_107, %dma_wait3A_108] : memref<1000000x100xf32, #tpu.memory_space<hbm>> -> memref<128x100xf32, #tpu.memory_space<hbm>>
    %dma_wait3A_110 = arith.constant 0 : i32
    %dma_wait3A_111 = arith.constant 0 : i32
    %dma_wait3A_112 = tpu.memref_slice %arg3[%dma_wait3A_110, %dma_wait3A_111] : memref<1000000x100xf32, #tpu.memory_space<hbm>> -> memref<128x100xf32, #tpu.memory_space<hbm>>
    tpu.wait_dma2 semaphore(%arg12 : memref<!tpu.dma_semaphore, #tpu.memory_space<semaphore_mem>>) src(%dma_wait3A_112 : memref<128x100xf32, #tpu.memory_space<hbm>>) dst(%arg8 : memref<128x100xf32, #tpu.memory_space<vmem>>)
    %add3A_113 = arith.constant 49 : i32
    %add3A_114 = arith.addi %mul3A_2, %add3A_113 : i32
    %jit3A_115 = arith.constant 8 : i32
    %div3A_116 = arith.divsi %add3A_114, %jit3A_115 : i32
    %sign3A_117 = arith.constant 0 : i32
    %sign3A_118 = arith.cmpi sgt, %add3A_114, %sign3A_117 : i32
    %sign3A_119 = arith.extui %sign3A_118 : i1 to i32
    %sign3A_120 = arith.constant 0 : i32
    %sign3A_121 = arith.cmpi slt, %add3A_114, %sign3A_120 : i32
    %sign3A_122 = arith.extui %sign3A_121 : i1 to i32
    %sign3A_123 = arith.subi %sign3A_119, %sign3A_122 : i32
    %sign3A_124 = arith.constant 0 : i32
    %sign3A_125 = arith.cmpi sgt, %jit3A_115, %sign3A_124 : i32
    %sign3A_126 = arith.extui %sign3A_125 : i1 to i32
    %sign3A_127 = arith.constant 0 : i32
    %sign3A_128 = arith.cmpi slt, %jit3A_115, %sign3A_127 : i32
    %sign3A_129 = arith.extui %sign3A_128 : i1 to i32
    %sign3A_130 = arith.subi %sign3A_126, %sign3A_129 : i32
    %ne3A_131 = arith.cmpi ne, %sign3A_123, %sign3A_130 : i32
    %rem3A_132 = arith.remsi %add3A_114, %jit3A_115 : i32
    %ne3A_133 = arith.constant 0 : i32
    %ne3A_134 = arith.cmpi ne, %rem3A_132, %ne3A_133 : i32
    %and3A_135 = arith.andi %ne3A_131, %ne3A_134 : i1
    %sub3A_136 = arith.constant 1 : i32
    %sub3A_137 = arith.subi %div3A_116, %sub3A_136 : i32
    %select_n3A_138 = arith.select %and3A_135, %sub3A_137, %div3A_116 : i32
    %get3A_139 = arith.index_cast %select_n3A_138 : i32 to index
    %get3A_140 = arith.constant 0 : index
    %get3A_141 = tpu.vector_load %arg10[%get3A_139, %get3A_140] {strides = array<i32>} : memref<200x128xf32, #tpu.memory_space<vmem>>, vector<1x16xf32>,
    %get3A_142 = vector.shape_cast %get3A_141 : vector<1x16xf32> to vector<16xf32>
    %get3A_143 = arith.index_cast %select_n3A_138 : i32 to index
    %get3A_144 = arith.constant 16 : index
    %get3A_145 = tpu.vector_load %arg10[%get3A_143, %get3A_144] {strides = array<i32>} : memref<200x128xf32, #tpu.memory_space<vmem>>, vector<1x16xf32>,
    %get3A_146 = vector.shape_cast %get3A_145 : vector<1x16xf32> to vector<16xf32>
    %get3A_147 = arith.index_cast %select_n3A_138 : i32 to index
    %get3A_148 = arith.constant 32 : index
    %get3A_149 = tpu.vector_load %arg10[%get3A_147, %get3A_148] {strides = array<i32>} : memref<200x128xf32, #tpu.memory_space<vmem>>, vector<1x16xf32>,
    %get3A_150 = vector.shape_cast %get3A_149 : vector<1x16xf32> to vector<16xf32>
    %get3A_151 = arith.index_cast %select_n3A_138 : i32 to index
    %get3A_152 = arith.constant 48 : index
    %get3A_153 = tpu.vector_load %arg10[%get3A_151, %get3A_152] {strides = array<i32>} : memref<200x128xf32, #tpu.memory_space<vmem>>, vector<1x16xf32>,
    %get3A_154 = vector.shape_cast %get3A_153 : vector<1x16xf32> to vector<16xf32>
    %get3A_155 = arith.index_cast %select_n3A_138 : i32 to index
    %get3A_156 = arith.constant 64 : index
    %get3A_157 = tpu.vector_load %arg10[%get3A_155, %get3A_156] {strides = array<i32>} : memref<200x128xf32, #tpu.memory_space<vmem>>, vector<1x16xf32>,
    %get3A_158 = vector.shape_cast %get3A_157 : vector<1x16xf32> to vector<16xf32>
    %get3A_159 = arith.index_cast %select_n3A_138 : i32 to index
    %get3A_160 = arith.constant 80 : index
    %get3A_161 = tpu.vector_load %arg10[%get3A_159, %get3A_160] {strides = array<i32>} : memref<200x128xf32, #tpu.memory_space<vmem>>, vector<1x16xf32>,
    %get3A_162 = vector.shape_cast %get3A_161 : vector<1x16xf32> to vector<16xf32>
    %get3A_163 = arith.index_cast %select_n3A_138 : i32 to index
    %get3A_164 = arith.constant 112 : index
    %get3A_165 = tpu.vector_load %arg10[%get3A_163, %get3A_164] {strides = array<i32>} : memref<200x128xf32, #tpu.memory_space<vmem>>, vector<1x16xf32>,
    %get3A_166 = vector.shape_cast %get3A_165 : vector<1x16xf32> to vector<16xf32>
    %scan3A_167 = arith.constant 0 : i32
    %scan3A_168 = arith.constant 0 : i32
    %scan3A_169 = arith.constant 64 : i32
    %scan3A_170 = arith.addi %scan3A_168, %scan3A_169 : i32
    %scan3A_171 = arith.constant 1 : i32
    scf.for %scan3A_199 = %scan3A_168 to %scan3A_170 step %scan3A_171  : i32 {
      %mul3A_200 = arith.constant 2 : i32
      %mul3A_201 = arith.muli %mul3A_200, %scan3A_199 : i32
      %mul3A_202 = arith.constant 2 : i32
      %mul3A_203 = arith.muli %mul3A_202, %scan3A_199 : i32
      %add3A_204 = arith.constant 1 : i32
      %add3A_205 = arith.addi %mul3A_203, %add3A_204 : i32
      %get3A_206 = arith.index_cast %mul3A_201 : i32 to index
      %get3A_207 = arith.constant 0 : index
      %get3A_208 = tpu.vector_load %arg8[%get3A_206, %get3A_207] {strides = array<i32>} : memref<128x100xf32, #tpu.memory_space<vmem>>, vector<1x16xf32>,
      %get3A_209 = vector.shape_cast %get3A_208 : vector<1x16xf32> to vector<16xf32>
      %add3A_210 = arith.addf %get3A_209, %get3A_142 : vector<16xf32>
      %swap3A = arith.index_cast %mul3A_201 : i32 to index
      %swap3A_211 = arith.constant 0 : index
      %swap3A_212 = tpu.vector_load %arg8[%swap3A, %swap3A_211] {strides = array<i32>} : memref<128x100xf32, #tpu.memory_space<vmem>>, vector<1x16xf32>,
      %swap3A_213 = vector.shape_cast %swap3A_212 : vector<1x16xf32> to vector<16xf32>
      %swap3A_214 = vector.shape_cast %add3A_210 : vector<16xf32> to vector<1x16xf32>
      tpu.vector_store %arg8[%swap3A, %swap3A_211], %swap3A_214 {strides = array<i32>} : memref<128x100xf32, #tpu.memory_space<vmem>>, vector<1x16xf32>,
      %get3A_215 = arith.index_cast %mul3A_201 : i32 to index
      %get3A_216 = arith.constant 16 : index
      %get3A_217 = tpu.vector_load %arg8[%get3A_215, %get3A_216] {strides = array<i32>} : memref<128x100xf32, #tpu.memory_space<vmem>>, vector<1x16xf32>,
      %get3A_218 = vector.shape_cast %get3A_217 : vector<1x16xf32> to vector<16xf32>
      %add3A_219 = arith.addf %get3A_218, %get3A_146 : vector<16xf32>
      %swap3A_220 = arith.index_cast %mul3A_201 : i32 to index
      %swap3A_221 = arith.constant 16 : index
      %swap3A_222 = tpu.vector_load %arg8[%swap3A_220, %swap3A_221] {strides = array<i32>} : memref<128x100xf32, #tpu.memory_space<vmem>>, vector<1x16xf32>,
      %swap3A_223 = vector.shape_cast %swap3A_222 : vector<1x16xf32> to vector<16xf32>
      %swap3A_224 = vector.shape_cast %add3A_219 : vector<16xf32> to vector<1x16xf32>
      tpu.vector_store %arg8[%swap3A_220, %swap3A_221], %swap3A_224 {strides = array<i32>} : memref<128x100xf32, #tpu.memory_space<vmem>>, vector<1x16xf32>,
      %get3A_225 = arith.index_cast %mul3A_201 : i32 to index
      %get3A_226 = arith.constant 32 : index
      %get3A_227 = tpu.vector_load %arg8[%get3A_225, %get3A_226] {strides = array<i32>} : memref<128x100xf32, #tpu.memory_space<vmem>>, vector<1x16xf32>,
      %get3A_228 = vector.shape_cast %get3A_227 : vector<1x16xf32> to vector<16xf32>
      %add3A_229 = arith.addf %get3A_228, %get3A_150 : vector<16xf32>
      %swap3A_230 = arith.index_cast %mul3A_201 : i32 to index
      %swap3A_231 = arith.constant 32 : index
      %swap3A_232 = tpu.vector_load %arg8[%swap3A_230, %swap3A_231] {strides = array<i32>} : memref<128x100xf32, #tpu.memory_space<vmem>>, vector<1x16xf32>,
      %swap3A_233 = vector.shape_cast %swap3A_232 : vector<1x16xf32> to vector<16xf32>
      %swap3A_234 = vector.shape_cast %add3A_229 : vector<16xf32> to vector<1x16xf32>
      tpu.vector_store %arg8[%swap3A_230, %swap3A_231], %swap3A_234 {strides = array<i32>} : memref<128x100xf32, #tpu.memory_space<vmem>>, vector<1x16xf32>,
      %get3A_235 = arith.index_cast %mul3A_201 : i32 to index
      %get3A_236 = arith.constant 48 : index
      %get3A_237 = tpu.vector_load %arg8[%get3A_235, %get3A_236] {strides = array<i32>} : memref<128x100xf32, #tpu.memory_space<vmem>>, vector<1x16xf32>,
      %get3A_238 = vector.shape_cast %get3A_237 : vector<1x16xf32> to vector<16xf32>
      %add3A_239 = arith.addf %get3A_238, %get3A_154 : vector<16xf32>
      %swap3A_240 = arith.index_cast %mul3A_201 : i32 to index
      %swap3A_241 = arith.constant 48 : index
      %swap3A_242 = tpu.vector_load %arg8[%swap3A_240, %swap3A_241] {strides = array<i32>} : memref<128x100xf32, #tpu.memory_space<vmem>>, vector<1x16xf32>,
      %swap3A_243 = vector.shape_cast %swap3A_242 : vector<1x16xf32> to vector<16xf32>
      %swap3A_244 = vector.shape_cast %add3A_239 : vector<16xf32> to vector<1x16xf32>
      tpu.vector_store %arg8[%swap3A_240, %swap3A_241], %swap3A_244 {strides = array<i32>} : memref<128x100xf32, #tpu.memory_space<vmem>>, vector<1x16xf32>,
      %get3A_245 = arith.index_cast %mul3A_201 : i32 to index
      %get3A_246 = arith.constant 64 : index
      %get3A_247 = tpu.vector_load %arg8[%get3A_245, %get3A_246] {strides = array<i32>} : memref<128x100xf32, #tpu.memory_space<vmem>>, vector<1x16xf32>,
      %get3A_248 = vector.shape_cast %get3A_247 : vector<1x16xf32> to vector<16xf32>
      %add3A_249 = arith.addf %get3A_248, %get3A_158 : vector<16xf32>
      %swap3A_250 = arith.index_cast %mul3A_201 : i32 to index
      %swap3A_251 = arith.constant 64 : index
      %swap3A_252 = tpu.vector_load %arg8[%swap3A_250, %swap3A_251] {strides = array<i32>} : memref<128x100xf32, #tpu.memory_space<vmem>>, vector<1x16xf32>,
      %swap3A_253 = vector.shape_cast %swap3A_252 : vector<1x16xf32> to vector<16xf32>
      %swap3A_254 = vector.shape_cast %add3A_249 : vector<16xf32> to vector<1x16xf32>
      tpu.vector_store %arg8[%swap3A_250, %swap3A_251], %swap3A_254 {strides = array<i32>} : memref<128x100xf32, #tpu.memory_space<vmem>>, vector<1x16xf32>,
      %get3A_255 = arith.index_cast %mul3A_201 : i32 to index
      %get3A_256 = arith.constant 80 : index
      %get3A_257 = tpu.vector_load %arg8[%get3A_255, %get3A_256] {strides = array<i32>} : memref<128x100xf32, #tpu.memory_space<vmem>>, vector<1x16xf32>,
      %get3A_258 = vector.shape_cast %get3A_257 : vector<1x16xf32> to vector<16xf32>
      %add3A_259 = arith.addf %get3A_258, %get3A_162 : vector<16xf32>
      %swap3A_260 = arith.index_cast %mul3A_201 : i32 to index
      %swap3A_261 = arith.constant 80 : index
      %swap3A_262 = tpu.vector_load %arg8[%swap3A_260, %swap3A_261] {strides = array<i32>} : memref<128x100xf32, #tpu.memory_space<vmem>>, vector<1x16xf32>,
      %swap3A_263 = vector.shape_cast %swap3A_262 : vector<1x16xf32> to vector<16xf32>
      %swap3A_264 = vector.shape_cast %add3A_259 : vector<16xf32> to vector<1x16xf32>
      tpu.vector_store %arg8[%swap3A_260, %swap3A_261], %swap3A_264 {strides = array<i32>} : memref<128x100xf32, #tpu.memory_space<vmem>>, vector<1x16xf32>,
      %get3A_265 = arith.index_cast %mul3A_201 : i32 to index
      %get3A_266 = arith.constant 84 : index
      %get3A_267 = tpu.vector_load %arg8[%get3A_265, %get3A_266] {strides = array<i32>} : memref<128x100xf32, #tpu.memory_space<vmem>>, vector<1x16xf32>,
      %get3A_268 = vector.shape_cast %get3A_267 : vector<1x16xf32> to vector<16xf32>
      %add3A_269 = arith.addf %get3A_268, %get3A_166 : vector<16xf32>
      %swap3A_270 = arith.index_cast %mul3A_201 : i32 to index
      %swap3A_271 = arith.constant 84 : index
      %swap3A_272 = tpu.vector_load %arg8[%swap3A_270, %swap3A_271] {strides = array<i32>} : memref<128x100xf32, #tpu.memory_space<vmem>>, vector<1x16xf32>,
      %swap3A_273 = vector.shape_cast %swap3A_272 : vector<1x16xf32> to vector<16xf32>
      %swap3A_274 = vector.shape_cast %add3A_269 : vector<16xf32> to vector<1x16xf32>
      tpu.vector_store %arg8[%swap3A_270, %swap3A_271], %swap3A_274 {strides = array<i32>} : memref<128x100xf32, #tpu.memory_space<vmem>>, vector<1x16xf32>,
      %get3A_275 = arith.index_cast %add3A_205 : i32 to index
      %get3A_276 = arith.constant 0 : index
      %get3A_277 = tpu.vector_load %arg8[%get3A_275, %get3A_276] {strides = array<i32>} : memref<128x100xf32, #tpu.memory_space<vmem>>, vector<1x16xf32>,
      %get3A_278 = vector.shape_cast %get3A_277 : vector<1x16xf32> to vector<16xf32>
      %add3A_279 = arith.addf %get3A_278, %get3A_142 : vector<16xf32>
      %swap3A_280 = arith.index_cast %add3A_205 : i32 to index
      %swap3A_281 = arith.constant 0 : index
      %swap3A_282 = tpu.vector_load %arg8[%swap3A_280, %swap3A_281] {strides = array<i32>} : memref<128x100xf32, #tpu.memory_space<vmem>>, vector<1x16xf32>,
      %swap3A_283 = vector.shape_cast %swap3A_282 : vector<1x16xf32> to vector<16xf32>
      %swap3A_284 = vector.shape_cast %add3A_279 : vector<16xf32> to vector<1x16xf32>
      tpu.vector_store %arg8[%swap3A_280, %swap3A_281], %swap3A_284 {strides = array<i32>} : memref<128x100xf32, #tpu.memory_space<vmem>>, vector<1x16xf32>,
      %get3A_285 = arith.index_cast %add3A_205 : i32 to index
      %get3A_286 = arith.constant 16 : index
      %get3A_287 = tpu.vector_load %arg8[%get3A_285, %get3A_286] {strides = array<i32>} : memref<128x100xf32, #tpu.memory_space<vmem>>, vector<1x16xf32>,
      %get3A_288 = vector.shape_cast %get3A_287 : vector<1x16xf32> to vector<16xf32>
      %add3A_289 = arith.addf %get3A_288, %get3A_146 : vector<16xf32>
      %swap3A_290 = arith.index_cast %add3A_205 : i32 to index
      %swap3A_291 = arith.constant 16 : index
      %swap3A_292 = tpu.vector_load %arg8[%swap3A_290, %swap3A_291] {strides = array<i32>} : memref<128x100xf32, #tpu.memory_space<vmem>>, vector<1x16xf32>,
      %swap3A_293 = vector.shape_cast %swap3A_292 : vector<1x16xf32> to vector<16xf32>
      %swap3A_294 = vector.shape_cast %add3A_289 : vector<16xf32> to vector<1x16xf32>
      tpu.vector_store %arg8[%swap3A_290, %swap3A_291], %swap3A_294 {strides = array<i32>} : memref<128x100xf32, #tpu.memory_space<vmem>>, vector<1x16xf32>,
      %get3A_295 = arith.index_cast %add3A_205 : i32 to index
      %get3A_296 = arith.constant 32 : index
      %get3A_297 = tpu.vector_load %arg8[%get3A_295, %get3A_296] {strides = array<i32>} : memref<128x100xf32, #tpu.memory_space<vmem>>, vector<1x16xf32>,
      %get3A_298 = vector.shape_cast %get3A_297 : vector<1x16xf32> to vector<16xf32>
      %add3A_299 = arith.addf %get3A_298, %get3A_150 : vector<16xf32>
      %swap3A_300 = arith.index_cast %add3A_205 : i32 to index
      %swap3A_301 = arith.constant 32 : index
      %swap3A_302 = tpu.vector_load %arg8[%swap3A_300, %swap3A_301] {strides = array<i32>} : memref<128x100xf32, #tpu.memory_space<vmem>>, vector<1x16xf32>,
      %swap3A_303 = vector.shape_cast %swap3A_302 : vector<1x16xf32> to vector<16xf32>
      %swap3A_304 = vector.shape_cast %add3A_299 : vector<16xf32> to vector<1x16xf32>
      tpu.vector_store %arg8[%swap3A_300, %swap3A_301], %swap3A_304 {strides = array<i32>} : memref<128x100xf32, #tpu.memory_space<vmem>>, vector<1x16xf32>,
      %get3A_305 = arith.index_cast %add3A_205 : i32 to index
      %get3A_306 = arith.constant 48 : index
      %get3A_307 = tpu.vector_load %arg8[%get3A_305, %get3A_306] {strides = array<i32>} : memref<128x100xf32, #tpu.memory_space<vmem>>, vector<1x16xf32>,
      %get3A_308 = vector.shape_cast %get3A_307 : vector<1x16xf32> to vector<16xf32>
      %add3A_309 = arith.addf %get3A_308, %get3A_154 : vector<16xf32>
      %swap3A_310 = arith.index_cast %add3A_205 : i32 to index
      %swap3A_311 = arith.constant 48 : index
      %swap3A_312 = tpu.vector_load %arg8[%swap3A_310, %swap3A_311] {strides = array<i32>} : memref<128x100xf32, #tpu.memory_space<vmem>>, vector<1x16xf32>,
      %swap3A_313 = vector.shape_cast %swap3A_312 : vector<1x16xf32> to vector<16xf32>
      %swap3A_314 = vector.shape_cast %add3A_309 : vector<16xf32> to vector<1x16xf32>
      tpu.vector_store %arg8[%swap3A_310, %swap3A_311], %swap3A_314 {strides = array<i32>} : memref<128x100xf32, #tpu.memory_space<vmem>>, vector<1x16xf32>,
      %get3A_315 = arith.index_cast %add3A_205 : i32 to index
      %get3A_316 = arith.constant 64 : index
      %get3A_317 = tpu.vector_load %arg8[%get3A_315, %get3A_316] {strides = array<i32>} : memref<128x100xf32, #tpu.memory_space<vmem>>, vector<1x16xf32>,
      %get3A_318 = vector.shape_cast %get3A_317 : vector<1x16xf32> to vector<16xf32>
      %add3A_319 = arith.addf %get3A_318, %get3A_158 : vector<16xf32>
      %swap3A_320 = arith.index_cast %add3A_205 : i32 to index
      %swap3A_321 = arith.constant 64 : index
      %swap3A_322 = tpu.vector_load %arg8[%swap3A_320, %swap3A_321] {strides = array<i32>} : memref<128x100xf32, #tpu.memory_space<vmem>>, vector<1x16xf32>,
      %swap3A_323 = vector.shape_cast %swap3A_322 : vector<1x16xf32> to vector<16xf32>
      %swap3A_324 = vector.shape_cast %add3A_319 : vector<16xf32> to vector<1x16xf32>
      tpu.vector_store %arg8[%swap3A_320, %swap3A_321], %swap3A_324 {strides = array<i32>} : memref<128x100xf32, #tpu.memory_space<vmem>>, vector<1x16xf32>,
      %get3A_325 = arith.index_cast %add3A_205 : i32 to index
      %get3A_326 = arith.constant 80 : index
      %get3A_327 = tpu.vector_load %arg8[%get3A_325, %get3A_326] {strides = array<i32>} : memref<128x100xf32, #tpu.memory_space<vmem>>, vector<1x16xf32>,
      %get3A_328 = vector.shape_cast %get3A_327 : vector<1x16xf32> to vector<16xf32>
      %add3A_329 = arith.addf %get3A_328, %get3A_162 : vector<16xf32>
      %swap3A_330 = arith.index_cast %add3A_205 : i32 to index
      %swap3A_331 = arith.constant 80 : index
      %swap3A_332 = tpu.vector_load %arg8[%swap3A_330, %swap3A_331] {strides = array<i32>} : memref<128x100xf32, #tpu.memory_space<vmem>>, vector<1x16xf32>,
      %swap3A_333 = vector.shape_cast %swap3A_332 : vector<1x16xf32> to vector<16xf32>
      %swap3A_334 = vector.shape_cast %add3A_329 : vector<16xf32> to vector<1x16xf32>
      tpu.vector_store %arg8[%swap3A_330, %swap3A_331], %swap3A_334 {strides = array<i32>} : memref<128x100xf32, #tpu.memory_space<vmem>>, vector<1x16xf32>,
      %get3A_335 = arith.index_cast %add3A_205 : i32 to index
      %get3A_336 = arith.constant 84 : index
      %get3A_337 = tpu.vector_load %arg8[%get3A_335, %get3A_336] {strides = array<i32>} : memref<128x100xf32, #tpu.memory_space<vmem>>, vector<1x16xf32>,
      %get3A_338 = vector.shape_cast %get3A_337 : vector<1x16xf32> to vector<16xf32>
      %add3A_339 = arith.addf %get3A_338, %get3A_166 : vector<16xf32>
      %swap3A_340 = arith.index_cast %add3A_205 : i32 to index
      %swap3A_341 = arith.constant 84 : index
      %swap3A_342 = tpu.vector_load %arg8[%swap3A_340, %swap3A_341] {strides = array<i32>} : memref<128x100xf32, #tpu.memory_space<vmem>>, vector<1x16xf32>,
      %swap3A_343 = vector.shape_cast %swap3A_342 : vector<1x16xf32> to vector<16xf32>
      %swap3A_344 = vector.shape_cast %add3A_339 : vector<16xf32> to vector<1x16xf32>
      tpu.vector_store %arg8[%swap3A_340, %swap3A_341], %swap3A_344 {strides = array<i32>} : memref<128x100xf32, #tpu.memory_space<vmem>>, vector<1x16xf32>,
    }
    %scan3A_172 = arith.constant 64 : i32
    %add3A_173 = arith.constant 49 : i32
    %add3A_174 = arith.addi %mul3A_2, %add3A_173 : i32
    %mul3A_175 = arith.constant 128 : i32
    %mul3A_176 = arith.muli %add3A_174, %mul3A_175 : i32
    %dma_start3A_177 = arith.constant 0 : i32
    %dma_start3A_178 = tpu.memref_slice %arg5[%mul3A_176, %dma_start3A_177] : memref<204800x100xf32, #tpu.memory_space<hbm>> -> memref<128x100xf32, #tpu.memory_space<hbm>>
    %dma_start3A_179 = arith.constant 0 : i32
    %dma_start3A_180 = tpu.memref_slice %arg5[%mul3A_176, %dma_start3A_179] : memref<204800x100xf32, #tpu.memory_space<hbm>> -> memref<128x100xf32, #tpu.memory_space<hbm>>
    tpu.enqueue_dma source(%arg8 : memref<128x100xf32, #tpu.memory_space<vmem>>) target(%dma_start3A_180 : memref<128x100xf32, #tpu.memory_space<hbm>>) target_semaphore(%arg15 : memref<!tpu.dma_semaphore, #tpu.memory_space<semaphore_mem>>)
    %dma_wait3A_181 = arith.constant 0 : i32
    %dma_wait3A_182 = arith.constant 0 : i32
    %dma_wait3A_183 = tpu.memref_slice %arg3[%dma_wait3A_181, %dma_wait3A_182] : memref<1000000x100xf32, #tpu.memory_space<hbm>> -> memref<128x100xf32, #tpu.memory_space<hbm>>
    %dma_wait3A_184 = arith.constant 0 : i32
    %dma_wait3A_185 = arith.constant 0 : i32
    %dma_wait3A_186 = tpu.memref_slice %arg3[%dma_wait3A_184, %dma_wait3A_185] : memref<1000000x100xf32, #tpu.memory_space<hbm>> -> memref<128x100xf32, #tpu.memory_space<hbm>>
    tpu.wait_dma2 semaphore(%arg14 : memref<!tpu.dma_semaphore, #tpu.memory_space<semaphore_mem>>) src(%dma_wait3A_186 : memref<128x100xf32, #tpu.memory_space<hbm>>) dst(%arg7 : memref<128x100xf32, #tpu.memory_space<vmem>>)
    %dma_wait3A_187 = arith.constant 0 : i32
    %dma_wait3A_188 = arith.constant 0 : i32
    %dma_wait3A_189 = tpu.memref_slice %arg3[%dma_wait3A_187, %dma_wait3A_188] : memref<1000000x100xf32, #tpu.memory_space<hbm>> -> memref<128x100xf32, #tpu.memory_space<hbm>>
    %dma_wait3A_190 = arith.constant 0 : i32
    %dma_wait3A_191 = arith.constant 0 : i32
    %dma_wait3A_192 = tpu.memref_slice %arg3[%dma_wait3A_190, %dma_wait3A_191] : memref<1000000x100xf32, #tpu.memory_space<hbm>> -> memref<128x100xf32, #tpu.memory_space<hbm>>
    tpu.wait_dma2 semaphore(%arg15 : memref<!tpu.dma_semaphore, #tpu.memory_space<semaphore_mem>>) src(%dma_wait3A_192 : memref<128x100xf32, #tpu.memory_space<hbm>>) dst(%arg8 : memref<128x100xf32, #tpu.memory_space<vmem>>)
    %dma_wait3A_193 = arith.constant 0 : i32
    %dma_wait3A_194 = arith.constant 0 : i32
    %dma_wait3A_195 = tpu.memref_slice %arg3[%dma_wait3A_193, %dma_wait3A_194] : memref<1000000x100xf32, #tpu.memory_space<hbm>> -> memref<128x100xf32, #tpu.memory_space<hbm>>
    %dma_wait3A_196 = arith.constant 0 : i32
    %dma_wait3A_197 = arith.constant 0 : i32
    %dma_wait3A_198 = tpu.memref_slice %arg3[%dma_wait3A_196, %dma_wait3A_197] : memref<1000000x100xf32, #tpu.memory_space<hbm>> -> memref<128x100xf32, #tpu.memory_space<hbm>>
    tpu.wait_dma2 semaphore(%arg16 : memref<!tpu.dma_semaphore, #tpu.memory_space<semaphore_mem>>) src(%dma_wait3A_198 : memref<128x100xf32, #tpu.memory_space<hbm>>) dst(%arg9 : memref<128x100xf32, #tpu.memory_space<vmem>>)
    return
  }
}

module attributes {stable_mosaic.version = 14 : i64} {
  func.func @_pe_kernel(%arg0: memref<200x128xf32, #tpu.memory_space<vmem>>) attributes {dimension_semantics = [], scalar_prefetch = 0 : i64, scratch_operands = 0 : i64, tpu.core_type = #tpu.core_type<tc>} {
    %iota3A = tpu.iota {dimensions = array<i32: 0>} : vector<200x128xi32>
    %convert_element_type3A = arith.sitofp %iota3A : vector<200x128xi32> to vector<200x128xf32>
    %iota3A_0 = tpu.iota {dimensions = array<i32: 1>} : vector<200x128xi32>
    %lt3A = arith.constant 100 : i32
    %lt3A_1 = vector.broadcast %lt3A : i32 to vector<200x128xi32>
    %lt3A_2 = arith.cmpi slt, %iota3A_0, %lt3A_1 : vector<200x128xi32>
    %ge3A = arith.constant 124 : i32
    %ge3A_3 = vector.broadcast %ge3A : i32 to vector<200x128xi32>
    %ge3A_4 = arith.cmpi sge, %iota3A_0, %ge3A_3 : vector<200x128xi32>
    %sub3A = arith.constant 28 : i32
    %sub3A_5 = vector.broadcast %sub3A : i32 to vector<200x128xi32>
    %sub3A_6 = arith.subi %iota3A_0, %sub3A_5 : vector<200x128xi32>
    %jit3A = arith.constant 0 : i32
    %broadcast_in_dim3A = vector.broadcast %jit3A : i32 to vector<200x128xi32>
    %select_n3A = arith.select %ge3A_4, %sub3A_6, %broadcast_in_dim3A : vector<200x128xi1>, vector<200x128xi32>
    %select_n3A_7 = arith.select %lt3A_2, %iota3A_0, %select_n3A : vector<200x128xi1>, vector<200x128xi32>
    %lt3A_8 = arith.constant 100 : i32
    %lt3A_9 = vector.broadcast %lt3A_8 : i32 to vector<200x128xi32>
    %lt3A_10 = arith.cmpi slt, %iota3A_0, %lt3A_9 : vector<200x128xi32>
    %ge3A_11 = arith.constant 124 : i32
    %ge3A_12 = vector.broadcast %ge3A_11 : i32 to vector<200x128xi32>
    %ge3A_13 = arith.cmpi sge, %iota3A_0, %ge3A_12 : vector<200x128xi32>
    %or3A = arith.ori %lt3A_10, %ge3A_13 : vector<200x128xi1>
    %convert_element_type3A_14 = arith.sitofp %select_n3A_7 : vector<200x128xi32> to vector<200x128xf32>
    %mul3A = arith.constant 5.000000e-01 : f32
    %mul3A_15 = vector.broadcast %mul3A : f32 to vector<200x128xf32>
    %mul3A_16 = arith.mulf %convert_element_type3A_14, %mul3A_15 : vector<200x128xf32>
    %floor3A = math.floor %mul3A_16 : vector<200x128xf32>
    %mul3A_17 = arith.constant 2.000000e+00 : f32
    %mul3A_18 = vector.broadcast %mul3A_17 : f32 to vector<200x128xf32>
    %mul3A_19 = arith.mulf %floor3A, %mul3A_18 : vector<200x128xf32>
    %div3A = arith.constant 1.000000e+02 : f32
    %div3A_20 = vector.broadcast %div3A : f32 to vector<200x128xf32>
    %div3A_21 = arith.divf %mul3A_19, %div3A_20 : vector<200x128xf32>
    %mul3A_22 = arith.constant 9.21034049 : f32
    %mul3A_23 = vector.broadcast %mul3A_22 : f32 to vector<200x128xf32>
    %mul3A_24 = arith.mulf %div3A_21, %mul3A_23 : vector<200x128xf32>
    %exp3A = math.exp %mul3A_24 : vector<200x128xf32>
    %div3A_25 = arith.divf %convert_element_type3A, %exp3A : vector<200x128xf32>
    %jit3A_26 = arith.constant 2 : i32
    %eq3A = arith.constant 0 : i32
    %eq3A_27 = arith.cmpi eq, %jit3A_26, %eq3A : i32
    %jit3A_28 = arith.constant 1 : i32
    %select_n3A_29 = arith.select %eq3A_27, %jit3A_28, %jit3A_26 : i32
    %rem3A = vector.broadcast %select_n3A_29 : i32 to vector<200x128xi32>
    %rem3A_30 = arith.remsi %select_n3A_7, %rem3A : vector<200x128xi32>
    %ne3A = arith.constant 0 : i32
    %ne3A_31 = vector.broadcast %ne3A : i32 to vector<200x128xi32>
    %ne3A_32 = arith.cmpi ne, %rem3A_30, %ne3A_31 : vector<200x128xi32>
    %lt3A_33 = arith.constant 0 : i32
    %lt3A_34 = vector.broadcast %lt3A_33 : i32 to vector<200x128xi32>
    %lt3A_35 = arith.cmpi slt, %rem3A_30, %lt3A_34 : vector<200x128xi32>
    %lt3A_36 = arith.constant 0 : i32
    %lt3A_37 = arith.cmpi slt, %select_n3A_29, %lt3A_36 : i32
    %ne3A_38 = vector.broadcast %lt3A_37 : i1 to vector<200x128xi1>
    %ne3A_39 = vector.broadcast %ne3A_38 : vector<200x128xi1> to vector<200x128xi1>
    %ne3A_40 = arith.xori %lt3A_35, %ne3A_39 : vector<200x128xi1>
    %and3A = arith.andi %ne3A_40, %ne3A_32 : vector<200x128xi1>
    %add3A = vector.broadcast %select_n3A_29 : i32 to vector<200x128xi32>
    %add3A_41 = arith.addi %rem3A_30, %add3A : vector<200x128xi32>
    %select_n3A_42 = arith.select %and3A, %add3A_41, %rem3A_30 : vector<200x128xi1>, vector<200x128xi32>
    %eq3A_43 = arith.constant 0 : i32
    %eq3A_44 = vector.broadcast %eq3A_43 : i32 to vector<200x128xi32>
    %eq3A_45 = arith.cmpi eq, %select_n3A_42, %eq3A_44 : vector<200x128xi32>
    %sin3A = math.sin %div3A_25 : vector<200x128xf32>
    %cos3A = math.cos %div3A_25 : vector<200x128xf32>
    %select_n3A_46 = arith.select %eq3A_45, %sin3A, %cos3A : vector<200x128xi1>, vector<200x128xf32>
    %jit3A_47 = arith.constant 0.000000e+00 : f32
    %broadcast_in_dim3A_48 = vector.broadcast %jit3A_47 : f32 to vector<200x128xf32>
    %select_n3A_49 = arith.select %or3A, %select_n3A_46, %broadcast_in_dim3A_48 : vector<200x128xi1>, vector<200x128xf32>
    %swap3A = arith.constant 0 : index
    %swap3A_50 = arith.constant 0 : index
    %swap3A_51 = vector.load %arg0[%swap3A, %swap3A_50] : memref<200x128xf32, #tpu.memory_space<vmem>>, vector<200x128xf32>
    tpu.vector_store %arg0[%swap3A, %swap3A_50], %select_n3A_49 {strides = array<i32>} : memref<200x128xf32, #tpu.memory_space<vmem>>, vector<200x128xf32>,
    return
  }
}

</mosaic_0001>

<sc_bundles>
// kernel: kernel.4.cloned.1.call-start
scs
__scs_entry_jumppad:
0x0: {  	(pc) =	sbr.rel $0x88, $3  }
0x1: {  	(tag) =	ssettag $0x0;
	lr =	simm.s32 $0x1  }
0x2: {  	[smem:$0x3F9F] =	sst lr;
	_ =	strace $0xD0000000  }
0x3: {  	_ = 	snop  }
0x4: {  	_ = 	snop  }
0x5: {  	_ = 	snop  }
0x6: {  	_ = 	snop  }
0x7: {  	_ = 	snop  }
__scs_overlays_trampoline_lowered:
0x8: {  	[smem:$0x3FAE] =	sst s0  }
0x9: {  	[smem:$0x3FAF] =	sst s1  }
0xa: {  	[smem:$0x3FB0] =	sst s2  }
0xb: {  	[smem:$0x3FB1] =	sst s3  }
0xc: {  	[smem:$0x3FB2] =	sst s4  }
0xd: {  	[smem:$0x3FB3] =	sst s5  }
0xe: {  	[smem:$0x3FB4] =	sst s6  }
0xf: {  	[smem:$0x3FB5] =	sst s7  }
0x10: {  	[smem:$0x3FB6] =	sst s8  }
0x11: {  	[smem:$0x3FB7] =	sst s9;
	s0 =	simm.s32 @!p0 $0x0  }
0x12: {  	s1 =	sld [smem:$0x3F9D];
	s0 =	simm.s32 @p0 $0x1  }
0x13: {  	[smem:$0x3FB8] =	sst s0;
	s0 =	simm.s32 @!p1 $0x0  }
0x14: {  	s2 =	sld [smem:$0x3F9C];
	s0 =	simm.s32 @p1 $0x1  }
0x15: {  	[smem:$0x3FB9] =	sst s0;
	s0 =	simm.s32 @!p2 $0x0  }
0x16: {  	s3 =	sld [smem:$0x3FDB];
	s0 =	simm.s32 @p2 $0x1  }
0x17: {  	s4 =	simm.s32 $0x1BF5;
	[smem:$0x3FBB] =	sst s0  }
0x18: {  	s0 =	sld [smem:$0x3F9E];
	_ =	swait.ge [sflag:s4], $0x0  }
0x19: {  	s7 =	sld [smem:$0x3F9F]  }
0x1a: {  	s8 =	sadd.s32 $0xFFFFE003, lr  }
0x1b: {  	s9 =	sadd.s32 $0xFFFFFEF7, lr;
	s5 =	simm.s32 $0xFFFFFFFF;
	p2 =	slt.u32 s8, $0xFFFFF086  }
0x1c: {  	p1 =	slt.u32 s9, $0xF7A;
	s5 =	simm.s32 @!p2 $0x0  }
0x1d: {  	s5 =	simm.s32 @p1 $0x1;
	p0 =	seq.s32 s7, s2  }
0x1e: {  	s7 =	smul.u32 @!p0 $0xF7A, s2;
	p2 =	seq.s32 @!p0 s5, $0x0  }
0x1f: {  	s9 =	smul.u32 $0xF7A, s1;
	s8 =	simm.s32 @!p0 $0x1BF5;
	p2 =	por !p2, p0  }
0x20: {  	[sflag:s8] =	ssyncset.s32 @!p0 $0xFFFFF086;
	s6 =	sadd.s32 @!p0 s3, s7;
	s7 =	simm.s32 @!p0 $0x108  }
0x21: {  	s3 =	sadd.s32 s3, s9;
	s6 =	sadd.s32 @!p0 $0x88, s6;
	s7 =	simm.s32 @p2 $0x1082  }
0x22: {  	[simem:s7], [sflag:s8] =	dma.local @!p0 [hbm:s6], $0xF7A  }
0x23: {  	s9 =	sor.u32 $0xD0000000, s2;
	s6 =	simm.s32 $0x108;
	_ =	swait.ge @!p0 [sflag:s8], $0x0  }
0x24: {  	s3 =	sadd.s32 $0x88, s3;
	s6 =	simm.s32 @!p1 $0x1082;
	[sflag:s4] =	ssyncset.s32 $0xFFFFF086  }
0x25: {  	[simem:s6], [sflag:s4] =	dma.local [hbm:s3], $0xF7A  }
0x26: {  	[smem:$0x3F9F] =	sst s1;
	(tag) =	ssettag s2;
	_ =	strace s9  }
0x27: {  	s1 =	sld [smem:$0x3FAF]  }
0x28: {  	s2 =	sld [smem:$0x3FB0]  }
0x29: {  	s4 =	sld [smem:$0x3FB2]  }
0x2a: {  	p0 =	seq.s32 s5, $0x0;
	s5 =	sld [smem:$0x3FB3]  }
0x2b: {  	s6 =	sld [smem:$0x3FB4]  }
0x2c: {  	s7 =	sld [smem:$0x3FB5]  }
0x2d: {  	s3 =	simm.s32 $0x108;
	s8 =	sld [smem:$0x3FB6]  }
0x2e: {  	s3 =	simm.s32 @!p0 $0x1082;
	s9 =	sld [smem:$0x3FB7]  }
0x2f: {  	lr =	sadd.s32 s0, s3;
	s0 =	sld [smem:$0x3FAE]  }
0x30: {  	s3 =	sld [smem:$0x3FB1]  }
0x31: {  	[smem:$0x3FBA] =	sst s10  }
0x32: {  	s10 =	sld [smem:$0x3FB8];
	_ =	sdelay $0x3  }
0x33: {  	p0 =	seq.s32 s10, $0x1;
	s10 =	sld [smem:$0x3FBA];
	_ =	sdelay $0x3  }
0x34: {  	[smem:$0x3FBA] =	sst s10  }
0x35: {  	s10 =	sld [smem:$0x3FB9];
	_ =	sdelay $0x3  }
0x36: {  	p1 =	seq.s32 s10, $0x1;
	s10 =	sld [smem:$0x3FBA];
	_ =	sdelay $0x3  }
0x37: {  	[smem:$0x3FBA] =	sst s10  }
0x38: {  	s10 =	sld [smem:$0x3FBB]  }
0x39: {  	_ = 	snop;
	(pc) =	sbr.ind lr, $3  }
0x3a: {  	_ = 	snop  }
0x3b: {  	_ = 	snop  }
0x3c: {  	p2 =	seq.s32 s10, $0x1;
	s10 =	sld [smem:$0x3FBA]  }
0x3d: {  	_ =	shalt  }
0x3e: {  	_ =	shalt  }
0x3f: {  	_ =	shalt  }
0x40: {  	_ =	shalt  }
0x41: {  	_ =	shalt  }
0x42: {  	_ =	shalt  }
0x43: {  	_ =	shalt  }
0x44: {  	_ =	shalt  }
0x45: {  	_ =	shalt  }
0x46: {  	_ =	shalt  }
0x47: {  	_ =	shalt  }
0x48: {  	_ =	shalt  }
0x49: {  	_ =	shalt  }
0x4a: {  	_ =	shalt  }
0x4b: {  	_ =	shalt  }
0x4c: {  	_ =	shalt  }
0x4d: {  	_ =	shalt  }
0x4e: {  	_ =	shalt  }
0x4f: {  	_ =	shalt  }
0x50: {  	_ =	shalt  }
0x51: {  	_ =	shalt  }
0x52: {  	_ =	shalt  }
0x53: {  	_ =	shalt  }
0x54: {  	_ =	shalt  }
0x55: {  	_ =	shalt  }
0x56: {  	_ =	shalt  }
0x57: {  	_ =	shalt  }
0x58: {  	_ =	shalt  }
0x59: {  	_ =	shalt  }
0x5a: {  	_ =	shalt  }
0x5b: {  	_ =	shalt  }
0x5c: {  	_ =	shalt  }
0x5d: {  	_ =	shalt  }
0x5e: {  	_ =	shalt  }
0x5f: {  	_ =	shalt  }
0x60: {  	_ =	shalt  }
0x61: {  	_ =	shalt  }
0x62: {  	_ =	shalt  }
0x63: {  	_ =	shalt  }
0x64: {  	_ =	shalt  }
0x65: {  	_ =	shalt  }
0x66: {  	_ =	shalt  }
0x67: {  	_ =	shalt  }
0x68: {  	_ =	shalt  }
0x69: {  	_ =	shalt  }
0x6a: {  	_ =	shalt  }
0x6b: {  	_ =	shalt  }
0x6c: {  	_ =	shalt  }
0x6d: {  	_ =	shalt  }
0x6e: {  	_ =	shalt  }
0x6f: {  	_ =	shalt  }
0x70: {  	_ =	shalt  }
0x71: {  	_ =	shalt  }
0x72: {  	_ =	shalt  }
0x73: {  	_ =	shalt  }
0x74: {  	_ =	shalt  }
0x75: {  	_ =	shalt  }
0x76: {  	_ =	shalt  }
0x77: {  	_ =	shalt  }
0x78: {  	_ =	shalt  }
0x79: {  	_ =	shalt  }
0x7a: {  	_ =	shalt  }
0x7b: {  	_ =	shalt  }
0x7c: {  	_ =	shalt  }
0x7d: {  	_ =	shalt  }
0x7e: {  	_ =	shalt  }
0x7f: {  	_ =	shalt  }
0x80: {  	_ =	shalt  }
0x81: {  	_ =	shalt  }
0x82: {  	_ =	shalt  }
0x83: {  	_ =	shalt  }
0x84: {  	_ =	shalt  }
0x85: {  	_ =	shalt  }
0x86: {  	_ =	shalt  }
0x87: {  	_ =	shalt  }
.Lfunc_end0:
.L_simem_size_0:
called_computation.1_lowered:
.L_overlay_start_0:
0x88: {  	s2 =	sld [smem:$0x3FD9]  }
0x89: {  	s3 =	sld [smem:$0x3FFE];
	_ =	sdelay $0x1  }
0x8a: {  	s1 =	srdreg.scid  }
0x8b: {  	s0 =	sand.u32 $0x1, s1  }
0x8c: {  	s17 =	sshll.u32 s0, $0xA;
	s2 =	sadd.s32 s3, s2  }
0x8d: {  	s2 =	sadd.s32 s2, s17  }
0x8e: {  	[smem:$0x3FC6] =	sst s2  }
0x8f: {  	_ = 	snop  }
0x90: {  	s2 =	sld [smem:$0x3FD0];
	(tm) =	ssettm $0x1  }
0x91: {  	s18 =	sld [smem:$0x3FFB];
	_ =	sdelay $0x3  }
0x92: {  	_ =	strace s18  }
0x93: {  	s3 =	sld [smem:$0x3FFC];
	_ =	sdelay $0x3  }
0x94: {  	_ =	strace s3  }
0x95: {  	s3 =	sld [smem:$0x3FFD];
	_ =	sdelay $0x3  }
0x96: {  	_ =	strace s3  }
0x97: {  	_ =	strace $0x8FFFFFFF  }
0x98: {  	s19 =	sld [smem:$0x3FDB];
	_ =	sdelay $0x1  }
0x99: {  	s4 =	simm.s32 $_scs_section_size  }
0x9a: {  	s5 =	simm.s32 $_size__tile_overlayer_lowered;
	s6 =	simm.s32 $_tile_overlayer_lowered  }
0x9b: {  	s22 =	simm.s32 $0x1BFF;
	s21 =	sshll.u32 s6, $0x1;
	s3 =	sadd.s32 s4, s19  }
0x9c: {  	s7 =	simm.s32 $0x0;
	s20 =	sshll.u32 s5, $0x1;
	s5 =	sadd.s32 s21, s3  }
0x9d: {  	[timem:s7], [sflag:s22] =	dma.local [hbm:s5], s20  }
0x9e: {  	_ =	swait.ge [sflag:s22], s20  }
0x9f: {  	s4 =	ssub.s32 $0x0, s20;
	[sflag:s22] =	ssyncset.done $0x0  }
0xa0: {  	[sflag:s22] =	ssyncadd.s32 s4;
	_ =	sdelay $0x1  }
0xa1: {  	s23 =	simm.s32 $0x1B8B  }
0xa2: {  	_ =	swait.ge [sflag:s23], $0x1  }
0xa3: {  	[sflag:s23] =	ssyncset.done $0x0  }
0xa4: {  	s25 =	simm.s32 $0x1B8E;
	s24 =	sld [smem:$0x3FFE];
	[sflag:s23] =	ssyncadd.s32 $0xFFFFFFFF  }
0xa5: {  	s26 =	simm.s32 $execute0_lowered;
	[smem:$0x3FD2] =	sst s25  }
0xa6: {  	s5 =	sshll.u32 s26, $0x1;
	_ =	strace $0x80000046;
	[dreg:$0x1] =	wrdreg $0xFFFFFFFF  }
0xa7: {  	s28 =	simm.s32 $_size_execute0_lowered;
	s3 =	sadd.s32 s3, s5;
	[dreg:$0x0] =	wrdreg $0x0  }
0xa8: {  	s5 =	sshll.u32 s28, $0x1;
	[dreg:$0x2] =	wrdreg s3  }
0xa9: {  	[dreg:$0x3] =	wrdreg s5  }
0xaa: {  	[dreg:$0x4] =	wrdreg $0xC0  }
0xab: {  	_ =	task [dreg:s7], $0x5FFFF  }
0xac: {  	[dreg:$0x1] =	wrdreg $0xFFFFFFFF  }
0xad: {  	[dreg:$0x0] =	wrdreg $0x60  }
0xae: {  	[dreg:$0x2] =	wrdreg s2  }
0xaf: {  	[dreg:$0x3] =	wrdreg s24  }
0xb0: {  	[dreg:$0x4] =	wrdreg $0x9  }
0xb1: {  	_ =	task.clear_ibuf [dreg:s7], $0x5FFFF;
	_ =	strace $0x90000046  }
0xb2: {  	s29 =	simm.s32 $0x9;
	_ =	strace $0x80000048  }
0xb3: {  	_ =	swait.ge [sflag:s29], $0x1  }
0xb4: {  	[sflag:s29] =	ssyncadd.s32 $0xFFFFFFFF  }
0xb5: {  	_ =	strace $0x90000048  }
0xb6: {  	_ =	sfence  }
0xb7: {  	s30 =	sld [smem:$0x0];
	_ =	sdelay $0x2  }
0xb8: {  	s31 =	sshll.u32 s1, $0xD;
	s1 =	sshrl.u32 s1, $0x2  }
0xb9: {  	s3 =	sand.u32 $0x4000, s31;
	s1 =	sadd.s32 s1, s30  }
0xba: {  	s0 =	sor.u32 s3, s0;
	s1 =	sshll.u32 s1, $0x11  }
0xbb: {  	s0 =	sor.u32 s1, s0  }
0xbc: {  	s0 =	sadd.s32 $0x8F2B, s0  }
0xbd: {  	[sflag:s0] =	ssyncadd.remote.s32 $0x1  }
0xbe: {  	_ =	sfence.sel $0xFFFF  }
0xbf: {  	[dreg:$0x0] =	wrdreg $0xFFFFFFFF;
	(pc) =	sbr.abs _section_cstart, $3  }
0xc0: {  	[dreg:$0x1] =	wrdreg $0xFFFFFFFF  }
0xc1: {  	_ =	task.clear_ibuf [dreg:s7], $0x2FFFF;
	_ =	strace $0x9FFFFFFF  }
0xc2: {  	(tm) =	ssettm $0x7FFFFFFF  }
0xc3: {  	_ =	shalt  }
tec
execute0_lowered:
.L_overlay_start_1:
0x0: {  	(tag) =	ssettag $0x1  }
0x1: {  	s0 =	rddreg [dreg:$0x0]  }
0x2: {  	s1 =	rddreg [dreg:$0x1]  }
0x3: {  	s2 =	simm.s32 $0x0;
	s3 =	srdreg.scid;
	s6 =	stileid.u32  }
0x4: {  	[smem:$0x7FF] =	sst s2;
	s4 =	sand.u32 $0x1, s3;
	s18 =	sshll.u32 s6, $0x1  }
0x5: {  	s6 =	sshrl.u32 s6, $0x2;
	s3 =	sadd.s32 $0x1800, s1;
	s8 =	sadd.s32 $0xA00, s1  }
0x6: {  	_ =	strace $0x80000047;
	s5 =	sor.u32 s4, s18;
	s7 =	smul.u32 $0xC800, s6  }
0x7: {  	[dreg:$0x3] =	wrdreg s8;
	s21 =	ssub.s32 $0x2, s4;
	s19 =	sshll.u32 s5, $0x7  }
0x8: {  	s5 =	smul.u32 $0x32, s5;
	s23 =	sshrl.u32 s21, $0x1;
	s20 =	sand.u32 $0x380, s19  }
0x9: {  	s6 =	sadd.s32 $0xF43C00, s1;
	s1 =	ssub.s32 s21, s23;
	s22 =	sor.u32 s7, s20  }
0xa: {  	s9 =	sadd.s32 $0x30, s5;
	s25 =	sor.u32 $0x1, s5;
	s26 =	sadd.s32 $0x31, s5  }
0xb: {  	s31 =	smax.u32 s1, $0x1;
	s4 =	sshrl.u32 s22, $0x3;
	[dreg:$0x5] =	wrdreg s25  }
0xc: {  	s28 =	sshll.u32 s9, $0xB;
	[dreg:$0xa] =	wrdreg s31;
	s0 =	sadd.s32 s0, s4  }
0xd: {  	s24 =	sshll.u32 s9, $0x4;
	s4 =	sadd.s32 s6, s28;
	[dreg:$0x4] =	wrdreg s0  }
0xe: {  	s29 =	sshll.u32 s26, $0x4;
	s0 =	sand.u32 $0xFF80, s24;
	[dreg:$0x7] =	wrdreg s4  }
0xf: {  	s30 =	sand.u32 $0xFF80, s29;
	[dreg:$0x6] =	wrdreg s0;
	s0 =	sshll.u32 s26, $0xB  }
0x10: {  	[dreg:$0x8] =	wrdreg s30;
	s0 =	sadd.s32 s6, s0  }
0x11: {  	s20 =	simm.s32 $0x2;
	s4 =	simm.s32 $0x0;
	[dreg:$0x9] =	wrdreg s0  }
.LBB2_1:
0x12: {  	[dreg:$0xb] =	wrdreg s4  }
0x13: {  	s0 =	rddreg [dreg:$0x4]  }
0x14: {  	s1 =	simm.s32 $0x80;
	s28 =	simm.s32 $0x400;
	s29 =	simm.s32 $0x7  }
0x15: {  	[tilespmem:s2], [sflag:$0x7] =	stream.strided.gather [hbm4b:s0+s1], $0x1900, s28, s1, $0x38;
	[tilespmem:$0x13D00] =	vst v63  }
0x16: {  	_ =	swait.ge [sflag:s29], $0x1900  }
0x17: {  	[sflag:s29] =	ssyncset.done $0x0  }
0x18: {  	s31 =	simm.s32 $0xD900;
	s30 =	rddreg [dreg:$0x3];
	[sflag:s29] =	ssyncadd.s32 $0xFFFFE700  }
0x19: {  	[tilespmem:s31], [sflag:$0x7] =	stream.linear.gather [hbm4b:s30+s2], $0x6400, $0x38;
	[tilespmem:$0x13D00] =	vst v63  }
0x1a: {  	_ =	swait.ge [sflag:s29], $0x6400  }
0x1b: {  	[sflag:s29] =	ssyncset.done $0x0  }
0x1c: {  	[sflag:s29] =	ssyncadd.s32 $0xFFFF9C00  }
0x1d: {  	v0 =	vld [tilespmem:s2+$0x0];
	_ =	sdelay $0x4  }
0x1e: {  	v0 =	vshll.u32 v0, $0x4  }
0x1f: {  	(v2sf) =	vpush v0, $0x0  }
0x20: {  	(v2sf) =	vpush v0, $0x1  }
0x21: {  	(v2sf) =	vpush v0, $0x2;
	_ =	sdelay $0x1  }
0x22: {  	(v2sf) =	vpush v0, $0x4;
	_ =	sdelay $0x1  }
0x23: {  	(v2sf) =	vpush v0, $0x3  }
0x24: {  	(v2sf) =	vpush v0, $0x5  }
0x25: {  	s14 =	simm.s32 $0x0;
	s1 =	simm.s32 $0x2000;
	s0 =	simm.s32 $0x0;
	(v2sf) =	vpush v0, $0x6  }
.LBB2_2:
0x26: {  	p0 =	sne.s32 s1, $0xE000  }
0x27: {  	s16 =	sadd.s32 $0x1980, s0;
	s17 =	sadd.s32 $0x1E80, s0;
	s4 =	smov.u32 s1  }
0x28: {  	s1 =	sadd.s32 $0x2000, s1;
	s13 =	sadd.s32 $0x1C80, s0;
	s7 =	sadd.s32 $0x1F00, s0;
	(v2sf) =	vpush v0, $0x7  }
0x29: {  	s11 =	sadd.s32 $0x1B80, s0;
	s10 =	sadd.s32 $0x1D00, s0;
	s15 =	sadd.s32 $0x1F80, s0  }
0x2a: {  	s26 =	sadd.s32 $0x1900, s0;
	s28 =	sadd.s32 $0x1B00, s0;
	(v2sf) =	vpush v0, $0x8  }
0x2b: {  	s29 =	simm.s32 $0x0;
	s30 =	sadd.s32 $0x1C00, s0;
	s14 =	sadd.s32 $0x10, s14  }
0x2c: {  	s31 =	sadd.s32 $0x1A00, s0;
	s12 =	sadd.s32 $0x1E00, s0;
	s9 =	spop (v2sf);
	(v2sf) =	vpush v0, $0x9  }
0x2d: {  	s23 =	sand.u32 $0x1FFFFFF0, s9;
	s9 =	sadd.s32 $0x1D80, s0;
	s19 =	spop (v2sf)  }
0x2e: {  	s23 =	sadd.s32 s3, s23;
	s19 =	sand.u32 $0x1FFFFFF0, s19;
	s21 =	spop (v2sf);
	(v2sf) =	vpush v0, $0xA  }
0x2f: {  	[tilespmem:s26], [sflag:$0x1] =	stream.linear.gather [hbm4b:s23+s29], $0x80, $0x38;
	[tilespmem:$0x13D00] =	vst v63  }
0x30: {  	s19 =	sadd.s32 s3, s19;
	s23 =	sadd.s32 $0x1A80, s0;
	s26 =	spop (v2sf);
	(v2sf) =	vpush v0, $0xB  }
0x31: {  	[tilespmem:s16], [sflag:$0x1] =	stream.linear.gather [hbm4b:s19+s29], $0x80, $0x38;
	[tilespmem:$0x13D00] =	vst v63  }
0x32: {  	s16 =	sand.u32 $0x1FFFFFF0, s21;
	s19 =	sand.u32 $0x1FFFFFF0, s26;
	s21 =	spop (v2sf);
	(v2sf) =	vpush v0, $0xC  }
0x33: {  	s16 =	sadd.s32 s3, s16;
	s21 =	sand.u32 $0x1FFFFFF0, s21;
	s26 =	spop (v2sf)  }
0x34: {  	[tilespmem:s31], [sflag:$0x1] =	stream.linear.gather [hbm4b:s16+s29], $0x80, $0x38;
	(v2sf) =	vpush v0, $0xD;
	[tilespmem:$0x13D00] =	vst v63  }
0x35: {  	s16 =	sadd.s32 s3, s21;
	s21 =	sand.u32 $0x1FFFFFF0, s26;
	s26 =	spop (v2sf)  }
0x36: {  	[tilespmem:s23], [sflag:$0x1] =	stream.linear.gather [hbm4b:s16+s29], $0x80, $0x38;
	(v2sf) =	vpush v0, $0xE;
	[tilespmem:$0x13D00] =	vst v63  }
0x37: {  	s16 =	sadd.s32 s3, s19;
	s19 =	sand.u32 $0x1FFFFFF0, s26;
	s23 =	spop (v2sf)  }
0x38: {  	[tilespmem:s28], [sflag:$0x1] =	stream.linear.gather [hbm4b:s16+s29], $0x80, $0x38;
	(v2sf) =	vpush v0, $0xF;
	[tilespmem:$0x13D00] =	vst v63  }
0x39: {  	s16 =	sadd.s32 s3, s21;
	s21 =	sand.u32 $0x1FFFFFF0, s23;
	s23 =	spop (v2sf)  }
0x3a: {  	[tilespmem:s11], [sflag:$0x1] =	stream.linear.gather [hbm4b:s16+s29], $0x80, $0x38;
	[tilespmem:$0x13D00] =	vst v63  }
0x3b: {  	s11 =	sadd.s32 s3, s19;
	s16 =	sand.u32 $0x1FFFFFF0, s23;
	s19 =	spop (v2sf)  }
0x3c: {  	[tilespmem:s30], [sflag:$0x1] =	stream.linear.gather [hbm4b:s11+s29], $0x80, $0x38;
	[tilespmem:$0x13D00] =	vst v63  }
0x3d: {  	s11 =	sadd.s32 s3, s21;
	s19 =	sand.u32 $0x1FFFFFF0, s19;
	s21 =	spop (v2sf)  }
0x3e: {  	[tilespmem:s13], [sflag:$0x1] =	stream.linear.gather [hbm4b:s11+s29], $0x80, $0x38;
	[tilespmem:$0x13D00] =	vst v63  }
0x3f: {  	s11 =	sadd.s32 s3, s16;
	s13 =	sand.u32 $0x1FFFFFF0, s21;
	s16 =	spop (v2sf)  }
0x40: {  	[tilespmem:s10], [sflag:$0x1] =	stream.linear.gather [hbm4b:s11+s29], $0x80, $0x38;
	[tilespmem:$0x13D00] =	vst v63  }
0x41: {  	s10 =	sadd.s32 s3, s19;
	s11 =	sand.u32 $0x1FFFFFF0, s16;
	s16 =	spop (v2sf)  }
0x42: {  	[tilespmem:s9], [sflag:$0x1] =	stream.linear.gather [hbm4b:s10+s29], $0x80, $0x38;
	[tilespmem:$0x13D00] =	vst v63  }
0x43: {  	s9 =	sadd.s32 s3, s13;
	s10 =	sand.u32 $0x1FFFFFF0, s16;
	s13 =	spop (v2sf)  }
0x44: {  	[tilespmem:s12], [sflag:$0x1] =	stream.linear.gather [hbm4b:s9+s29], $0x80, $0x38;
	[tilespmem:$0x13D00] =	vst v63  }
0x45: {  	s9 =	sadd.s32 s3, s11;
	s11 =	sand.u32 $0x1FFFFFF0, s13;
	s12 =	spop (v2sf)  }
0x46: {  	[tilespmem:s17], [sflag:$0x1] =	stream.linear.gather [hbm4b:s9+s29], $0x80, $0x38;
	[tilespmem:$0x13D00] =	vst v63  }
0x47: {  	s9 =	sadd.s32 s3, s10;
	s10 =	sand.u32 $0x1FFFFFF0, s12;
	s12 =	spop (v2sf)  }
0x48: {  	[tilespmem:s7], [sflag:$0x1] =	stream.linear.gather [hbm4b:s9+s29], $0x80, $0x38;
	[tilespmem:$0x13D00] =	vst v63  }
0x49: {  	s7 =	sadd.s32 s3, s11;
	s9 =	sand.u32 $0x1FFFFFF0, s12  }
0x4a: {  	[tilespmem:s15], [sflag:$0x1] =	stream.linear.gather [hbm4b:s7+s29], $0x80, $0x38;
	[tilespmem:$0x13D00] =	vst v63  }
0x4b: {  	s10 =	sadd.s32 s3, s10;
	s7 =	sadd.s32 $0x2000, s0  }
0x4c: {  	[tilespmem:s7], [sflag:$0x1] =	stream.linear.gather [hbm4b:s10+s29], $0x80, $0x38;
	[tilespmem:$0x13D00] =	vst v63  }
0x4d: {  	s0 =	sadd.s32 $0x2080, s0;
	s7 =	sadd.s32 s3, s9  }
0x4e: {  	[tilespmem:s0], [sflag:$0x1] =	stream.linear.gather [hbm4b:s7+s29], $0x80, $0x38;
	[tilespmem:$0x13D00] =	vst v63  }
0x4f: {  	v0 =	vld [tilespmem:s14+$0x0];
	_ =	sdelay $0x4  }
0x50: {  	v0 =	vshll.u32 v0, $0x4  }
0x51: {  	(v2sf) =	vpush v0, $0x0  }
0x52: {  	(v2sf) =	vpush v0, $0x1  }
0x53: {  	(v2sf) =	vpush v0, $0x2;
	_ =	sdelay $0x1  }
0x54: {  	(v2sf) =	vpush v0, $0x4  }
.Ltmp0:
0x55: {  	(pc) =	sbr.rel @p0 .LBB2_2-.Ltmp0, $3  }
0x56: {  	(v2sf) =	vpush v0, $0x3  }
0x57: {  	(v2sf) =	vpush v0, $0x5;
	_ =	sdelay $0x1  }
0x58: {  	s0 =	sshra.s32 s4, $0x2;
	(v2sf) =	vpush v0, $0x6  }
0x59: {  	_ =	sdelay $0x1  }
0x5a: {  	s9 =	sadd.s32 $0x1980, s0;
	s7 =	sadd.s32 $0x1E80, s0  }
0x5b: {  	s10 =	sadd.s32 $0x1C80, s0;
	s1 =	sadd.s32 $0x1F00, s0;
	(v2sf) =	vpush v0, $0x7;
	s11 =	sadd.s32 $0x1B80, s0  }
0x5c: {  	s12 =	sadd.s32 $0x1D00, s0;
	s4 =	sadd.s32 $0x1F80, s0;
	s13 =	sadd.s32 $0x1900, s0  }
0x5d: {  	s14 =	sadd.s32 $0x1B00, s0;
	s15 =	sadd.s32 $0x1C00, s0;
	(v2sf) =	vpush v0, $0x8;
	s16 =	spop (v2sf)  }
0x5e: {  	s17 =	sadd.s32 $0x1A00, s0;
	s16 =	sand.u32 $0x1FFFFFF0, s16;
	s19 =	spop (v2sf)  }
0x5f: {  	(v2sf) =	vpush v0, $0x9;
	s16 =	sadd.s32 s3, s16;
	s19 =	sand.u32 $0x1FFFFFF0, s19;
	s21 =	spop (v2sf)  }
0x60: {  	[tilespmem:s13], [sflag:$0x1] =	stream.linear.gather [hbm4b:s16+s29], $0x80, $0x38;
	[tilespmem:$0x13D00] =	vst v63  }
0x61: {  	s23 =	sadd.s32 $0x1A80, s0;
	(v2sf) =	vpush v0, $0xA;
	s26 =	sadd.s32 s3, s19;
	s28 =	spop (v2sf)  }
0x62: {  	[tilespmem:s9], [sflag:$0x1] =	stream.linear.gather [hbm4b:s26+s29], $0x80, $0x38;
	[tilespmem:$0x13D00] =	vst v63  }
0x63: {  	s13 =	sadd.s32 $0x1E00, s0;
	s30 =	sand.u32 $0x1FFFFFF0, s21;
	(v2sf) =	vpush v0, $0xB;
	s31 =	spop (v2sf)  }
0x64: {  	s16 =	sadd.s32 s3, s30;
	s9 =	sadd.s32 $0x1D80, s0;
	s21 =	sand.u32 $0x1FFFFFF0, s31  }
0x65: {  	(v2sf) =	vpush v0, $0xC;
	[tilespmem:s17], [sflag:$0x1] =	stream.linear.gather [hbm4b:s16+s29], $0x80, $0x38;
	[tilespmem:$0x13D00] =	vst v63  }
0x66: {  	s8 =	sand.u32 $0x1FFFFFF0, s28;
	s18 =	spop (v2sf);
	s22 =	sadd.s32 s3, s21  }
0x67: {  	(v2sf) =	vpush v0, $0xD;
	[tilespmem:s23], [sflag:$0x1] =	stream.linear.gather [hbm4b:s22+s29], $0x80, $0x38;
	[tilespmem:$0x13D00] =	vst v63  }
0x68: {  	s16 =	sadd.s32 s3, s8;
	s17 =	sand.u32 $0x1FFFFFF0, s18;
	s24 =	spop (v2sf)  }
0x69: {  	(v2sf) =	vpush v0, $0xE;
	[tilespmem:s14], [sflag:$0x1] =	stream.linear.gather [hbm4b:s16+s29], $0x80, $0x38;
	[tilespmem:$0x13D00] =	vst v63  }
0x6a: {  	s17 =	sadd.s32 s3, s17;
	s25 =	sand.u32 $0x1FFFFFF0, s24;
	s26 =	spop (v2sf)  }
0x6b: {  	(v2sf) =	vpush v0, $0xF;
	[tilespmem:s11], [sflag:$0x1] =	stream.linear.gather [hbm4b:s17+s29], $0x80, $0x38;
	[tilespmem:$0x13D00] =	vst v63  }
0x6c: {  	s28 =	sand.u32 $0x1FFFFFF0, s26;
	s30 =	spop (v2sf);
	s14 =	sadd.s32 s3, s25  }
0x6d: {  	[tilespmem:s15], [sflag:$0x1] =	stream.linear.gather [hbm4b:s14+s29], $0x80, $0x38;
	[tilespmem:$0x13D00] =	vst v63  }
0x6e: {  	s31 =	sand.u32 $0x1FFFFFF0, s30;
	s11 =	sadd.s32 s3, s28;
	s8 =	spop (v2sf)  }
0x6f: {  	[tilespmem:s10], [sflag:$0x1] =	stream.linear.gather [hbm4b:s11+s29], $0x80, $0x38;
	[tilespmem:$0x13D00] =	vst v63  }
0x70: {  	s14 =	sadd.s32 s3, s31;
	s15 =	sand.u32 $0x1FFFFFF0, s8;
	s16 =	spop (v2sf)  }
0x71: {  	[tilespmem:s12], [sflag:$0x1] =	stream.linear.gather [hbm4b:s14+s29], $0x80, $0x38;
	[tilespmem:$0x13D00] =	vst v63  }
0x72: {  	s11 =	sand.u32 $0x1FFFFFF0, s16;
	s10 =	sadd.s32 s3, s15;
	s17 =	spop (v2sf)  }
0x73: {  	[tilespmem:s9], [sflag:$0x1] =	stream.linear.gather [hbm4b:s10+s29], $0x80, $0x38;
	[tilespmem:$0x13D00] =	vst v63  }
0x74: {  	s11 =	sadd.s32 s3, s11;
	s18 =	sand.u32 $0x1FFFFFF0, s17;
	s19 =	spop (v2sf)  }
0x75: {  	[tilespmem:s13], [sflag:$0x1] =	stream.linear.gather [hbm4b:s11+s29], $0x80, $0x38;
	[tilespmem:$0x13D00] =	vst v63  }
0x76: {  	s9 =	sadd.s32 s3, s18;
	s10 =	sand.u32 $0x1FFFFFF0, s19;
	s21 =	spop (v2sf)  }
0x77: {  	[tilespmem:s7], [sflag:$0x1] =	stream.linear.gather [hbm4b:s9+s29], $0x80, $0x38;
	[tilespmem:$0x13D00] =	vst v63  }
0x78: {  	s22 =	sand.u32 $0x1FFFFFF0, s21;
	s10 =	sadd.s32 s3, s10;
	s23 =	spop (v2sf)  }
0x79: {  	[tilespmem:s1], [sflag:$0x1] =	stream.linear.gather [hbm4b:s10+s29], $0x80, $0x38;
	[tilespmem:$0x13D00] =	vst v63  }
0x7a: {  	s24 =	sand.u32 $0x1FFFFFF0, s23;
	s25 =	spop (v2sf);
	s7 =	sadd.s32 s3, s22  }
0x7b: {  	[tilespmem:s4], [sflag:$0x1] =	stream.linear.gather [hbm4b:s7+s29], $0x80, $0x38;
	[tilespmem:$0x13D00] =	vst v63  }
0x7c: {  	s28 =	sadd.s32 $0x2000, s0;
	s26 =	sand.u32 $0x1FFFFFF0, s25;
	s1 =	sadd.s32 s3, s24  }
0x7d: {  	[tilespmem:s28], [sflag:$0x1] =	stream.linear.gather [hbm4b:s1+s29], $0x80, $0x38;
	[tilespmem:$0x13D00] =	vst v63  }
0x7e: {  	s30 =	sadd.s32 $0x2080, s0;
	s31 =	sadd.s32 s3, s26;
	s1 =	simm.s32 $0x80  }
0x7f: {  	[tilespmem:s30], [sflag:$0x1] =	stream.linear.gather [hbm4b:s31+s29], $0x80, $0x38;
	[tilespmem:$0x13D00] =	vst v63  }
0x80: {  	v0 =	vld [tilespmem:s1+$0x0];
	_ =	sdelay $0x4  }
0x81: {  	v0 =	vshll.u32 v0, $0x4  }
0x82: {  	(v2sf) =	vpush v0, $0x0  }
0x83: {  	(v2sf) =	vpush v0, $0x1  }
0x84: {  	(v2sf) =	vpush v0, $0x2;
	_ =	sdelay $0x1  }
0x85: {  	(v2sf) =	vpush v0, $0x4;
	_ =	sdelay $0x1  }
0x86: {  	(v2sf) =	vpush v0, $0x3  }
0x87: {  	(v2sf) =	vpush v0, $0x5  }
0x88: {  	s0 =	simm.s32 $0x0;
	s14 =	simm.s32 $0x2000;
	(v2sf) =	vpush v0, $0x6  }
.LBB2_4:
0x89: {  	p0 =	sne.s32 s14, $0xE000  }
0x8a: {  	s17 =	sadd.s32 $0x5980, s0;
	s10 =	sadd.s32 $0x5E80, s0;
	s4 =	smov.u32 s14  }
0x8b: {  	s14 =	sadd.s32 $0x2000, s14;
	s16 =	sadd.s32 $0x5C80, s0;
	s7 =	sadd.s32 $0x5F00, s0;
	(v2sf) =	vpush v0, $0x7  }
0x8c: {  	s11 =	sadd.s32 $0x5B80, s0;
	s13 =	sadd.s32 $0x5D00, s0;
	s15 =	sadd.s32 $0x5F80, s0  }
0x8d: {  	s19 =	sadd.s32 $0x5900, s0;
	s21 =	sadd.s32 $0x5B00, s0;
	(v2sf) =	vpush v0, $0x8  }
0x8e: {  	s23 =	sadd.s32 $0x5C00, s0;
	s1 =	sadd.s32 $0x10, s1  }
0x8f: {  	s26 =	sadd.s32 $0x5A00, s0;
	s12 =	sadd.s32 $0x5E00, s0;
	s9 =	spop (v2sf);
	(v2sf) =	vpush v0, $0x9  }
0x90: {  	s28 =	sand.u32 $0x1FFFFFF0, s9;
	s9 =	sadd.s32 $0x5D80, s0;
	s30 =	spop (v2sf)  }
0x91: {  	s28 =	sadd.s32 s3, s28;
	s30 =	sand.u32 $0x1FFFFFF0, s30;
	s31 =	spop (v2sf);
	(v2sf) =	vpush v0, $0xA  }
0x92: {  	[tilespmem:s19], [sflag:$0x2] =	stream.linear.gather [hbm4b:s28+s29], $0x80, $0x38;
	[tilespmem:$0x13D00] =	vst v63  }
0x93: {  	s19 =	sadd.s32 s3, s30;
	s28 =	sadd.s32 $0x5A80, s0;
	s30 =	spop (v2sf);
	(v2sf) =	vpush v0, $0xB  }
0x94: {  	[tilespmem:s17], [sflag:$0x2] =	stream.linear.gather [hbm4b:s19+s29], $0x80, $0x38;
	[tilespmem:$0x13D00] =	vst v63  }
0x95: {  	s17 =	sand.u32 $0x1FFFFFF0, s31;
	s19 =	sand.u32 $0x1FFFFFF0, s30;
	s30 =	spop (v2sf);
	(v2sf) =	vpush v0, $0xC  }
0x96: {  	s17 =	sadd.s32 s3, s17;
	s30 =	sand.u32 $0x1FFFFFF0, s30;
	s31 =	spop (v2sf)  }
0x97: {  	[tilespmem:s26], [sflag:$0x2] =	stream.linear.gather [hbm4b:s17+s29], $0x80, $0x38;
	(v2sf) =	vpush v0, $0xD;
	[tilespmem:$0x13D00] =	vst v63  }
0x98: {  	s17 =	sadd.s32 s3, s30;
	s26 =	sand.u32 $0x1FFFFFF0, s31;
	s30 =	spop (v2sf)  }
0x99: {  	[tilespmem:s28], [sflag:$0x2] =	stream.linear.gather [hbm4b:s17+s29], $0x80, $0x38;
	(v2sf) =	vpush v0, $0xE;
	[tilespmem:$0x13D00] =	vst v63  }
0x9a: {  	s17 =	sadd.s32 s3, s19;
	s19 =	sand.u32 $0x1FFFFFF0, s30;
	s28 =	spop (v2sf)  }
0x9b: {  	[tilespmem:s21], [sflag:$0x2] =	stream.linear.gather [hbm4b:s17+s29], $0x80, $0x38;
	(v2sf) =	vpush v0, $0xF;
	[tilespmem:$0x13D00] =	vst v63  }
0x9c: {  	s17 =	sadd.s32 s3, s26;
	s21 =	sand.u32 $0x1FFFFFF0, s28;
	s26 =	spop (v2sf)  }
0x9d: {  	[tilespmem:s11], [sflag:$0x2] =	stream.linear.gather [hbm4b:s17+s29], $0x80, $0x38;
	[tilespmem:$0x13D00] =	vst v63  }
0x9e: {  	s11 =	sadd.s32 s3, s19;
	s17 =	sand.u32 $0x1FFFFFF0, s26;
	s19 =	spop (v2sf)  }
0x9f: {  	[tilespmem:s23], [sflag:$0x2] =	stream.linear.gather [hbm4b:s11+s29], $0x80, $0x38;
	[tilespmem:$0x13D00] =	vst v63  }
0xa0: {  	s11 =	sadd.s32 s3, s21;
	s19 =	sand.u32 $0x1FFFFFF0, s19;
	s21 =	spop (v2sf)  }
0xa1: {  	[tilespmem:s16], [sflag:$0x2] =	stream.linear.gather [hbm4b:s11+s29], $0x80, $0x38;
	[tilespmem:$0x13D00] =	vst v63  }
0xa2: {  	s11 =	sadd.s32 s3, s17;
	s16 =	sand.u32 $0x1FFFFFF0, s21;
	s17 =	spop (v2sf)  }
0xa3: {  	[tilespmem:s13], [sflag:$0x2] =	stream.linear.gather [hbm4b:s11+s29], $0x80, $0x38;
	[tilespmem:$0x13D00] =	vst v63  }
0xa4: {  	s11 =	sadd.s32 s3, s19;
	s13 =	sand.u32 $0x1FFFFFF0, s17;
	s17 =	spop (v2sf)  }
0xa5: {  	[tilespmem:s9], [sflag:$0x2] =	stream.linear.gather [hbm4b:s11+s29], $0x80, $0x38;
	[tilespmem:$0x13D00] =	vst v63  }
0xa6: {  	s9 =	sadd.s32 s3, s16;
	s11 =	sand.u32 $0x1FFFFFF0, s17;
	s16 =	spop (v2sf)  }
0xa7: {  	[tilespmem:s12], [sflag:$0x2] =	stream.linear.gather [hbm4b:s9+s29], $0x80, $0x38;
	[tilespmem:$0x13D00] =	vst v63  }
0xa8: {  	s9 =	sadd.s32 s3, s13;
	s12 =	sand.u32 $0x1FFFFFF0, s16;
	s13 =	spop (v2sf)  }
0xa9: {  	[tilespmem:s10], [sflag:$0x2] =	stream.linear.gather [hbm4b:s9+s29], $0x80, $0x38;
	[tilespmem:$0x13D00] =	vst v63  }
0xaa: {  	s9 =	sadd.s32 s3, s11;
	s10 =	sand.u32 $0x1FFFFFF0, s13;
	s11 =	spop (v2sf)  }
0xab: {  	[tilespmem:s7], [sflag:$0x2] =	stream.linear.gather [hbm4b:s9+s29], $0x80, $0x38;
	[tilespmem:$0x13D00] =	vst v63  }
0xac: {  	s7 =	sadd.s32 s3, s12;
	s9 =	sand.u32 $0x1FFFFFF0, s11  }
0xad: {  	[tilespmem:s15], [sflag:$0x2] =	stream.linear.gather [hbm4b:s7+s29], $0x80, $0x38;
	[tilespmem:$0x13D00] =	vst v63  }
0xae: {  	s10 =	sadd.s32 s3, s10;
	s7 =	sadd.s32 $0x6000, s0  }
0xaf: {  	[tilespmem:s7], [sflag:$0x2] =	stream.linear.gather [hbm4b:s10+s29], $0x80, $0x38;
	[tilespmem:$0x13D00] =	vst v63  }
0xb0: {  	s0 =	sadd.s32 $0x6080, s0;
	s7 =	sadd.s32 s3, s9  }
0xb1: {  	[tilespmem:s0], [sflag:$0x2] =	stream.linear.gather [hbm4b:s7+s29], $0x80, $0x38;
	[tilespmem:$0x13D00] =	vst v63  }
0xb2: {  	v0 =	vld [tilespmem:s1+$0x0];
	_ =	sdelay $0x4  }
0xb3: {  	v0 =	vshll.u32 v0, $0x4  }
0xb4: {  	(v2sf) =	vpush v0, $0x0  }
0xb5: {  	(v2sf) =	vpush v0, $0x1  }
0xb6: {  	(v2sf) =	vpush v0, $0x2;
	_ =	sdelay $0x1  }
0xb7: {  	(v2sf) =	vpush v0, $0x4  }
.Ltmp1:
0xb8: {  	(pc) =	sbr.rel @p0 .LBB2_4-.Ltmp1, $3  }
0xb9: {  	(v2sf) =	vpush v0, $0x3  }
0xba: {  	(v2sf) =	vpush v0, $0x5;
	_ =	sdelay $0x1  }
0xbb: {  	s0 =	sshra.s32 s4, $0x2;
	(v2sf) =	vpush v0, $0x6  }
0xbc: {  	_ =	sdelay $0x1  }
0xbd: {  	s9 =	sadd.s32 $0x5980, s0;
	(v2sf) =	vpush v0, $0x7  }
0xbe: {  	s7 =	sadd.s32 $0x5E80, s0;
	s10 =	sadd.s32 $0x5C80, s0;
	s1 =	sadd.s32 $0x5F00, s0  }
0xbf: {  	s11 =	sadd.s32 $0x5B80, s0;
	s12 =	sadd.s32 $0x5D00, s0;
	s4 =	sadd.s32 $0x5F80, s0;
	(v2sf) =	vpush v0, $0x8  }
0xc0: {  	s13 =	sadd.s32 $0x5900, s0;
	s14 =	sadd.s32 $0x5B00, s0;
	s16 =	spop (v2sf)  }
0xc1: {  	s15 =	sadd.s32 $0x5C00, s0;
	s16 =	sand.u32 $0x1FFFFFF0, s16;
	s19 =	spop (v2sf)  }
0xc2: {  	s16 =	sadd.s32 s3, s16;
	s19 =	sand.u32 $0x1FFFFFF0, s19;
	s21 =	spop (v2sf)  }
0xc3: {  	(v2sf) =	vpush v0, $0x9;
	[tilespmem:s13], [sflag:$0x2] =	stream.linear.gather [hbm4b:s16+s29], $0x80, $0x38;
	[tilespmem:$0x13D00] =	vst v63  }
0xc4: {  	s17 =	sadd.s32 $0x5A00, s0;
	s25 =	sadd.s32 s3, s19;
	s26 =	spop (v2sf)  }
0xc5: {  	(v2sf) =	vpush v0, $0xA;
	[tilespmem:s9], [sflag:$0x2] =	stream.linear.gather [hbm4b:s25+s29], $0x80, $0x38;
	[tilespmem:$0x13D00] =	vst v63  }
0xc6: {  	s23 =	sadd.s32 $0x5A80, s0;
	s28 =	sand.u32 $0x1FFFFFF0, s21;
	s30 =	spop (v2sf)  }
0xc7: {  	s31 =	simm.s32 $0x180;
	(v2sf) =	vpush v0, $0xB;
	s16 =	sadd.s32 s3, s28;
	s21 =	sand.u32 $0x1FFFFFF0, s30  }
0xc8: {  	[tilespmem:s17], [sflag:$0x2] =	stream.linear.gather [hbm4b:s16+s29], $0x80, $0x38;
	[tilespmem:$0x13D00] =	vst v63  }
0xc9: {  	s13 =	sadd.s32 $0x5E00, s0;
	(v2sf) =	vpush v0, $0xC;
	s18 =	spop (v2sf);
	s21 =	sadd.s32 s3, s21  }
0xca: {  	[tilespmem:s23], [sflag:$0x2] =	stream.linear.gather [hbm4b:s21+s29], $0x80, $0x38;
	[tilespmem:$0x13D00] =	vst v63  }
0xcb: {  	s9 =	sadd.s32 $0x5D80, s0;
	s8 =	sand.u32 $0x1FFFFFF0, s26;
	(v2sf) =	vpush v0, $0xD;
	s22 =	spop (v2sf)  }
0xcc: {  	s16 =	sadd.s32 s3, s8;
	s17 =	sand.u32 $0x1FFFFFF0, s18;
	s24 =	spop (v2sf)  }
0xcd: {  	(v2sf) =	vpush v0, $0xE;
	[tilespmem:s14], [sflag:$0x2] =	stream.linear.gather [hbm4b:s16+s29], $0x80, $0x38;
	[tilespmem:$0x13D00] =	vst v63  }
0xce: {  	s17 =	sadd.s32 s3, s17;
	s23 =	sand.u32 $0x1FFFFFF0, s22;
	s26 =	spop (v2sf)  }
0xcf: {  	(v2sf) =	vpush v0, $0xF;
	[tilespmem:s11], [sflag:$0x2] =	stream.linear.gather [hbm4b:s17+s29], $0x80, $0x38;
	[tilespmem:$0x13D00] =	vst v63  }
0xd0: {  	s25 =	sand.u32 $0x1FFFFFF0, s24;
	s14 =	sadd.s32 s3, s23;
	s28 =	sand.u32 $0x1FFFFFF0, s26  }
0xd1: {  	[tilespmem:s15], [sflag:$0x2] =	stream.linear.gather [hbm4b:s14+s29], $0x80, $0x38;
	[tilespmem:$0x13D00] =	vst v63  }
0xd2: {  	s26 =	sadd.s32 $0x6000, s0;
	s11 =	sadd.s32 s3, s25;
	s30 =	spop (v2sf)  }
0xd3: {  	[tilespmem:s10], [sflag:$0x2] =	stream.linear.gather [hbm4b:s11+s29], $0x80, $0x38;
	[tilespmem:$0x13D00] =	vst v63  }
0xd4: {  	s14 =	sadd.s32 s3, s28;
	s8 =	sand.u32 $0x1FFFFFF0, s30;
	s15 =	spop (v2sf)  }
0xd5: {  	[tilespmem:s12], [sflag:$0x2] =	stream.linear.gather [hbm4b:s14+s29], $0x80, $0x38;
	[tilespmem:$0x13D00] =	vst v63  }
0xd6: {  	s11 =	sand.u32 $0x1FFFFFF0, s15;
	s10 =	sadd.s32 s3, s8;
	s16 =	spop (v2sf)  }
0xd7: {  	[tilespmem:s9], [sflag:$0x2] =	stream.linear.gather [hbm4b:s10+s29], $0x80, $0x38;
	[tilespmem:$0x13D00] =	vst v63  }
0xd8: {  	s11 =	sadd.s32 s3, s11;
	s17 =	sand.u32 $0x1FFFFFF0, s16;
	s18 =	spop (v2sf)  }
0xd9: {  	[tilespmem:s13], [sflag:$0x2] =	stream.linear.gather [hbm4b:s11+s29], $0x80, $0x38;
	[tilespmem:$0x13D00] =	vst v63  }
0xda: {  	s9 =	sadd.s32 s3, s17;
	s10 =	sand.u32 $0x1FFFFFF0, s18;
	s19 =	spop (v2sf)  }
0xdb: {  	[tilespmem:s7], [sflag:$0x2] =	stream.linear.gather [hbm4b:s9+s29], $0x80, $0x38;
	[tilespmem:$0x13D00] =	vst v63  }
0xdc: {  	s21 =	sand.u32 $0x1FFFFFF0, s19;
	s10 =	sadd.s32 s3, s10;
	s22 =	spop (v2sf)  }
0xdd: {  	[tilespmem:s1], [sflag:$0x2] =	stream.linear.gather [hbm4b:s10+s29], $0x80, $0x38;
	[tilespmem:$0x13D00] =	vst v63  }
0xde: {  	s23 =	sand.u32 $0x1FFFFFF0, s22;
	s24 =	spop (v2sf);
	s7 =	sadd.s32 s3, s21  }
0xdf: {  	[tilespmem:s4], [sflag:$0x2] =	stream.linear.gather [hbm4b:s7+s29], $0x80, $0x38;
	[tilespmem:$0x13D00] =	vst v63  }
0xe0: {  	s28 =	sadd.s32 $0x6080, s0;
	s25 =	sand.u32 $0x1FFFFFF0, s24;
	s1 =	sadd.s32 s3, s23  }
0xe1: {  	[tilespmem:s26], [sflag:$0x2] =	stream.linear.gather [hbm4b:s1+s29], $0x80, $0x38;
	[tilespmem:$0x13D00] =	vst v63  }
0xe2: {  	s0 =	simm.s32 $0x200;
	s30 =	sadd.s32 s3, s25;
	s4 =	simm.s32 $0x100  }
0xe3: {  	[tilespmem:s28], [sflag:$0x2] =	stream.linear.gather [hbm4b:s30+s29], $0x80, $0x38;
	[tilespmem:$0x13D00] =	vst v63  }
.LBB2_6:
0xe4: {  	p0 =	seq.s32 s29, $0x0  }
0xe5: {  	s1 =	simm.s32 @!p0 $0x6  }
0xe6: {  	_ =	swait.ge @!p0 [sflag:s1], $0x4000  }
0xe7: {  	[sflag:s1] =	ssyncset.done @!p0 $0x0  }
0xe8: {  	[sflag:s1] =	ssyncadd.s32 @!p0 $0xFFFFC000  }
0xe9: {  	v0 =	vld [tilespmem:s4+$0x0];
	_ =	sdelay $0x4  }
0xea: {  	v0 =	vshll.u32 v0, $0x4  }
0xeb: {  	(v2sf) =	vpush v0, $0x0  }
0xec: {  	(v2sf) =	vpush v0, $0x1  }
0xed: {  	(v2sf) =	vpush v0, $0x2;
	_ =	sdelay $0x1  }
0xee: {  	(v2sf) =	vpush v0, $0x4;
	_ =	sdelay $0x1  }
0xef: {  	s14 =	smul.u32 $0x3, s29;
	(v2sf) =	vpush v0, $0x3  }
0xf0: {  	s17 =	simm.s32 $0x2000;
	(v2sf) =	vpush v0, $0x5  }
0xf1: {  	s15 =	simm.s32 $0x0;
	s30 =	smov.u32 s4;
	s1 =	sadd.s32 $0x2, s14;
	(v2sf) =	vpush v0, $0x6  }
.LBB2_7:
0xf2: {  	p0 =	sne.s32 s17, $0xE000  }
0xf3: {  	s19 =	sadd.s32 $0x9980, s15;
	s13 =	sadd.s32 $0x9E80, s15;
	s7 =	smov.u32 s17  }
0xf4: {  	s17 =	sadd.s32 $0x2000, s17;
	s9 =	sadd.s32 $0x9C80, s15;
	s10 =	sadd.s32 $0x9F00, s15;
	(v2sf) =	vpush v0, $0x7  }
0xf5: {  	s28 =	sadd.s32 $0x9B80, s15;
	s16 =	sadd.s32 $0x9D00, s15;
	s12 =	sadd.s32 $0x9F80, s15  }
0xf6: {  	s21 =	sadd.s32 $0x9900, s15;
	s23 =	sadd.s32 $0x9B00, s15;
	(v2sf) =	vpush v0, $0x8  }
0xf7: {  	s24 =	sadd.s32 $0x9C00, s15;
	s30 =	sadd.s32 $0x10, s30  }
0xf8: {  	s25 =	sadd.s32 $0x9A00, s15;
	s26 =	sadd.s32 $0x9E00, s15;
	s11 =	spop (v2sf);
	(v2sf) =	vpush v0, $0x9  }
0xf9: {  	s8 =	sand.u32 $0x1FFFFFF0, s11;
	s11 =	sadd.s32 $0x9D80, s15;
	s22 =	spop (v2sf)  }
0xfa: {  	s8 =	sadd.s32 s3, s8;
	s22 =	sand.u32 $0x1FFFFFF0, s22;
	s18 =	spop (v2sf);
	(v2sf) =	vpush v0, $0xA  }
0xfb: {  	[tilespmem:s21], [sflag:$0x3] =	stream.linear.gather [hbm4b:s8+s2], $0x80, $0x38;
	[tilespmem:$0x13D00] =	vst v63  }
0xfc: {  	s8 =	sadd.s32 s3, s22;
	s21 =	sadd.s32 $0x9A80, s15;
	s22 =	spop (v2sf);
	(v2sf) =	vpush v0, $0xB  }
0xfd: {  	[tilespmem:s19], [sflag:$0x3] =	stream.linear.gather [hbm4b:s8+s2], $0x80, $0x38;
	[tilespmem:$0x13D00] =	vst v63  }
0xfe: {  	s8 =	sand.u32 $0x1FFFFFF0, s18;
	s18 =	sand.u32 $0x1FFFFFF0, s22;
	s19 =	spop (v2sf);
	(v2sf) =	vpush v0, $0xC  }
0xff: {  	s8 =	sadd.s32 s3, s8;
	s19 =	sand.u32 $0x1FFFFFF0, s19;
	s22 =	spop (v2sf)  }
0x100: {  	[tilespmem:s25], [sflag:$0x3] =	stream.linear.gather [hbm4b:s8+s2], $0x80, $0x38;
	(v2sf) =	vpush v0, $0xD;
	[tilespmem:$0x13D00] =	vst v63  }
0x101: {  	s8 =	sadd.s32 s3, s19;
	s19 =	sand.u32 $0x1FFFFFF0, s22;
	s22 =	spop (v2sf)  }
0x102: {  	[tilespmem:s21], [sflag:$0x3] =	stream.linear.gather [hbm4b:s8+s2], $0x80, $0x38;
	(v2sf) =	vpush v0, $0xE;
	[tilespmem:$0x13D00] =	vst v63  }
0x103: {  	s8 =	sadd.s32 s3, s18;
	s18 =	sand.u32 $0x1FFFFFF0, s22;
	s21 =	spop (v2sf)  }
0x104: {  	[tilespmem:s23], [sflag:$0x3] =	stream.linear.gather [hbm4b:s8+s2], $0x80, $0x38;
	(v2sf) =	vpush v0, $0xF;
	[tilespmem:$0x13D00] =	vst v63  }
0x105: {  	s8 =	sadd.s32 s3, s19;
	s19 =	sand.u32 $0x1FFFFFF0, s21;
	s21 =	spop (v2sf)  }
0x106: {  	[tilespmem:s28], [sflag:$0x3] =	stream.linear.gather [hbm4b:s8+s2], $0x80, $0x38;
	[tilespmem:$0x13D00] =	vst v63  }
0x107: {  	s8 =	sadd.s32 s3, s18;
	s18 =	sand.u32 $0x1FFFFFF0, s21;
	s21 =	spop (v2sf)  }
0x108: {  	[tilespmem:s24], [sflag:$0x3] =	stream.linear.gather [hbm4b:s8+s2], $0x80, $0x38;
	[tilespmem:$0x13D00] =	vst v63  }
0x109: {  	s8 =	sadd.s32 s3, s19;
	s19 =	sand.u32 $0x1FFFFFF0, s21;
	s21 =	spop (v2sf)  }
0x10a: {  	[tilespmem:s9], [sflag:$0x3] =	stream.linear.gather [hbm4b:s8+s2], $0x80, $0x38;
	[tilespmem:$0x13D00] =	vst v63  }
0x10b: {  	s8 =	sadd.s32 s3, s18;
	s9 =	sand.u32 $0x1FFFFFF0, s21;
	s18 =	spop (v2sf)  }
0x10c: {  	[tilespmem:s16], [sflag:$0x3] =	stream.linear.gather [hbm4b:s8+s2], $0x80, $0x38;
	[tilespmem:$0x13D00] =	vst v63  }
0x10d: {  	s8 =	sadd.s32 s3, s19;
	s16 =	sand.u32 $0x1FFFFFF0, s18;
	s18 =	spop (v2sf)  }
0x10e: {  	[tilespmem:s11], [sflag:$0x3] =	stream.linear.gather [hbm4b:s8+s2], $0x80, $0x38;
	[tilespmem:$0x13D00] =	vst v63  }
0x10f: {  	s8 =	sadd.s32 s3, s9;
	s9 =	sand.u32 $0x1FFFFFF0, s18;
	s11 =	spop (v2sf)  }
0x110: {  	[tilespmem:s26], [sflag:$0x3] =	stream.linear.gather [hbm4b:s8+s2], $0x80, $0x38;
	[tilespmem:$0x13D00] =	vst v63  }
0x111: {  	s8 =	sadd.s32 s3, s16;
	s11 =	sand.u32 $0x1FFFFFF0, s11;
	s16 =	spop (v2sf)  }
0x112: {  	[tilespmem:s13], [sflag:$0x3] =	stream.linear.gather [hbm4b:s8+s2], $0x80, $0x38;
	[tilespmem:$0x13D00] =	vst v63  }
0x113: {  	s8 =	sadd.s32 s3, s9;
	s9 =	sand.u32 $0x1FFFFFF0, s16;
	s13 =	spop (v2sf)  }
0x114: {  	[tilespmem:s10], [sflag:$0x3] =	stream.linear.gather [hbm4b:s8+s2], $0x80, $0x38;
	[tilespmem:$0x13D00] =	vst v63  }
0x115: {  	s8 =	sadd.s32 s3, s11;
	s10 =	sand.u32 $0x1FFFFFF0, s13  }
0x116: {  	[tilespmem:s12], [sflag:$0x3] =	stream.linear.gather [hbm4b:s8+s2], $0x80, $0x38;
	[tilespmem:$0x13D00] =	vst v63  }
0x117: {  	s9 =	sadd.s32 s3, s9;
	s8 =	sadd.s32 $0xA000, s15  }
0x118: {  	[tilespmem:s8], [sflag:$0x3] =	stream.linear.gather [hbm4b:s9+s2], $0x80, $0x38;
	[tilespmem:$0x13D00] =	vst v63  }
0x119: {  	s8 =	sadd.s32 $0xA080, s15;
	s9 =	sadd.s32 s3, s10  }
0x11a: {  	[tilespmem:s8], [sflag:$0x3] =	stream.linear.gather [hbm4b:s9+s2], $0x80, $0x38;
	[tilespmem:$0x13D00] =	vst v63  }
0x11b: {  	v0 =	vld [tilespmem:s30+$0x0];
	_ =	sdelay $0x4  }
0x11c: {  	v0 =	vshll.u32 v0, $0x4  }
0x11d: {  	(v2sf) =	vpush v0, $0x0  }
0x11e: {  	(v2sf) =	vpush v0, $0x1  }
0x11f: {  	(v2sf) =	vpush v0, $0x2;
	_ =	sdelay $0x1  }
0x120: {  	(v2sf) =	vpush v0, $0x4  }
.Ltmp2:
0x121: {  	(pc) =	sbr.rel @p0 .LBB2_7-.Ltmp2, $3  }
0x122: {  	(v2sf) =	vpush v0, $0x3  }
0x123: {  	(v2sf) =	vpush v0, $0x5;
	_ =	sdelay $0x1  }
0x124: {  	s15 =	sshra.s32 s7, $0x2;
	(v2sf) =	vpush v0, $0x6  }
0x125: {  	_ =	sdelay $0x1  }
0x126: {  	s8 =	sadd.s32 $0x9980, s15;
	s10 =	sadd.s32 $0x9E80, s15  }
0x127: {  	s11 =	sadd.s32 $0x9C80, s15;
	s7 =	sadd.s32 $0x9F00, s15;
	(v2sf) =	vpush v0, $0x7;
	s12 =	sadd.s32 $0x9B80, s15  }
0x128: {  	s13 =	sadd.s32 $0x9D00, s15;
	s9 =	sadd.s32 $0x9F80, s15;
	s16 =	sadd.s32 $0x9900, s15  }
0x129: {  	s17 =	sadd.s32 $0x9B00, s15;
	s18 =	sadd.s32 $0x9C00, s15;
	(v2sf) =	vpush v0, $0x8;
	s19 =	spop (v2sf)  }
0x12a: {  	s21 =	sadd.s32 $0x9A00, s15;
	s19 =	sand.u32 $0x1FFFFFF0, s19;
	s22 =	spop (v2sf)  }
0x12b: {  	(v2sf) =	vpush v0, $0x9;
	s19 =	sadd.s32 s3, s19;
	s22 =	sand.u32 $0x1FFFFFF0, s22;
	s23 =	spop (v2sf)  }
0x12c: {  	[tilespmem:s16], [sflag:$0x3] =	stream.linear.gather [hbm4b:s19+s2], $0x80, $0x38;
	[tilespmem:$0x13D00] =	vst v63  }
0x12d: {  	s24 =	sadd.s32 $0x9A80, s15;
	(v2sf) =	vpush v0, $0xA;
	s28 =	sadd.s32 s3, s22;
	s30 =	spop (v2sf)  }
0x12e: {  	[tilespmem:s8], [sflag:$0x3] =	stream.linear.gather [hbm4b:s28+s2], $0x80, $0x38;
	[tilespmem:$0x13D00] =	vst v63  }
0x12f: {  	s16 =	sadd.s32 $0x9E00, s15;
	s25 =	sand.u32 $0x1FFFFFF0, s23;
	(v2sf) =	vpush v0, $0xB;
	s26 =	spop (v2sf)  }
0x130: {  	s19 =	sadd.s32 s3, s25;
	s8 =	sadd.s32 $0x9D80, s15;
	s23 =	sand.u32 $0x1FFFFFF0, s26  }
0x131: {  	(v2sf) =	vpush v0, $0xC;
	[tilespmem:s21], [sflag:$0x3] =	stream.linear.gather [hbm4b:s19+s2], $0x80, $0x38;
	[tilespmem:$0x13D00] =	vst v63  }
0x132: {  	s28 =	sand.u32 $0x1FFFFFF0, s30;
	s30 =	spop (v2sf);
	s25 =	sadd.s32 s3, s23  }
0x133: {  	(v2sf) =	vpush v0, $0xD;
	[tilespmem:s24], [sflag:$0x3] =	stream.linear.gather [hbm4b:s25+s2], $0x80, $0x38;
	[tilespmem:$0x13D00] =	vst v63  }
0x134: {  	s19 =	sadd.s32 s3, s28;
	s21 =	sand.u32 $0x1FFFFFF0, s30;
	s26 =	spop (v2sf)  }
0x135: {  	(v2sf) =	vpush v0, $0xE;
	[tilespmem:s17], [sflag:$0x3] =	stream.linear.gather [hbm4b:s19+s2], $0x80, $0x38;
	[tilespmem:$0x13D00] =	vst v63  }
0x136: {  	s21 =	sadd.s32 s3, s21;
	s28 =	sand.u32 $0x1FFFFFF0, s26;
	s30 =	spop (v2sf)  }
0x137: {  	(v2sf) =	vpush v0, $0xF;
	[tilespmem:s12], [sflag:$0x3] =	stream.linear.gather [hbm4b:s21+s2], $0x80, $0x38;
	[tilespmem:$0x13D00] =	vst v63  }
0x138: {  	s22 =	sand.u32 $0x1FFFFFF0, s30;
	s23 =	spop (v2sf);
	s17 =	sadd.s32 s3, s28  }
0x139: {  	[tilespmem:s18], [sflag:$0x3] =	stream.linear.gather [hbm4b:s17+s2], $0x80, $0x38;
	[tilespmem:$0x13D00] =	vst v63  }
0x13a: {  	s24 =	sand.u32 $0x1FFFFFF0, s23;
	s12 =	sadd.s32 s3, s22;
	s25 =	spop (v2sf)  }
0x13b: {  	[tilespmem:s11], [sflag:$0x3] =	stream.linear.gather [hbm4b:s12+s2], $0x80, $0x38;
	[tilespmem:$0x13D00] =	vst v63  }
0x13c: {  	s17 =	sadd.s32 s3, s24;
	s26 =	sand.u32 $0x1FFFFFF0, s25;
	s28 =	spop (v2sf)  }
0x13d: {  	[tilespmem:s13], [sflag:$0x3] =	stream.linear.gather [hbm4b:s17+s2], $0x80, $0x38;
	[tilespmem:$0x13D00] =	vst v63  }
0x13e: {  	s12 =	sand.u32 $0x1FFFFFF0, s28;
	s11 =	sadd.s32 s3, s26;
	s30 =	spop (v2sf)  }
0x13f: {  	[tilespmem:s8], [sflag:$0x3] =	stream.linear.gather [hbm4b:s11+s2], $0x80, $0x38;
	[tilespmem:$0x13D00] =	vst v63  }
0x140: {  	s12 =	sadd.s32 s3, s12;
	s13 =	sand.u32 $0x1FFFFFF0, s30;
	s17 =	spop (v2sf)  }
0x141: {  	[tilespmem:s16], [sflag:$0x3] =	stream.linear.gather [hbm4b:s12+s2], $0x80, $0x38;
	[tilespmem:$0x13D00] =	vst v63  }
0x142: {  	s8 =	sadd.s32 s3, s13;
	s11 =	sand.u32 $0x1FFFFFF0, s17;
	s18 =	spop (v2sf)  }
0x143: {  	[tilespmem:s10], [sflag:$0x3] =	stream.linear.gather [hbm4b:s8+s2], $0x80, $0x38;
	[tilespmem:$0x13D00] =	vst v63  }
0x144: {  	s19 =	sand.u32 $0x1FFFFFF0, s18;
	s11 =	sadd.s32 s3, s11;
	s21 =	spop (v2sf)  }
0x145: {  	[tilespmem:s7], [sflag:$0x3] =	stream.linear.gather [hbm4b:s11+s2], $0x80, $0x38;
	[tilespmem:$0x13D00] =	vst v63  }
0x146: {  	s22 =	sand.u32 $0x1FFFFFF0, s21;
	s23 =	spop (v2sf);
	s8 =	sadd.s32 s3, s19  }
0x147: {  	[tilespmem:s9], [sflag:$0x3] =	stream.linear.gather [hbm4b:s8+s2], $0x80, $0x38;
	[tilespmem:$0x13D00] =	vst v63  }
0x148: {  	s25 =	sadd.s32 $0xA000, s15;
	s24 =	sand.u32 $0x1FFFFFF0, s23;
	s7 =	sadd.s32 s3, s22  }
0x149: {  	[tilespmem:s25], [sflag:$0x3] =	stream.linear.gather [hbm4b:s7+s2], $0x80, $0x38;
	[tilespmem:$0x13D00] =	vst v63  }
0x14a: {  	s26 =	sadd.s32 $0xA080, s15;
	s28 =	simm.s32 $0x1;
	s8 =	sadd.s32 s3, s24  }
0x14b: {  	[tilespmem:s26], [sflag:$0x3] =	stream.linear.gather [hbm4b:s8+s2], $0x80, $0x38;
	[tilespmem:$0x13D00] =	vst v63  }
0x14c: {  	s15 =	sadd.s32 s5, s14;
	_ =	swait.ge [sflag:s28], $0x4000  }
0x14d: {  	s30 =	sshll.u32 s15, $0x4;
	[sflag:s28] =	ssyncset.done $0x0  }
0x14e: {  	s7 =	sand.u32 $0x7FFFFF80, s30;
	[sflag:s28] =	ssyncadd.s32 $0xFFFFC000  }
0x14f: {  	v2 =	vld [tilespmem:s7+$0xD900]  }
0x150: {  	v6 =	vld [tilespmem:s7+$0xD910]  }
0x151: {  	v4 =	vld [tilespmem:s7+$0xD920]  }
0x152: {  	v1 =	vld [tilespmem:s7+$0xD930]  }
0x153: {  	v3 =	vld [tilespmem:s7+$0xD940]  }
0x154: {  	v5 =	vld [tilespmem:s7+$0xD950]  }
0x155: {  	v0 =	vld [tilespmem:s7+$0xD970];
	s7 =	simm.s32 $0x0  }
0x156: {  	v8 =	vld [tilespmem:s7+$0x1930]  }
0x157: {  	v11 =	vld [tilespmem:s7+$0x19C0]  }
0x158: {  	v12 =	vld [tilespmem:s7+$0x19A0]  }
0x159: {  	v7 =	vld [tilespmem:s7+$0x1910]  }
0x15a: {  	v13 =	vld [tilespmem:s7+$0x1920]  }
0x15b: {  	v14 =	vld [tilespmem:s7+$0x1990]  }
0x15c: {  	v16 =	vld [tilespmem:s7+$0x1900]  }
0x15d: {  	v17 =	vld [tilespmem:s7+$0x1940]  }
0x15e: {  	v10 =	vadd.f32 v7, v6  }
0x15f: {  	v9 =	vld [tilespmem:s7+$0x1950];
	v8 =	vadd.f32 v8, v1  }
0x160: {  	v7 =	vld [tilespmem:s7+$0x19B0];
	v13 =	vadd.f32 v13, v4;
	v18 =	vadd.f32 v11, v3;
	[tilespmem:s7+$0x1910] =	vst v10  }
0x161: {  	v15 =	vadd.f32 v14, v6;
	v14 =	vadd.f32 v12, v4;
	v10 =	vld [tilespmem:s7+$0x19D0];
	[tilespmem:s7+$0x1930] =	vst v8  }
0x162: {  	s10 =	simm.s32 $0x800;
	s9 =	simm.s32 $0x400;
	v12 =	vld [tilespmem:s7+$0x1980];
	v11 =	vadd.f32 v16, v2;
	v8 =	vadd.f32 v17, v3;
	[tilespmem:s7+$0x19C0] =	vst v18  }
.LBB2_9:
0x163: {  	p0 =	sne.s32 s10, $0xFC00  }
0x164: {  	s8 =	sshra.s32 s9, $0x2;
	[tilespmem:s7+$0x1990] =	vst v15;
	s9 =	smov.u32 s10;
	s10 =	sadd.s32 $0x400, s10  }
0x165: {  	v15 =	vld [tilespmem:s8+$0x1930];
	[tilespmem:s7+$0x1920] =	vst v13;
	v9 =	vadd.f32 v9, v5  }
0x166: {  	v16 =	vld [tilespmem:s8+$0x19C0];
	[tilespmem:s7+$0x19A0] =	vst v14;
	v10 =	vadd.f32 v10, v5  }
0x167: {  	v14 =	vld [tilespmem:s8+$0x19A0];
	[tilespmem:s7+$0x1950] =	vst v9  }
0x168: {  	v9 =	vld [tilespmem:s7+$0x1954];
	v12 =	vadd.f32 v12, v2;
	[tilespmem:s7+$0x19D0] =	vst v10  }
0x169: {  	[tilespmem:s7+$0x1900] =	vst v11;
	v10 =	vld [tilespmem:s7+$0x19D4]  }
0x16a: {  	v11 =	vld [tilespmem:s8+$0x1910];
	[tilespmem:s7+$0x1980] =	vst v12  }
0x16b: {  	v12 =	vld [tilespmem:s8+$0x1920];
	[tilespmem:s7+$0x1940] =	vst v8  }
0x16c: {  	v7 =	vadd.f32 v7, v1;
	v8 =	vld [tilespmem:s8+$0x1990]  }
0x16d: {  	v17 =	vld [tilespmem:s8+$0x1900];
	v9 =	vadd.f32 v9, v0  }
0x16e: {  	v18 =	vld [tilespmem:s8+$0x1940];
	[tilespmem:s7+$0x19B0] =	vst v7;
	v10 =	vadd.f32 v10, v0  }
.Ltmp3:
0x16f: {  	v19 =	vadd.f32 v15, v1;
	v11 =	vadd.f32 v11, v6;
	v7 =	vld [tilespmem:s8+$0x19B0];
	[tilespmem:s7+$0x1954] =	vst v9;
	(pc) =	sbr.rel @p0 .LBB2_9-.Ltmp3, $4  }
0x170: {  	v13 =	vadd.f32 v12, v4;
	v9 =	vld [tilespmem:s8+$0x1950];
	[tilespmem:s7+$0x19D4] =	vst v10;
	s7 =	smov.u32 s8  }
0x171: {  	v16 =	vadd.f32 v16, v3;
	[tilespmem:s7+$0x1910] =	vst v11;
	v15 =	vadd.f32 v8, v6;
	v10 =	vld [tilespmem:s7+$0x19D0]  }
0x172: {  	v14 =	vadd.f32 v14, v4;
	[tilespmem:s7+$0x1930] =	vst v19  }
0x173: {  	v11 =	vadd.f32 v17, v2;
	v8 =	vadd.f32 v18, v3;
	v12 =	vld [tilespmem:s7+$0x1980];
	[tilespmem:s7+$0x19C0] =	vst v16  }
0x174: {  	s8 =	sshra.s32 s9, $0x2;
	[tilespmem:s7+$0x1990] =	vst v15  }
0x175: {  	v15 =	vld [tilespmem:s8+$0x1930];
	[tilespmem:s7+$0x1920] =	vst v13;
	v9 =	vadd.f32 v9, v5  }
0x176: {  	v13 =	vld [tilespmem:s8+$0x19C0];
	[tilespmem:s7+$0x19A0] =	vst v14;
	v10 =	vadd.f32 v10, v5  }
0x177: {  	v14 =	vld [tilespmem:s8+$0x19A0];
	[tilespmem:s7+$0x1950] =	vst v9  }
0x178: {  	v9 =	vld [tilespmem:s7+$0x1954];
	[tilespmem:s7+$0x19D0] =	vst v10;
	v46 =	vadd.f32 v12, v2  }
0x179: {  	[tilespmem:s7+$0x1900] =	vst v11;
	v47 =	vld [tilespmem:s7+$0x19D4]  }
0x17a: {  	v48 =	vld [tilespmem:s8+$0x1910];
	[tilespmem:s7+$0x1980] =	vst v46  }
0x17b: {  	v10 =	vld [tilespmem:s8+$0x1920];
	[tilespmem:s7+$0x1940] =	vst v8  }
0x17c: {  	v7 =	vadd.f32 v7, v1;
	v8 =	vld [tilespmem:s8+$0x1990]  }
0x17d: {  	v16 =	vld [tilespmem:s8+$0x1900];
	v9 =	vadd.f32 v9, v0  }
0x17e: {  	v17 =	vld [tilespmem:s8+$0x1940];
	[tilespmem:s7+$0x19B0] =	vst v7;
	v11 =	vadd.f32 v47, v0  }
0x17f: {  	v7 =	vld [tilespmem:s8+$0x19B0];
	[tilespmem:s7+$0x1954] =	vst v9  }
0x180: {  	v9 =	vld [tilespmem:s8+$0x1950];
	[tilespmem:s7+$0x19D4] =	vst v11  }
0x181: {  	v49 =	vadd.f32 v48, v6;
	v50 =	vld [tilespmem:s8+$0x19D0]  }
0x182: {  	v15 =	vadd.f32 v15, v1  }
0x183: {  	v51 =	vadd.f32 v13, v3;
	[tilespmem:s8+$0x1910] =	vst v49  }
0x184: {  	v56 =	vadd.f32 v14, v4;
	[tilespmem:s8+$0x1930] =	vst v15  }
0x185: {  	[tilespmem:s8+$0x19C0] =	vst v51;
	v9 =	vadd.f32 v9, v5  }
0x186: {  	[tilespmem:s8+$0x19A0] =	vst v56;
	v54 =	vadd.f32 v50, v5  }
0x187: {  	v55 =	vadd.f32 v10, v4;
	v53 =	vld [tilespmem:s8+$0x1980];
	[tilespmem:s8+$0x1950] =	vst v9  }
0x188: {  	v52 =	vadd.f32 v8, v6;
	v9 =	vld [tilespmem:s8+$0x1954];
	[tilespmem:s8+$0x19D0] =	vst v54  }
0x189: {  	v57 =	vadd.f32 v16, v2;
	[tilespmem:s8+$0x1920] =	vst v55;
	v58 =	vld [tilespmem:s8+$0x19D4]  }
0x18a: {  	v60 =	vadd.f32 v17, v3;
	[tilespmem:s8+$0x1990] =	vst v52  }
0x18b: {  	v61 =	vadd.f32 v7, v1;
	[tilespmem:s8+$0x1900] =	vst v57  }
0x18c: {  	p0 =	seq.s32 s29, $0xF;
	[tilespmem:s8+$0x1940] =	vst v60;
	v59 =	vadd.f32 v53, v2  }
.Ltmp4:
0x18d: {  	[tilespmem:s8+$0x19B0] =	vst v61;
	v62 =	vadd.f32 v9, v0;
	(pc) =	sbr.rel @p0 .LBB2_14-.Ltmp4, $4  }
0x18e: {  	[tilespmem:s8+$0x1980] =	vst v59;
	v63 =	vadd.f32 v58, v0  }
0x18f: {  	s28 =	sshll.u32 s15, $0xB;
	[tilespmem:s8+$0x1954] =	vst v62  }
0x190: {  	s30 =	simm.s32 $0x1900;
	s7 =	sadd.s32 s6, s28;
	[tilespmem:s8+$0x19D4] =	vst v63  }
0x191: {  	[hbm4b:s7+s2] =	stream.linear.scatter [tilespmem:s30], [sflag:$0x4], $0x4000, $0x38;
	[tilespmem:$0x13D00] =	vst v63  }
0x192: {  	s7 =	simm.s32 $0x4  }
0x193: {  	_ =	swait.ge [sflag:s7], $0x4000  }
0x194: {  	[sflag:s7] =	ssyncset.done $0x0  }
0x195: {  	[sflag:s7] =	ssyncadd.s32 $0xFFFFC000  }
0x196: {  	v0 =	vld [tilespmem:s31+$0x0];
	_ =	sdelay $0x4  }
0x197: {  	v0 =	vshll.u32 v0, $0x4  }
0x198: {  	(v2sf) =	vpush v0, $0x0  }
0x199: {  	(v2sf) =	vpush v0, $0x1  }
0x19a: {  	(v2sf) =	vpush v0, $0x2;
	_ =	sdelay $0x1  }
0x19b: {  	(v2sf) =	vpush v0, $0x4;
	_ =	sdelay $0x1  }
0x19c: {  	(v2sf) =	vpush v0, $0x3  }
0x19d: {  	(v2sf) =	vpush v0, $0x5  }
0x19e: {  	s17 =	simm.s32 $0x2000;
	s15 =	simm.s32 $0x0;
	s30 =	smov.u32 s31;
	(v2sf) =	vpush v0, $0x6  }
.LBB2_12:
0x19f: {  	p1 =	sne.s32 s17, $0xE000  }
0x1a0: {  	s8 =	sadd.s32 $0x1980, s15;
	s13 =	sadd.s32 $0x1E80, s15;
	s7 =	smov.u32 s17  }
0x1a1: {  	s17 =	sadd.s32 $0x2000, s17;
	s9 =	sadd.s32 $0x1C80, s15;
	s10 =	sadd.s32 $0x1F00, s15;
	(v2sf) =	vpush v0, $0x7  }
0x1a2: {  	s28 =	sadd.s32 $0x1B80, s15;
	s16 =	sadd.s32 $0x1D00, s15;
	s12 =	sadd.s32 $0x1F80, s15  }
0x1a3: {  	s18 =	sadd.s32 $0x1900, s15;
	s19 =	sadd.s32 $0x1B00, s15;
	(v2sf) =	vpush v0, $0x8  }
0x1a4: {  	s21 =	sadd.s32 $0x1C00, s15;
	s30 =	sadd.s32 $0x10, s30  }
0x1a5: {  	s22 =	sadd.s32 $0x1A00, s15;
	s26 =	sadd.s32 $0x1E00, s15;
	s11 =	spop (v2sf);
	(v2sf) =	vpush v0, $0x9  }
0x1a6: {  	s23 =	sand.u32 $0x1FFFFFF0, s11;
	s11 =	sadd.s32 $0x1D80, s15;
	s24 =	spop (v2sf)  }
0x1a7: {  	s23 =	sadd.s32 s3, s23;
	s24 =	sand.u32 $0x1FFFFFF0, s24;
	s25 =	spop (v2sf);
	(v2sf) =	vpush v0, $0xA  }
0x1a8: {  	[tilespmem:s18], [sflag:$0x1] =	stream.linear.gather [hbm4b:s23+s2], $0x80, $0x38;
	[tilespmem:$0x13D00] =	vst v63  }
0x1a9: {  	s18 =	sadd.s32 s3, s24;
	s23 =	sadd.s32 $0x1A80, s15;
	s24 =	spop (v2sf);
	(v2sf) =	vpush v0, $0xB  }
0x1aa: {  	[tilespmem:s8], [sflag:$0x1] =	stream.linear.gather [hbm4b:s18+s2], $0x80, $0x38;
	[tilespmem:$0x13D00] =	vst v63  }
0x1ab: {  	s8 =	sand.u32 $0x1FFFFFF0, s25;
	s18 =	sand.u32 $0x1FFFFFF0, s24;
	s24 =	spop (v2sf);
	(v2sf) =	vpush v0, $0xC  }
0x1ac: {  	s8 =	sadd.s32 s3, s8;
	s24 =	sand.u32 $0x1FFFFFF0, s24;
	s25 =	spop (v2sf)  }
0x1ad: {  	[tilespmem:s22], [sflag:$0x1] =	stream.linear.gather [hbm4b:s8+s2], $0x80, $0x38;
	(v2sf) =	vpush v0, $0xD;
	[tilespmem:$0x13D00] =	vst v63  }
0x1ae: {  	s8 =	sadd.s32 s3, s24;
	s22 =	sand.u32 $0x1FFFFFF0, s25;
	s24 =	spop (v2sf)  }
0x1af: {  	[tilespmem:s23], [sflag:$0x1] =	stream.linear.gather [hbm4b:s8+s2], $0x80, $0x38;
	(v2sf) =	vpush v0, $0xE;
	[tilespmem:$0x13D00] =	vst v63  }
0x1b0: {  	s8 =	sadd.s32 s3, s18;
	s18 =	sand.u32 $0x1FFFFFF0, s24;
	s23 =	spop (v2sf)  }
0x1b1: {  	[tilespmem:s19], [sflag:$0x1] =	stream.linear.gather [hbm4b:s8+s2], $0x80, $0x38;
	(v2sf) =	vpush v0, $0xF;
	[tilespmem:$0x13D00] =	vst v63  }
0x1b2: {  	s8 =	sadd.s32 s3, s22;
	s19 =	sand.u32 $0x1FFFFFF0, s23;
	s22 =	spop (v2sf)  }
0x1b3: {  	[tilespmem:s28], [sflag:$0x1] =	stream.linear.gather [hbm4b:s8+s2], $0x80, $0x38;
	[tilespmem:$0x13D00] =	vst v63  }
0x1b4: {  	s8 =	sadd.s32 s3, s18;
	s18 =	sand.u32 $0x1FFFFFF0, s22;
	s22 =	spop (v2sf)  }
0x1b5: {  	[tilespmem:s21], [sflag:$0x1] =	stream.linear.gather [hbm4b:s8+s2], $0x80, $0x38;
	[tilespmem:$0x13D00] =	vst v63  }
0x1b6: {  	s8 =	sadd.s32 s3, s19;
	s19 =	sand.u32 $0x1FFFFFF0, s22;
	s21 =	spop (v2sf)  }
0x1b7: {  	[tilespmem:s9], [sflag:$0x1] =	stream.linear.gather [hbm4b:s8+s2], $0x80, $0x38;
	[tilespmem:$0x13D00] =	vst v63  }
0x1b8: {  	s8 =	sadd.s32 s3, s18;
	s9 =	sand.u32 $0x1FFFFFF0, s21;
	s18 =	spop (v2sf)  }
0x1b9: {  	[tilespmem:s16], [sflag:$0x1] =	stream.linear.gather [hbm4b:s8+s2], $0x80, $0x38;
	[tilespmem:$0x13D00] =	vst v63  }
0x1ba: {  	s8 =	sadd.s32 s3, s19;
	s16 =	sand.u32 $0x1FFFFFF0, s18;
	s18 =	spop (v2sf)  }
0x1bb: {  	[tilespmem:s11], [sflag:$0x1] =	stream.linear.gather [hbm4b:s8+s2], $0x80, $0x38;
	[tilespmem:$0x13D00] =	vst v63  }
0x1bc: {  	s8 =	sadd.s32 s3, s9;
	s9 =	sand.u32 $0x1FFFFFF0, s18;
	s11 =	spop (v2sf)  }
0x1bd: {  	[tilespmem:s26], [sflag:$0x1] =	stream.linear.gather [hbm4b:s8+s2], $0x80, $0x38;
	[tilespmem:$0x13D00] =	vst v63  }
0x1be: {  	s8 =	sadd.s32 s3, s16;
	s11 =	sand.u32 $0x1FFFFFF0, s11;
	s16 =	spop (v2sf)  }
0x1bf: {  	[tilespmem:s13], [sflag:$0x1] =	stream.linear.gather [hbm4b:s8+s2], $0x80, $0x38;
	[tilespmem:$0x13D00] =	vst v63  }
0x1c0: {  	s8 =	sadd.s32 s3, s9;
	s9 =	sand.u32 $0x1FFFFFF0, s16;
	s13 =	spop (v2sf)  }
0x1c1: {  	[tilespmem:s10], [sflag:$0x1] =	stream.linear.gather [hbm4b:s8+s2], $0x80, $0x38;
	[tilespmem:$0x13D00] =	vst v63  }
0x1c2: {  	s8 =	sadd.s32 s3, s11;
	s10 =	sand.u32 $0x1FFFFFF0, s13  }
0x1c3: {  	[tilespmem:s12], [sflag:$0x1] =	stream.linear.gather [hbm4b:s8+s2], $0x80, $0x38;
	[tilespmem:$0x13D00] =	vst v63  }
0x1c4: {  	s9 =	sadd.s32 s3, s9;
	s8 =	sadd.s32 $0x2000, s15  }
0x1c5: {  	[tilespmem:s8], [sflag:$0x1] =	stream.linear.gather [hbm4b:s9+s2], $0x80, $0x38;
	[tilespmem:$0x13D00] =	vst v63  }
0x1c6: {  	s8 =	sadd.s32 $0x2080, s15;
	s9 =	sadd.s32 s3, s10  }
0x1c7: {  	[tilespmem:s8], [sflag:$0x1] =	stream.linear.gather [hbm4b:s9+s2], $0x80, $0x38;
	[tilespmem:$0x13D00] =	vst v63  }
0x1c8: {  	v0 =	vld [tilespmem:s30+$0x0];
	_ =	sdelay $0x4  }
0x1c9: {  	v0 =	vshll.u32 v0, $0x4  }
0x1ca: {  	(v2sf) =	vpush v0, $0x0  }
0x1cb: {  	(v2sf) =	vpush v0, $0x1  }
0x1cc: {  	(v2sf) =	vpush v0, $0x2;
	_ =	sdelay $0x1  }
0x1cd: {  	(v2sf) =	vpush v0, $0x4  }
.Ltmp5:
0x1ce: {  	(pc) =	sbr.rel @p1 .LBB2_12-.Ltmp5, $3  }
0x1cf: {  	(v2sf) =	vpush v0, $0x3  }
0x1d0: {  	(v2sf) =	vpush v0, $0x5;
	_ =	sdelay $0x1  }
0x1d1: {  	s15 =	sshra.s32 s7, $0x2;
	(v2sf) =	vpush v0, $0x6  }
0x1d2: {  	_ =	sdelay $0x1  }
0x1d3: {  	s8 =	sadd.s32 $0x1980, s15;
	s10 =	sadd.s32 $0x1E80, s15  }
0x1d4: {  	s11 =	sadd.s32 $0x1C80, s15;
	s7 =	sadd.s32 $0x1F00, s15;
	(v2sf) =	vpush v0, $0x7;
	s12 =	sadd.s32 $0x1B80, s15  }
0x1d5: {  	s13 =	sadd.s32 $0x1D00, s15;
	s9 =	sadd.s32 $0x1F80, s15;
	s16 =	sadd.s32 $0x1900, s15  }
0x1d6: {  	s17 =	sadd.s32 $0x1B00, s15;
	s18 =	sadd.s32 $0x1C00, s15;
	(v2sf) =	vpush v0, $0x8;
	s19 =	spop (v2sf)  }
0x1d7: {  	s21 =	sadd.s32 $0x1A00, s15;
	s19 =	sand.u32 $0x1FFFFFF0, s19;
	s22 =	spop (v2sf)  }
0x1d8: {  	(v2sf) =	vpush v0, $0x9;
	s19 =	sadd.s32 s3, s19;
	s22 =	sand.u32 $0x1FFFFFF0, s22;
	s23 =	spop (v2sf)  }
0x1d9: {  	[tilespmem:s16], [sflag:$0x1] =	stream.linear.gather [hbm4b:s19+s2], $0x80, $0x38;
	[tilespmem:$0x13D00] =	vst v63  }
0x1da: {  	(v2sf) =	vpush v0, $0xA;
	s24 =	sadd.s32 s3, s22;
	s26 =	sand.u32 $0x1FFFFFF0, s23;
	s25 =	spop (v2sf)  }
0x1db: {  	[tilespmem:s8], [sflag:$0x1] =	stream.linear.gather [hbm4b:s24+s2], $0x80, $0x38;
	[tilespmem:$0x13D00] =	vst v63  }
0x1dc: {  	s16 =	sadd.s32 $0x1E00, s15;
	(v2sf) =	vpush v0, $0xB;
	s19 =	sadd.s32 s3, s26;
	s28 =	spop (v2sf)  }
0x1dd: {  	s8 =	sadd.s32 $0x1D80, s15;
	s24 =	sadd.s32 $0x1A80, s15;
	s23 =	sand.u32 $0x1FFFFFF0, s28  }
0x1de: {  	(v2sf) =	vpush v0, $0xC;
	[tilespmem:s21], [sflag:$0x1] =	stream.linear.gather [hbm4b:s19+s2], $0x80, $0x38;
	[tilespmem:$0x13D00] =	vst v63  }
0x1df: {  	s30 =	sand.u32 $0x1FFFFFF0, s25;
	s25 =	spop (v2sf);
	s26 =	sadd.s32 s3, s23  }
0x1e0: {  	(v2sf) =	vpush v0, $0xD;
	[tilespmem:s24], [sflag:$0x1] =	stream.linear.gather [hbm4b:s26+s2], $0x80, $0x38;
	[tilespmem:$0x13D00] =	vst v63  }
0x1e1: {  	s19 =	sadd.s32 s3, s30;
	s21 =	sand.u32 $0x1FFFFFF0, s25;
	s28 =	spop (v2sf)  }
0x1e2: {  	(v2sf) =	vpush v0, $0xE;
	[tilespmem:s17], [sflag:$0x1] =	stream.linear.gather [hbm4b:s19+s2], $0x80, $0x38;
	[tilespmem:$0x13D00] =	vst v63  }
0x1e3: {  	s21 =	sadd.s32 s3, s21;
	s30 =	sand.u32 $0x1FFFFFF0, s28;
	s22 =	spop (v2sf)  }
0x1e4: {  	(v2sf) =	vpush v0, $0xF;
	[tilespmem:s12], [sflag:$0x1] =	stream.linear.gather [hbm4b:s21+s2], $0x80, $0x38;
	[tilespmem:$0x13D00] =	vst v63  }
0x1e5: {  	s23 =	sand.u32 $0x1FFFFFF0, s22;
	s24 =	spop (v2sf);
	s17 =	sadd.s32 s3, s30  }
0x1e6: {  	[tilespmem:s18], [sflag:$0x1] =	stream.linear.gather [hbm4b:s17+s2], $0x80, $0x38;
	[tilespmem:$0x13D00] =	vst v63  }
0x1e7: {  	s25 =	sand.u32 $0x1FFFFFF0, s24;
	s12 =	sadd.s32 s3, s23;
	s26 =	spop (v2sf)  }
0x1e8: {  	[tilespmem:s11], [sflag:$0x1] =	stream.linear.gather [hbm4b:s12+s2], $0x80, $0x38;
	[tilespmem:$0x13D00] =	vst v63  }
0x1e9: {  	s17 =	sadd.s32 s3, s25;
	s28 =	sand.u32 $0x1FFFFFF0, s26;
	s30 =	spop (v2sf)  }
0x1ea: {  	[tilespmem:s13], [sflag:$0x1] =	stream.linear.gather [hbm4b:s17+s2], $0x80, $0x38;
	[tilespmem:$0x13D00] =	vst v63  }
0x1eb: {  	s12 =	sand.u32 $0x1FFFFFF0, s30;
	s11 =	sadd.s32 s3, s28;
	s17 =	spop (v2sf)  }
0x1ec: {  	[tilespmem:s8], [sflag:$0x1] =	stream.linear.gather [hbm4b:s11+s2], $0x80, $0x38;
	[tilespmem:$0x13D00] =	vst v63  }
0x1ed: {  	s12 =	sadd.s32 s3, s12;
	s18 =	sand.u32 $0x1FFFFFF0, s17;
	s19 =	spop (v2sf)  }
0x1ee: {  	[tilespmem:s16], [sflag:$0x1] =	stream.linear.gather [hbm4b:s12+s2], $0x80, $0x38;
	[tilespmem:$0x13D00] =	vst v63  }
0x1ef: {  	s8 =	sadd.s32 s3, s18;
	s11 =	sand.u32 $0x1FFFFFF0, s19;
	s21 =	spop (v2sf)  }
0x1f0: {  	[tilespmem:s10], [sflag:$0x1] =	stream.linear.gather [hbm4b:s8+s2], $0x80, $0x38;
	[tilespmem:$0x13D00] =	vst v63  }
0x1f1: {  	s22 =	sand.u32 $0x1FFFFFF0, s21;
	s11 =	sadd.s32 s3, s11;
	s23 =	spop (v2sf)  }
0x1f2: {  	[tilespmem:s7], [sflag:$0x1] =	stream.linear.gather [hbm4b:s11+s2], $0x80, $0x38;
	[tilespmem:$0x13D00] =	vst v63  }
0x1f3: {  	s24 =	sand.u32 $0x1FFFFFF0, s23;
	s25 =	spop (v2sf);
	s8 =	sadd.s32 s3, s22  }
0x1f4: {  	[tilespmem:s9], [sflag:$0x1] =	stream.linear.gather [hbm4b:s8+s2], $0x80, $0x38;
	[tilespmem:$0x13D00] =	vst v63  }
0x1f5: {  	s28 =	sadd.s32 $0x2000, s15;
	s26 =	sand.u32 $0x1FFFFFF0, s25;
	s7 =	sadd.s32 s3, s24  }
0x1f6: {  	[tilespmem:s28], [sflag:$0x1] =	stream.linear.gather [hbm4b:s7+s2], $0x80, $0x38;
	[tilespmem:$0x13D00] =	vst v63  }
0x1f7: {  	s30 =	sadd.s32 $0x2080, s15;
	s8 =	sadd.s32 s3, s26  }
0x1f8: {  	[tilespmem:s30], [sflag:$0x1] =	stream.linear.gather [hbm4b:s8+s2], $0x80, $0x38;
	[tilespmem:$0x13D00] =	vst v63  }
.LBB2_14:
0x1f9: {  	_ =	swait.ge [sflag:s20], $0x4000  }
0x1fa: {  	s7 =	rddreg [dreg:$0x5]  }
0x1fb: {  	s14 =	sadd.s32 s14, s7  }
0x1fc: {  	[sflag:s20] =	ssyncset.done $0x0;
	s7 =	sshll.u32 s14, $0x4  }
0x1fd: {  	[sflag:s20] =	ssyncadd.s32 $0xFFFFC000;
	s7 =	sand.u32 $0x7FFFFF80, s7  }
0x1fe: {  	v2 =	vld [tilespmem:s7+$0xD900]  }
0x1ff: {  	v6 =	vld [tilespmem:s7+$0xD910]  }
0x200: {  	v4 =	vld [tilespmem:s7+$0xD920]  }
0x201: {  	v1 =	vld [tilespmem:s7+$0xD930]  }
0x202: {  	v3 =	vld [tilespmem:s7+$0xD940]  }
0x203: {  	v5 =	vld [tilespmem:s7+$0xD950]  }
0x204: {  	v0 =	vld [tilespmem:s7+$0xD970];
	s7 =	simm.s32 $0x0  }
0x205: {  	v8 =	vld [tilespmem:s7+$0x5930]  }
0x206: {  	v11 =	vld [tilespmem:s7+$0x59C0]  }
0x207: {  	v12 =	vld [tilespmem:s7+$0x59A0]  }
0x208: {  	v7 =	vld [tilespmem:s7+$0x5910]  }
0x209: {  	v13 =	vld [tilespmem:s7+$0x5920]  }
0x20a: {  	v14 =	vld [tilespmem:s7+$0x5990]  }
0x20b: {  	v16 =	vld [tilespmem:s7+$0x5900]  }
0x20c: {  	v17 =	vld [tilespmem:s7+$0x5940]  }
0x20d: {  	v10 =	vadd.f32 v7, v6  }
0x20e: {  	v9 =	vld [tilespmem:s7+$0x5950];
	v8 =	vadd.f32 v8, v1  }
0x20f: {  	v7 =	vld [tilespmem:s7+$0x59B0];
	v13 =	vadd.f32 v13, v4;
	v18 =	vadd.f32 v11, v3;
	[tilespmem:s7+$0x5910] =	vst v10  }
0x210: {  	v15 =	vadd.f32 v14, v6;
	v14 =	vadd.f32 v12, v4;
	v10 =	vld [tilespmem:s7+$0x59D0];
	[tilespmem:s7+$0x5930] =	vst v8  }
0x211: {  	s9 =	simm.s32 $0x400;
	s10 =	simm.s32 $0x800;
	v12 =	vld [tilespmem:s7+$0x5980];
	v11 =	vadd.f32 v16, v2;
	v8 =	vadd.f32 v17, v3;
	[tilespmem:s7+$0x59C0] =	vst v18  }
.LBB2_15:
0x212: {  	p1 =	sne.s32 s10, $0xFC00  }
0x213: {  	s8 =	sshra.s32 s9, $0x2;
	[tilespmem:s7+$0x5990] =	vst v15;
	s9 =	smov.u32 s10;
	s10 =	sadd.s32 $0x400, s10  }
0x214: {  	v15 =	vld [tilespmem:s8+$0x5930];
	[tilespmem:s7+$0x5920] =	vst v13;
	v9 =	vadd.f32 v9, v5  }
0x215: {  	v16 =	vld [tilespmem:s8+$0x59C0];
	[tilespmem:s7+$0x59A0] =	vst v14;
	v10 =	vadd.f32 v10, v5  }
0x216: {  	v14 =	vld [tilespmem:s8+$0x59A0];
	[tilespmem:s7+$0x5950] =	vst v9  }
0x217: {  	v9 =	vld [tilespmem:s7+$0x5954];
	v12 =	vadd.f32 v12, v2;
	[tilespmem:s7+$0x59D0] =	vst v10  }
0x218: {  	[tilespmem:s7+$0x5900] =	vst v11;
	v10 =	vld [tilespmem:s7+$0x59D4]  }
0x219: {  	v11 =	vld [tilespmem:s8+$0x5910];
	[tilespmem:s7+$0x5980] =	vst v12  }
0x21a: {  	v12 =	vld [tilespmem:s8+$0x5920];
	[tilespmem:s7+$0x5940] =	vst v8  }
0x21b: {  	v7 =	vadd.f32 v7, v1;
	v8 =	vld [tilespmem:s8+$0x5990]  }
0x21c: {  	v17 =	vld [tilespmem:s8+$0x5900];
	v9 =	vadd.f32 v9, v0  }
0x21d: {  	v18 =	vld [tilespmem:s8+$0x5940];
	[tilespmem:s7+$0x59B0] =	vst v7;
	v10 =	vadd.f32 v10, v0  }
.Ltmp6:
0x21e: {  	v19 =	vadd.f32 v15, v1;
	v11 =	vadd.f32 v11, v6;
	v7 =	vld [tilespmem:s8+$0x59B0];
	[tilespmem:s7+$0x5954] =	vst v9;
	(pc) =	sbr.rel @p1 .LBB2_15-.Ltmp6, $4  }
0x21f: {  	v13 =	vadd.f32 v12, v4;
	v9 =	vld [tilespmem:s8+$0x5950];
	[tilespmem:s7+$0x59D4] =	vst v10;
	s7 =	smov.u32 s8  }
0x220: {  	v16 =	vadd.f32 v16, v3;
	[tilespmem:s7+$0x5910] =	vst v11;
	v15 =	vadd.f32 v8, v6;
	v10 =	vld [tilespmem:s7+$0x59D0]  }
0x221: {  	v14 =	vadd.f32 v14, v4;
	[tilespmem:s7+$0x5930] =	vst v19  }
0x222: {  	v11 =	vadd.f32 v17, v2;
	v8 =	vadd.f32 v18, v3;
	v12 =	vld [tilespmem:s7+$0x5980];
	[tilespmem:s7+$0x59C0] =	vst v16  }
0x223: {  	s9 =	sshra.s32 s9, $0x2;
	[tilespmem:s7+$0x5990] =	vst v15  }
0x224: {  	v15 =	vld [tilespmem:s9+$0x5930];
	[tilespmem:s7+$0x5920] =	vst v13;
	v9 =	vadd.f32 v9, v5  }
0x225: {  	v13 =	vld [tilespmem:s9+$0x59C0];
	[tilespmem:s7+$0x59A0] =	vst v14;
	v10 =	vadd.f32 v10, v5  }
0x226: {  	v14 =	vld [tilespmem:s9+$0x59A0];
	[tilespmem:s7+$0x5950] =	vst v9  }
0x227: {  	v9 =	vld [tilespmem:s7+$0x5954];
	[tilespmem:s7+$0x59D0] =	vst v10;
	v46 =	vadd.f32 v12, v2  }
0x228: {  	[tilespmem:s7+$0x5900] =	vst v11;
	v47 =	vld [tilespmem:s7+$0x59D4]  }
0x229: {  	v48 =	vld [tilespmem:s9+$0x5910];
	[tilespmem:s7+$0x5980] =	vst v46  }
0x22a: {  	v10 =	vld [tilespmem:s9+$0x5920];
	[tilespmem:s7+$0x5940] =	vst v8  }
0x22b: {  	v7 =	vadd.f32 v7, v1;
	v8 =	vld [tilespmem:s9+$0x5990]  }
0x22c: {  	v16 =	vld [tilespmem:s9+$0x5900];
	v9 =	vadd.f32 v9, v0  }
0x22d: {  	v17 =	vld [tilespmem:s9+$0x5940];
	[tilespmem:s7+$0x59B0] =	vst v7;
	v11 =	vadd.f32 v47, v0  }
0x22e: {  	v7 =	vld [tilespmem:s9+$0x59B0];
	[tilespmem:s7+$0x5954] =	vst v9  }
0x22f: {  	v9 =	vld [tilespmem:s9+$0x5950];
	[tilespmem:s7+$0x59D4] =	vst v11  }
0x230: {  	v49 =	vadd.f32 v48, v6;
	v50 =	vld [tilespmem:s9+$0x59D0]  }
0x231: {  	v15 =	vadd.f32 v15, v1  }
0x232: {  	v51 =	vadd.f32 v13, v3;
	[tilespmem:s9+$0x5910] =	vst v49  }
0x233: {  	v56 =	vadd.f32 v14, v4;
	[tilespmem:s9+$0x5930] =	vst v15  }
0x234: {  	[tilespmem:s9+$0x59C0] =	vst v51;
	v9 =	vadd.f32 v9, v5  }
0x235: {  	[tilespmem:s9+$0x59A0] =	vst v56;
	v54 =	vadd.f32 v50, v5  }
0x236: {  	v55 =	vadd.f32 v10, v4;
	v53 =	vld [tilespmem:s9+$0x5980];
	[tilespmem:s9+$0x5950] =	vst v9  }
0x237: {  	v52 =	vadd.f32 v8, v6;
	v9 =	vld [tilespmem:s9+$0x5954];
	[tilespmem:s9+$0x59D0] =	vst v54  }
0x238: {  	v57 =	vadd.f32 v16, v2;
	[tilespmem:s9+$0x5920] =	vst v55;
	v58 =	vld [tilespmem:s9+$0x59D4]  }
0x239: {  	v60 =	vadd.f32 v17, v3;
	[tilespmem:s9+$0x5990] =	vst v52  }
0x23a: {  	v61 =	vadd.f32 v7, v1;
	[tilespmem:s9+$0x5900] =	vst v57  }
0x23b: {  	[tilespmem:s9+$0x5940] =	vst v60;
	v59 =	vadd.f32 v53, v2  }
.Ltmp7:
0x23c: {  	[tilespmem:s9+$0x59B0] =	vst v61;
	v62 =	vadd.f32 v9, v0;
	(pc) =	sbr.rel @p0 .LBB2_20-.Ltmp7, $4  }
0x23d: {  	s30 =	sshll.u32 s14, $0xB;
	[tilespmem:s9+$0x5980] =	vst v59;
	v63 =	vadd.f32 v58, v0  }
0x23e: {  	s7 =	sand.u32 $0x1FFFF800, s30;
	[tilespmem:s9+$0x5954] =	vst v62  }
0x23f: {  	s8 =	simm.s32 $0x5900;
	s7 =	sadd.s32 s6, s7;
	[tilespmem:s9+$0x59D4] =	vst v63  }
0x240: {  	[hbm4b:s7+s2] =	stream.linear.scatter [tilespmem:s8], [sflag:$0x5], $0x4000, $0x38;
	[tilespmem:$0x13D00] =	vst v63  }
0x241: {  	s7 =	simm.s32 $0x5  }
0x242: {  	_ =	swait.ge [sflag:s7], $0x4000  }
0x243: {  	[sflag:s7] =	ssyncset.done $0x0  }
0x244: {  	[sflag:s7] =	ssyncadd.s32 $0xFFFFC000  }
0x245: {  	v0 =	vld [tilespmem:s0+$0x0];
	_ =	sdelay $0x4  }
0x246: {  	v0 =	vshll.u32 v0, $0x4  }
0x247: {  	(v2sf) =	vpush v0, $0x0  }
0x248: {  	(v2sf) =	vpush v0, $0x1  }
0x249: {  	(v2sf) =	vpush v0, $0x2;
	_ =	sdelay $0x1  }
0x24a: {  	(v2sf) =	vpush v0, $0x4;
	_ =	sdelay $0x1  }
0x24b: {  	(v2sf) =	vpush v0, $0x3  }
0x24c: {  	(v2sf) =	vpush v0, $0x5  }
0x24d: {  	s15 =	simm.s32 $0x2000;
	s14 =	simm.s32 $0x0;
	s17 =	smov.u32 s0;
	(v2sf) =	vpush v0, $0x6  }
.LBB2_18:
0x24e: {  	p0 =	sne.s32 s15, $0xE000  }
0x24f: {  	s8 =	sadd.s32 $0x5980, s14;
	s13 =	sadd.s32 $0x5E80, s14;
	s7 =	smov.u32 s15  }
0x250: {  	s15 =	sadd.s32 $0x2000, s15;
	s9 =	sadd.s32 $0x5C80, s14;
	s10 =	sadd.s32 $0x5F00, s14;
	(v2sf) =	vpush v0, $0x7  }
0x251: {  	s28 =	sadd.s32 $0x5B80, s14;
	s16 =	sadd.s32 $0x5D00, s14;
	s12 =	sadd.s32 $0x5F80, s14  }
0x252: {  	s18 =	sadd.s32 $0x5900, s14;
	s19 =	sadd.s32 $0x5B00, s14;
	(v2sf) =	vpush v0, $0x8  }
0x253: {  	s21 =	sadd.s32 $0x5C00, s14;
	s17 =	sadd.s32 $0x10, s17  }
0x254: {  	s22 =	sadd.s32 $0x5A00, s14;
	s26 =	sadd.s32 $0x5E00, s14;
	s11 =	spop (v2sf);
	(v2sf) =	vpush v0, $0x9  }
0x255: {  	s23 =	sand.u32 $0x1FFFFFF0, s11;
	s11 =	sadd.s32 $0x5D80, s14;
	s24 =	spop (v2sf)  }
0x256: {  	s23 =	sadd.s32 s3, s23;
	s24 =	sand.u32 $0x1FFFFFF0, s24;
	s25 =	spop (v2sf);
	(v2sf) =	vpush v0, $0xA  }
0x257: {  	[tilespmem:s18], [sflag:$0x2] =	stream.linear.gather [hbm4b:s23+s2], $0x80, $0x38;
	[tilespmem:$0x13D00] =	vst v63  }
0x258: {  	s18 =	sadd.s32 s3, s24;
	s23 =	sadd.s32 $0x5A80, s14;
	s24 =	spop (v2sf);
	(v2sf) =	vpush v0, $0xB  }
0x259: {  	[tilespmem:s8], [sflag:$0x2] =	stream.linear.gather [hbm4b:s18+s2], $0x80, $0x38;
	[tilespmem:$0x13D00] =	vst v63  }
0x25a: {  	s8 =	sand.u32 $0x1FFFFFF0, s25;
	s18 =	sand.u32 $0x1FFFFFF0, s24;
	s24 =	spop (v2sf);
	(v2sf) =	vpush v0, $0xC  }
0x25b: {  	s8 =	sadd.s32 s3, s8;
	s24 =	sand.u32 $0x1FFFFFF0, s24;
	s25 =	spop (v2sf)  }
0x25c: {  	[tilespmem:s22], [sflag:$0x2] =	stream.linear.gather [hbm4b:s8+s2], $0x80, $0x38;
	(v2sf) =	vpush v0, $0xD;
	[tilespmem:$0x13D00] =	vst v63  }
0x25d: {  	s8 =	sadd.s32 s3, s24;
	s22 =	sand.u32 $0x1FFFFFF0, s25;
	s24 =	spop (v2sf)  }
0x25e: {  	[tilespmem:s23], [sflag:$0x2] =	stream.linear.gather [hbm4b:s8+s2], $0x80, $0x38;
	(v2sf) =	vpush v0, $0xE;
	[tilespmem:$0x13D00] =	vst v63  }
0x25f: {  	s8 =	sadd.s32 s3, s18;
	s18 =	sand.u32 $0x1FFFFFF0, s24;
	s23 =	spop (v2sf)  }
0x260: {  	[tilespmem:s19], [sflag:$0x2] =	stream.linear.gather [hbm4b:s8+s2], $0x80, $0x38;
	(v2sf) =	vpush v0, $0xF;
	[tilespmem:$0x13D00] =	vst v63  }
0x261: {  	s8 =	sadd.s32 s3, s22;
	s19 =	sand.u32 $0x1FFFFFF0, s23;
	s22 =	spop (v2sf)  }
0x262: {  	[tilespmem:s28], [sflag:$0x2] =	stream.linear.gather [hbm4b:s8+s2], $0x80, $0x38;
	[tilespmem:$0x13D00] =	vst v63  }
0x263: {  	s8 =	sadd.s32 s3, s18;
	s18 =	sand.u32 $0x1FFFFFF0, s22;
	s22 =	spop (v2sf)  }
0x264: {  	[tilespmem:s21], [sflag:$0x2] =	stream.linear.gather [hbm4b:s8+s2], $0x80, $0x38;
	[tilespmem:$0x13D00] =	vst v63  }
0x265: {  	s8 =	sadd.s32 s3, s19;
	s19 =	sand.u32 $0x1FFFFFF0, s22;
	s21 =	spop (v2sf)  }
0x266: {  	[tilespmem:s9], [sflag:$0x2] =	stream.linear.gather [hbm4b:s8+s2], $0x80, $0x38;
	[tilespmem:$0x13D00] =	vst v63  }
0x267: {  	s8 =	sadd.s32 s3, s18;
	s9 =	sand.u32 $0x1FFFFFF0, s21;
	s18 =	spop (v2sf)  }
0x268: {  	[tilespmem:s16], [sflag:$0x2] =	stream.linear.gather [hbm4b:s8+s2], $0x80, $0x38;
	[tilespmem:$0x13D00] =	vst v63  }
0x269: {  	s8 =	sadd.s32 s3, s19;
	s16 =	sand.u32 $0x1FFFFFF0, s18;
	s18 =	spop (v2sf)  }
0x26a: {  	[tilespmem:s11], [sflag:$0x2] =	stream.linear.gather [hbm4b:s8+s2], $0x80, $0x38;
	[tilespmem:$0x13D00] =	vst v63  }
0x26b: {  	s8 =	sadd.s32 s3, s9;
	s9 =	sand.u32 $0x1FFFFFF0, s18;
	s11 =	spop (v2sf)  }
0x26c: {  	[tilespmem:s26], [sflag:$0x2] =	stream.linear.gather [hbm4b:s8+s2], $0x80, $0x38;
	[tilespmem:$0x13D00] =	vst v63  }
0x26d: {  	s8 =	sadd.s32 s3, s16;
	s11 =	sand.u32 $0x1FFFFFF0, s11;
	s16 =	spop (v2sf)  }
0x26e: {  	[tilespmem:s13], [sflag:$0x2] =	stream.linear.gather [hbm4b:s8+s2], $0x80, $0x38;
	[tilespmem:$0x13D00] =	vst v63  }
0x26f: {  	s8 =	sadd.s32 s3, s9;
	s9 =	sand.u32 $0x1FFFFFF0, s16;
	s13 =	spop (v2sf)  }
0x270: {  	[tilespmem:s10], [sflag:$0x2] =	stream.linear.gather [hbm4b:s8+s2], $0x80, $0x38;
	[tilespmem:$0x13D00] =	vst v63  }
0x271: {  	s8 =	sadd.s32 s3, s11;
	s10 =	sand.u32 $0x1FFFFFF0, s13  }
0x272: {  	[tilespmem:s12], [sflag:$0x2] =	stream.linear.gather [hbm4b:s8+s2], $0x80, $0x38;
	[tilespmem:$0x13D00] =	vst v63  }
0x273: {  	s9 =	sadd.s32 s3, s9;
	s8 =	sadd.s32 $0x6000, s14  }
0x274: {  	[tilespmem:s8], [sflag:$0x2] =	stream.linear.gather [hbm4b:s9+s2], $0x80, $0x38;
	[tilespmem:$0x13D00] =	vst v63  }
0x275: {  	s8 =	sadd.s32 $0x6080, s14;
	s9 =	sadd.s32 s3, s10  }
0x276: {  	[tilespmem:s8], [sflag:$0x2] =	stream.linear.gather [hbm4b:s9+s2], $0x80, $0x38;
	[tilespmem:$0x13D00] =	vst v63  }
0x277: {  	v0 =	vld [tilespmem:s17+$0x0];
	_ =	sdelay $0x4  }
0x278: {  	v0 =	vshll.u32 v0, $0x4  }
0x279: {  	(v2sf) =	vpush v0, $0x0  }
0x27a: {  	(v2sf) =	vpush v0, $0x1  }
0x27b: {  	(v2sf) =	vpush v0, $0x2;
	_ =	sdelay $0x1  }
0x27c: {  	(v2sf) =	vpush v0, $0x4  }
.Ltmp8:
0x27d: {  	(pc) =	sbr.rel @p0 .LBB2_18-.Ltmp8, $3  }
0x27e: {  	(v2sf) =	vpush v0, $0x3  }
0x27f: {  	(v2sf) =	vpush v0, $0x5;
	_ =	sdelay $0x1  }
0x280: {  	s14 =	sshra.s32 s7, $0x2;
	(v2sf) =	vpush v0, $0x6  }
0x281: {  	_ =	sdelay $0x1  }
0x282: {  	s8 =	sadd.s32 $0x5980, s14;
	s10 =	sadd.s32 $0x5E80, s14  }
0x283: {  	s11 =	sadd.s32 $0x5C80, s14;
	s7 =	sadd.s32 $0x5F00, s14;
	(v2sf) =	vpush v0, $0x7;
	s12 =	sadd.s32 $0x5B80, s14  }
0x284: {  	s13 =	sadd.s32 $0x5D00, s14;
	s9 =	sadd.s32 $0x5F80, s14;
	s15 =	sadd.s32 $0x5900, s14  }
0x285: {  	s16 =	sadd.s32 $0x5B00, s14;
	s17 =	sadd.s32 $0x5C00, s14;
	(v2sf) =	vpush v0, $0x8;
	s18 =	spop (v2sf)  }
0x286: {  	s19 =	sadd.s32 $0x5A00, s14;
	s18 =	sand.u32 $0x1FFFFFF0, s18;
	s21 =	spop (v2sf)  }
0x287: {  	(v2sf) =	vpush v0, $0x9;
	s18 =	sadd.s32 s3, s18;
	s21 =	sand.u32 $0x1FFFFFF0, s21;
	s22 =	spop (v2sf)  }
0x288: {  	[tilespmem:s15], [sflag:$0x2] =	stream.linear.gather [hbm4b:s18+s2], $0x80, $0x38;
	[tilespmem:$0x13D00] =	vst v63  }
0x289: {  	s23 =	sadd.s32 $0x5A80, s14;
	(v2sf) =	vpush v0, $0xA;
	s28 =	sadd.s32 s3, s21;
	s30 =	spop (v2sf)  }
0x28a: {  	[tilespmem:s8], [sflag:$0x2] =	stream.linear.gather [hbm4b:s28+s2], $0x80, $0x38;
	[tilespmem:$0x13D00] =	vst v63  }
0x28b: {  	s15 =	sadd.s32 $0x5E00, s14;
	s22 =	sand.u32 $0x1FFFFFF0, s22;
	(v2sf) =	vpush v0, $0xB;
	s24 =	spop (v2sf)  }
0x28c: {  	s18 =	sadd.s32 s3, s22;
	s8 =	sadd.s32 $0x5D80, s14;
	s22 =	sand.u32 $0x1FFFFFF0, s24  }
0x28d: {  	(v2sf) =	vpush v0, $0xC;
	[tilespmem:s19], [sflag:$0x2] =	stream.linear.gather [hbm4b:s18+s2], $0x80, $0x38;
	[tilespmem:$0x13D00] =	vst v63  }
0x28e: {  	s25 =	sand.u32 $0x1FFFFFF0, s30;
	s26 =	spop (v2sf);
	s28 =	sadd.s32 s3, s22  }
0x28f: {  	(v2sf) =	vpush v0, $0xD;
	[tilespmem:s23], [sflag:$0x2] =	stream.linear.gather [hbm4b:s28+s2], $0x80, $0x38;
	[tilespmem:$0x13D00] =	vst v63  }
0x290: {  	s18 =	sadd.s32 s3, s25;
	s19 =	sand.u32 $0x1FFFFFF0, s26;
	s30 =	spop (v2sf)  }
0x291: {  	(v2sf) =	vpush v0, $0xE;
	[tilespmem:s16], [sflag:$0x2] =	stream.linear.gather [hbm4b:s18+s2], $0x80, $0x38;
	[tilespmem:$0x13D00] =	vst v63  }
0x292: {  	s19 =	sadd.s32 s3, s19;
	s21 =	sand.u32 $0x1FFFFFF0, s30;
	s22 =	spop (v2sf)  }
0x293: {  	(v2sf) =	vpush v0, $0xF;
	[tilespmem:s12], [sflag:$0x2] =	stream.linear.gather [hbm4b:s19+s2], $0x80, $0x38;
	[tilespmem:$0x13D00] =	vst v63  }
0x294: {  	s23 =	sand.u32 $0x1FFFFFF0, s22;
	s24 =	spop (v2sf);
	s16 =	sadd.s32 s3, s21  }
0x295: {  	[tilespmem:s17], [sflag:$0x2] =	stream.linear.gather [hbm4b:s16+s2], $0x80, $0x38;
	[tilespmem:$0x13D00] =	vst v63  }
0x296: {  	s25 =	sand.u32 $0x1FFFFFF0, s24;
	s12 =	sadd.s32 s3, s23;
	s26 =	spop (v2sf)  }
0x297: {  	[tilespmem:s11], [sflag:$0x2] =	stream.linear.gather [hbm4b:s12+s2], $0x80, $0x38;
	[tilespmem:$0x13D00] =	vst v63  }
0x298: {  	s16 =	sadd.s32 s3, s25;
	s28 =	sand.u32 $0x1FFFFFF0, s26;
	s30 =	spop (v2sf)  }
0x299: {  	[tilespmem:s13], [sflag:$0x2] =	stream.linear.gather [hbm4b:s16+s2], $0x80, $0x38;
	[tilespmem:$0x13D00] =	vst v63  }
0x29a: {  	s12 =	sand.u32 $0x1FFFFFF0, s30;
	s11 =	sadd.s32 s3, s28;
	s17 =	spop (v2sf)  }
0x29b: {  	[tilespmem:s8], [sflag:$0x2] =	stream.linear.gather [hbm4b:s11+s2], $0x80, $0x38;
	[tilespmem:$0x13D00] =	vst v63  }
0x29c: {  	s12 =	sadd.s32 s3, s12;
	s18 =	sand.u32 $0x1FFFFFF0, s17;
	s19 =	spop (v2sf)  }
0x29d: {  	[tilespmem:s15], [sflag:$0x2] =	stream.linear.gather [hbm4b:s12+s2], $0x80, $0x38;
	[tilespmem:$0x13D00] =	vst v63  }
0x29e: {  	s8 =	sadd.s32 s3, s18;
	s11 =	sand.u32 $0x1FFFFFF0, s19;
	s21 =	spop (v2sf)  }
0x29f: {  	[tilespmem:s10], [sflag:$0x2] =	stream.linear.gather [hbm4b:s8+s2], $0x80, $0x38;
	[tilespmem:$0x13D00] =	vst v63  }
0x2a0: {  	s22 =	sand.u32 $0x1FFFFFF0, s21;
	s11 =	sadd.s32 s3, s11;
	s23 =	spop (v2sf)  }
0x2a1: {  	[tilespmem:s7], [sflag:$0x2] =	stream.linear.gather [hbm4b:s11+s2], $0x80, $0x38;
	[tilespmem:$0x13D00] =	vst v63  }
0x2a2: {  	s24 =	sand.u32 $0x1FFFFFF0, s23;
	s25 =	spop (v2sf);
	s8 =	sadd.s32 s3, s22  }
0x2a3: {  	[tilespmem:s9], [sflag:$0x2] =	stream.linear.gather [hbm4b:s8+s2], $0x80, $0x38;
	[tilespmem:$0x13D00] =	vst v63  }
0x2a4: {  	s28 =	sadd.s32 $0x6000, s14;
	s26 =	sand.u32 $0x1FFFFFF0, s25;
	s7 =	sadd.s32 s3, s24  }
0x2a5: {  	[tilespmem:s28], [sflag:$0x2] =	stream.linear.gather [hbm4b:s7+s2], $0x80, $0x38;
	[tilespmem:$0x13D00] =	vst v63  }
0x2a6: {  	s30 =	sadd.s32 $0x6080, s14;
	s8 =	sadd.s32 s3, s26  }
0x2a7: {  	[tilespmem:s30], [sflag:$0x2] =	stream.linear.gather [hbm4b:s8+s2], $0x80, $0x38;
	[tilespmem:$0x13D00] =	vst v63  }
.LBB2_20:
0x2a8: {  	s8 =	simm.s32 $0x3  }
0x2a9: {  	s1 =	sadd.s32 s5, s1;
	_ =	swait.ge [sflag:s8], $0x4000  }
0x2aa: {  	s7 =	sshll.u32 s1, $0x4;
	[sflag:s8] =	ssyncset.done $0x0  }
0x2ab: {  	s7 =	sand.u32 $0x7FFFFF80, s7;
	[sflag:s8] =	ssyncadd.s32 $0xFFFFC000  }
0x2ac: {  	v2 =	vld [tilespmem:s7+$0xD900]  }
0x2ad: {  	v6 =	vld [tilespmem:s7+$0xD910]  }
0x2ae: {  	v4 =	vld [tilespmem:s7+$0xD920]  }
0x2af: {  	v1 =	vld [tilespmem:s7+$0xD930]  }
0x2b0: {  	v3 =	vld [tilespmem:s7+$0xD940]  }
0x2b1: {  	v5 =	vld [tilespmem:s7+$0xD950]  }
0x2b2: {  	v0 =	vld [tilespmem:s7+$0xD970];
	s7 =	simm.s32 $0x0  }
0x2b3: {  	v8 =	vld [tilespmem:s7+$0x9930]  }
0x2b4: {  	v11 =	vld [tilespmem:s7+$0x99C0]  }
0x2b5: {  	v12 =	vld [tilespmem:s7+$0x99A0]  }
0x2b6: {  	v7 =	vld [tilespmem:s7+$0x9910]  }
0x2b7: {  	v13 =	vld [tilespmem:s7+$0x9920]  }
0x2b8: {  	v14 =	vld [tilespmem:s7+$0x9990]  }
0x2b9: {  	v16 =	vld [tilespmem:s7+$0x9900]  }
0x2ba: {  	v17 =	vld [tilespmem:s7+$0x9940]  }
0x2bb: {  	v10 =	vadd.f32 v7, v6  }
0x2bc: {  	v9 =	vld [tilespmem:s7+$0x9950];
	v8 =	vadd.f32 v8, v1  }
0x2bd: {  	v7 =	vld [tilespmem:s7+$0x99B0];
	v13 =	vadd.f32 v13, v4;
	v18 =	vadd.f32 v11, v3;
	[tilespmem:s7+$0x9910] =	vst v10  }
0x2be: {  	v15 =	vadd.f32 v14, v6;
	v14 =	vadd.f32 v12, v4;
	v10 =	vld [tilespmem:s7+$0x99D0];
	[tilespmem:s7+$0x9930] =	vst v8  }
0x2bf: {  	s9 =	simm.s32 $0x400;
	s10 =	simm.s32 $0x800;
	v12 =	vld [tilespmem:s7+$0x9980];
	v11 =	vadd.f32 v16, v2;
	v8 =	vadd.f32 v17, v3;
	[tilespmem:s7+$0x99C0] =	vst v18  }
.LBB2_21:
0x2c0: {  	p0 =	sne.s32 s10, $0xFC00  }
0x2c1: {  	s8 =	sshra.s32 s9, $0x2;
	[tilespmem:s7+$0x9990] =	vst v15;
	s9 =	smov.u32 s10;
	s10 =	sadd.s32 $0x400, s10  }
0x2c2: {  	v15 =	vld [tilespmem:s8+$0x9930];
	[tilespmem:s7+$0x9920] =	vst v13;
	v9 =	vadd.f32 v9, v5  }
0x2c3: {  	v16 =	vld [tilespmem:s8+$0x99C0];
	[tilespmem:s7+$0x99A0] =	vst v14;
	v10 =	vadd.f32 v10, v5  }
0x2c4: {  	v14 =	vld [tilespmem:s8+$0x99A0];
	[tilespmem:s7+$0x9950] =	vst v9  }
0x2c5: {  	v9 =	vld [tilespmem:s7+$0x9954];
	v12 =	vadd.f32 v12, v2;
	[tilespmem:s7+$0x99D0] =	vst v10  }
0x2c6: {  	[tilespmem:s7+$0x9900] =	vst v11;
	v10 =	vld [tilespmem:s7+$0x99D4]  }
0x2c7: {  	v11 =	vld [tilespmem:s8+$0x9910];
	[tilespmem:s7+$0x9980] =	vst v12  }
0x2c8: {  	v12 =	vld [tilespmem:s8+$0x9920];
	[tilespmem:s7+$0x9940] =	vst v8  }
0x2c9: {  	v7 =	vadd.f32 v7, v1;
	v8 =	vld [tilespmem:s8+$0x9990]  }
0x2ca: {  	v17 =	vld [tilespmem:s8+$0x9900];
	v9 =	vadd.f32 v9, v0  }
0x2cb: {  	v18 =	vld [tilespmem:s8+$0x9940];
	[tilespmem:s7+$0x99B0] =	vst v7;
	v10 =	vadd.f32 v10, v0  }
.Ltmp9:
0x2cc: {  	v19 =	vadd.f32 v15, v1;
	v11 =	vadd.f32 v11, v6;
	v7 =	vld [tilespmem:s8+$0x99B0];
	[tilespmem:s7+$0x9954] =	vst v9;
	(pc) =	sbr.rel @p0 .LBB2_21-.Ltmp9, $4  }
0x2cd: {  	v13 =	vadd.f32 v12, v4;
	v9 =	vld [tilespmem:s8+$0x9950];
	[tilespmem:s7+$0x99D4] =	vst v10;
	s7 =	smov.u32 s8  }
0x2ce: {  	v16 =	vadd.f32 v16, v3;
	[tilespmem:s7+$0x9910] =	vst v11;
	v15 =	vadd.f32 v8, v6;
	v10 =	vld [tilespmem:s7+$0x99D0]  }
0x2cf: {  	v14 =	vadd.f32 v14, v4;
	[tilespmem:s7+$0x9930] =	vst v19  }
0x2d0: {  	v11 =	vadd.f32 v17, v2;
	v8 =	vadd.f32 v18, v3;
	v12 =	vld [tilespmem:s7+$0x9980];
	[tilespmem:s7+$0x99C0] =	vst v16  }
0x2d1: {  	s9 =	sshra.s32 s9, $0x2;
	[tilespmem:s7+$0x9990] =	vst v15  }
0x2d2: {  	v15 =	vld [tilespmem:s9+$0x9930];
	[tilespmem:s7+$0x9920] =	vst v13;
	v9 =	vadd.f32 v9, v5  }
0x2d3: {  	v13 =	vld [tilespmem:s9+$0x99C0];
	[tilespmem:s7+$0x99A0] =	vst v14;
	v10 =	vadd.f32 v10, v5  }
0x2d4: {  	v14 =	vld [tilespmem:s9+$0x99A0];
	[tilespmem:s7+$0x9950] =	vst v9  }
0x2d5: {  	v9 =	vld [tilespmem:s7+$0x9954];
	[tilespmem:s7+$0x99D0] =	vst v10;
	v46 =	vadd.f32 v12, v2  }
0x2d6: {  	[tilespmem:s7+$0x9900] =	vst v11;
	v47 =	vld [tilespmem:s7+$0x99D4]  }
0x2d7: {  	v48 =	vld [tilespmem:s9+$0x9910];
	[tilespmem:s7+$0x9980] =	vst v46  }
0x2d8: {  	v10 =	vld [tilespmem:s9+$0x9920];
	[tilespmem:s7+$0x9940] =	vst v8  }
0x2d9: {  	v7 =	vadd.f32 v7, v1;
	v8 =	vld [tilespmem:s9+$0x9990]  }
0x2da: {  	v16 =	vld [tilespmem:s9+$0x9900];
	v9 =	vadd.f32 v9, v0  }
0x2db: {  	v17 =	vld [tilespmem:s9+$0x9940];
	[tilespmem:s7+$0x99B0] =	vst v7;
	v11 =	vadd.f32 v47, v0  }
0x2dc: {  	v7 =	vld [tilespmem:s9+$0x99B0];
	[tilespmem:s7+$0x9954] =	vst v9  }
0x2dd: {  	v9 =	vld [tilespmem:s9+$0x9950];
	[tilespmem:s7+$0x99D4] =	vst v11  }
0x2de: {  	v49 =	vadd.f32 v48, v6;
	v50 =	vld [tilespmem:s9+$0x99D0]  }
0x2df: {  	v15 =	vadd.f32 v15, v1  }
0x2e0: {  	v51 =	vadd.f32 v13, v3;
	[tilespmem:s9+$0x9910] =	vst v49  }
0x2e1: {  	v56 =	vadd.f32 v14, v4;
	[tilespmem:s9+$0x9930] =	vst v15  }
0x2e2: {  	[tilespmem:s9+$0x99C0] =	vst v51;
	v9 =	vadd.f32 v9, v5  }
0x2e3: {  	[tilespmem:s9+$0x99A0] =	vst v56;
	v54 =	vadd.f32 v50, v5  }
0x2e4: {  	v55 =	vadd.f32 v10, v4;
	v53 =	vld [tilespmem:s9+$0x9980];
	[tilespmem:s9+$0x9950] =	vst v9  }
0x2e5: {  	v52 =	vadd.f32 v8, v6;
	v9 =	vld [tilespmem:s9+$0x9954];
	[tilespmem:s9+$0x99D0] =	vst v54  }
0x2e6: {  	v57 =	vadd.f32 v16, v2;
	[tilespmem:s9+$0x9920] =	vst v55;
	v58 =	vld [tilespmem:s9+$0x99D4]  }
0x2e7: {  	v60 =	vadd.f32 v17, v3;
	[tilespmem:s9+$0x9990] =	vst v52  }
0x2e8: {  	s29 =	sadd.s32 $0x1, s29;
	v61 =	vadd.f32 v7, v1;
	[tilespmem:s9+$0x9900] =	vst v57  }
0x2e9: {  	p0 =	sne.s32 s29, $0x10;
	[tilespmem:s9+$0x9940] =	vst v60;
	v59 =	vadd.f32 v53, v2  }
.Ltmp10:
0x2ea: {  	[tilespmem:s9+$0x99B0] =	vst v61;
	v62 =	vadd.f32 v9, v0;
	(pc) =	sbr.rel @p0 .LBB2_6-.Ltmp10, $4  }
0x2eb: {  	s1 =	sshll.u32 s1, $0xB;
	[tilespmem:s9+$0x9980] =	vst v59;
	v63 =	vadd.f32 v58, v0  }
0x2ec: {  	s30 =	simm.s32 $0x9900;
	s4 =	sadd.s32 $0x180, s4;
	s1 =	sand.u32 $0x1FFFF800, s1;
	[tilespmem:s9+$0x9954] =	vst v62  }
0x2ed: {  	s31 =	sadd.s32 $0x180, s31;
	s0 =	sadd.s32 $0x180, s0;
	s1 =	sadd.s32 s6, s1;
	[tilespmem:s9+$0x99D4] =	vst v63  }
0x2ee: {  	[hbm4b:s1+s2] =	stream.linear.scatter [tilespmem:s30], [sflag:$0x6], $0x4000, $0x38;
	[tilespmem:$0x13D00] =	vst v63  }
0x2ef: {  	s0 =	simm.s32 $0x4  }
0x2f0: {  	_ =	swait.ge [sflag:s0], $0x4000  }
0x2f1: {  	[sflag:s0] =	ssyncset.done $0x0  }
0x2f2: {  	s1 =	simm.s32 $0x1800;
	[sflag:s0] =	ssyncadd.s32 $0xFFFFC000  }
0x2f3: {  	v0 =	vld [tilespmem:s1+$0x0];
	_ =	sdelay $0x4  }
0x2f4: {  	v0 =	vshll.u32 v0, $0x4  }
0x2f5: {  	(v2sf) =	vpush v0, $0x0  }
0x2f6: {  	(v2sf) =	vpush v0, $0x1  }
0x2f7: {  	(v2sf) =	vpush v0, $0x2;
	_ =	sdelay $0x1  }
0x2f8: {  	(v2sf) =	vpush v0, $0x4;
	_ =	sdelay $0x1  }
0x2f9: {  	(v2sf) =	vpush v0, $0x3  }
0x2fa: {  	(v2sf) =	vpush v0, $0x5  }
0x2fb: {  	s14 =	simm.s32 $0x2000;
	s0 =	simm.s32 $0x0;
	(v2sf) =	vpush v0, $0x6  }
.LBB2_24:
0x2fc: {  	p0 =	sne.s32 s14, $0xE000  }
0x2fd: {  	s8 =	sadd.s32 $0x1980, s0;
	s12 =	sadd.s32 $0x1E80, s0;
	s4 =	smov.u32 s14  }
0x2fe: {  	s14 =	sadd.s32 $0x2000, s14;
	s9 =	sadd.s32 $0x1C80, s0;
	s7 =	sadd.s32 $0x1F00, s0;
	(v2sf) =	vpush v0, $0x7  }
0x2ff: {  	s16 =	sadd.s32 $0x1B80, s0;
	s15 =	sadd.s32 $0x1D00, s0;
	s10 =	sadd.s32 $0x1F80, s0  }
0x300: {  	s17 =	sadd.s32 $0x1900, s0;
	s18 =	sadd.s32 $0x1B00, s0;
	(v2sf) =	vpush v0, $0x8  }
0x301: {  	s19 =	sadd.s32 $0x1C00, s0;
	s1 =	sadd.s32 $0x10, s1  }
0x302: {  	s21 =	sadd.s32 $0x1A00, s0;
	s13 =	sadd.s32 $0x1E00, s0;
	s11 =	spop (v2sf);
	(v2sf) =	vpush v0, $0x9  }
0x303: {  	s22 =	sand.u32 $0x1FFFFFF0, s11;
	s11 =	sadd.s32 $0x1D80, s0;
	s23 =	spop (v2sf)  }
0x304: {  	s22 =	sadd.s32 s3, s22;
	s23 =	sand.u32 $0x1FFFFFF0, s23;
	s24 =	spop (v2sf);
	(v2sf) =	vpush v0, $0xA  }
0x305: {  	[tilespmem:s17], [sflag:$0x1] =	stream.linear.gather [hbm4b:s22+s2], $0x80, $0x38;
	[tilespmem:$0x13D00] =	vst v63  }
0x306: {  	s17 =	sadd.s32 s3, s23;
	s22 =	sadd.s32 $0x1A80, s0;
	s23 =	spop (v2sf);
	(v2sf) =	vpush v0, $0xB  }
0x307: {  	[tilespmem:s8], [sflag:$0x1] =	stream.linear.gather [hbm4b:s17+s2], $0x80, $0x38;
	[tilespmem:$0x13D00] =	vst v63  }
0x308: {  	s8 =	sand.u32 $0x1FFFFFF0, s24;
	s17 =	sand.u32 $0x1FFFFFF0, s23;
	s23 =	spop (v2sf);
	(v2sf) =	vpush v0, $0xC  }
0x309: {  	s8 =	sadd.s32 s3, s8;
	s23 =	sand.u32 $0x1FFFFFF0, s23;
	s24 =	spop (v2sf)  }
0x30a: {  	[tilespmem:s21], [sflag:$0x1] =	stream.linear.gather [hbm4b:s8+s2], $0x80, $0x38;
	(v2sf) =	vpush v0, $0xD;
	[tilespmem:$0x13D00] =	vst v63  }
0x30b: {  	s8 =	sadd.s32 s3, s23;
	s21 =	sand.u32 $0x1FFFFFF0, s24;
	s23 =	spop (v2sf)  }
0x30c: {  	[tilespmem:s22], [sflag:$0x1] =	stream.linear.gather [hbm4b:s8+s2], $0x80, $0x38;
	(v2sf) =	vpush v0, $0xE;
	[tilespmem:$0x13D00] =	vst v63  }
0x30d: {  	s8 =	sadd.s32 s3, s17;
	s17 =	sand.u32 $0x1FFFFFF0, s23;
	s22 =	spop (v2sf)  }
0x30e: {  	[tilespmem:s18], [sflag:$0x1] =	stream.linear.gather [hbm4b:s8+s2], $0x80, $0x38;
	(v2sf) =	vpush v0, $0xF;
	[tilespmem:$0x13D00] =	vst v63  }
0x30f: {  	s8 =	sadd.s32 s3, s21;
	s18 =	sand.u32 $0x1FFFFFF0, s22;
	s21 =	spop (v2sf)  }
0x310: {  	[tilespmem:s16], [sflag:$0x1] =	stream.linear.gather [hbm4b:s8+s2], $0x80, $0x38;
	[tilespmem:$0x13D00] =	vst v63  }
0x311: {  	s8 =	sadd.s32 s3, s17;
	s16 =	sand.u32 $0x1FFFFFF0, s21;
	s17 =	spop (v2sf)  }
0x312: {  	[tilespmem:s19], [sflag:$0x1] =	stream.linear.gather [hbm4b:s8+s2], $0x80, $0x38;
	[tilespmem:$0x13D00] =	vst v63  }
0x313: {  	s8 =	sadd.s32 s3, s18;
	s17 =	sand.u32 $0x1FFFFFF0, s17;
	s18 =	spop (v2sf)  }
0x314: {  	[tilespmem:s9], [sflag:$0x1] =	stream.linear.gather [hbm4b:s8+s2], $0x80, $0x38;
	[tilespmem:$0x13D00] =	vst v63  }
0x315: {  	s8 =	sadd.s32 s3, s16;
	s9 =	sand.u32 $0x1FFFFFF0, s18;
	s16 =	spop (v2sf)  }
0x316: {  	[tilespmem:s15], [sflag:$0x1] =	stream.linear.gather [hbm4b:s8+s2], $0x80, $0x38;
	[tilespmem:$0x13D00] =	vst v63  }
0x317: {  	s8 =	sadd.s32 s3, s17;
	s15 =	sand.u32 $0x1FFFFFF0, s16;
	s16 =	spop (v2sf)  }
0x318: {  	[tilespmem:s11], [sflag:$0x1] =	stream.linear.gather [hbm4b:s8+s2], $0x80, $0x38;
	[tilespmem:$0x13D00] =	vst v63  }
0x319: {  	s8 =	sadd.s32 s3, s9;
	s9 =	sand.u32 $0x1FFFFFF0, s16;
	s11 =	spop (v2sf)  }
0x31a: {  	[tilespmem:s13], [sflag:$0x1] =	stream.linear.gather [hbm4b:s8+s2], $0x80, $0x38;
	[tilespmem:$0x13D00] =	vst v63  }
0x31b: {  	s8 =	sadd.s32 s3, s15;
	s11 =	sand.u32 $0x1FFFFFF0, s11;
	s13 =	spop (v2sf)  }
0x31c: {  	[tilespmem:s12], [sflag:$0x1] =	stream.linear.gather [hbm4b:s8+s2], $0x80, $0x38;
	[tilespmem:$0x13D00] =	vst v63  }
0x31d: {  	s8 =	sadd.s32 s3, s9;
	s9 =	sand.u32 $0x1FFFFFF0, s13;
	s12 =	spop (v2sf)  }
0x31e: {  	[tilespmem:s7], [sflag:$0x1] =	stream.linear.gather [hbm4b:s8+s2], $0x80, $0x38;
	[tilespmem:$0x13D00] =	vst v63  }
0x31f: {  	s7 =	sadd.s32 s3, s11;
	s8 =	sand.u32 $0x1FFFFFF0, s12  }
0x320: {  	[tilespmem:s10], [sflag:$0x1] =	stream.linear.gather [hbm4b:s7+s2], $0x80, $0x38;
	[tilespmem:$0x13D00] =	vst v63  }
0x321: {  	s9 =	sadd.s32 s3, s9;
	s7 =	sadd.s32 $0x2000, s0  }
0x322: {  	[tilespmem:s7], [sflag:$0x1] =	stream.linear.gather [hbm4b:s9+s2], $0x80, $0x38;
	[tilespmem:$0x13D00] =	vst v63  }
0x323: {  	s0 =	sadd.s32 $0x2080, s0;
	s7 =	sadd.s32 s3, s8  }
0x324: {  	[tilespmem:s0], [sflag:$0x1] =	stream.linear.gather [hbm4b:s7+s2], $0x80, $0x38;
	[tilespmem:$0x13D00] =	vst v63  }
0x325: {  	v0 =	vld [tilespmem:s1+$0x0];
	_ =	sdelay $0x4  }
0x326: {  	v0 =	vshll.u32 v0, $0x4  }
0x327: {  	(v2sf) =	vpush v0, $0x0  }
0x328: {  	(v2sf) =	vpush v0, $0x1  }
0x329: {  	(v2sf) =	vpush v0, $0x2;
	_ =	sdelay $0x1  }
0x32a: {  	(v2sf) =	vpush v0, $0x4  }
.Ltmp11:
0x32b: {  	(pc) =	sbr.rel @p0 .LBB2_24-.Ltmp11, $3  }
0x32c: {  	(v2sf) =	vpush v0, $0x3  }
0x32d: {  	(v2sf) =	vpush v0, $0x5;
	_ =	sdelay $0x1  }
0x32e: {  	s0 =	sshra.s32 s4, $0x2;
	(v2sf) =	vpush v0, $0x6  }
0x32f: {  	_ =	sdelay $0x1  }
0x330: {  	s8 =	sadd.s32 $0x1980, s0;
	s7 =	sadd.s32 $0x1E80, s0  }
0x331: {  	s9 =	sadd.s32 $0x1C80, s0;
	s1 =	sadd.s32 $0x1F00, s0;
	(v2sf) =	vpush v0, $0x7;
	s10 =	sadd.s32 $0x1B80, s0  }
0x332: {  	s11 =	sadd.s32 $0x1D00, s0;
	s4 =	sadd.s32 $0x1F80, s0;
	s12 =	sadd.s32 $0x1900, s0  }
0x333: {  	s13 =	sadd.s32 $0x1B00, s0;
	s14 =	sadd.s32 $0x1C00, s0;
	(v2sf) =	vpush v0, $0x8;
	s15 =	spop (v2sf)  }
0x334: {  	s16 =	sadd.s32 $0x1A00, s0;
	s15 =	sand.u32 $0x1FFFFFF0, s15;
	s17 =	spop (v2sf)  }
0x335: {  	(v2sf) =	vpush v0, $0x9;
	s15 =	sadd.s32 s3, s15;
	s17 =	sand.u32 $0x1FFFFFF0, s17;
	s18 =	spop (v2sf)  }
0x336: {  	[tilespmem:s12], [sflag:$0x1] =	stream.linear.gather [hbm4b:s15+s2], $0x80, $0x38;
	[tilespmem:$0x13D00] =	vst v63  }
0x337: {  	s19 =	sadd.s32 $0x1A80, s0;
	(v2sf) =	vpush v0, $0xA;
	s28 =	sadd.s32 s3, s17;
	s29 =	spop (v2sf)  }
0x338: {  	[tilespmem:s8], [sflag:$0x1] =	stream.linear.gather [hbm4b:s28+s2], $0x80, $0x38;
	[tilespmem:$0x13D00] =	vst v63  }
0x339: {  	s12 =	sadd.s32 $0x1E00, s0;
	s30 =	sand.u32 $0x1FFFFFF0, s18;
	(v2sf) =	vpush v0, $0xB;
	s31 =	spop (v2sf)  }
0x33a: {  	s15 =	sadd.s32 s3, s30;
	s8 =	sadd.s32 $0x1D80, s0;
	s18 =	sand.u32 $0x1FFFFFF0, s31  }
0x33b: {  	(v2sf) =	vpush v0, $0xC;
	[tilespmem:s16], [sflag:$0x1] =	stream.linear.gather [hbm4b:s15+s2], $0x80, $0x38;
	[tilespmem:$0x13D00] =	vst v63  }
0x33c: {  	s21 =	sand.u32 $0x1FFFFFF0, s29;
	s22 =	spop (v2sf);
	s23 =	sadd.s32 s3, s18  }
0x33d: {  	(v2sf) =	vpush v0, $0xD;
	[tilespmem:s19], [sflag:$0x1] =	stream.linear.gather [hbm4b:s23+s2], $0x80, $0x38;
	[tilespmem:$0x13D00] =	vst v63  }
0x33e: {  	s15 =	sadd.s32 s3, s21;
	s16 =	sand.u32 $0x1FFFFFF0, s22;
	s24 =	spop (v2sf)  }
0x33f: {  	(v2sf) =	vpush v0, $0xE;
	[tilespmem:s13], [sflag:$0x1] =	stream.linear.gather [hbm4b:s15+s2], $0x80, $0x38;
	[tilespmem:$0x13D00] =	vst v63  }
0x340: {  	s16 =	sadd.s32 s3, s16;
	s25 =	sand.u32 $0x1FFFFFF0, s24;
	s26 =	spop (v2sf)  }
0x341: {  	(v2sf) =	vpush v0, $0xF;
	[tilespmem:s10], [sflag:$0x1] =	stream.linear.gather [hbm4b:s16+s2], $0x80, $0x38;
	[tilespmem:$0x13D00] =	vst v63  }
0x342: {  	s28 =	sand.u32 $0x1FFFFFF0, s26;
	s29 =	spop (v2sf);
	s13 =	sadd.s32 s3, s25  }
0x343: {  	[tilespmem:s14], [sflag:$0x1] =	stream.linear.gather [hbm4b:s13+s2], $0x80, $0x38;
	[tilespmem:$0x13D00] =	vst v63  }
0x344: {  	s30 =	sand.u32 $0x1FFFFFF0, s29;
	s10 =	sadd.s32 s3, s28;
	s31 =	spop (v2sf)  }
0x345: {  	[tilespmem:s9], [sflag:$0x1] =	stream.linear.gather [hbm4b:s10+s2], $0x80, $0x38;
	[tilespmem:$0x13D00] =	vst v63  }
0x346: {  	s13 =	sadd.s32 s3, s30;
	s15 =	sand.u32 $0x1FFFFFF0, s31;
	s16 =	spop (v2sf)  }
0x347: {  	[tilespmem:s11], [sflag:$0x1] =	stream.linear.gather [hbm4b:s13+s2], $0x80, $0x38;
	[tilespmem:$0x13D00] =	vst v63  }
0x348: {  	s10 =	sand.u32 $0x1FFFFFF0, s16;
	s9 =	sadd.s32 s3, s15;
	s17 =	spop (v2sf)  }
0x349: {  	[tilespmem:s8], [sflag:$0x1] =	stream.linear.gather [hbm4b:s9+s2], $0x80, $0x38;
	[tilespmem:$0x13D00] =	vst v63  }
0x34a: {  	s10 =	sadd.s32 s3, s10;
	s18 =	sand.u32 $0x1FFFFFF0, s17;
	s19 =	spop (v2sf)  }
0x34b: {  	[tilespmem:s12], [sflag:$0x1] =	stream.linear.gather [hbm4b:s10+s2], $0x80, $0x38;
	[tilespmem:$0x13D00] =	vst v63  }
0x34c: {  	s8 =	sadd.s32 s3, s18;
	s9 =	sand.u32 $0x1FFFFFF0, s19;
	s21 =	spop (v2sf)  }
0x34d: {  	[tilespmem:s7], [sflag:$0x1] =	stream.linear.gather [hbm4b:s8+s2], $0x80, $0x38;
	[tilespmem:$0x13D00] =	vst v63  }
0x34e: {  	s22 =	sand.u32 $0x1FFFFFF0, s21;
	s9 =	sadd.s32 s3, s9;
	s23 =	spop (v2sf)  }
0x34f: {  	[tilespmem:s1], [sflag:$0x1] =	stream.linear.gather [hbm4b:s9+s2], $0x80, $0x38;
	[tilespmem:$0x13D00] =	vst v63  }
0x350: {  	s24 =	sand.u32 $0x1FFFFFF0, s23;
	s25 =	spop (v2sf);
	s7 =	sadd.s32 s3, s22  }
0x351: {  	[tilespmem:s4], [sflag:$0x1] =	stream.linear.gather [hbm4b:s7+s2], $0x80, $0x38;
	[tilespmem:$0x13D00] =	vst v63  }
0x352: {  	s28 =	sadd.s32 $0x2000, s0;
	s26 =	sand.u32 $0x1FFFFFF0, s25;
	s1 =	sadd.s32 s3, s24  }
0x353: {  	[tilespmem:s28], [sflag:$0x1] =	stream.linear.gather [hbm4b:s1+s2], $0x80, $0x38;
	[tilespmem:$0x13D00] =	vst v63  }
0x354: {  	s29 =	sadd.s32 $0x2080, s0;
	s31 =	simm.s32 $0x5;
	s30 =	sadd.s32 s3, s26  }
0x355: {  	[tilespmem:s29], [sflag:$0x1] =	stream.linear.gather [hbm4b:s30+s2], $0x80, $0x38;
	[tilespmem:$0x13D00] =	vst v63  }
0x356: {  	_ =	swait.ge [sflag:s31], $0x4000  }
0x357: {  	[sflag:s31] =	ssyncset.done $0x0  }
0x358: {  	s1 =	simm.s32 $0x1880;
	[sflag:s31] =	ssyncadd.s32 $0xFFFFC000  }
0x359: {  	v0 =	vld [tilespmem:s1+$0x0];
	_ =	sdelay $0x4  }
0x35a: {  	v0 =	vshll.u32 v0, $0x4  }
0x35b: {  	(v2sf) =	vpush v0, $0x0  }
0x35c: {  	(v2sf) =	vpush v0, $0x1  }
0x35d: {  	(v2sf) =	vpush v0, $0x2;
	_ =	sdelay $0x1  }
0x35e: {  	(v2sf) =	vpush v0, $0x4;
	_ =	sdelay $0x1  }
0x35f: {  	(v2sf) =	vpush v0, $0x3  }
0x360: {  	(v2sf) =	vpush v0, $0x5  }
0x361: {  	s0 =	simm.s32 $0x0;
	s14 =	simm.s32 $0x2000;
	(v2sf) =	vpush v0, $0x6  }
.LBB2_26:
0x362: {  	p0 =	sne.s32 s14, $0xE000  }
0x363: {  	s8 =	sadd.s32 $0x5980, s0;
	s12 =	sadd.s32 $0x5E80, s0;
	s4 =	smov.u32 s14  }
0x364: {  	s14 =	sadd.s32 $0x2000, s14;
	s9 =	sadd.s32 $0x5C80, s0;
	s7 =	sadd.s32 $0x5F00, s0;
	(v2sf) =	vpush v0, $0x7  }
0x365: {  	s16 =	sadd.s32 $0x5B80, s0;
	s15 =	sadd.s32 $0x5D00, s0;
	s10 =	sadd.s32 $0x5F80, s0  }
0x366: {  	s17 =	sadd.s32 $0x5900, s0;
	s18 =	sadd.s32 $0x5B00, s0;
	(v2sf) =	vpush v0, $0x8  }
0x367: {  	s19 =	sadd.s32 $0x5C00, s0;
	s1 =	sadd.s32 $0x10, s1  }
0x368: {  	s21 =	sadd.s32 $0x5A00, s0;
	s13 =	sadd.s32 $0x5E00, s0;
	s11 =	spop (v2sf);
	(v2sf) =	vpush v0, $0x9  }
0x369: {  	s22 =	sand.u32 $0x1FFFFFF0, s11;
	s11 =	sadd.s32 $0x5D80, s0;
	s23 =	spop (v2sf)  }
0x36a: {  	s22 =	sadd.s32 s3, s22;
	s23 =	sand.u32 $0x1FFFFFF0, s23;
	s24 =	spop (v2sf);
	(v2sf) =	vpush v0, $0xA  }
0x36b: {  	[tilespmem:s17], [sflag:$0x2] =	stream.linear.gather [hbm4b:s22+s2], $0x80, $0x38;
	[tilespmem:$0x13D00] =	vst v63  }
0x36c: {  	s17 =	sadd.s32 s3, s23;
	s22 =	sadd.s32 $0x5A80, s0;
	s23 =	spop (v2sf);
	(v2sf) =	vpush v0, $0xB  }
0x36d: {  	[tilespmem:s8], [sflag:$0x2] =	stream.linear.gather [hbm4b:s17+s2], $0x80, $0x38;
	[tilespmem:$0x13D00] =	vst v63  }
0x36e: {  	s8 =	sand.u32 $0x1FFFFFF0, s24;
	s17 =	sand.u32 $0x1FFFFFF0, s23;
	s23 =	spop (v2sf);
	(v2sf) =	vpush v0, $0xC  }
0x36f: {  	s8 =	sadd.s32 s3, s8;
	s23 =	sand.u32 $0x1FFFFFF0, s23;
	s24 =	spop (v2sf)  }
0x370: {  	[tilespmem:s21], [sflag:$0x2] =	stream.linear.gather [hbm4b:s8+s2], $0x80, $0x38;
	(v2sf) =	vpush v0, $0xD;
	[tilespmem:$0x13D00] =	vst v63  }
0x371: {  	s8 =	sadd.s32 s3, s23;
	s21 =	sand.u32 $0x1FFFFFF0, s24;
	s23 =	spop (v2sf)  }
0x372: {  	[tilespmem:s22], [sflag:$0x2] =	stream.linear.gather [hbm4b:s8+s2], $0x80, $0x38;
	(v2sf) =	vpush v0, $0xE;
	[tilespmem:$0x13D00] =	vst v63  }
0x373: {  	s8 =	sadd.s32 s3, s17;
	s17 =	sand.u32 $0x1FFFFFF0, s23;
	s22 =	spop (v2sf)  }
0x374: {  	[tilespmem:s18], [sflag:$0x2] =	stream.linear.gather [hbm4b:s8+s2], $0x80, $0x38;
	(v2sf) =	vpush v0, $0xF;
	[tilespmem:$0x13D00] =	vst v63  }
0x375: {  	s8 =	sadd.s32 s3, s21;
	s18 =	sand.u32 $0x1FFFFFF0, s22;
	s21 =	spop (v2sf)  }
0x376: {  	[tilespmem:s16], [sflag:$0x2] =	stream.linear.gather [hbm4b:s8+s2], $0x80, $0x38;
	[tilespmem:$0x13D00] =	vst v63  }
0x377: {  	s8 =	sadd.s32 s3, s17;
	s16 =	sand.u32 $0x1FFFFFF0, s21;
	s17 =	spop (v2sf)  }
0x378: {  	[tilespmem:s19], [sflag:$0x2] =	stream.linear.gather [hbm4b:s8+s2], $0x80, $0x38;
	[tilespmem:$0x13D00] =	vst v63  }
0x379: {  	s8 =	sadd.s32 s3, s18;
	s17 =	sand.u32 $0x1FFFFFF0, s17;
	s18 =	spop (v2sf)  }
0x37a: {  	[tilespmem:s9], [sflag:$0x2] =	stream.linear.gather [hbm4b:s8+s2], $0x80, $0x38;
	[tilespmem:$0x13D00] =	vst v63  }
0x37b: {  	s8 =	sadd.s32 s3, s16;
	s9 =	sand.u32 $0x1FFFFFF0, s18;
	s16 =	spop (v2sf)  }
0x37c: {  	[tilespmem:s15], [sflag:$0x2] =	stream.linear.gather [hbm4b:s8+s2], $0x80, $0x38;
	[tilespmem:$0x13D00] =	vst v63  }
0x37d: {  	s8 =	sadd.s32 s3, s17;
	s15 =	sand.u32 $0x1FFFFFF0, s16;
	s16 =	spop (v2sf)  }
0x37e: {  	[tilespmem:s11], [sflag:$0x2] =	stream.linear.gather [hbm4b:s8+s2], $0x80, $0x38;
	[tilespmem:$0x13D00] =	vst v63  }
0x37f: {  	s8 =	sadd.s32 s3, s9;
	s9 =	sand.u32 $0x1FFFFFF0, s16;
	s11 =	spop (v2sf)  }
0x380: {  	[tilespmem:s13], [sflag:$0x2] =	stream.linear.gather [hbm4b:s8+s2], $0x80, $0x38;
	[tilespmem:$0x13D00] =	vst v63  }
0x381: {  	s8 =	sadd.s32 s3, s15;
	s11 =	sand.u32 $0x1FFFFFF0, s11;
	s13 =	spop (v2sf)  }
0x382: {  	[tilespmem:s12], [sflag:$0x2] =	stream.linear.gather [hbm4b:s8+s2], $0x80, $0x38;
	[tilespmem:$0x13D00] =	vst v63  }
0x383: {  	s8 =	sadd.s32 s3, s9;
	s9 =	sand.u32 $0x1FFFFFF0, s13;
	s12 =	spop (v2sf)  }
0x384: {  	[tilespmem:s7], [sflag:$0x2] =	stream.linear.gather [hbm4b:s8+s2], $0x80, $0x38;
	[tilespmem:$0x13D00] =	vst v63  }
0x385: {  	s7 =	sadd.s32 s3, s11;
	s8 =	sand.u32 $0x1FFFFFF0, s12  }
0x386: {  	[tilespmem:s10], [sflag:$0x2] =	stream.linear.gather [hbm4b:s7+s2], $0x80, $0x38;
	[tilespmem:$0x13D00] =	vst v63  }
0x387: {  	s9 =	sadd.s32 s3, s9;
	s7 =	sadd.s32 $0x6000, s0  }
0x388: {  	[tilespmem:s7], [sflag:$0x2] =	stream.linear.gather [hbm4b:s9+s2], $0x80, $0x38;
	[tilespmem:$0x13D00] =	vst v63  }
0x389: {  	s0 =	sadd.s32 $0x6080, s0;
	s7 =	sadd.s32 s3, s8  }
0x38a: {  	[tilespmem:s0], [sflag:$0x2] =	stream.linear.gather [hbm4b:s7+s2], $0x80, $0x38;
	[tilespmem:$0x13D00] =	vst v63  }
0x38b: {  	v0 =	vld [tilespmem:s1+$0x0];
	_ =	sdelay $0x4  }
0x38c: {  	v0 =	vshll.u32 v0, $0x4  }
0x38d: {  	(v2sf) =	vpush v0, $0x0  }
0x38e: {  	(v2sf) =	vpush v0, $0x1  }
0x38f: {  	(v2sf) =	vpush v0, $0x2;
	_ =	sdelay $0x1  }
0x390: {  	(v2sf) =	vpush v0, $0x4  }
.Ltmp12:
0x391: {  	(pc) =	sbr.rel @p0 .LBB2_26-.Ltmp12, $3  }
0x392: {  	(v2sf) =	vpush v0, $0x3  }
0x393: {  	(v2sf) =	vpush v0, $0x5;
	_ =	sdelay $0x1  }
0x394: {  	s0 =	sshra.s32 s4, $0x2;
	(v2sf) =	vpush v0, $0x6  }
0x395: {  	_ =	sdelay $0x1  }
0x396: {  	s8 =	sadd.s32 $0x5980, s0;
	s7 =	sadd.s32 $0x5E80, s0  }
0x397: {  	s9 =	sadd.s32 $0x5C80, s0;
	s1 =	sadd.s32 $0x5F00, s0;
	(v2sf) =	vpush v0, $0x7;
	s10 =	sadd.s32 $0x5B80, s0  }
0x398: {  	s11 =	sadd.s32 $0x5D00, s0;
	s4 =	sadd.s32 $0x5F80, s0;
	s12 =	sadd.s32 $0x5900, s0  }
0x399: {  	s13 =	sadd.s32 $0x5B00, s0;
	s14 =	sadd.s32 $0x5C00, s0;
	(v2sf) =	vpush v0, $0x8;
	s15 =	spop (v2sf)  }
0x39a: {  	s16 =	sadd.s32 $0x5A00, s0;
	s15 =	sand.u32 $0x1FFFFFF0, s15;
	s17 =	spop (v2sf)  }
0x39b: {  	(v2sf) =	vpush v0, $0x9;
	s15 =	sadd.s32 s3, s15;
	s17 =	sand.u32 $0x1FFFFFF0, s17;
	s18 =	spop (v2sf)  }
0x39c: {  	[tilespmem:s12], [sflag:$0x2] =	stream.linear.gather [hbm4b:s15+s2], $0x80, $0x38;
	[tilespmem:$0x13D00] =	vst v63  }
0x39d: {  	s19 =	sadd.s32 $0x5A80, s0;
	(v2sf) =	vpush v0, $0xA;
	s28 =	sadd.s32 s3, s17;
	s29 =	spop (v2sf)  }
0x39e: {  	[tilespmem:s8], [sflag:$0x2] =	stream.linear.gather [hbm4b:s28+s2], $0x80, $0x38;
	[tilespmem:$0x13D00] =	vst v63  }
0x39f: {  	s12 =	sadd.s32 $0x5E00, s0;
	s30 =	sand.u32 $0x1FFFFFF0, s18;
	(v2sf) =	vpush v0, $0xB;
	s31 =	spop (v2sf)  }
0x3a0: {  	s15 =	sadd.s32 s3, s30;
	s8 =	sadd.s32 $0x5D80, s0;
	s18 =	sand.u32 $0x1FFFFFF0, s31  }
0x3a1: {  	(v2sf) =	vpush v0, $0xC;
	[tilespmem:s16], [sflag:$0x2] =	stream.linear.gather [hbm4b:s15+s2], $0x80, $0x38;
	[tilespmem:$0x13D00] =	vst v63  }
0x3a2: {  	s21 =	sand.u32 $0x1FFFFFF0, s29;
	s22 =	spop (v2sf);
	s23 =	sadd.s32 s3, s18  }
0x3a3: {  	(v2sf) =	vpush v0, $0xD;
	[tilespmem:s19], [sflag:$0x2] =	stream.linear.gather [hbm4b:s23+s2], $0x80, $0x38;
	[tilespmem:$0x13D00] =	vst v63  }
0x3a4: {  	s15 =	sadd.s32 s3, s21;
	s16 =	sand.u32 $0x1FFFFFF0, s22;
	s24 =	spop (v2sf)  }
0x3a5: {  	(v2sf) =	vpush v0, $0xE;
	[tilespmem:s13], [sflag:$0x2] =	stream.linear.gather [hbm4b:s15+s2], $0x80, $0x38;
	[tilespmem:$0x13D00] =	vst v63  }
0x3a6: {  	s16 =	sadd.s32 s3, s16;
	s25 =	sand.u32 $0x1FFFFFF0, s24;
	s26 =	spop (v2sf)  }
0x3a7: {  	(v2sf) =	vpush v0, $0xF;
	[tilespmem:s10], [sflag:$0x2] =	stream.linear.gather [hbm4b:s16+s2], $0x80, $0x38;
	[tilespmem:$0x13D00] =	vst v63  }
0x3a8: {  	s28 =	sand.u32 $0x1FFFFFF0, s26;
	s29 =	spop (v2sf);
	s13 =	sadd.s32 s3, s25  }
0x3a9: {  	[tilespmem:s14], [sflag:$0x2] =	stream.linear.gather [hbm4b:s13+s2], $0x80, $0x38;
	[tilespmem:$0x13D00] =	vst v63  }
0x3aa: {  	s30 =	sand.u32 $0x1FFFFFF0, s29;
	s10 =	sadd.s32 s3, s28;
	s31 =	spop (v2sf)  }
0x3ab: {  	[tilespmem:s9], [sflag:$0x2] =	stream.linear.gather [hbm4b:s10+s2], $0x80, $0x38;
	[tilespmem:$0x13D00] =	vst v63  }
0x3ac: {  	s13 =	sadd.s32 s3, s30;
	s14 =	sand.u32 $0x1FFFFFF0, s31;
	s15 =	spop (v2sf)  }
0x3ad: {  	[tilespmem:s11], [sflag:$0x2] =	stream.linear.gather [hbm4b:s13+s2], $0x80, $0x38;
	[tilespmem:$0x13D00] =	vst v63  }
0x3ae: {  	s10 =	sand.u32 $0x1FFFFFF0, s15;
	s9 =	sadd.s32 s3, s14;
	s16 =	spop (v2sf)  }
0x3af: {  	[tilespmem:s8], [sflag:$0x2] =	stream.linear.gather [hbm4b:s9+s2], $0x80, $0x38;
	[tilespmem:$0x13D00] =	vst v63  }
0x3b0: {  	s10 =	sadd.s32 s3, s10;
	s17 =	sand.u32 $0x1FFFFFF0, s16;
	s18 =	spop (v2sf)  }
0x3b1: {  	[tilespmem:s12], [sflag:$0x2] =	stream.linear.gather [hbm4b:s10+s2], $0x80, $0x38;
	[tilespmem:$0x13D00] =	vst v63  }
0x3b2: {  	s8 =	sadd.s32 s3, s17;
	s9 =	sand.u32 $0x1FFFFFF0, s18;
	s19 =	spop (v2sf)  }
0x3b3: {  	[tilespmem:s7], [sflag:$0x2] =	stream.linear.gather [hbm4b:s8+s2], $0x80, $0x38;
	[tilespmem:$0x13D00] =	vst v63  }
0x3b4: {  	s21 =	sand.u32 $0x1FFFFFF0, s19;
	s9 =	sadd.s32 s3, s9;
	s22 =	spop (v2sf)  }
0x3b5: {  	[tilespmem:s1], [sflag:$0x2] =	stream.linear.gather [hbm4b:s9+s2], $0x80, $0x38;
	[tilespmem:$0x13D00] =	vst v63  }
0x3b6: {  	s23 =	sand.u32 $0x1FFFFFF0, s22;
	s24 =	spop (v2sf);
	s7 =	sadd.s32 s3, s21  }
0x3b7: {  	[tilespmem:s4], [sflag:$0x2] =	stream.linear.gather [hbm4b:s7+s2], $0x80, $0x38;
	[tilespmem:$0x13D00] =	vst v63  }
0x3b8: {  	s26 =	sadd.s32 $0x6000, s0;
	s25 =	sand.u32 $0x1FFFFFF0, s24;
	s1 =	sadd.s32 s3, s23  }
0x3b9: {  	[tilespmem:s26], [sflag:$0x2] =	stream.linear.gather [hbm4b:s1+s2], $0x80, $0x38;
	[tilespmem:$0x13D00] =	vst v63  }
0x3ba: {  	s28 =	sadd.s32 $0x6080, s0;
	s30 =	simm.s32 $0x1;
	s29 =	sadd.s32 s3, s25  }
0x3bb: {  	[tilespmem:s28], [sflag:$0x2] =	stream.linear.gather [hbm4b:s29+s2], $0x80, $0x38;
	[tilespmem:$0x13D00] =	vst v63  }
0x3bc: {  	_ =	swait.ge [sflag:s30], $0x4000  }
0x3bd: {  	[sflag:s30] =	ssyncset.done $0x0  }
0x3be: {  	s31 =	rddreg [dreg:$0x6];
	[sflag:s30] =	ssyncadd.s32 $0xFFFFC000  }
0x3bf: {  	v2 =	vld [tilespmem:s31+$0xD900]  }
0x3c0: {  	v6 =	vld [tilespmem:s31+$0xD910]  }
0x3c1: {  	v4 =	vld [tilespmem:s31+$0xD920]  }
0x3c2: {  	v1 =	vld [tilespmem:s31+$0xD930]  }
0x3c3: {  	v3 =	vld [tilespmem:s31+$0xD940]  }
0x3c4: {  	s0 =	simm.s32 $0x0;
	v5 =	vld [tilespmem:s31+$0xD950]  }
0x3c5: {  	v8 =	vld [tilespmem:s0+$0x1930]  }
0x3c6: {  	v11 =	vld [tilespmem:s0+$0x19C0]  }
0x3c7: {  	v12 =	vld [tilespmem:s0+$0x19A0]  }
0x3c8: {  	v7 =	vld [tilespmem:s0+$0x1910]  }
0x3c9: {  	v13 =	vld [tilespmem:s0+$0x1920]  }
0x3ca: {  	v14 =	vld [tilespmem:s0+$0x1990]  }
0x3cb: {  	v16 =	vld [tilespmem:s0+$0x1900]  }
0x3cc: {  	v17 =	vld [tilespmem:s0+$0x1940]  }
0x3cd: {  	v0 =	vld [tilespmem:s31+$0xD970];
	v10 =	vadd.f32 v7, v6  }
0x3ce: {  	v9 =	vld [tilespmem:s0+$0x1950];
	v8 =	vadd.f32 v8, v1  }
0x3cf: {  	v7 =	vld [tilespmem:s0+$0x19B0];
	v13 =	vadd.f32 v13, v4;
	v18 =	vadd.f32 v11, v3;
	[tilespmem:s0+$0x1910] =	vst v10  }
0x3d0: {  	v15 =	vadd.f32 v14, v6;
	v14 =	vadd.f32 v12, v4;
	v10 =	vld [tilespmem:s0+$0x19D0];
	[tilespmem:s0+$0x1930] =	vst v8  }
0x3d1: {  	s4 =	simm.s32 $0x800;
	s1 =	simm.s32 $0x400;
	v12 =	vld [tilespmem:s0+$0x1980];
	v11 =	vadd.f32 v16, v2;
	v8 =	vadd.f32 v17, v3;
	[tilespmem:s0+$0x19C0] =	vst v18  }
.LBB2_28:
0x3d2: {  	p0 =	sne.s32 s4, $0xFC00  }
0x3d3: {  	s7 =	sshra.s32 s1, $0x2;
	[tilespmem:s0+$0x1990] =	vst v15;
	s1 =	smov.u32 s4;
	s4 =	sadd.s32 $0x400, s4  }
0x3d4: {  	v15 =	vld [tilespmem:s7+$0x1930];
	[tilespmem:s0+$0x1920] =	vst v13;
	v9 =	vadd.f32 v9, v5  }
0x3d5: {  	v16 =	vld [tilespmem:s7+$0x19C0];
	[tilespmem:s0+$0x19A0] =	vst v14;
	v10 =	vadd.f32 v10, v5  }
0x3d6: {  	v14 =	vld [tilespmem:s7+$0x19A0];
	[tilespmem:s0+$0x1950] =	vst v9  }
0x3d7: {  	v9 =	vld [tilespmem:s0+$0x1954];
	v12 =	vadd.f32 v12, v2;
	[tilespmem:s0+$0x19D0] =	vst v10  }
0x3d8: {  	[tilespmem:s0+$0x1900] =	vst v11;
	v10 =	vld [tilespmem:s0+$0x19D4]  }
0x3d9: {  	v11 =	vld [tilespmem:s7+$0x1910];
	[tilespmem:s0+$0x1980] =	vst v12  }
0x3da: {  	v12 =	vld [tilespmem:s7+$0x1920];
	[tilespmem:s0+$0x1940] =	vst v8  }
0x3db: {  	v7 =	vadd.f32 v7, v1;
	v8 =	vld [tilespmem:s7+$0x1990]  }
0x3dc: {  	v17 =	vld [tilespmem:s7+$0x1900];
	v9 =	vadd.f32 v9, v0  }
0x3dd: {  	v18 =	vld [tilespmem:s7+$0x1940];
	[tilespmem:s0+$0x19B0] =	vst v7;
	v10 =	vadd.f32 v10, v0  }
.Ltmp13:
0x3de: {  	v19 =	vadd.f32 v15, v1;
	v11 =	vadd.f32 v11, v6;
	v7 =	vld [tilespmem:s7+$0x19B0];
	[tilespmem:s0+$0x1954] =	vst v9;
	(pc) =	sbr.rel @p0 .LBB2_28-.Ltmp13, $4  }
0x3df: {  	v13 =	vadd.f32 v12, v4;
	v9 =	vld [tilespmem:s7+$0x1950];
	[tilespmem:s0+$0x19D4] =	vst v10;
	s0 =	smov.u32 s7  }
0x3e0: {  	v16 =	vadd.f32 v16, v3;
	[tilespmem:s0+$0x1910] =	vst v11;
	v15 =	vadd.f32 v8, v6;
	v10 =	vld [tilespmem:s0+$0x19D0]  }
0x3e1: {  	v14 =	vadd.f32 v14, v4;
	[tilespmem:s0+$0x1930] =	vst v19  }
0x3e2: {  	v11 =	vadd.f32 v17, v2;
	v8 =	vadd.f32 v18, v3;
	v12 =	vld [tilespmem:s0+$0x1980];
	[tilespmem:s0+$0x19C0] =	vst v16  }
0x3e3: {  	s1 =	sshra.s32 s1, $0x2;
	[tilespmem:s0+$0x1990] =	vst v15  }
0x3e4: {  	v15 =	vld [tilespmem:s1+$0x1930];
	[tilespmem:s0+$0x1920] =	vst v13;
	v9 =	vadd.f32 v9, v5  }
0x3e5: {  	v13 =	vld [tilespmem:s1+$0x19C0];
	[tilespmem:s0+$0x19A0] =	vst v14;
	v10 =	vadd.f32 v10, v5  }
0x3e6: {  	v14 =	vld [tilespmem:s1+$0x19A0];
	[tilespmem:s0+$0x1950] =	vst v9  }
0x3e7: {  	v9 =	vld [tilespmem:s0+$0x1954];
	[tilespmem:s0+$0x19D0] =	vst v10;
	v10 =	vadd.f32 v12, v2  }
0x3e8: {  	[tilespmem:s0+$0x1900] =	vst v11;
	v11 =	vld [tilespmem:s0+$0x19D4]  }
0x3e9: {  	v12 =	vld [tilespmem:s1+$0x1910];
	[tilespmem:s0+$0x1980] =	vst v10  }
0x3ea: {  	v10 =	vld [tilespmem:s1+$0x1920];
	[tilespmem:s0+$0x1940] =	vst v8  }
0x3eb: {  	v7 =	vadd.f32 v7, v1;
	v8 =	vld [tilespmem:s1+$0x1990]  }
0x3ec: {  	v16 =	vld [tilespmem:s1+$0x1900];
	v9 =	vadd.f32 v9, v0  }
0x3ed: {  	v17 =	vld [tilespmem:s1+$0x1940];
	[tilespmem:s0+$0x19B0] =	vst v7;
	v11 =	vadd.f32 v11, v0  }
0x3ee: {  	v7 =	vld [tilespmem:s1+$0x19B0];
	[tilespmem:s0+$0x1954] =	vst v9  }
0x3ef: {  	v9 =	vld [tilespmem:s1+$0x1950];
	[tilespmem:s0+$0x19D4] =	vst v11  }
0x3f0: {  	v15 =	vadd.f32 v15, v1;
	v11 =	vadd.f32 v12, v6;
	v12 =	vld [tilespmem:s1+$0x19D0];
	_ =	sdelay $0x1  }
0x3f1: {  	v6 =	vadd.f32 v8, v6;
	[tilespmem:s1+$0x1930] =	vst v15  }
0x3f2: {  	[tilespmem:s1+$0x1910] =	vst v11;
	v11 =	vadd.f32 v13, v3  }
0x3f3: {  	[tilespmem:s1+$0x1990] =	vst v6;
	v9 =	vadd.f32 v9, v5  }
0x3f4: {  	v8 =	vld [tilespmem:s1+$0x1980];
	[tilespmem:s1+$0x19C0] =	vst v11;
	v5 =	vadd.f32 v12, v5  }
0x3f5: {  	v6 =	vadd.f32 v10, v4;
	[tilespmem:s1+$0x1950] =	vst v9  }
0x3f6: {  	v3 =	vadd.f32 v17, v3;
	v9 =	vld [tilespmem:s1+$0x1954];
	[tilespmem:s1+$0x19D0] =	vst v5  }
0x3f7: {  	v1 =	vadd.f32 v7, v1;
	[tilespmem:s1+$0x1920] =	vst v6;
	v6 =	vld [tilespmem:s1+$0x19D4]  }
0x3f8: {  	v4 =	vadd.f32 v14, v4;
	[tilespmem:s1+$0x1940] =	vst v3  }
0x3f9: {  	[tilespmem:s1+$0x19B0] =	vst v1;
	v5 =	vadd.f32 v16, v2;
	v2 =	vadd.f32 v8, v2  }
0x3fa: {  	[tilespmem:s1+$0x19A0] =	vst v4  }
0x3fb: {  	[tilespmem:s1+$0x1980] =	vst v2;
	v2 =	vadd.f32 v9, v0  }
0x3fc: {  	[tilespmem:s1+$0x1900] =	vst v5;
	v0 =	vadd.f32 v6, v0  }
0x3fd: {  	[tilespmem:s1+$0x1954] =	vst v2  }
0x3fe: {  	s29 =	simm.s32 $0x0;
	s30 =	rddreg [dreg:$0x7];
	s4 =	simm.s32 $0x1900;
	[tilespmem:s1+$0x19D4] =	vst v0  }
0x3ff: {  	[hbm4b:s30+s29] =	stream.linear.scatter [tilespmem:s4], [sflag:$0x4], $0x4000, $0x38;
	[tilespmem:$0x13D00] =	vst v63  }
0x400: {  	_ =	swait.ge [sflag:s20], $0x4000  }
0x401: {  	[sflag:s20] =	ssyncset.done $0x0  }
0x402: {  	s31 =	rddreg [dreg:$0x8];
	[sflag:s20] =	ssyncadd.s32 $0xFFFFC000  }
0x403: {  	v2 =	vld [tilespmem:s31+$0xD900]  }
0x404: {  	v6 =	vld [tilespmem:s31+$0xD910]  }
0x405: {  	v4 =	vld [tilespmem:s31+$0xD920]  }
0x406: {  	v1 =	vld [tilespmem:s31+$0xD930]  }
0x407: {  	v3 =	vld [tilespmem:s31+$0xD940]  }
0x408: {  	s0 =	simm.s32 $0x0;
	v5 =	vld [tilespmem:s31+$0xD950]  }
0x409: {  	v8 =	vld [tilespmem:s0+$0x5930]  }
0x40a: {  	v11 =	vld [tilespmem:s0+$0x59C0]  }
0x40b: {  	v12 =	vld [tilespmem:s0+$0x59A0]  }
0x40c: {  	v7 =	vld [tilespmem:s0+$0x5910]  }
0x40d: {  	v13 =	vld [tilespmem:s0+$0x5920]  }
0x40e: {  	v14 =	vld [tilespmem:s0+$0x5990]  }
0x40f: {  	v16 =	vld [tilespmem:s0+$0x5900]  }
0x410: {  	v17 =	vld [tilespmem:s0+$0x5940]  }
0x411: {  	v0 =	vld [tilespmem:s31+$0xD970];
	v10 =	vadd.f32 v7, v6  }
0x412: {  	v9 =	vld [tilespmem:s0+$0x5950];
	v8 =	vadd.f32 v8, v1  }
0x413: {  	v7 =	vld [tilespmem:s0+$0x59B0];
	v13 =	vadd.f32 v13, v4;
	v18 =	vadd.f32 v11, v3;
	[tilespmem:s0+$0x5910] =	vst v10  }
0x414: {  	v15 =	vadd.f32 v14, v6;
	v14 =	vadd.f32 v12, v4;
	v10 =	vld [tilespmem:s0+$0x59D0];
	[tilespmem:s0+$0x5930] =	vst v8  }
0x415: {  	s1 =	simm.s32 $0x400;
	s4 =	simm.s32 $0x800;
	v12 =	vld [tilespmem:s0+$0x5980];
	v11 =	vadd.f32 v16, v2;
	v8 =	vadd.f32 v17, v3;
	[tilespmem:s0+$0x59C0] =	vst v18  }
.LBB2_30:
0x416: {  	p0 =	sne.s32 s4, $0xFC00  }
0x417: {  	s7 =	sshra.s32 s1, $0x2;
	[tilespmem:s0+$0x5990] =	vst v15;
	s1 =	smov.u32 s4;
	s4 =	sadd.s32 $0x400, s4  }
0x418: {  	v15 =	vld [tilespmem:s7+$0x5930];
	[tilespmem:s0+$0x5920] =	vst v13;
	v9 =	vadd.f32 v9, v5  }
0x419: {  	v16 =	vld [tilespmem:s7+$0x59C0];
	[tilespmem:s0+$0x59A0] =	vst v14;
	v10 =	vadd.f32 v10, v5  }
0x41a: {  	v14 =	vld [tilespmem:s7+$0x59A0];
	[tilespmem:s0+$0x5950] =	vst v9  }
0x41b: {  	v9 =	vld [tilespmem:s0+$0x5954];
	v12 =	vadd.f32 v12, v2;
	[tilespmem:s0+$0x59D0] =	vst v10  }
0x41c: {  	[tilespmem:s0+$0x5900] =	vst v11;
	v10 =	vld [tilespmem:s0+$0x59D4]  }
0x41d: {  	v11 =	vld [tilespmem:s7+$0x5910];
	[tilespmem:s0+$0x5980] =	vst v12  }
0x41e: {  	v12 =	vld [tilespmem:s7+$0x5920];
	[tilespmem:s0+$0x5940] =	vst v8  }
0x41f: {  	v7 =	vadd.f32 v7, v1;
	v8 =	vld [tilespmem:s7+$0x5990]  }
0x420: {  	v17 =	vld [tilespmem:s7+$0x5900];
	v9 =	vadd.f32 v9, v0  }
0x421: {  	v18 =	vld [tilespmem:s7+$0x5940];
	[tilespmem:s0+$0x59B0] =	vst v7;
	v10 =	vadd.f32 v10, v0  }
.Ltmp14:
0x422: {  	v19 =	vadd.f32 v15, v1;
	v11 =	vadd.f32 v11, v6;
	v7 =	vld [tilespmem:s7+$0x59B0];
	[tilespmem:s0+$0x5954] =	vst v9;
	(pc) =	sbr.rel @p0 .LBB2_30-.Ltmp14, $4  }
0x423: {  	v13 =	vadd.f32 v12, v4;
	v9 =	vld [tilespmem:s7+$0x5950];
	[tilespmem:s0+$0x59D4] =	vst v10;
	s0 =	smov.u32 s7  }
0x424: {  	v16 =	vadd.f32 v16, v3;
	[tilespmem:s0+$0x5910] =	vst v11;
	v15 =	vadd.f32 v8, v6;
	v10 =	vld [tilespmem:s0+$0x59D0]  }
0x425: {  	v14 =	vadd.f32 v14, v4;
	[tilespmem:s0+$0x5930] =	vst v19  }
0x426: {  	v11 =	vadd.f32 v17, v2;
	v8 =	vadd.f32 v18, v3;
	v12 =	vld [tilespmem:s0+$0x5980];
	[tilespmem:s0+$0x59C0] =	vst v16  }
0x427: {  	s1 =	sshra.s32 s1, $0x2;
	[tilespmem:s0+$0x5990] =	vst v15  }
0x428: {  	v15 =	vld [tilespmem:s1+$0x5930];
	[tilespmem:s0+$0x5920] =	vst v13;
	v9 =	vadd.f32 v9, v5  }
0x429: {  	v13 =	vld [tilespmem:s1+$0x59C0];
	[tilespmem:s0+$0x59A0] =	vst v14;
	v10 =	vadd.f32 v10, v5  }
0x42a: {  	v14 =	vld [tilespmem:s1+$0x59A0];
	[tilespmem:s0+$0x5950] =	vst v9  }
0x42b: {  	v9 =	vld [tilespmem:s0+$0x5954];
	[tilespmem:s0+$0x59D0] =	vst v10;
	v46 =	vadd.f32 v12, v2  }
0x42c: {  	[tilespmem:s0+$0x5900] =	vst v11;
	v47 =	vld [tilespmem:s0+$0x59D4]  }
0x42d: {  	v48 =	vld [tilespmem:s1+$0x5910];
	[tilespmem:s0+$0x5980] =	vst v46  }
0x42e: {  	v10 =	vld [tilespmem:s1+$0x5920];
	[tilespmem:s0+$0x5940] =	vst v8  }
0x42f: {  	v7 =	vadd.f32 v7, v1;
	v8 =	vld [tilespmem:s1+$0x5990]  }
0x430: {  	v16 =	vld [tilespmem:s1+$0x5900];
	v9 =	vadd.f32 v9, v0  }
0x431: {  	v17 =	vld [tilespmem:s1+$0x5940];
	[tilespmem:s0+$0x59B0] =	vst v7;
	v11 =	vadd.f32 v47, v0  }
0x432: {  	v7 =	vld [tilespmem:s1+$0x59B0];
	[tilespmem:s0+$0x5954] =	vst v9  }
0x433: {  	v9 =	vld [tilespmem:s1+$0x5950];
	[tilespmem:s0+$0x59D4] =	vst v11  }
0x434: {  	v49 =	vadd.f32 v48, v6;
	v50 =	vld [tilespmem:s1+$0x59D0]  }
0x435: {  	v15 =	vadd.f32 v15, v1  }
0x436: {  	v51 =	vadd.f32 v13, v3;
	[tilespmem:s1+$0x5910] =	vst v49  }
0x437: {  	v56 =	vadd.f32 v14, v4;
	[tilespmem:s1+$0x5930] =	vst v15  }
0x438: {  	[tilespmem:s1+$0x59C0] =	vst v51;
	v9 =	vadd.f32 v9, v5  }
0x439: {  	[tilespmem:s1+$0x59A0] =	vst v56;
	v54 =	vadd.f32 v50, v5  }
0x43a: {  	v55 =	vadd.f32 v10, v4;
	v53 =	vld [tilespmem:s1+$0x5980];
	[tilespmem:s1+$0x5950] =	vst v9  }
0x43b: {  	v52 =	vadd.f32 v8, v6;
	v9 =	vld [tilespmem:s1+$0x5954];
	[tilespmem:s1+$0x59D0] =	vst v54  }
0x43c: {  	v57 =	vadd.f32 v16, v2;
	[tilespmem:s1+$0x5920] =	vst v55;
	v58 =	vld [tilespmem:s1+$0x59D4]  }
0x43d: {  	v60 =	vadd.f32 v17, v3;
	[tilespmem:s1+$0x5990] =	vst v52  }
0x43e: {  	v61 =	vadd.f32 v7, v1;
	[tilespmem:s1+$0x5900] =	vst v57  }
0x43f: {  	[tilespmem:s1+$0x5940] =	vst v60;
	v59 =	vadd.f32 v53, v2  }
0x440: {  	[tilespmem:s1+$0x59B0] =	vst v61;
	v62 =	vadd.f32 v9, v0  }
0x441: {  	[tilespmem:s1+$0x5980] =	vst v59;
	v63 =	vadd.f32 v58, v0  }
0x442: {  	[tilespmem:s1+$0x5954] =	vst v62  }
0x443: {  	s25 =	rddreg [dreg:$0x9];
	s26 =	simm.s32 $0x5900;
	s28 =	simm.s32 $0x4;
	[tilespmem:s1+$0x59D4] =	vst v63  }
0x444: {  	[hbm4b:s25+s2] =	stream.linear.scatter [tilespmem:s26], [sflag:$0x5], $0x4000, $0x38;
	[tilespmem:$0x13D00] =	vst v63  }
0x445: {  	_ =	swait.ge [sflag:s28], $0x4000  }
0x446: {  	[sflag:s28] =	ssyncset.done $0x0  }
0x447: {  	s29 =	simm.s32 $0x5;
	[sflag:s28] =	ssyncadd.s32 $0xFFFFC000  }
0x448: {  	_ =	swait.ge [sflag:s29], $0x4000  }
0x449: {  	[sflag:s29] =	ssyncset.done $0x0  }
0x44a: {  	s30 =	simm.s32 $0x6;
	[sflag:s29] =	ssyncadd.s32 $0xFFFFC000  }
0x44b: {  	_ =	swait.ge [sflag:s30], $0x4000  }
0x44c: {  	s4 =	rddreg [dreg:$0xb]  }
0x44d: {  	s31 =	rddreg [dreg:$0xa];
	s4 =	sadd.s32 $0x1, s4  }
0x44e: {  	p0 =	sne.s32 s4, s31  }
.Ltmp15:
0x44f: {  	_ = 	snop;
	(pc) =	sbr.rel @p0 .LBB2_1-.Ltmp15, $3  }
0x450: {  	_ =	sdelay $0x1  }
0x451: {  	[sflag:s30] =	ssyncset.done $0x0  }
0x452: {  	[sflag:s30] =	ssyncadd.s32 $0xFFFFC000  }
0x453: {  	_ =	sfence.sel $0x180000  }
0x454: {  	[bflag:$0x0] =	sbarrier.arrive $0xFFFF  }
0x455: {  	_ =	strace $0x90000047  }
0x456: {  	s0 =	stileid.u32;
	[bflag:$0x2] =	sbarrier.arrive $0xFFFF  }
0x457: {  	p0 =	sne.s32 s0, $0x0;
	s0 =	rddreg [dreg:$0x2]  }
0x458: {  	s0 =	sadd.s32 @!p0 $0x100000, s0  }
0x459: {  	[sflag:s0] =	ssyncadd.tile.s32 @!p0 $0x1;
	_ =	shalt  }
.Lfunc_end2:
_tile_overlayer_lowered:
.L_overlay_start_2:
0x45a: {  	(tag) =	ssettag $0x2  }
0x45b: {  	s0 =	rddreg [dreg:$0x0];
	s2 =	stileid.u32  }
0x45c: {  	s1 =	rddreg [dreg:$0x1];
	p0 =	sne.s32 s2, $0x0  }
0x45d: {  	s3 =	rddreg [dreg:$0x2];
	[bflag:$0x3] =	sbarrier.arrive $0xFFFF;
	s2 =	simm.s32 @!p0 $0x1C07  }
0x45e: {  	[timem:s3], [sflag:s2] =	dma.local @!p0 [hbm:s0], s1  }
0x45f: {  	s0 =	simm.s32 @!p0 $0x7  }
0x460: {  	_ =	swait.ge @!p0 [sflag:s0], s1  }
0x461: {  	s1 =	ssub.s32 @!p0 $0x0, s1;
	[sflag:s0] =	ssyncset.done @!p0 $0x0  }
0x462: {  	[sflag:s0] =	ssyncadd.s32 @!p0 s1  }
0x463: {  	[bflag:$0x3] =	sbarrier.arrive $0xFFFF  }
0x464: {  	_ =	shalt  }

// kernel: sparse-core-data-format-call.cloned.1.call-start
scs
called_computation_lowered:
.L_overlay_start_0:
0x0: {  	s2 =	sld [smem:$0x3FD9]  }
0x1: {  	s3 =	sld [smem:$0x3FFE];
	_ =	sdelay $0x1  }
0x2: {  	s1 =	srdreg.scid  }
0x3: {  	s0 =	sand.u32 $0x1, s1  }
0x4: {  	s18 =	sshll.u32 s0, $0xA;
	s2 =	sadd.s32 s3, s2  }
0x5: {  	s2 =	sadd.s32 s2, s18  }
0x6: {  	[smem:$0x3FC6] =	sst s2  }
0x7: {  	_ = 	snop  }
0x8: {  	s2 =	sld [smem:$0x3FD0];
	(tm) =	ssettm $0x1  }
0x9: {  	s19 =	sld [smem:$0x3FFB];
	_ =	sdelay $0x3  }
0xa: {  	_ =	strace s19  }
0xb: {  	s3 =	sld [smem:$0x3FFC];
	_ =	sdelay $0x3  }
0xc: {  	_ =	strace s3  }
0xd: {  	s3 =	sld [smem:$0x3FFD];
	_ =	sdelay $0x3  }
0xe: {  	_ =	strace s3  }
0xf: {  	_ =	strace $0x8FFFFFFF  }
0x10: {  	s20 =	sld [smem:$0x3FDB];
	_ =	sdelay $0x1  }
0x11: {  	s4 =	simm.s32 $_scs_section_size  }
0x12: {  	s5 =	simm.s32 $_size__tile_overlayer_lowered;
	s6 =	simm.s32 $_tile_overlayer_lowered  }
0x13: {  	s23 =	simm.s32 $0x1BFF;
	s22 =	sshll.u32 s6, $0x1;
	s3 =	sadd.s32 s4, s20  }
0x14: {  	s7 =	simm.s32 $0x0;
	s21 =	sshll.u32 s5, $0x1;
	s5 =	sadd.s32 s22, s3  }
0x15: {  	[timem:s7], [sflag:s23] =	dma.local [hbm:s5], s21  }
0x16: {  	_ =	swait.ge [sflag:s23], s21  }
0x17: {  	s4 =	ssub.s32 $0x0, s21;
	[sflag:s23] =	ssyncset.done $0x0  }
0x18: {  	[sflag:s23] =	ssyncadd.s32 s4;
	_ =	sdelay $0x1  }
0x19: {  	s24 =	simm.s32 $0x1B8B  }
0x1a: {  	_ =	swait.ge [sflag:s24], $0x1  }
0x1b: {  	[sflag:s24] =	ssyncset.done $0x0  }
0x1c: {  	s26 =	simm.s32 $0x1B8E;
	s25 =	sld [smem:$0x3FFE];
	[sflag:s24] =	ssyncadd.s32 $0xFFFFFFFF  }
0x1d: {  	s27 =	simm.s32 $execute0_lowered;
	[smem:$0x3FD2] =	sst s26  }
0x1e: {  	s5 =	sshll.u32 s27, $0x1;
	_ =	strace $0x80000049;
	[dreg:$0x1] =	wrdreg $0xFFFFFFFF  }
0x1f: {  	s28 =	simm.s32 $_size_execute0_lowered;
	s3 =	sadd.s32 s3, s5;
	[dreg:$0x0] =	wrdreg $0x0  }
0x20: {  	s5 =	sshll.u32 s28, $0x1;
	[dreg:$0x2] =	wrdreg s3  }
0x21: {  	[dreg:$0x3] =	wrdreg s5  }
0x22: {  	[dreg:$0x4] =	wrdreg $0xC0  }
0x23: {  	_ =	task [dreg:s7], $0x5FFFF  }
0x24: {  	[dreg:$0x1] =	wrdreg $0xFFFFFFFF  }
0x25: {  	[dreg:$0x0] =	wrdreg $0x60  }
0x26: {  	[dreg:$0x2] =	wrdreg s25  }
0x27: {  	[dreg:$0x3] =	wrdreg s2  }
0x28: {  	[dreg:$0x4] =	wrdreg $0x9  }
0x29: {  	_ =	task.clear_ibuf [dreg:s7], $0x5FFFF;
	_ =	strace $0x90000049  }
0x2a: {  	s29 =	simm.s32 $0x9;
	_ =	strace $0x8000004B  }
0x2b: {  	_ =	swait.ge [sflag:s29], $0x1  }
0x2c: {  	[sflag:s29] =	ssyncadd.s32 $0xFFFFFFFF  }
0x2d: {  	_ =	strace $0x9000004B  }
0x2e: {  	_ =	sfence  }
0x2f: {  	s30 =	sld [smem:$0x0];
	_ =	sdelay $0x2  }
0x30: {  	s31 =	sshll.u32 s1, $0xD;
	s1 =	sshrl.u32 s1, $0x2  }
0x31: {  	s3 =	sand.u32 $0x4000, s31;
	s1 =	sadd.s32 s1, s30  }
0x32: {  	s0 =	sor.u32 s3, s0;
	s1 =	sshll.u32 s1, $0x11  }
0x33: {  	s0 =	sor.u32 s1, s0  }
0x34: {  	s0 =	sadd.s32 $0x8F2B, s0  }
0x35: {  	[sflag:s0] =	ssyncadd.remote.s32 $0x1  }
0x36: {  	_ =	sfence.sel $0xFFFF  }
0x37: {  	[dreg:$0x0] =	wrdreg $0xFFFFFFFF;
	(pc) =	sbr.abs _section_cstart, $3  }
0x38: {  	[dreg:$0x1] =	wrdreg $0xFFFFFFFF  }
0x39: {  	_ =	task.clear_ibuf [dreg:s7], $0x2FFFF;
	_ =	strace $0x9FFFFFFF  }
0x3a: {  	(tm) =	ssettm $0x7FFFFFFF  }
0x3b: {  	_ =	shalt  }
tec
execute0_lowered:
.L_overlay_start_1:
0x0: {  	(tag) =	ssettag $0x1  }
0x1: {  	s0 =	stileid.u32  }
0x2: {  	s1 =	srdreg.scid;
	s6 =	rddreg [dreg:$0x0]  }
0x3: {  	s3 =	rddreg [dreg:$0x1];
	s2 =	sshll.u32 s0, $0x5;
	s1 =	sshll.u32 s1, $0x9  }
0x4: {  	s31 =	simm.s32 $0x2;
	s14 =	simm.s32 $0x0;
	s1 =	sor.u32 s2, s1  }
0x5: {  	s9 =	simm.s32 $0x80;
	s10 =	simm.s32 $0x32000;
	s2 =	sand.u32 $0x380, s1  }
0x6: {  	s15 =	simm.s32 $0x0;
	s11 =	simm.s32 $0x0;
	s4 =	ssub.s32 $0x400, s2  }
0x7: {  	s1 =	rddreg [dreg:$0x2];
	_ =	strace $0x8000004A;
	s5 =	sand.u32 $0x380, s4  }
0x8: {  	s8 =	sshll.u32 s2, $0x4;
	p0 =	sne.s32 s5, $0x0;
	s5 =	simm.s32 $0x1  }
.Ltmp0:
0x9: {  	s7 =	sshrl.u32 s4, $0xA;
	s5 =	simm.s32 @!p0 $0x0;
	(pc) =	sbr.rel .LBB1_1-.Ltmp0, $4  }
0xa: {  	s4 =	simm.s32 $0x1;
	s8 =	sadd.s32 s8, s6;
	s5 =	sadd.s32 s5, s7  }
0xb: {  	s6 =	sand.u32 $0x3, s0;
	[sflag:s4] =	ssyncpa.u1 $0x0;
	s5 =	smul.u32 $0x32, s5  }
0xc: {  	s13 =	simm.s32 $0x0;
	s12 =	smov.u32 s6;
	[sflag:s31] =	ssyncpa.u1 $0x0  }
0xd: {  	p0 =	por $0x0, $0x0;
	s7 =	sadd.s32 $0xF43C00, s8;
	s8 =	sor.u32 $0x1, s5  }
.LBB1_4:
0xe: {  	v5 =	vld [tilespmem:s17+$0xFFFFFFD0];
	[tilespmem:s19+$0x2040 ss:$0x81] =	vst.msk $0xffff, v2  }
0xf: {  	v58 =	vld [tilespmem:s17+$0xFFFFFFE0];
	[tilespmem:s19+$0x2850 ss:$0x81] =	vst.msk $0xffff, v4;
	s21 =	sshll.u32 s11, $0xA  }
0x10: {  	s20 =	sshra.s32 s20, $0x2;
	v59 =	vld [tilespmem:s17+$0xFFFFFFF0];
	[tilespmem:s19+$0x3060 ss:$0x81] =	vst.msk $0xffff, v3;
	s15 =	sshll.u32 s15, $0x3;
	s21 =	sand.u32 $0xFFFFE000, s21  }
0x11: {  	v60 =	vld [tilespmem:s17+$0x0];
	[tilespmem:s19+$0x0 ss:$0x81] =	vst.msk $0xffff, v0;
	p1 =	sgt.s32 s11, $0xC7;
	s18 =	sadd.s32 s20, s18;
	s15 =	sor.u32 s15, s21  }
0x12: {  	v61 =	vld [tilespmem:s17+$0x10];
	s19 =	smov.u32 s11;
	s26 =	sshra.s32 s11, $0x1F;
	[tilespmem:s18+$0x3870 ss:$0x81] =	vst.msk $0xffff, v1;
	s15 =	sshrl.u32 s15, $0xA  }
0x13: {  	v62 =	vld [tilespmem:s17+$0x20];
	s19 =	simm.s32 @!p1 $0xC7;
	s20 =	sand.u32 s26, s11;
	s27 =	smulhi.u32 $0x147AE15, s15;
	[tilespmem:s18+$0x810 ss:$0x81] =	vst.msk $0xffff, v5  }
0x14: {  	v63 =	vld [tilespmem:s17+$0xFFFFFFC0];
	s28 =	ssub.s32 s19, s20;
	[tilespmem:s18+$0x1020 ss:$0x81] =	vst.msk $0xffff, v58  }
0x15: {  	s20 =	ssub.s32 $0xC8, s28;
	[tilespmem:s18+$0x1830 ss:$0x81] =	vst.msk $0xffff, v59;
	s29 =	smul.u32 $0xC8, s27  }
0x16: {  	s30 =	sshll.u32 s11, $0x4;
	s17 =	sadd.s32 $0xFFFFFF39, s28;
	s20 =	smul.u32 $0x3200, s20;
	[tilespmem:s18+$0x2040 ss:$0x81] =	vst.msk $0xffff, v60  }
0x17: {  	s31 =	sand.u32 $0x70, s30;
	p1 =	sgt.s32 s17, $0x0;
	[tilespmem:s18+$0x2850 ss:$0x81] =	vst.msk $0xffff, v61;
	s15 =	ssub.s32 s15, s29  }
0x18: {  	s17 =	sadd.s32 s3, s31;
	[tilespmem:s18+$0x3060 ss:$0x81] =	vst.msk $0xffff, v62;
	s19 =	sand.u32 $0x3FFFFE00, s20;
	s15 =	sshll.u32 s15, $0x7  }
0x19: {  	[tilespmem:s18+$0x0 ss:$0x81] =	vst.msk $0xffff, v63;
	s19 =	simm.s32 @p1 $0x0;
	s15 =	sadd.s32 s15, s17  }
0x1a: {  	[hbm4b:s15+s9] =	stream.strided.scatter [tilespmem:s16], [sflag:$0x2], s19, s10, s9, $0x20;
	[tilespmem:$0x10100] =	vst v63  }
.LBB1_5:
0x1b: {  	p1 =	slt.u32 s13, $0x2  }
0x1c: {  	p2 =	sgt.s32 @!p1 s14, $0xC7  }
0x1d: {  	s15 =	smov.u32 s14;
	s16 =	sshra.s32 @!p1 s14, $0x1F;
	p2 =	por !p2, p1  }
0x1e: {  	s14 =	sand.u32 @!p1 s16, s14;
	s15 =	simm.s32 @p2 $0xC7  }
0x1f: {  	s14 =	ssub.s32 @!p1 s15, s14  }
0x20: {  	s15 =	ssub.s32 @!p1 $0xC8, s14  }
0x21: {  	s14 =	sadd.s32 @!p1 $0xFFFFFF39, s14;
	s15 =	smul.u32 @!p1 $0x3200, s15  }
0x22: {  	p2 =	sgt.s32 @!p1 s14, $0x0  }
0x23: {  	s16 =	sadd.s32 $0x4, s12;
	p2 =	por !p2, p1;
	s14 =	sand.u32 @!p1 $0x3FFFFE00, s15  }
0x24: {  	s14 =	simm.s32 @!p2 $0x0;
	p2 =	sgt.s32 s16, $0xC7  }
0x25: {  	s16 =	smov.u32 @p2 s6;
	p2 =	sne.s32 s13, s8  }
.Ltmp1:
0x26: {  	_ = 	snop;
	(pc) =	sbr.rel @!p2 .LBB1_6-.Ltmp1, $4  }
0x27: {  	p0 =	por !p0, !p0;
	s15 =	simm.s32 @!p1 $0x2  }
0x28: {  	_ =	swait.ge @!p1 [sflag:s15], s14;
	s17 =	ssub.s32 @!p1 $0x0, s14;
	s14 =	smov.u32 s11  }
0x29: {  	s13 =	sadd.s32 $0x1, s13;
	s11 =	smov.u32 s12;
	[sflag:s15] =	ssyncset.done @!p1 $0x0  }
0x2a: {  	s12 =	smov.u32 s16;
	[sflag:s15] =	ssyncadd.s32 @!p1 s17;
	s15 =	smov.u32 s2  }
.LBB1_1:
0x2b: {  	p1 =	sge.u32 s13, s5  }
0x2c: {  	s16 =	sxor.u32 @!p1 $0xFFFFFFFF, s13  }
0x2d: {  	s31 =	sadd.s32 $0xFFFFFFFF, s13;
	s17 =	sshll.u32 @!p1 s12, $0xE;
	s16 =	sshll.u32 @!p1 s16, $0xE  }
0x2e: {  	s18 =	simm.s32 @!p1 $0x0;
	s17 =	sadd.s32 @!p1 s17, s7;
	s16 =	sand.u32 @!p1 $0x4000, s16  }
0x2f: {  	[tilespmem:s16], [sflag:$0x1] =	stream.linear.gather @!p1 [hbm4b:s17+s18], $0x4000, $0x38;
	[tilespmem:$0x10100] =	vst v63  }
0x30: {  	p1 =	sge.u32 s31, s5  }
.Ltmp2:
0x31: {  	_ = 	snop;
	(pc) =	sbr.rel @p1 .LBB1_5-.Ltmp2, $1  }
0x32: {  	_ =	sdelay $0x3  }
0x33: {  	s16 =	simm.s32 $0x1  }
0x34: {  	_ =	swait.ge [sflag:s4], $0x4000;
	s16 =	simm.s32 @!p0 $0x0  }
0x35: {  	[sflag:s4] =	ssyncset.done $0x0;
	s17 =	sshll.u32 s16, $0xE  }
0x36: {  	[sflag:s4] =	ssyncadd.s32 $0xFFFFC000;
	s17 =	sor.u32 $0x40, s17  }
0x37: {  	s16 =	smul.u32 $0x10200, s16;
	v0 =	vld [tilespmem:s17+$0x30]  }
0x38: {  	v1 =	vld [tilespmem:s17+$0xFFFFFFD0]  }
0x39: {  	s16 =	sshrl.u32 s16, $0x2;
	v5 =	vld [tilespmem:s17+$0xFFFFFFE0]  }
0x3a: {  	v6 =	vld [tilespmem:s17+$0xFFFFFFF0];
	s18 =	sor.u32 $0x8000, s16  }
0x3b: {  	s31 =	sand.u32 $0x1, s13;
	v2 =	vld [tilespmem:s17+$0x0];
	s19 =	sadd.s32 $0x0, s18  }
0x3c: {  	v4 =	vld [tilespmem:s17+$0x10];
	s16 =	smul.u32 $0x10200, s31;
	[tilespmem:s19+$0x3870 ss:$0x81] =	vst.msk $0xffff, v0  }
0x3d: {  	v3 =	vld [tilespmem:s17+$0x20];
	[tilespmem:s19+$0x810 ss:$0x81] =	vst.msk $0xffff, v1  }
0x3e: {  	s16 =	sshrl.u32 s16, $0x2;
	v0 =	vld [tilespmem:s17+$0xFFFFFFC0];
	[tilespmem:s19+$0x1020 ss:$0x81] =	vst.msk $0xffff, v5;
	s17 =	sadd.s32 $0x80, s17  }
0x3f: {  	s20 =	simm.s32 $0x4;
	s21 =	simm.s32 $0x8;
	s16 =	sor.u32 $0x8000, s16;
	[tilespmem:s19+$0x1830 ss:$0x81] =	vst.msk $0xffff, v6;
	v1 =	vld [tilespmem:s17+$0x30]  }
.LBB1_3:
0x40: {  	p1 =	sne.s32 s21, $0x1FC;
	v5 =	vld [tilespmem:s17+$0xFFFFFFD0];
	[tilespmem:s19+$0x2040 ss:$0x81] =	vst.msk $0xffff, v2  }
0x41: {  	v6 =	vld [tilespmem:s17+$0xFFFFFFE0];
	[tilespmem:s19+$0x2850 ss:$0x81] =	vst.msk $0xffff, v4  }
0x42: {  	s22 =	sshra.s32 s20, $0x2;
	s20 =	smov.u32 s21;
	v7 =	vld [tilespmem:s17+$0xFFFFFFF0];
	[tilespmem:s19+$0x3060 ss:$0x81] =	vst.msk $0xffff, v3  }
.Ltmp3:
0x43: {  	v2 =	vld [tilespmem:s17+$0x0];
	[tilespmem:s19+$0x0 ss:$0x81] =	vst.msk $0xffff, v0;
	s19 =	sadd.s32 s22, s18;
	(pc) =	sbr.rel @p1 .LBB1_3-.Ltmp3, $4  }
0x44: {  	v4 =	vld [tilespmem:s17+$0x10];
	[tilespmem:s19+$0x3870 ss:$0x81] =	vst.msk $0xffff, v1  }
0x45: {  	[tilespmem:s19+$0x810 ss:$0x81] =	vst.msk $0xffff, v5;
	v3 =	vld [tilespmem:s17+$0x20]  }
0x46: {  	v0 =	vld [tilespmem:s17+$0xFFFFFFC0];
	[tilespmem:s19+$0x1020 ss:$0x81] =	vst.msk $0xffff, v6;
	s17 =	sadd.s32 $0x80, s17  }
0x47: {  	s21 =	sadd.s32 $0x4, s21;
	v1 =	vld [tilespmem:s17+$0x30];
	[tilespmem:s19+$0x1830 ss:$0x81] =	vst.msk $0xffff, v7  }
.Ltmp4:
0x48: {  	_ = 	snop;
	(pc) =	sbr.rel .LBB1_4-.Ltmp4, $1  }
0x49: {  	_ =	sdelay $0x3  }
.LBB1_6:
0x4a: {  	_ =	sfence.sel $0x180000  }
0x4b: {  	s2 =	simm.s32 $0x1;
	[bflag:$0x0] =	sbarrier.arrive $0xFFFF  }
0x4c: {  	s31 =	simm.s32 $0x2;
	[sflag:s2] =	ssyncpa.u1 $0x1  }
0x4d: {  	[sflag:s31] =	ssyncpa.u1 $0x1  }
0x4e: {  	p0 =	sne.s32 s0, $0x0;
	_ =	strace $0x9000004A  }
0x4f: {  	s0 =	sadd.s32 @!p0 $0x100000, s1;
	[bflag:$0x2] =	sbarrier.arrive $0xFFFF  }
0x50: {  	[sflag:s0] =	ssyncadd.tile.s32 @!p0 $0x1;
	_ =	shalt  }
.Lfunc_end1:
_tile_overlayer_lowered:
.L_overlay_start_2:
0x51: {  	(tag) =	ssettag $0x2  }
0x52: {  	s0 =	rddreg [dreg:$0x0];
	s2 =	stileid.u32  }
0x53: {  	s1 =	rddreg [dreg:$0x1];
	p0 =	sne.s32 s2, $0x0  }
0x54: {  	s3 =	rddreg [dreg:$0x2];
	[bflag:$0x3] =	sbarrier.arrive $0xFFFF;
	s2 =	simm.s32 @!p0 $0x1C01  }
0x55: {  	[timem:s3], [sflag:s2] =	dma.local @!p0 [hbm:s0], s1  }
0x56: {  	s0 =	simm.s32 @!p0 $0x1  }
0x57: {  	_ =	swait.ge @!p0 [sflag:s0], s1  }
0x58: {  	s1 =	ssub.s32 @!p0 $0x0, s1;
	[sflag:s0] =	ssyncset.done @!p0 $0x0  }
0x59: {  	[sflag:s0] =	ssyncadd.s32 @!p0 s1  }
0x5a: {  	[bflag:$0x3] =	sbarrier.arrive $0xFFFF  }
0x5b: {  	_ =	shalt  }

</sc_bundles>
